<compile_context>
chip_gen: v7x
topology: tpu7x:2x2x1
jax: 0.10.2.dev20260603
libtpu: 0.0.44.dev20260713+nightly
codegen_flags: <defaults>
</compile_context>

<pallas_src>
import functools

import jax
import jax.numpy as jnp
from jax import lax
from jax.experimental import pallas as pl
from jax.experimental.pallas import tpu as pltpu
from jax.experimental.pallas import tpu_sc as plsc

_NC, _NS = 2, 16
_NW = _NC * _NS
_CH = 128
_BE = 2560
_BN = 2000


def _ln(x, g, b):
    m = jnp.mean(x, -1, keepdims=True)
    xc = x - m
    v = jnp.mean(xc * xc, -1, keepdims=True)
    return xc * lax.rsqrt(v + 1e-5) * g + b


def _make_gather(e_pad, d, n_acc, dtype=jnp.bfloat16):
    per = e_pad // _NW
    steps = per // _CH
    pairs = steps // 2
    rows_t = n_acc // _NS
    n_z = rows_t // _CH + 1
    z_last = rows_t - (n_z - 1) * _CH
    mesh = plsc.VectorSubcoreMesh(core_axis_name="c", subcore_axis_name="s")

    nb = 2
    out_type = [jax.ShapeDtypeStruct((e_pad, d), dtype),
                jax.ShapeDtypeStruct((e_pad, d), dtype)]
    scratch = [pltpu.VMEM((steps, _CH), jnp.int32),
               pltpu.VMEM((steps, _CH), jnp.int32)] + \
              [pltpu.VMEM((_CH, d), dtype)] * (2 * nb) + \
              [pltpu.VMEM_SHARED((n_acc, d), dtype)] + \
              [pltpu.SemaphoreType.DMA] * (2 * nb + 1)

    @functools.partial(
        pl.kernel,
        mesh=mesh,
        compiler_params=pltpu.CompilerParams(use_tc_tiling_on_sc=False),
        out_type=out_type,
        scratch_types=scratch,
    )
    def gather_k(x_hbm, row_hbm, col_hbm, grow_hbm, gcol_hbm, *rest):
        idxr, idxc = rest[0], rest[1]
        bufr = rest[2:2 + nb]
        bufc = rest[2 + nb:2 + 2 * nb]
        acc_x = rest[2 + 2 * nb]
        semr = rest[3 + 2 * nb:3 + 3 * nb]
        semc = rest[3 + 3 * nb:3 + 4 * nb]
        semw = rest[3 + 4 * nb]
        cid = lax.axis_index("c")
        sid = lax.axis_index("s")
        wid = sid * _NC + cid
        base = wid * per
        pltpu.sync_copy(row_hbm.at[wid], idxr)
        pltpu.sync_copy(col_hbm.at[wid], idxc)

        rx = sid * rows_t
        for k in range(n_z):
            w = _CH if k < n_z - 1 else z_last
            if w > 0:
                pltpu.sync_copy(x_hbm.at[pl.ds(rx + k * _CH, w)],
                                bufr[0].at[pl.ds(0, w)])
                pltpu.sync_copy(bufr[0].at[pl.ds(0, w)],
                                acc_x.at[pl.ds(rx + k * _CH, w)])
        plsc.subcore_barrier()

        def group(p, carry):
            gs = []
            for s in range(nb):
                i = nb * p + s
                gs.append((pltpu.async_copy(acc_x.at[idxr.at[i]], bufr[s],
                                            semr[s]),
                           pltpu.async_copy(acc_x.at[idxc.at[i]], bufc[s],
                                            semc[s])))
            ws = []
            for s in range(nb):
                i = nb * p + s
                gr, gc = gs[s]
                gr.wait()
                ws.append(pltpu.async_copy(
                    bufr[s], grow_hbm.at[pl.ds(base + i * _CH, _CH)], semw))
                gc.wait()
                ws.append(pltpu.async_copy(
                    bufc[s], gcol_hbm.at[pl.ds(base + i * _CH, _CH)], semw))
            for wdesc in ws:
                wdesc.wait()
            return carry

        lax.fori_loop(0, steps // nb, group, 0)

    return gather_k


def _make_counts(e_pad, n_acc):
    per = e_pad // _NW
    steps = per // _CH
    rows_t = n_acc // _NS
    n_z = rows_t // _CH + 1
    z_last = rows_t - (n_z - 1) * _CH
    mesh = plsc.VectorSubcoreMesh(core_axis_name="c", subcore_axis_name="s")

    @functools.partial(
        pl.kernel,
        mesh=mesh,
        compiler_params=pltpu.CompilerParams(use_tc_tiling_on_sc=False),
        out_type=[jax.ShapeDtypeStruct((n_acc, 16), jnp.float32),
                  jax.ShapeDtypeStruct((n_acc, 16), jnp.float32)],
        scratch_types=[pltpu.VMEM((steps, _CH), jnp.int32),
                       pltpu.VMEM((_CH, 16), jnp.float32),
                       pltpu.VMEM((_CH, 16), jnp.float32),
                       pltpu.VMEM_SHARED((n_acc, 16), jnp.float32),
                       pltpu.SemaphoreType.DMA],
    )
    def counts_k(col_hbm, c0_hbm, c1_hbm, idxc, ones, z16, acc_c, semcnt):
        cid = lax.axis_index("c")
        sid = lax.axis_index("s")
        wid = sid * _NC + cid
        pltpu.sync_copy(col_hbm.at[wid], idxc)
        zero16 = jnp.zeros((16,), jnp.float32)
        one16 = jnp.ones((16,), jnp.float32)

        def fillrow(i, carry):
            z16[i] = zero16
            ones[i] = one16
            return carry

        lax.fori_loop(0, _CH, fillrow, 0)
        r0 = sid * rows_t
        for k in range(n_z):
            w = _CH if k < n_z - 1 else z_last
            if w > 0:
                pltpu.sync_copy(z16.at[pl.ds(0, w)],
                                acc_c.at[pl.ds(r0 + k * _CH, w)])
        plsc.subcore_barrier()

        def pair(p, carry):
            k0 = pltpu.async_copy(ones, acc_c.at[idxc.at[2 * p]], semcnt,
                                  add=True)
            k1 = pltpu.async_copy(ones, acc_c.at[idxc.at[2 * p + 1]], semcnt,
                                  add=True)
            k0.wait()
            k1.wait()
            return carry

        lax.fori_loop(0, steps // 2, pair, 0)
        plsc.subcore_barrier()

        for k in range(n_z):
            w = _CH if k < n_z - 1 else z_last
            if w > 0:
                rr = r0 + k * _CH
                pltpu.sync_copy(acc_c.at[pl.ds(rr, w)], z16.at[pl.ds(0, w)])

                @pl.when(cid == 0)
                def _():
                    pltpu.sync_copy(z16.at[pl.ds(0, w)],
                                    c0_hbm.at[pl.ds(rr, w)])

                @pl.when(cid == 1)
                def _():
                    pltpu.sync_copy(z16.at[pl.ds(0, w)],
                                    c1_hbm.at[pl.ds(rr, w)])

    return counts_k


def _make_scatter(e_pad, d, n_acc):
    per = e_pad // _NW
    steps = per // _CH
    pairs = steps // 2
    rows_t = n_acc // _NS
    mesh = plsc.VectorSubcoreMesh(core_axis_name="c", subcore_axis_name="s")

    n_z = rows_t // _CH + 1
    z_last = rows_t - (n_z - 1) * _CH
    scratch = [pltpu.VMEM((steps, _CH), jnp.int32),
               pltpu.VMEM((_CH, d), jnp.float32),
               pltpu.VMEM((_CH, d), jnp.float32),
               pltpu.VMEM_SHARED((n_acc, d), jnp.float32)] + \
              [pltpu.SemaphoreType.DMA] * 4

    @functools.partial(
        pl.kernel,
        mesh=mesh,
        compiler_params=pltpu.CompilerParams(use_tc_tiling_on_sc=False),
        out_type=[jax.ShapeDtypeStruct((n_acc, d), jnp.float32),
                  jax.ShapeDtypeStruct((n_acc, d), jnp.float32)],
        scratch_types=scratch,
    )
    def scatter_k(m_hbm, col_hbm, s0_hbm, s1_hbm,
                  idx, vals0, vals1, acc_s, seml0, seml1, sems0, sems1):
        cid = lax.axis_index("c")
        sid = lax.axis_index("s")
        wid = sid * _NC + cid
        base = wid * per
        pltpu.sync_copy(col_hbm.at[wid], idx)

        zero16 = jnp.zeros((16,), jnp.float32)

        def zrow(i, carry):
            for k in range(d // 16):
                vals0[i, pl.ds(k * 16, 16)] = zero16
            return carry

        lax.fori_loop(0, _CH, zrow, 0)

        r0 = sid * rows_t
        for k in range(n_z):
            w = _CH if k < n_z - 1 else z_last
            if w > 0:
                pltpu.sync_copy(vals0.at[pl.ds(0, w)],
                                acc_s.at[pl.ds(r0 + k * _CH, w)])
        plsc.subcore_barrier()

        def pair(p, carry):
            i0 = 2 * p
            i1 = i0 + 1
            l0 = pltpu.async_copy(m_hbm.at[pl.ds(base + i0 * _CH, _CH)],
                                  vals0, seml0)
            l1 = pltpu.async_copy(m_hbm.at[pl.ds(base + i1 * _CH, _CH)],
                                  vals1, seml1)
            l0.wait()
            s0 = pltpu.async_copy(vals0, acc_s.at[idx.at[i0]], sems0,
                                  add=True)
            l1.wait()
            s1 = pltpu.async_copy(vals1, acc_s.at[idx.at[i1]], sems1,
                                  add=True)
            s0.wait()
            s1.wait()
            return carry

        lax.fori_loop(0, pairs, pair, 0)
        plsc.subcore_barrier()

        for k in range(n_z):
            w = _CH if k < n_z - 1 else z_last
            if w > 0:
                rr = r0 + k * _CH
                pltpu.sync_copy(acc_s.at[pl.ds(rr, w)], vals0.at[pl.ds(0, w)])

                @pl.when(cid == 0)
                def _():
                    pltpu.sync_copy(vals0.at[pl.ds(0, w)],
                                    s0_hbm.at[pl.ds(rr, w)])

                @pl.when(cid == 1)
                def _():
                    pltpu.sync_copy(vals0.at[pl.ds(0, w)],
                                    s1_hbm.at[pl.ds(rr, w)])

    return scatter_k


def _edge_body(grow_ref, gcol_ref, ea_ref, wsrc_ref, w_ref, c_ref,
               eout_ref, mout_ref):
    d = grow_ref.shape[1]
    ea = ea_ref[...]
    c = c_ref[...]

    def dot(a, wi):
        return jnp.dot(a, w_ref[wi], preferred_element_type=jnp.float32)

    y = jnp.dot(grow_ref[...], wsrc_ref[...],
                preferred_element_type=jnp.float32)
    z = y[:, :d] + dot(gcol_ref[...], 0) + dot(ea.astype(jnp.bfloat16), 1) \
        + c[0:1]
    h = _ln(jnp.maximum(z, 0.0), c[1:2], c[2:3])
    h = _ln(jnp.maximum(dot(h.astype(jnp.bfloat16), 2) + c[3:4], 0.0),
            c[4:5], c[5:6])
    e_new = _ln(dot(h.astype(jnp.bfloat16), 3) + c[6:7], c[7:8], c[8:9]) + ea
    eout_ref[...] = e_new
    zm = y[:, d:] + dot(e_new.astype(jnp.bfloat16), 4) + c[9:10]
    mout_ref[...] = _ln(jnp.maximum(zm, 0.0), c[10:11], c[11:12])


def _make_edge(e_pad, d):
    grid = (e_pad // _BE,)
    blk = lambda i: (i, 0)
    fixed3 = lambda i: (0, 0, 0)
    fixed2 = lambda i: (0, 0)
    return pl.pallas_call(
        _edge_body,
        grid=grid,
        in_specs=[pl.BlockSpec((_BE, d), blk),
                  pl.BlockSpec((_BE, d), blk),
                  pl.BlockSpec((_BE, d), blk),
                  pl.BlockSpec((d, 2 * d), fixed2),
                  pl.BlockSpec((5, d, d), fixed3),
                  pl.BlockSpec((12, d), fixed2)],
        out_specs=[pl.BlockSpec((_BE, d), blk),
                   pl.BlockSpec((_BE, d), blk)],
        out_shape=[jax.ShapeDtypeStruct((e_pad, d), jnp.float32),
                   jax.ShapeDtypeStruct((e_pad, d), jnp.float32)],
    )


def _node_body(x_ref, s0_ref, s1_ref, c0_ref, c1_ref, w_ref, c_ref, out_ref):
    x = x_ref[...]
    s = s0_ref[...] + s1_ref[...]
    cnt = c0_ref[...] + c1_ref[...]
    agg = s / jnp.maximum(cnt[:, 0:1], 1.0)
    c = c_ref[...]

    def dot(a, wi):
        return jnp.dot(a, w_ref[wi], preferred_element_type=jnp.float32)

    z = dot(x, 0) + dot(agg, 1) + c[0:1]
    h = _ln(jnp.maximum(z, 0.0), c[1:2], c[2:3])
    out_ref[...] = _ln(dot(h, 2) + c[3:4], c[4:5], c[5:6]) + x


def _make_node(n, d, n_acc):
    grid = (n // _BN,)
    blk = lambda i: (i, 0)
    fixed3 = lambda i: (0, 0, 0)
    fixed2 = lambda i: (0, 0)
    return pl.pallas_call(
        _node_body,
        grid=grid,
        in_specs=[pl.BlockSpec((_BN, d), blk),
                  pl.BlockSpec((_BN, d), blk),
                  pl.BlockSpec((_BN, d), blk),
                  pl.BlockSpec((_BN, 16), blk),
                  pl.BlockSpec((_BN, 16), blk),
                  pl.BlockSpec((3, d, d), fixed3),
                  pl.BlockSpec((6, d), fixed2)],
        out_specs=pl.BlockSpec((_BN, d), blk),
        out_shape=jax.ShapeDtypeStruct((n, d), jnp.float32),
    )


def kernel(X_h, edge_index, edge_attr_h, params):
    n, d = X_h.shape
    e = edge_index.shape[1]
    chunk = _NW * _CH * 2
    e_pad = ((e + chunk - 1) // chunk) * chunk
    n_acc = ((n + 1 + _NS * 16 - 1) // (_NS * 16)) * (_NS * 16)
    pad = e_pad - e
    steps = e_pad // _NW // _CH

    row3 = jnp.concatenate(
        [edge_index[0].astype(jnp.int32),
         jnp.full((pad,), n, jnp.int32)]).reshape(_NW, steps, _CH)
    col3 = jnp.concatenate(
        [edge_index[1].astype(jnp.int32),
         jnp.full((pad,), n, jnp.int32)]).reshape(_NW, steps, _CH)
    zrows = jnp.zeros((n_acc - n, d), jnp.bfloat16)

    gather_f = _make_gather(e_pad, d, n_acc)
    counts_f = _make_counts(e_pad, n_acc)
    scatter_f = _make_scatter(e_pad, d, n_acc)
    edge_f = _make_edge(e_pad, d)
    node_f = _make_node(n, d, n_acc)

    def fold_edge_params(pe, pn):
        w0 = pe[0]["W"]
        wsrc = jnp.concatenate([w0[0:d], pn[0]["W"][0:d]],
                               axis=1).astype(jnp.bfloat16)
        w = jnp.stack([w0[d:2 * d], w0[2 * d:3 * d],
                       pe[1]["W"], pe[2]["W"],
                       pn[0]["W"][d:2 * d]]).astype(jnp.bfloat16)
        c = jnp.stack([pe[0]["b"] + w0[3 * d], pe[0]["g"], pe[0]["beta"],
                       pe[1]["b"], pe[1]["g"], pe[1]["beta"],
                       pe[2]["b"], pe[2]["g"], pe[2]["beta"],
                       pn[0]["b"], pn[0]["g"], pn[0]["beta"]])
        return wsrc, w, c

    def fold_node_params(pn):
        w1 = pn[1]["W"]
        w = jnp.stack([w1[0:d], w1[d:2 * d], pn[2]["W"]])
        c = jnp.stack([pn[1]["b"] + w1[2 * d], pn[1]["g"], pn[1]["beta"],
                       pn[2]["b"], pn[2]["g"], pn[2]["beta"]])
        return w, c

    def gn_layer(x, ea, pe, pn, counts):
        wsrc, we, ce = fold_edge_params(pe, pn)
        wn, cn = fold_node_params(pn)
        x_pad = jnp.concatenate([x.astype(jnp.bfloat16), zrows], axis=0)
        if counts is None:
            c0, c1 = counts_f(col3)
        else:
            c0, c1 = counts
        grow, gcol = gather_f(x_pad, row3, col3)
        e_new, m = edge_f(grow, gcol, ea, wsrc, we, ce)
        s0, s1 = scatter_f(m, col3)
        x_new = node_f(x, s0, s1, c0, c1, wn, cn)
        return x_new, e_new, (c0, c1)

    x1, ea1, cnt = gn_layer(X_h, edge_attr_h,
                            params["gn1_edge"], params["gn1_node"], None)
    x2, ea2, _ = gn_layer(x1, ea1,
                          params["gn2_edge"], params["gn2_node"], cnt)
    return (x2, ea2[:e], jnp.ones((1, 1), jnp.float32))

# --- scband reference (transcript-rebuilt; emitter-appended) ---
"""Pipeline reference for scband-processor-28518582846167 (READ-ONLY COPY).

The authoritative reference and input builder live on the scoring server;
editing this copy changes nothing except your own understanding.
"""

import jax, jax.numpy as jnp
import numpy as np

N, E, D = 10000, 320000, 128


def _lin_ln(key, fin, fout):
    k1, k2 = jax.random.split(key)
    lim = 1.0 / np.sqrt(fin)
    return {
        "W": jax.random.uniform(k1, (fin, fout), minval=-lim, maxval=lim, dtype=jnp.float32),
        "b": jax.random.uniform(k2, (fout,), minval=-lim, maxval=lim, dtype=jnp.float32),
        "g": jnp.ones((fout,), jnp.float32),
        "beta": jnp.zeros((fout,), jnp.float32),
    }


def _edge_params(key):
    ks = jax.random.split(key, 3)
    return [_lin_ln(ks[0], 3 * D + 1, D), _lin_ln(ks[1], D, D), _lin_ln(ks[2], D, D)]


def _node_params(key):
    ks = jax.random.split(key, 3)
    return [_lin_ln(ks[0], 2 * D, D), _lin_ln(ks[1], 2 * D + 1, D), _lin_ln(ks[2], D, D)]


def setup_inputs(seed: int = 0):
    key = jax.random.key(seed)
    ks = jax.random.split(key, 8)
    X_h = jax.random.normal(ks[0], (N, D), dtype=jnp.float32)
    edge_index = jax.random.randint(ks[1], (2, E), 0, N)
    edge_attr_h = jax.random.normal(ks[2], (E, D), dtype=jnp.float32)
    params = {
        "gn1_edge": _edge_params(ks[3]),
        "gn1_node": _node_params(ks[4]),
        "gn2_edge": _edge_params(ks[5]),
        "gn2_node": _node_params(ks[6]),
    }
    return {"X_h": X_h, "edge_index": edge_index, "edge_attr_h": edge_attr_h, "params": params}


def _ln(x, g, b):
    m = jnp.mean(x, -1, keepdims=True)
    v = jnp.var(x, -1, keepdims=True)
    return (x - m) / jnp.sqrt(v + 1e-5) * g + b


def _mlp(p, x, relu):
    x = x @ p["W"] + p["b"]
    if relu:
        x = jax.nn.relu(x)
    return _ln(x, p["g"], p["beta"])


def _edge_model(p, src, dest, ea, u_e):
    out = jnp.concatenate([src, dest, ea, u_e], 1)
    out = _mlp(p[0], out, True)
    out = _mlp(p[1], out, True)
    out = _mlp(p[2], out, False)
    return out + ea


def _node_model(p, x, row, col, ea, u_n):
    out = jnp.concatenate([x[row], ea], 1)
    out = _mlp(p[0], out, True)
    s = jax.ops.segment_sum(out, col, num_segments=x.shape[0])
    cnt = jax.ops.segment_sum(jnp.ones((col.shape[0], 1), jnp.float32), col, num_segments=x.shape[0])
    agg = s / jnp.maximum(cnt, 1.0)
    out = jnp.concatenate([x, agg, u_n], 1)
    out = _mlp(p[1], out, True)
    out = _mlp(p[2], out, False)
    return out + x


def _forward(X_h, edge_attr_h, params, edge_index):
    row, col = edge_index[0], edge_index[1]
    u = jnp.ones((1, 1), jnp.float32)
    u_e = jnp.ones((row.shape[0], 1), jnp.float32)
    u_n = jnp.ones((X_h.shape[0], 1), jnp.float32)
    ea1 = _edge_model(params["gn1_edge"], X_h[row], X_h[col], edge_attr_h, u_e)
    x1 = _node_model(params["gn1_node"], X_h, row, col, ea1, u_n)
    ea2 = _edge_model(params["gn2_edge"], x1[row], x1[col], ea1, u_e)
    x2 = _node_model(params["gn2_node"], x1, row, col, ea2, u_n)
    return (x2, ea2, u)


def reference(X_h, edge_index, edge_attr_h, params):
    return _forward(X_h, edge_attr_h, params, edge_index)

if __name__ == "__main__":
    import jax
    _d = setup_inputs()
    print(jax.jit(kernel)(*tuple(_d.values())))

</pallas_src>

<mosaic_0001>
#map = affine_map<(d0, d1) -> (0, 0)>
#map1 = affine_map<(d0, d1) -> (0, 0, 0)>
module attributes {stable_mosaic.version = 14 : i64} {
  func.func @scatter_k(%arg0: i32, %arg1: i32, %arg2: memref<327680x128xf32, #tpu.memory_space<hbm>>, %arg3: memref<32x80x128xi32, #tpu.memory_space<hbm>>, %arg4: memref<10240x128xf32, #tpu.memory_space<hbm>>, %arg5: memref<10240x128xf32, #tpu.memory_space<hbm>>, %arg6: memref<80x128xi32, #tpu.memory_space<vmem>>, %arg7: memref<128x128xf32, #tpu.memory_space<vmem>>, %arg8: memref<128x128xf32, #tpu.memory_space<vmem>>, %arg9: memref<10240x128xf32, #tpu.memory_space<vmem_shared>>, %arg10: memref<!tpu.dma_semaphore, #tpu.memory_space<semaphore_mem>>, %arg11: memref<!tpu.dma_semaphore, #tpu.memory_space<semaphore_mem>>, %arg12: memref<!tpu.dma_semaphore, #tpu.memory_space<semaphore_mem>>, %arg13: memref<!tpu.dma_semaphore, #tpu.memory_space<semaphore_mem>>) attributes {dimension_semantics = [#tpu.dimension_semantics<core_parallel>, #tpu.dimension_semantics<subcore_parallel>], iteration_bounds = array<i64: 2, 16>, scalar_prefetch = 0 : i64, scratch_operands = 8 : i64, tpu.core_type = #tpu.core_type<sc_vector_subcore>, window_params = [{transform_indices = #map}, {transform_indices = #map1}, {transform_indices = #map}, {transform_indices = #map}]} {
    %mul3A = arith.constant 2 : i32
    %mul3A_0 = arith.muli %arg1, %mul3A : i32
    %add3A = arith.addi %mul3A_0, %arg0 : i32
    %mul3A_1 = arith.constant 10240 : i32
    %mul3A_2 = arith.muli %add3A, %mul3A_1 : i32
    "tpu.region"() ({
      %run_scoped3A = tpu.sem_alloc : memref<!tpu.dma_semaphore, #tpu.memory_space<semaphore_mem>>
      %dma_start3A = arith.constant 0 : i32
      %dma_start3A_85 = arith.constant 0 : i32
      %dma_start3A_86 = tpu.memref_slice %arg3[%add3A, %dma_start3A, %dma_start3A_85] : memref<32x80x128xi32, #tpu.memory_space<hbm>> -> memref<1x80x128xi32, #tpu.memory_space<hbm>>
      %dma_start3A_87 = tpu.memref_squeeze %dma_start3A_86 : memref<1x80x128xi32, #tpu.memory_space<hbm>> -> memref<80x128xi32, #tpu.memory_space<hbm>>
      %dma_start3A_88 = arith.constant 0 : i32
      %dma_start3A_89 = arith.constant 0 : i32
      %dma_start3A_90 = tpu.memref_slice %arg3[%add3A, %dma_start3A_88, %dma_start3A_89] : memref<32x80x128xi32, #tpu.memory_space<hbm>> -> memref<1x80x128xi32, #tpu.memory_space<hbm>>
      %dma_start3A_91 = tpu.memref_squeeze %dma_start3A_90 : memref<1x80x128xi32, #tpu.memory_space<hbm>> -> memref<80x128xi32, #tpu.memory_space<hbm>>
      tpu.enqueue_dma source(%dma_start3A_91 : memref<80x128xi32, #tpu.memory_space<hbm>>) target(%arg6 : memref<80x128xi32, #tpu.memory_space<vmem>>) target_semaphore(%run_scoped3A : memref<!tpu.dma_semaphore, #tpu.memory_space<semaphore_mem>>)
      %dma_wait3A = arith.constant 0 : i32
      %dma_wait3A_92 = arith.constant 0 : i32
      %dma_wait3A_93 = tpu.memref_slice %arg3[%add3A, %dma_wait3A, %dma_wait3A_92] : memref<32x80x128xi32, #tpu.memory_space<hbm>> -> memref<1x80x128xi32, #tpu.memory_space<hbm>>
      %dma_wait3A_94 = tpu.memref_squeeze %dma_wait3A_93 : memref<1x80x128xi32, #tpu.memory_space<hbm>> -> memref<80x128xi32, #tpu.memory_space<hbm>>
      %dma_wait3A_95 = arith.constant 0 : i32
      %dma_wait3A_96 = arith.constant 0 : i32
      %dma_wait3A_97 = tpu.memref_slice %arg3[%add3A, %dma_wait3A_95, %dma_wait3A_96] : memref<32x80x128xi32, #tpu.memory_space<hbm>> -> memref<1x80x128xi32, #tpu.memory_space<hbm>>
      %dma_wait3A_98 = tpu.memref_squeeze %dma_wait3A_97 : memref<1x80x128xi32, #tpu.memory_space<hbm>> -> memref<80x128xi32, #tpu.memory_space<hbm>>
      tpu.wait_dma2 semaphore(%run_scoped3A : memref<!tpu.dma_semaphore, #tpu.memory_space<semaphore_mem>>) src(%dma_wait3A_98 : memref<80x128xi32, #tpu.memory_space<hbm>>) dst(%arg6 : memref<80x128xi32, #tpu.memory_space<vmem>>)
      tpu.yield
    }) : () -> ()
    %broadcast_in_dim3A = arith.constant 0.000000e+00 : f32
    %broadcast_in_dim3A_3 = vector.broadcast %broadcast_in_dim3A : f32 to vector<16xf32>
    %scan3A = arith.constant 0 : i32
    %scan3A_4 = arith.constant 0 : i32
    %scan3A_5 = arith.constant 128 : i32
    %scan3A_6 = arith.addi %scan3A_4, %scan3A_5 : i32
    %scan3A_7 = arith.constant 1 : i32
    scf.for %scan3A_85 = %scan3A_4 to %scan3A_6 step %scan3A_7  : i32 {
      %swap3A = arith.index_cast %scan3A_85 : i32 to index
      %swap3A_86 = arith.constant 0 : index
      %swap3A_87 = tpu.vector_load %arg7[%swap3A, %swap3A_86] {strides = array<i32>} : memref<128x128xf32, #tpu.memory_space<vmem>>, vector<1x16xf32>,
      %swap3A_88 = vector.shape_cast %swap3A_87 : vector<1x16xf32> to vector<16xf32>
      %swap3A_89 = vector.shape_cast %broadcast_in_dim3A_3 : vector<16xf32> to vector<1x16xf32>
      tpu.vector_store %arg7[%swap3A, %swap3A_86], %swap3A_89 {strides = array<i32>} : memref<128x128xf32, #tpu.memory_space<vmem>>, vector<1x16xf32>,
      %swap3A_90 = arith.index_cast %scan3A_85 : i32 to index
      %swap3A_91 = arith.constant 16 : index
      %swap3A_92 = tpu.vector_load %arg7[%swap3A_90, %swap3A_91] {strides = array<i32>} : memref<128x128xf32, #tpu.memory_space<vmem>>, vector<1x16xf32>,
      %swap3A_93 = vector.shape_cast %swap3A_92 : vector<1x16xf32> to vector<16xf32>
      %swap3A_94 = vector.shape_cast %broadcast_in_dim3A_3 : vector<16xf32> to vector<1x16xf32>
      tpu.vector_store %arg7[%swap3A_90, %swap3A_91], %swap3A_94 {strides = array<i32>} : memref<128x128xf32, #tpu.memory_space<vmem>>, vector<1x16xf32>,
      %swap3A_95 = arith.index_cast %scan3A_85 : i32 to index
      %swap3A_96 = arith.constant 32 : index
      %swap3A_97 = tpu.vector_load %arg7[%swap3A_95, %swap3A_96] {strides = array<i32>} : memref<128x128xf32, #tpu.memory_space<vmem>>, vector<1x16xf32>,
      %swap3A_98 = vector.shape_cast %swap3A_97 : vector<1x16xf32> to vector<16xf32>
      %swap3A_99 = vector.shape_cast %broadcast_in_dim3A_3 : vector<16xf32> to vector<1x16xf32>
      tpu.vector_store %arg7[%swap3A_95, %swap3A_96], %swap3A_99 {strides = array<i32>} : memref<128x128xf32, #tpu.memory_space<vmem>>, vector<1x16xf32>,
      %swap3A_100 = arith.index_cast %scan3A_85 : i32 to index
      %swap3A_101 = arith.constant 48 : index
      %swap3A_102 = tpu.vector_load %arg7[%swap3A_100, %swap3A_101] {strides = array<i32>} : memref<128x128xf32, #tpu.memory_space<vmem>>, vector<1x16xf32>,
      %swap3A_103 = vector.shape_cast %swap3A_102 : vector<1x16xf32> to vector<16xf32>
      %swap3A_104 = vector.shape_cast %broadcast_in_dim3A_3 : vector<16xf32> to vector<1x16xf32>
      tpu.vector_store %arg7[%swap3A_100, %swap3A_101], %swap3A_104 {strides = array<i32>} : memref<128x128xf32, #tpu.memory_space<vmem>>, vector<1x16xf32>,
      %swap3A_105 = arith.index_cast %scan3A_85 : i32 to index
      %swap3A_106 = arith.constant 64 : index
      %swap3A_107 = tpu.vector_load %arg7[%swap3A_105, %swap3A_106] {strides = array<i32>} : memref<128x128xf32, #tpu.memory_space<vmem>>, vector<1x16xf32>,
      %swap3A_108 = vector.shape_cast %swap3A_107 : vector<1x16xf32> to vector<16xf32>
      %swap3A_109 = vector.shape_cast %broadcast_in_dim3A_3 : vector<16xf32> to vector<1x16xf32>
      tpu.vector_store %arg7[%swap3A_105, %swap3A_106], %swap3A_109 {strides = array<i32>} : memref<128x128xf32, #tpu.memory_space<vmem>>, vector<1x16xf32>,
      %swap3A_110 = arith.index_cast %scan3A_85 : i32 to index
      %swap3A_111 = arith.constant 80 : index
      %swap3A_112 = tpu.vector_load %arg7[%swap3A_110, %swap3A_111] {strides = array<i32>} : memref<128x128xf32, #tpu.memory_space<vmem>>, vector<1x16xf32>,
      %swap3A_113 = vector.shape_cast %swap3A_112 : vector<1x16xf32> to vector<16xf32>
      %swap3A_114 = vector.shape_cast %broadcast_in_dim3A_3 : vector<16xf32> to vector<1x16xf32>
      tpu.vector_store %arg7[%swap3A_110, %swap3A_111], %swap3A_114 {strides = array<i32>} : memref<128x128xf32, #tpu.memory_space<vmem>>, vector<1x16xf32>,
      %swap3A_115 = arith.index_cast %scan3A_85 : i32 to index
      %swap3A_116 = arith.constant 96 : index
      %swap3A_117 = tpu.vector_load %arg7[%swap3A_115, %swap3A_116] {strides = array<i32>} : memref<128x128xf32, #tpu.memory_space<vmem>>, vector<1x16xf32>,
      %swap3A_118 = vector.shape_cast %swap3A_117 : vector<1x16xf32> to vector<16xf32>
      %swap3A_119 = vector.shape_cast %broadcast_in_dim3A_3 : vector<16xf32> to vector<1x16xf32>
      tpu.vector_store %arg7[%swap3A_115, %swap3A_116], %swap3A_119 {strides = array<i32>} : memref<128x128xf32, #tpu.memory_space<vmem>>, vector<1x16xf32>,
      %swap3A_120 = arith.index_cast %scan3A_85 : i32 to index
      %swap3A_121 = arith.constant 112 : index
      %swap3A_122 = tpu.vector_load %arg7[%swap3A_120, %swap3A_121] {strides = array<i32>} : memref<128x128xf32, #tpu.memory_space<vmem>>, vector<1x16xf32>,
      %swap3A_123 = vector.shape_cast %swap3A_122 : vector<1x16xf32> to vector<16xf32>
      %swap3A_124 = vector.shape_cast %broadcast_in_dim3A_3 : vector<16xf32> to vector<1x16xf32>
      tpu.vector_store %arg7[%swap3A_120, %swap3A_121], %swap3A_124 {strides = array<i32>} : memref<128x128xf32, #tpu.memory_space<vmem>>, vector<1x16xf32>,
    }
    %scan3A_8 = arith.constant 128 : i32
    %mul3A_9 = arith.constant 640 : i32
    %mul3A_10 = arith.muli %arg1, %mul3A_9 : i32
    %add3A_11 = arith.constant 0 : i32
    %add3A_12 = arith.addi %mul3A_10, %add3A_11 : i32
    "tpu.region"() ({
      %run_scoped3A = tpu.sem_alloc : memref<!tpu.dma_semaphore, #tpu.memory_space<semaphore_mem>>
      %dma_start3A = arith.constant 0 : i32
      %dma_start3A_85 = arith.constant 0 : i32
      %dma_start3A_86 = tpu.memref_slice %arg7[%dma_start3A, %dma_start3A_85] : memref<128x128xf32, #tpu.memory_space<vmem>> -> memref<128x128xf32, #tpu.memory_space<vmem>>
      %dma_start3A_87 = arith.constant 0 : i32
      %dma_start3A_88 = tpu.memref_slice %arg9[%add3A_12, %dma_start3A_87] : memref<10240x128xf32, #tpu.memory_space<vmem_shared>> -> memref<128x128xf32, #tpu.memory_space<vmem_shared>>
      %dma_start3A_89 = arith.constant 0 : i32
      %dma_start3A_90 = tpu.memref_slice %arg9[%add3A_12, %dma_start3A_89] : memref<10240x128xf32, #tpu.memory_space<vmem_shared>> -> memref<128x128xf32, #tpu.memory_space<vmem_shared>>
      %dma_start3A_91 = arith.constant 0 : i32
      %dma_start3A_92 = arith.constant 0 : i32
      %dma_start3A_93 = tpu.memref_slice %arg7[%dma_start3A_91, %dma_start3A_92] : memref<128x128xf32, #tpu.memory_space<vmem>> -> memref<128x128xf32, #tpu.memory_space<vmem>>
      tpu.enqueue_dma source(%dma_start3A_93 : memref<128x128xf32, #tpu.memory_space<vmem>>) target(%dma_start3A_90 : memref<128x128xf32, #tpu.memory_space<vmem_shared>>) target_semaphore(%run_scoped3A : memref<!tpu.dma_semaphore, #tpu.memory_space<semaphore_mem>>)
      %dma_wait3A = arith.constant 0 : i32
      %dma_wait3A_94 = arith.constant 0 : i32
      %dma_wait3A_95 = tpu.memref_slice %arg7[%dma_wait3A, %dma_wait3A_94] : memref<128x128xf32, #tpu.memory_space<vmem>> -> memref<128x128xf32, #tpu.memory_space<vmem>>
      %dma_wait3A_96 = arith.constant 0 : i32
      %dma_wait3A_97 = tpu.memref_slice %arg9[%add3A_12, %dma_wait3A_96] : memref<10240x128xf32, #tpu.memory_space<vmem_shared>> -> memref<128x128xf32, #tpu.memory_space<vmem_shared>>
      %dma_wait3A_98 = arith.constant 0 : i32
      %dma_wait3A_99 = tpu.memref_slice %arg9[%add3A_12, %dma_wait3A_98] : memref<10240x128xf32, #tpu.memory_space<vmem_shared>> -> memref<128x128xf32, #tpu.memory_space<vmem_shared>>
      %dma_wait3A_100 = arith.constant 0 : i32
      %dma_wait3A_101 = arith.constant 0 : i32
      %dma_wait3A_102 = tpu.memref_slice %arg7[%dma_wait3A_100, %dma_wait3A_101] : memref<128x128xf32, #tpu.memory_space<vmem>> -> memref<128x128xf32, #tpu.memory_space<vmem>>
      tpu.wait_dma2 semaphore(%run_scoped3A : memref<!tpu.dma_semaphore, #tpu.memory_space<semaphore_mem>>) src(%dma_wait3A_102 : memref<128x128xf32, #tpu.memory_space<vmem>>) dst(%dma_wait3A_99 : memref<128x128xf32, #tpu.memory_space<vmem_shared>>)
      tpu.yield
    }) : () -> ()
    %add3A_13 = arith.constant 128 : i32
    %add3A_14 = arith.addi %mul3A_10, %add3A_13 : i32
    "tpu.region"() ({
      %run_scoped3A = tpu.sem_alloc : memref<!tpu.dma_semaphore, #tpu.memory_space<semaphore_mem>>
      %dma_start3A = arith.constant 0 : i32
      %dma_start3A_85 = arith.constant 0 : i32
      %dma_start3A_86 = tpu.memref_slice %arg7[%dma_start3A, %dma_start3A_85] : memref<128x128xf32, #tpu.memory_space<vmem>> -> memref<128x128xf32, #tpu.memory_space<vmem>>
      %dma_start3A_87 = arith.constant 0 : i32
      %dma_start3A_88 = tpu.memref_slice %arg9[%add3A_14, %dma_start3A_87] : memref<10240x128xf32, #tpu.memory_space<vmem_shared>> -> memref<128x128xf32, #tpu.memory_space<vmem_shared>>
      %dma_start3A_89 = arith.constant 0 : i32
      %dma_start3A_90 = tpu.memref_slice %arg9[%add3A_14, %dma_start3A_89] : memref<10240x128xf32, #tpu.memory_space<vmem_shared>> -> memref<128x128xf32, #tpu.memory_space<vmem_shared>>
      %dma_start3A_91 = arith.constant 0 : i32
      %dma_start3A_92 = arith.constant 0 : i32
      %dma_start3A_93 = tpu.memref_slice %arg7[%dma_start3A_91, %dma_start3A_92] : memref<128x128xf32, #tpu.memory_space<vmem>> -> memref<128x128xf32, #tpu.memory_space<vmem>>
      tpu.enqueue_dma source(%dma_start3A_93 : memref<128x128xf32, #tpu.memory_space<vmem>>) target(%dma_start3A_90 : memref<128x128xf32, #tpu.memory_space<vmem_shared>>) target_semaphore(%run_scoped3A : memref<!tpu.dma_semaphore, #tpu.memory_space<semaphore_mem>>)
      %dma_wait3A = arith.constant 0 : i32
      %dma_wait3A_94 = arith.constant 0 : i32
      %dma_wait3A_95 = tpu.memref_slice %arg7[%dma_wait3A, %dma_wait3A_94] : memref<128x128xf32, #tpu.memory_space<vmem>> -> memref<128x128xf32, #tpu.memory_space<vmem>>
      %dma_wait3A_96 = arith.constant 0 : i32
      %dma_wait3A_97 = tpu.memref_slice %arg9[%add3A_14, %dma_wait3A_96] : memref<10240x128xf32, #tpu.memory_space<vmem_shared>> -> memref<128x128xf32, #tpu.memory_space<vmem_shared>>
      %dma_wait3A_98 = arith.constant 0 : i32
      %dma_wait3A_99 = tpu.memref_slice %arg9[%add3A_14, %dma_wait3A_98] : memref<10240x128xf32, #tpu.memory_space<vmem_shared>> -> memref<128x128xf32, #tpu.memory_space<vmem_shared>>
      %dma_wait3A_100 = arith.constant 0 : i32
      %dma_wait3A_101 = arith.constant 0 : i32
      %dma_wait3A_102 = tpu.memref_slice %arg7[%dma_wait3A_100, %dma_wait3A_101] : memref<128x128xf32, #tpu.memory_space<vmem>> -> memref<128x128xf32, #tpu.memory_space<vmem>>
      tpu.wait_dma2 semaphore(%run_scoped3A : memref<!tpu.dma_semaphore, #tpu.memory_space<semaphore_mem>>) src(%dma_wait3A_102 : memref<128x128xf32, #tpu.memory_space<vmem>>) dst(%dma_wait3A_99 : memref<128x128xf32, #tpu.memory_space<vmem_shared>>)
      tpu.yield
    }) : () -> ()
    %add3A_15 = arith.constant 256 : i32
    %add3A_16 = arith.addi %mul3A_10, %add3A_15 : i32
    "tpu.region"() ({
      %run_scoped3A = tpu.sem_alloc : memref<!tpu.dma_semaphore, #tpu.memory_space<semaphore_mem>>
      %dma_start3A = arith.constant 0 : i32
      %dma_start3A_85 = arith.constant 0 : i32
      %dma_start3A_86 = tpu.memref_slice %arg7[%dma_start3A, %dma_start3A_85] : memref<128x128xf32, #tpu.memory_space<vmem>> -> memref<128x128xf32, #tpu.memory_space<vmem>>
      %dma_start3A_87 = arith.constant 0 : i32
      %dma_start3A_88 = tpu.memref_slice %arg9[%add3A_16, %dma_start3A_87] : memref<10240x128xf32, #tpu.memory_space<vmem_shared>> -> memref<128x128xf32, #tpu.memory_space<vmem_shared>>
      %dma_start3A_89 = arith.constant 0 : i32
      %dma_start3A_90 = tpu.memref_slice %arg9[%add3A_16, %dma_start3A_89] : memref<10240x128xf32, #tpu.memory_space<vmem_shared>> -> memref<128x128xf32, #tpu.memory_space<vmem_shared>>
      %dma_start3A_91 = arith.constant 0 : i32
      %dma_start3A_92 = arith.constant 0 : i32
      %dma_start3A_93 = tpu.memref_slice %arg7[%dma_start3A_91, %dma_start3A_92] : memref<128x128xf32, #tpu.memory_space<vmem>> -> memref<128x128xf32, #tpu.memory_space<vmem>>
      tpu.enqueue_dma source(%dma_start3A_93 : memref<128x128xf32, #tpu.memory_space<vmem>>) target(%dma_start3A_90 : memref<128x128xf32, #tpu.memory_space<vmem_shared>>) target_semaphore(%run_scoped3A : memref<!tpu.dma_semaphore, #tpu.memory_space<semaphore_mem>>)
      %dma_wait3A = arith.constant 0 : i32
      %dma_wait3A_94 = arith.constant 0 : i32
      %dma_wait3A_95 = tpu.memref_slice %arg7[%dma_wait3A, %dma_wait3A_94] : memref<128x128xf32, #tpu.memory_space<vmem>> -> memref<128x128xf32, #tpu.memory_space<vmem>>
      %dma_wait3A_96 = arith.constant 0 : i32
      %dma_wait3A_97 = tpu.memref_slice %arg9[%add3A_16, %dma_wait3A_96] : memref<10240x128xf32, #tpu.memory_space<vmem_shared>> -> memref<128x128xf32, #tpu.memory_space<vmem_shared>>
      %dma_wait3A_98 = arith.constant 0 : i32
      %dma_wait3A_99 = tpu.memref_slice %arg9[%add3A_16, %dma_wait3A_98] : memref<10240x128xf32, #tpu.memory_space<vmem_shared>> -> memref<128x128xf32, #tpu.memory_space<vmem_shared>>
      %dma_wait3A_100 = arith.constant 0 : i32
      %dma_wait3A_101 = arith.constant 0 : i32
      %dma_wait3A_102 = tpu.memref_slice %arg7[%dma_wait3A_100, %dma_wait3A_101] : memref<128x128xf32, #tpu.memory_space<vmem>> -> memref<128x128xf32, #tpu.memory_space<vmem>>
      tpu.wait_dma2 semaphore(%run_scoped3A : memref<!tpu.dma_semaphore, #tpu.memory_space<semaphore_mem>>) src(%dma_wait3A_102 : memref<128x128xf32, #tpu.memory_space<vmem>>) dst(%dma_wait3A_99 : memref<128x128xf32, #tpu.memory_space<vmem_shared>>)
      tpu.yield
    }) : () -> ()
    %add3A_17 = arith.constant 384 : i32
    %add3A_18 = arith.addi %mul3A_10, %add3A_17 : i32
    "tpu.region"() ({
      %run_scoped3A = tpu.sem_alloc : memref<!tpu.dma_semaphore, #tpu.memory_space<semaphore_mem>>
      %dma_start3A = arith.constant 0 : i32
      %dma_start3A_85 = arith.constant 0 : i32
      %dma_start3A_86 = tpu.memref_slice %arg7[%dma_start3A, %dma_start3A_85] : memref<128x128xf32, #tpu.memory_space<vmem>> -> memref<128x128xf32, #tpu.memory_space<vmem>>
      %dma_start3A_87 = arith.constant 0 : i32
      %dma_start3A_88 = tpu.memref_slice %arg9[%add3A_18, %dma_start3A_87] : memref<10240x128xf32, #tpu.memory_space<vmem_shared>> -> memref<128x128xf32, #tpu.memory_space<vmem_shared>>
      %dma_start3A_89 = arith.constant 0 : i32
      %dma_start3A_90 = tpu.memref_slice %arg9[%add3A_18, %dma_start3A_89] : memref<10240x128xf32, #tpu.memory_space<vmem_shared>> -> memref<128x128xf32, #tpu.memory_space<vmem_shared>>
      %dma_start3A_91 = arith.constant 0 : i32
      %dma_start3A_92 = arith.constant 0 : i32
      %dma_start3A_93 = tpu.memref_slice %arg7[%dma_start3A_91, %dma_start3A_92] : memref<128x128xf32, #tpu.memory_space<vmem>> -> memref<128x128xf32, #tpu.memory_space<vmem>>
      tpu.enqueue_dma source(%dma_start3A_93 : memref<128x128xf32, #tpu.memory_space<vmem>>) target(%dma_start3A_90 : memref<128x128xf32, #tpu.memory_space<vmem_shared>>) target_semaphore(%run_scoped3A : memref<!tpu.dma_semaphore, #tpu.memory_space<semaphore_mem>>)
      %dma_wait3A = arith.constant 0 : i32
      %dma_wait3A_94 = arith.constant 0 : i32
      %dma_wait3A_95 = tpu.memref_slice %arg7[%dma_wait3A, %dma_wait3A_94] : memref<128x128xf32, #tpu.memory_space<vmem>> -> memref<128x128xf32, #tpu.memory_space<vmem>>
      %dma_wait3A_96 = arith.constant 0 : i32
      %dma_wait3A_97 = tpu.memref_slice %arg9[%add3A_18, %dma_wait3A_96] : memref<10240x128xf32, #tpu.memory_space<vmem_shared>> -> memref<128x128xf32, #tpu.memory_space<vmem_shared>>
      %dma_wait3A_98 = arith.constant 0 : i32
      %dma_wait3A_99 = tpu.memref_slice %arg9[%add3A_18, %dma_wait3A_98] : memref<10240x128xf32, #tpu.memory_space<vmem_shared>> -> memref<128x128xf32, #tpu.memory_space<vmem_shared>>
      %dma_wait3A_100 = arith.constant 0 : i32
      %dma_wait3A_101 = arith.constant 0 : i32
      %dma_wait3A_102 = tpu.memref_slice %arg7[%dma_wait3A_100, %dma_wait3A_101] : memref<128x128xf32, #tpu.memory_space<vmem>> -> memref<128x128xf32, #tpu.memory_space<vmem>>
      tpu.wait_dma2 semaphore(%run_scoped3A : memref<!tpu.dma_semaphore, #tpu.memory_space<semaphore_mem>>) src(%dma_wait3A_102 : memref<128x128xf32, #tpu.memory_space<vmem>>) dst(%dma_wait3A_99 : memref<128x128xf32, #tpu.memory_space<vmem_shared>>)
      tpu.yield
    }) : () -> ()
    %add3A_19 = arith.constant 512 : i32
    %add3A_20 = arith.addi %mul3A_10, %add3A_19 : i32
    "tpu.region"() ({
      %run_scoped3A = tpu.sem_alloc : memref<!tpu.dma_semaphore, #tpu.memory_space<semaphore_mem>>
      %dma_start3A = arith.constant 0 : i32
      %dma_start3A_85 = arith.constant 0 : i32
      %dma_start3A_86 = tpu.memref_slice %arg7[%dma_start3A, %dma_start3A_85] : memref<128x128xf32, #tpu.memory_space<vmem>> -> memref<128x128xf32, #tpu.memory_space<vmem>>
      %dma_start3A_87 = arith.constant 0 : i32
      %dma_start3A_88 = tpu.memref_slice %arg9[%add3A_20, %dma_start3A_87] : memref<10240x128xf32, #tpu.memory_space<vmem_shared>> -> memref<128x128xf32, #tpu.memory_space<vmem_shared>>
      %dma_start3A_89 = arith.constant 0 : i32
      %dma_start3A_90 = tpu.memref_slice %arg9[%add3A_20, %dma_start3A_89] : memref<10240x128xf32, #tpu.memory_space<vmem_shared>> -> memref<128x128xf32, #tpu.memory_space<vmem_shared>>
      %dma_start3A_91 = arith.constant 0 : i32
      %dma_start3A_92 = arith.constant 0 : i32
      %dma_start3A_93 = tpu.memref_slice %arg7[%dma_start3A_91, %dma_start3A_92] : memref<128x128xf32, #tpu.memory_space<vmem>> -> memref<128x128xf32, #tpu.memory_space<vmem>>
      tpu.enqueue_dma source(%dma_start3A_93 : memref<128x128xf32, #tpu.memory_space<vmem>>) target(%dma_start3A_90 : memref<128x128xf32, #tpu.memory_space<vmem_shared>>) target_semaphore(%run_scoped3A : memref<!tpu.dma_semaphore, #tpu.memory_space<semaphore_mem>>)
      %dma_wait3A = arith.constant 0 : i32
      %dma_wait3A_94 = arith.constant 0 : i32
      %dma_wait3A_95 = tpu.memref_slice %arg7[%dma_wait3A, %dma_wait3A_94] : memref<128x128xf32, #tpu.memory_space<vmem>> -> memref<128x128xf32, #tpu.memory_space<vmem>>
      %dma_wait3A_96 = arith.constant 0 : i32
      %dma_wait3A_97 = tpu.memref_slice %arg9[%add3A_20, %dma_wait3A_96] : memref<10240x128xf32, #tpu.memory_space<vmem_shared>> -> memref<128x128xf32, #tpu.memory_space<vmem_shared>>
      %dma_wait3A_98 = arith.constant 0 : i32
      %dma_wait3A_99 = tpu.memref_slice %arg9[%add3A_20, %dma_wait3A_98] : memref<10240x128xf32, #tpu.memory_space<vmem_shared>> -> memref<128x128xf32, #tpu.memory_space<vmem_shared>>
      %dma_wait3A_100 = arith.constant 0 : i32
      %dma_wait3A_101 = arith.constant 0 : i32
      %dma_wait3A_102 = tpu.memref_slice %arg7[%dma_wait3A_100, %dma_wait3A_101] : memref<128x128xf32, #tpu.memory_space<vmem>> -> memref<128x128xf32, #tpu.memory_space<vmem>>
      tpu.wait_dma2 semaphore(%run_scoped3A : memref<!tpu.dma_semaphore, #tpu.memory_space<semaphore_mem>>) src(%dma_wait3A_102 : memref<128x128xf32, #tpu.memory_space<vmem>>) dst(%dma_wait3A_99 : memref<128x128xf32, #tpu.memory_space<vmem_shared>>)
      tpu.yield
    }) : () -> ()
    %barrier3A = arith.constant 0 : index
    tpu.barrier barrier_id(%barrier3A)
    %scan3A_21 = arith.constant 0 : i32
    %scan3A_22 = arith.constant 0 : i32
    %scan3A_23 = arith.constant 40 : i32
    %scan3A_24 = arith.addi %scan3A_22, %scan3A_23 : i32
    %scan3A_25 = arith.constant 1 : i32
    scf.for %scan3A_85 = %scan3A_22 to %scan3A_24 step %scan3A_25  : i32 {
      %mul3A_86 = arith.constant 2 : i32
      %mul3A_87 = arith.muli %mul3A_86, %scan3A_85 : i32
      %add3A_88 = arith.constant 1 : i32
      %add3A_89 = arith.addi %mul3A_87, %add3A_88 : i32
      %mul3A_90 = arith.constant 128 : i32
      %mul3A_91 = arith.muli %mul3A_87, %mul3A_90 : i32
      %add3A_92 = arith.addi %mul3A_2, %mul3A_91 : i32
      %dma_start3A = arith.constant 0 : i32
      %dma_start3A_93 = tpu.memref_slice %arg2[%add3A_92, %dma_start3A] : memref<327680x128xf32, #tpu.memory_space<hbm>> -> memref<128x128xf32, #tpu.memory_space<hbm>>
      %dma_start3A_94 = arith.constant 0 : i32
      %dma_start3A_95 = tpu.memref_slice %arg2[%add3A_92, %dma_start3A_94] : memref<327680x128xf32, #tpu.memory_space<hbm>> -> memref<128x128xf32, #tpu.memory_space<hbm>>
      tpu.enqueue_dma source(%dma_start3A_95 : memref<128x128xf32, #tpu.memory_space<hbm>>) target(%arg7 : memref<128x128xf32, #tpu.memory_space<vmem>>) target_semaphore(%arg10 : memref<!tpu.dma_semaphore, #tpu.memory_space<semaphore_mem>>)
      %mul3A_96 = arith.constant 128 : i32
      %mul3A_97 = arith.muli %add3A_89, %mul3A_96 : i32
      %add3A_98 = arith.addi %mul3A_2, %mul3A_97 : i32
      %dma_start3A_99 = arith.constant 0 : i32
      %dma_start3A_100 = tpu.memref_slice %arg2[%add3A_98, %dma_start3A_99] : memref<327680x128xf32, #tpu.memory_space<hbm>> -> memref<128x128xf32, #tpu.memory_space<hbm>>
      %dma_start3A_101 = arith.constant 0 : i32
      %dma_start3A_102 = tpu.memref_slice %arg2[%add3A_98, %dma_start3A_101] : memref<327680x128xf32, #tpu.memory_space<hbm>> -> memref<128x128xf32, #tpu.memory_space<hbm>>
      tpu.enqueue_dma source(%dma_start3A_102 : memref<128x128xf32, #tpu.memory_space<hbm>>) target(%arg8 : memref<128x128xf32, #tpu.memory_space<vmem>>) target_semaphore(%arg11 : memref<!tpu.dma_semaphore, #tpu.memory_space<semaphore_mem>>)
      %dma_wait3A = arith.constant 0 : i32
      %dma_wait3A_103 = tpu.memref_slice %arg2[%add3A_92, %dma_wait3A] : memref<327680x128xf32, #tpu.memory_space<hbm>> -> memref<128x128xf32, #tpu.memory_space<hbm>>
      %dma_wait3A_104 = arith.constant 0 : i32
      %dma_wait3A_105 = tpu.memref_slice %arg2[%add3A_92, %dma_wait3A_104] : memref<327680x128xf32, #tpu.memory_space<hbm>> -> memref<128x128xf32, #tpu.memory_space<hbm>>
      tpu.wait_dma2 semaphore(%arg10 : memref<!tpu.dma_semaphore, #tpu.memory_space<semaphore_mem>>) src(%dma_wait3A_105 : memref<128x128xf32, #tpu.memory_space<hbm>>) dst(%arg7 : memref<128x128xf32, #tpu.memory_space<vmem>>)
      %dma_start3A_106 = arith.constant 0 : i32
      %dma_start3A_107 = tpu.memref_slice %arg6[%mul3A_87, %dma_start3A_106] : memref<80x128xi32, #tpu.memory_space<vmem>> -> memref<1x128xi32, #tpu.memory_space<vmem>>
      %dma_start3A_108 = tpu.memref_squeeze %dma_start3A_107 : memref<1x128xi32, #tpu.memory_space<vmem>> -> memref<128xi32, #tpu.memory_space<vmem>>
      %dma_start3A_109 = arith.constant 0 : i32
      %dma_start3A_110 = arith.constant 0 : i32
      %dma_start3A_111 = tpu.memref_slice %arg9[%dma_start3A_109, %dma_start3A_110] : memref<10240x128xf32, #tpu.memory_space<vmem_shared>> -> memref<10240x128xf32, #tpu.memory_space<vmem_shared>>
      tpu.enqueue_indirect_dma source(%arg7 : memref<128x128xf32, #tpu.memory_space<vmem>>) target(%dma_start3A_111 : memref<10240x128xf32, #tpu.memory_space<vmem_shared>>) offsets(%dma_start3A_108 : memref<128xi32, #tpu.memory_space<vmem>>) semaphore(%arg12 : memref<!tpu.dma_semaphore, #tpu.memory_space<semaphore_mem>>) {add = true}
      %dma_wait3A_112 = arith.constant 0 : i32
      %dma_wait3A_113 = tpu.memref_slice %arg2[%add3A_98, %dma_wait3A_112] : memref<327680x128xf32, #tpu.memory_space<hbm>> -> memref<128x128xf32, #tpu.memory_space<hbm>>
      %dma_wait3A_114 = arith.constant 0 : i32
      %dma_wait3A_115 = tpu.memref_slice %arg2[%add3A_98, %dma_wait3A_114] : memref<327680x128xf32, #tpu.memory_space<hbm>> -> memref<128x128xf32, #tpu.memory_space<hbm>>
      tpu.wait_dma2 semaphore(%arg11 : memref<!tpu.dma_semaphore, #tpu.memory_space<semaphore_mem>>) src(%dma_wait3A_115 : memref<128x128xf32, #tpu.memory_space<hbm>>) dst(%arg8 : memref<128x128xf32, #tpu.memory_space<vmem>>)
      %dma_start3A_116 = arith.constant 0 : i32
      %dma_start3A_117 = tpu.memref_slice %arg6[%add3A_89, %dma_start3A_116] : memref<80x128xi32, #tpu.memory_space<vmem>> -> memref<1x128xi32, #tpu.memory_space<vmem>>
      %dma_start3A_118 = tpu.memref_squeeze %dma_start3A_117 : memref<1x128xi32, #tpu.memory_space<vmem>> -> memref<128xi32, #tpu.memory_space<vmem>>
      %dma_start3A_119 = arith.constant 0 : i32
      %dma_start3A_120 = arith.constant 0 : i32
      %dma_start3A_121 = tpu.memref_slice %arg9[%dma_start3A_119, %dma_start3A_120] : memref<10240x128xf32, #tpu.memory_space<vmem_shared>> -> memref<10240x128xf32, #tpu.memory_space<vmem_shared>>
      tpu.enqueue_indirect_dma source(%arg8 : memref<128x128xf32, #tpu.memory_space<vmem>>) target(%dma_start3A_121 : memref<10240x128xf32, #tpu.memory_space<vmem_shared>>) offsets(%dma_start3A_118 : memref<128xi32, #tpu.memory_space<vmem>>) semaphore(%arg13 : memref<!tpu.dma_semaphore, #tpu.memory_space<semaphore_mem>>) {add = true}
      %dma_wait3A_122 = arith.constant 0 : i32
      %dma_wait3A_123 = tpu.memref_slice %arg6[%mul3A_87, %dma_wait3A_122] : memref<80x128xi32, #tpu.memory_space<vmem>> -> memref<1x128xi32, #tpu.memory_space<vmem>>
      %dma_wait3A_124 = tpu.memref_squeeze %dma_wait3A_123 : memref<1x128xi32, #tpu.memory_space<vmem>> -> memref<128xi32, #tpu.memory_space<vmem>>
      %dma_wait3A_125 = arith.constant 0 : i32
      %dma_wait3A_126 = arith.constant 0 : i32
      %dma_wait3A_127 = tpu.memref_slice %arg9[%dma_wait3A_125, %dma_wait3A_126] : memref<10240x128xf32, #tpu.memory_space<vmem_shared>> -> memref<10240x128xf32, #tpu.memory_space<vmem_shared>>
      tpu.wait_indirect_dma semaphore(%arg12 : memref<!tpu.dma_semaphore, #tpu.memory_space<semaphore_mem>>) src(%arg7 : memref<128x128xf32, #tpu.memory_space<vmem>>) dst(%dma_wait3A_127 : memref<10240x128xf32, #tpu.memory_space<vmem_shared>>)
      %dma_wait3A_128 = arith.constant 0 : i32
      %dma_wait3A_129 = tpu.memref_slice %arg6[%add3A_89, %dma_wait3A_128] : memref<80x128xi32, #tpu.memory_space<vmem>> -> memref<1x128xi32, #tpu.memory_space<vmem>>
      %dma_wait3A_130 = tpu.memref_squeeze %dma_wait3A_129 : memref<1x128xi32, #tpu.memory_space<vmem>> -> memref<128xi32, #tpu.memory_space<vmem>>
      %dma_wait3A_131 = arith.constant 0 : i32
      %dma_wait3A_132 = arith.constant 0 : i32
      %dma_wait3A_133 = tpu.memref_slice %arg9[%dma_wait3A_131, %dma_wait3A_132] : memref<10240x128xf32, #tpu.memory_space<vmem_shared>> -> memref<10240x128xf32, #tpu.memory_space<vmem_shared>>
      tpu.wait_indirect_dma semaphore(%arg13 : memref<!tpu.dma_semaphore, #tpu.memory_space<semaphore_mem>>) src(%arg8 : memref<128x128xf32, #tpu.memory_space<vmem>>) dst(%dma_wait3A_133 : memref<10240x128xf32, #tpu.memory_space<vmem_shared>>)
    }
    %scan3A_26 = arith.constant 40 : i32
    %barrier3A_27 = arith.constant 0 : index
    tpu.barrier barrier_id(%barrier3A_27)
    %add3A_28 = arith.constant 0 : i32
    %add3A_29 = arith.addi %mul3A_10, %add3A_28 : i32
    "tpu.region"() ({
      %run_scoped3A = tpu.sem_alloc : memref<!tpu.dma_semaphore, #tpu.memory_space<semaphore_mem>>
      %dma_start3A = arith.constant 0 : i32
      %dma_start3A_85 = arith.constant 0 : i32
      %dma_start3A_86 = tpu.memref_slice %arg7[%dma_start3A, %dma_start3A_85] : memref<128x128xf32, #tpu.memory_space<vmem>> -> memref<128x128xf32, #tpu.memory_space<vmem>>
      %dma_start3A_87 = arith.constant 0 : i32
      %dma_start3A_88 = tpu.memref_slice %arg9[%add3A_29, %dma_start3A_87] : memref<10240x128xf32, #tpu.memory_space<vmem_shared>> -> memref<128x128xf32, #tpu.memory_space<vmem_shared>>
      %dma_start3A_89 = arith.constant 0 : i32
      %dma_start3A_90 = arith.constant 0 : i32
      %dma_start3A_91 = tpu.memref_slice %arg7[%dma_start3A_89, %dma_start3A_90] : memref<128x128xf32, #tpu.memory_space<vmem>> -> memref<128x128xf32, #tpu.memory_space<vmem>>
      %dma_start3A_92 = arith.constant 0 : i32
      %dma_start3A_93 = tpu.memref_slice %arg9[%add3A_29, %dma_start3A_92] : memref<10240x128xf32, #tpu.memory_space<vmem_shared>> -> memref<128x128xf32, #tpu.memory_space<vmem_shared>>
      tpu.enqueue_dma source(%dma_start3A_93 : memref<128x128xf32, #tpu.memory_space<vmem_shared>>) target(%dma_start3A_91 : memref<128x128xf32, #tpu.memory_space<vmem>>) target_semaphore(%run_scoped3A : memref<!tpu.dma_semaphore, #tpu.memory_space<semaphore_mem>>)
      %dma_wait3A = arith.constant 0 : i32
      %dma_wait3A_94 = arith.constant 0 : i32
      %dma_wait3A_95 = tpu.memref_slice %arg7[%dma_wait3A, %dma_wait3A_94] : memref<128x128xf32, #tpu.memory_space<vmem>> -> memref<128x128xf32, #tpu.memory_space<vmem>>
      %dma_wait3A_96 = arith.constant 0 : i32
      %dma_wait3A_97 = tpu.memref_slice %arg9[%add3A_29, %dma_wait3A_96] : memref<10240x128xf32, #tpu.memory_space<vmem_shared>> -> memref<128x128xf32, #tpu.memory_space<vmem_shared>>
      %dma_wait3A_98 = arith.constant 0 : i32
      %dma_wait3A_99 = arith.constant 0 : i32
      %dma_wait3A_100 = tpu.memref_slice %arg7[%dma_wait3A_98, %dma_wait3A_99] : memref<128x128xf32, #tpu.memory_space<vmem>> -> memref<128x128xf32, #tpu.memory_space<vmem>>
      %dma_wait3A_101 = arith.constant 0 : i32
      %dma_wait3A_102 = tpu.memref_slice %arg9[%add3A_29, %dma_wait3A_101] : memref<10240x128xf32, #tpu.memory_space<vmem_shared>> -> memref<128x128xf32, #tpu.memory_space<vmem_shared>>
      tpu.wait_dma2 semaphore(%run_scoped3A : memref<!tpu.dma_semaphore, #tpu.memory_space<semaphore_mem>>) src(%dma_wait3A_102 : memref<128x128xf32, #tpu.memory_space<vmem_shared>>) dst(%dma_wait3A_100 : memref<128x128xf32, #tpu.memory_space<vmem>>)
      tpu.yield
    }) : () -> ()
    %eq3A = arith.constant 0 : i32
    %eq3A_30 = arith.cmpi eq, %arg0, %eq3A : i32
    %convert_element_type3A = arith.extui %eq3A_30 : i1 to i32
    %cond3A = arith.constant 0 : i32
    %cond3A_31 = arith.cmpi ne, %convert_element_type3A, %cond3A : i32
    scf.if %cond3A_31 {
      "tpu.region"() ({
        %run_scoped3A = tpu.sem_alloc : memref<!tpu.dma_semaphore, #tpu.memory_space<semaphore_mem>>
        %dma_start3A = arith.constant 0 : i32
        %dma_start3A_85 = arith.constant 0 : i32
        %dma_start3A_86 = tpu.memref_slice %arg7[%dma_start3A, %dma_start3A_85] : memref<128x128xf32, #tpu.memory_space<vmem>> -> memref<128x128xf32, #tpu.memory_space<vmem>>
        %dma_start3A_87 = arith.constant 0 : i32
        %dma_start3A_88 = tpu.memref_slice %arg4[%add3A_29, %dma_start3A_87] : memref<10240x128xf32, #tpu.memory_space<hbm>> -> memref<128x128xf32, #tpu.memory_space<hbm>>
        %dma_start3A_89 = arith.constant 0 : i32
        %dma_start3A_90 = tpu.memref_slice %arg4[%add3A_29, %dma_start3A_89] : memref<10240x128xf32, #tpu.memory_space<hbm>> -> memref<128x128xf32, #tpu.memory_space<hbm>>
        %dma_start3A_91 = arith.constant 0 : i32
        %dma_start3A_92 = arith.constant 0 : i32
        %dma_start3A_93 = tpu.memref_slice %arg7[%dma_start3A_91, %dma_start3A_92] : memref<128x128xf32, #tpu.memory_space<vmem>> -> memref<128x128xf32, #tpu.memory_space<vmem>>
        tpu.enqueue_dma source(%dma_start3A_93 : memref<128x128xf32, #tpu.memory_space<vmem>>) target(%dma_start3A_90 : memref<128x128xf32, #tpu.memory_space<hbm>>) target_semaphore(%run_scoped3A : memref<!tpu.dma_semaphore, #tpu.memory_space<semaphore_mem>>)
        %dma_wait3A = arith.constant 0 : i32
        %dma_wait3A_94 = arith.constant 0 : i32
        %dma_wait3A_95 = tpu.memref_slice %arg7[%dma_wait3A, %dma_wait3A_94] : memref<128x128xf32, #tpu.memory_space<vmem>> -> memref<128x128xf32, #tpu.memory_space<vmem>>
        %dma_wait3A_96 = arith.constant 0 : i32
        %dma_wait3A_97 = tpu.memref_slice %arg4[%add3A_29, %dma_wait3A_96] : memref<10240x128xf32, #tpu.memory_space<hbm>> -> memref<128x128xf32, #tpu.memory_space<hbm>>
        %dma_wait3A_98 = arith.constant 0 : i32
        %dma_wait3A_99 = tpu.memref_slice %arg4[%add3A_29, %dma_wait3A_98] : memref<10240x128xf32, #tpu.memory_space<hbm>> -> memref<128x128xf32, #tpu.memory_space<hbm>>
        %dma_wait3A_100 = arith.constant 0 : i32
        %dma_wait3A_101 = arith.constant 0 : i32
        %dma_wait3A_102 = tpu.memref_slice %arg7[%dma_wait3A_100, %dma_wait3A_101] : memref<128x128xf32, #tpu.memory_space<vmem>> -> memref<128x128xf32, #tpu.memory_space<vmem>>
        tpu.wait_dma2 semaphore(%run_scoped3A : memref<!tpu.dma_semaphore, #tpu.memory_space<semaphore_mem>>) src(%dma_wait3A_102 : memref<128x128xf32, #tpu.memory_space<vmem>>) dst(%dma_wait3A_99 : memref<128x128xf32, #tpu.memory_space<hbm>>)
        tpu.yield
      }) : () -> ()
    } else {
    }
    %eq3A_32 = arith.constant 1 : i32
    %eq3A_33 = arith.cmpi eq, %arg0, %eq3A_32 : i32
    %convert_element_type3A_34 = arith.extui %eq3A_33 : i1 to i32
    %cond3A_35 = arith.constant 0 : i32
    %cond3A_36 = arith.cmpi ne, %convert_element_type3A_34, %cond3A_35 : i32
    scf.if %cond3A_36 {
      "tpu.region"() ({
        %run_scoped3A = tpu.sem_alloc : memref<!tpu.dma_semaphore, #tpu.memory_space<semaphore_mem>>
        %dma_start3A = arith.constant 0 : i32
        %dma_start3A_85 = arith.constant 0 : i32
        %dma_start3A_86 = tpu.memref_slice %arg7[%dma_start3A, %dma_start3A_85] : memref<128x128xf32, #tpu.memory_space<vmem>> -> memref<128x128xf32, #tpu.memory_space<vmem>>
        %dma_start3A_87 = arith.constant 0 : i32
        %dma_start3A_88 = tpu.memref_slice %arg5[%add3A_29, %dma_start3A_87] : memref<10240x128xf32, #tpu.memory_space<hbm>> -> memref<128x128xf32, #tpu.memory_space<hbm>>
        %dma_start3A_89 = arith.constant 0 : i32
        %dma_start3A_90 = tpu.memref_slice %arg5[%add3A_29, %dma_start3A_89] : memref<10240x128xf32, #tpu.memory_space<hbm>> -> memref<128x128xf32, #tpu.memory_space<hbm>>
        %dma_start3A_91 = arith.constant 0 : i32
        %dma_start3A_92 = arith.constant 0 : i32
        %dma_start3A_93 = tpu.memref_slice %arg7[%dma_start3A_91, %dma_start3A_92] : memref<128x128xf32, #tpu.memory_space<vmem>> -> memref<128x128xf32, #tpu.memory_space<vmem>>
        tpu.enqueue_dma source(%dma_start3A_93 : memref<128x128xf32, #tpu.memory_space<vmem>>) target(%dma_start3A_90 : memref<128x128xf32, #tpu.memory_space<hbm>>) target_semaphore(%run_scoped3A : memref<!tpu.dma_semaphore, #tpu.memory_space<semaphore_mem>>)
        %dma_wait3A = arith.constant 0 : i32
        %dma_wait3A_94 = arith.constant 0 : i32
        %dma_wait3A_95 = tpu.memref_slice %arg7[%dma_wait3A, %dma_wait3A_94] : memref<128x128xf32, #tpu.memory_space<vmem>> -> memref<128x128xf32, #tpu.memory_space<vmem>>
        %dma_wait3A_96 = arith.constant 0 : i32
        %dma_wait3A_97 = tpu.memref_slice %arg5[%add3A_29, %dma_wait3A_96] : memref<10240x128xf32, #tpu.memory_space<hbm>> -> memref<128x128xf32, #tpu.memory_space<hbm>>
        %dma_wait3A_98 = arith.constant 0 : i32
        %dma_wait3A_99 = tpu.memref_slice %arg5[%add3A_29, %dma_wait3A_98] : memref<10240x128xf32, #tpu.memory_space<hbm>> -> memref<128x128xf32, #tpu.memory_space<hbm>>
        %dma_wait3A_100 = arith.constant 0 : i32
        %dma_wait3A_101 = arith.constant 0 : i32
        %dma_wait3A_102 = tpu.memref_slice %arg7[%dma_wait3A_100, %dma_wait3A_101] : memref<128x128xf32, #tpu.memory_space<vmem>> -> memref<128x128xf32, #tpu.memory_space<vmem>>
        tpu.wait_dma2 semaphore(%run_scoped3A : memref<!tpu.dma_semaphore, #tpu.memory_space<semaphore_mem>>) src(%dma_wait3A_102 : memref<128x128xf32, #tpu.memory_space<vmem>>) dst(%dma_wait3A_99 : memref<128x128xf32, #tpu.memory_space<hbm>>)
        tpu.yield
      }) : () -> ()
    } else {
    }
    %add3A_37 = arith.constant 128 : i32
    %add3A_38 = arith.addi %mul3A_10, %add3A_37 : i32
    "tpu.region"() ({
      %run_scoped3A = tpu.sem_alloc : memref<!tpu.dma_semaphore, #tpu.memory_space<semaphore_mem>>
      %dma_start3A = arith.constant 0 : i32
      %dma_start3A_85 = arith.constant 0 : i32
      %dma_start3A_86 = tpu.memref_slice %arg7[%dma_start3A, %dma_start3A_85] : memref<128x128xf32, #tpu.memory_space<vmem>> -> memref<128x128xf32, #tpu.memory_space<vmem>>
      %dma_start3A_87 = arith.constant 0 : i32
      %dma_start3A_88 = tpu.memref_slice %arg9[%add3A_38, %dma_start3A_87] : memref<10240x128xf32, #tpu.memory_space<vmem_shared>> -> memref<128x128xf32, #tpu.memory_space<vmem_shared>>
      %dma_start3A_89 = arith.constant 0 : i32
      %dma_start3A_90 = arith.constant 0 : i32
      %dma_start3A_91 = tpu.memref_slice %arg7[%dma_start3A_89, %dma_start3A_90] : memref<128x128xf32, #tpu.memory_space<vmem>> -> memref<128x128xf32, #tpu.memory_space<vmem>>
      %dma_start3A_92 = arith.constant 0 : i32
      %dma_start3A_93 = tpu.memref_slice %arg9[%add3A_38, %dma_start3A_92] : memref<10240x128xf32, #tpu.memory_space<vmem_shared>> -> memref<128x128xf32, #tpu.memory_space<vmem_shared>>
      tpu.enqueue_dma source(%dma_start3A_93 : memref<128x128xf32, #tpu.memory_space<vmem_shared>>) target(%dma_start3A_91 : memref<128x128xf32, #tpu.memory_space<vmem>>) target_semaphore(%run_scoped3A : memref<!tpu.dma_semaphore, #tpu.memory_space<semaphore_mem>>)
      %dma_wait3A = arith.constant 0 : i32
      %dma_wait3A_94 = arith.constant 0 : i32
      %dma_wait3A_95 = tpu.memref_slice %arg7[%dma_wait3A, %dma_wait3A_94] : memref<128x128xf32, #tpu.memory_space<vmem>> -> memref<128x128xf32, #tpu.memory_space<vmem>>
      %dma_wait3A_96 = arith.constant 0 : i32
      %dma_wait3A_97 = tpu.memref_slice %arg9[%add3A_38, %dma_wait3A_96] : memref<10240x128xf32, #tpu.memory_space<vmem_shared>> -> memref<128x128xf32, #tpu.memory_space<vmem_shared>>
      %dma_wait3A_98 = arith.constant 0 : i32
      %dma_wait3A_99 = arith.constant 0 : i32
      %dma_wait3A_100 = tpu.memref_slice %arg7[%dma_wait3A_98, %dma_wait3A_99] : memref<128x128xf32, #tpu.memory_space<vmem>> -> memref<128x128xf32, #tpu.memory_space<vmem>>
      %dma_wait3A_101 = arith.constant 0 : i32
      %dma_wait3A_102 = tpu.memref_slice %arg9[%add3A_38, %dma_wait3A_101] : memref<10240x128xf32, #tpu.memory_space<vmem_shared>> -> memref<128x128xf32, #tpu.memory_space<vmem_shared>>
      tpu.wait_dma2 semaphore(%run_scoped3A : memref<!tpu.dma_semaphore, #tpu.memory_space<semaphore_mem>>) src(%dma_wait3A_102 : memref<128x128xf32, #tpu.memory_space<vmem_shared>>) dst(%dma_wait3A_100 : memref<128x128xf32, #tpu.memory_space<vmem>>)
      tpu.yield
    }) : () -> ()
    %eq3A_39 = arith.constant 0 : i32
    %eq3A_40 = arith.cmpi eq, %arg0, %eq3A_39 : i32
    %convert_element_type3A_41 = arith.extui %eq3A_40 : i1 to i32
    %cond3A_42 = arith.constant 0 : i32
    %cond3A_43 = arith.cmpi ne, %convert_element_type3A_41, %cond3A_42 : i32
    scf.if %cond3A_43 {
      "tpu.region"() ({
        %run_scoped3A = tpu.sem_alloc : memref<!tpu.dma_semaphore, #tpu.memory_space<semaphore_mem>>
        %dma_start3A = arith.constant 0 : i32
        %dma_start3A_85 = arith.constant 0 : i32
        %dma_start3A_86 = tpu.memref_slice %arg7[%dma_start3A, %dma_start3A_85] : memref<128x128xf32, #tpu.memory_space<vmem>> -> memref<128x128xf32, #tpu.memory_space<vmem>>
        %dma_start3A_87 = arith.constant 0 : i32
        %dma_start3A_88 = tpu.memref_slice %arg4[%add3A_38, %dma_start3A_87] : memref<10240x128xf32, #tpu.memory_space<hbm>> -> memref<128x128xf32, #tpu.memory_space<hbm>>
        %dma_start3A_89 = arith.constant 0 : i32
        %dma_start3A_90 = tpu.memref_slice %arg4[%add3A_38, %dma_start3A_89] : memref<10240x128xf32, #tpu.memory_space<hbm>> -> memref<128x128xf32, #tpu.memory_space<hbm>>
        %dma_start3A_91 = arith.constant 0 : i32
        %dma_start3A_92 = arith.constant 0 : i32
        %dma_start3A_93 = tpu.memref_slice %arg7[%dma_start3A_91, %dma_start3A_92] : memref<128x128xf32, #tpu.memory_space<vmem>> -> memref<128x128xf32, #tpu.memory_space<vmem>>
        tpu.enqueue_dma source(%dma_start3A_93 : memref<128x128xf32, #tpu.memory_space<vmem>>) target(%dma_start3A_90 : memref<128x128xf32, #tpu.memory_space<hbm>>) target_semaphore(%run_scoped3A : memref<!tpu.dma_semaphore, #tpu.memory_space<semaphore_mem>>)
        %dma_wait3A = arith.constant 0 : i32
        %dma_wait3A_94 = arith.constant 0 : i32
        %dma_wait3A_95 = tpu.memref_slice %arg7[%dma_wait3A, %dma_wait3A_94] : memref<128x128xf32, #tpu.memory_space<vmem>> -> memref<128x128xf32, #tpu.memory_space<vmem>>
        %dma_wait3A_96 = arith.constant 0 : i32
        %dma_wait3A_97 = tpu.memref_slice %arg4[%add3A_38, %dma_wait3A_96] : memref<10240x128xf32, #tpu.memory_space<hbm>> -> memref<128x128xf32, #tpu.memory_space<hbm>>
        %dma_wait3A_98 = arith.constant 0 : i32
        %dma_wait3A_99 = tpu.memref_slice %arg4[%add3A_38, %dma_wait3A_98] : memref<10240x128xf32, #tpu.memory_space<hbm>> -> memref<128x128xf32, #tpu.memory_space<hbm>>
        %dma_wait3A_100 = arith.constant 0 : i32
        %dma_wait3A_101 = arith.constant 0 : i32
        %dma_wait3A_102 = tpu.memref_slice %arg7[%dma_wait3A_100, %dma_wait3A_101] : memref<128x128xf32, #tpu.memory_space<vmem>> -> memref<128x128xf32, #tpu.memory_space<vmem>>
        tpu.wait_dma2 semaphore(%run_scoped3A : memref<!tpu.dma_semaphore, #tpu.memory_space<semaphore_mem>>) src(%dma_wait3A_102 : memref<128x128xf32, #tpu.memory_space<vmem>>) dst(%dma_wait3A_99 : memref<128x128xf32, #tpu.memory_space<hbm>>)
        tpu.yield
      }) : () -> ()
    } else {
    }
    %eq3A_44 = arith.constant 1 : i32
    %eq3A_45 = arith.cmpi eq, %arg0, %eq3A_44 : i32
    %convert_element_type3A_46 = arith.extui %eq3A_45 : i1 to i32
    %cond3A_47 = arith.constant 0 : i32
    %cond3A_48 = arith.cmpi ne, %convert_element_type3A_46, %cond3A_47 : i32
    scf.if %cond3A_48 {
      "tpu.region"() ({
        %run_scoped3A = tpu.sem_alloc : memref<!tpu.dma_semaphore, #tpu.memory_space<semaphore_mem>>
        %dma_start3A = arith.constant 0 : i32
        %dma_start3A_85 = arith.constant 0 : i32
        %dma_start3A_86 = tpu.memref_slice %arg7[%dma_start3A, %dma_start3A_85] : memref<128x128xf32, #tpu.memory_space<vmem>> -> memref<128x128xf32, #tpu.memory_space<vmem>>
        %dma_start3A_87 = arith.constant 0 : i32
        %dma_start3A_88 = tpu.memref_slice %arg5[%add3A_38, %dma_start3A_87] : memref<10240x128xf32, #tpu.memory_space<hbm>> -> memref<128x128xf32, #tpu.memory_space<hbm>>
        %dma_start3A_89 = arith.constant 0 : i32
        %dma_start3A_90 = tpu.memref_slice %arg5[%add3A_38, %dma_start3A_89] : memref<10240x128xf32, #tpu.memory_space<hbm>> -> memref<128x128xf32, #tpu.memory_space<hbm>>
        %dma_start3A_91 = arith.constant 0 : i32
        %dma_start3A_92 = arith.constant 0 : i32
        %dma_start3A_93 = tpu.memref_slice %arg7[%dma_start3A_91, %dma_start3A_92] : memref<128x128xf32, #tpu.memory_space<vmem>> -> memref<128x128xf32, #tpu.memory_space<vmem>>
        tpu.enqueue_dma source(%dma_start3A_93 : memref<128x128xf32, #tpu.memory_space<vmem>>) target(%dma_start3A_90 : memref<128x128xf32, #tpu.memory_space<hbm>>) target_semaphore(%run_scoped3A : memref<!tpu.dma_semaphore, #tpu.memory_space<semaphore_mem>>)
        %dma_wait3A = arith.constant 0 : i32
        %dma_wait3A_94 = arith.constant 0 : i32
        %dma_wait3A_95 = tpu.memref_slice %arg7[%dma_wait3A, %dma_wait3A_94] : memref<128x128xf32, #tpu.memory_space<vmem>> -> memref<128x128xf32, #tpu.memory_space<vmem>>
        %dma_wait3A_96 = arith.constant 0 : i32
        %dma_wait3A_97 = tpu.memref_slice %arg5[%add3A_38, %dma_wait3A_96] : memref<10240x128xf32, #tpu.memory_space<hbm>> -> memref<128x128xf32, #tpu.memory_space<hbm>>
        %dma_wait3A_98 = arith.constant 0 : i32
        %dma_wait3A_99 = tpu.memref_slice %arg5[%add3A_38, %dma_wait3A_98] : memref<10240x128xf32, #tpu.memory_space<hbm>> -> memref<128x128xf32, #tpu.memory_space<hbm>>
        %dma_wait3A_100 = arith.constant 0 : i32
        %dma_wait3A_101 = arith.constant 0 : i32
        %dma_wait3A_102 = tpu.memref_slice %arg7[%dma_wait3A_100, %dma_wait3A_101] : memref<128x128xf32, #tpu.memory_space<vmem>> -> memref<128x128xf32, #tpu.memory_space<vmem>>
        tpu.wait_dma2 semaphore(%run_scoped3A : memref<!tpu.dma_semaphore, #tpu.memory_space<semaphore_mem>>) src(%dma_wait3A_102 : memref<128x128xf32, #tpu.memory_space<vmem>>) dst(%dma_wait3A_99 : memref<128x128xf32, #tpu.memory_space<hbm>>)
        tpu.yield
      }) : () -> ()
    } else {
    }
    %add3A_49 = arith.constant 256 : i32
    %add3A_50 = arith.addi %mul3A_10, %add3A_49 : i32
    "tpu.region"() ({
      %run_scoped3A = tpu.sem_alloc : memref<!tpu.dma_semaphore, #tpu.memory_space<semaphore_mem>>
      %dma_start3A = arith.constant 0 : i32
      %dma_start3A_85 = arith.constant 0 : i32
      %dma_start3A_86 = tpu.memref_slice %arg7[%dma_start3A, %dma_start3A_85] : memref<128x128xf32, #tpu.memory_space<vmem>> -> memref<128x128xf32, #tpu.memory_space<vmem>>
      %dma_start3A_87 = arith.constant 0 : i32
      %dma_start3A_88 = tpu.memref_slice %arg9[%add3A_50, %dma_start3A_87] : memref<10240x128xf32, #tpu.memory_space<vmem_shared>> -> memref<128x128xf32, #tpu.memory_space<vmem_shared>>
      %dma_start3A_89 = arith.constant 0 : i32
      %dma_start3A_90 = arith.constant 0 : i32
      %dma_start3A_91 = tpu.memref_slice %arg7[%dma_start3A_89, %dma_start3A_90] : memref<128x128xf32, #tpu.memory_space<vmem>> -> memref<128x128xf32, #tpu.memory_space<vmem>>
      %dma_start3A_92 = arith.constant 0 : i32
      %dma_start3A_93 = tpu.memref_slice %arg9[%add3A_50, %dma_start3A_92] : memref<10240x128xf32, #tpu.memory_space<vmem_shared>> -> memref<128x128xf32, #tpu.memory_space<vmem_shared>>
      tpu.enqueue_dma source(%dma_start3A_93 : memref<128x128xf32, #tpu.memory_space<vmem_shared>>) target(%dma_start3A_91 : memref<128x128xf32, #tpu.memory_space<vmem>>) target_semaphore(%run_scoped3A : memref<!tpu.dma_semaphore, #tpu.memory_space<semaphore_mem>>)
      %dma_wait3A = arith.constant 0 : i32
      %dma_wait3A_94 = arith.constant 0 : i32
      %dma_wait3A_95 = tpu.memref_slice %arg7[%dma_wait3A, %dma_wait3A_94] : memref<128x128xf32, #tpu.memory_space<vmem>> -> memref<128x128xf32, #tpu.memory_space<vmem>>
      %dma_wait3A_96 = arith.constant 0 : i32
      %dma_wait3A_97 = tpu.memref_slice %arg9[%add3A_50, %dma_wait3A_96] : memref<10240x128xf32, #tpu.memory_space<vmem_shared>> -> memref<128x128xf32, #tpu.memory_space<vmem_shared>>
      %dma_wait3A_98 = arith.constant 0 : i32
      %dma_wait3A_99 = arith.constant 0 : i32
      %dma_wait3A_100 = tpu.memref_slice %arg7[%dma_wait3A_98, %dma_wait3A_99] : memref<128x128xf32, #tpu.memory_space<vmem>> -> memref<128x128xf32, #tpu.memory_space<vmem>>
      %dma_wait3A_101 = arith.constant 0 : i32
      %dma_wait3A_102 = tpu.memref_slice %arg9[%add3A_50, %dma_wait3A_101] : memref<10240x128xf32, #tpu.memory_space<vmem_shared>> -> memref<128x128xf32, #tpu.memory_space<vmem_shared>>
      tpu.wait_dma2 semaphore(%run_scoped3A : memref<!tpu.dma_semaphore, #tpu.memory_space<semaphore_mem>>) src(%dma_wait3A_102 : memref<128x128xf32, #tpu.memory_space<vmem_shared>>) dst(%dma_wait3A_100 : memref<128x128xf32, #tpu.memory_space<vmem>>)
      tpu.yield
    }) : () -> ()
    %eq3A_51 = arith.constant 0 : i32
    %eq3A_52 = arith.cmpi eq, %arg0, %eq3A_51 : i32
    %convert_element_type3A_53 = arith.extui %eq3A_52 : i1 to i32
    %cond3A_54 = arith.constant 0 : i32
    %cond3A_55 = arith.cmpi ne, %convert_element_type3A_53, %cond3A_54 : i32
    scf.if %cond3A_55 {
      "tpu.region"() ({
        %run_scoped3A = tpu.sem_alloc : memref<!tpu.dma_semaphore, #tpu.memory_space<semaphore_mem>>
        %dma_start3A = arith.constant 0 : i32
        %dma_start3A_85 = arith.constant 0 : i32
        %dma_start3A_86 = tpu.memref_slice %arg7[%dma_start3A, %dma_start3A_85] : memref<128x128xf32, #tpu.memory_space<vmem>> -> memref<128x128xf32, #tpu.memory_space<vmem>>
        %dma_start3A_87 = arith.constant 0 : i32
        %dma_start3A_88 = tpu.memref_slice %arg4[%add3A_50, %dma_start3A_87] : memref<10240x128xf32, #tpu.memory_space<hbm>> -> memref<128x128xf32, #tpu.memory_space<hbm>>
        %dma_start3A_89 = arith.constant 0 : i32
        %dma_start3A_90 = tpu.memref_slice %arg4[%add3A_50, %dma_start3A_89] : memref<10240x128xf32, #tpu.memory_space<hbm>> -> memref<128x128xf32, #tpu.memory_space<hbm>>
        %dma_start3A_91 = arith.constant 0 : i32
        %dma_start3A_92 = arith.constant 0 : i32
        %dma_start3A_93 = tpu.memref_slice %arg7[%dma_start3A_91, %dma_start3A_92] : memref<128x128xf32, #tpu.memory_space<vmem>> -> memref<128x128xf32, #tpu.memory_space<vmem>>
        tpu.enqueue_dma source(%dma_start3A_93 : memref<128x128xf32, #tpu.memory_space<vmem>>) target(%dma_start3A_90 : memref<128x128xf32, #tpu.memory_space<hbm>>) target_semaphore(%run_scoped3A : memref<!tpu.dma_semaphore, #tpu.memory_space<semaphore_mem>>)
        %dma_wait3A = arith.constant 0 : i32
        %dma_wait3A_94 = arith.constant 0 : i32
        %dma_wait3A_95 = tpu.memref_slice %arg7[%dma_wait3A, %dma_wait3A_94] : memref<128x128xf32, #tpu.memory_space<vmem>> -> memref<128x128xf32, #tpu.memory_space<vmem>>
        %dma_wait3A_96 = arith.constant 0 : i32
        %dma_wait3A_97 = tpu.memref_slice %arg4[%add3A_50, %dma_wait3A_96] : memref<10240x128xf32, #tpu.memory_space<hbm>> -> memref<128x128xf32, #tpu.memory_space<hbm>>
        %dma_wait3A_98 = arith.constant 0 : i32
        %dma_wait3A_99 = tpu.memref_slice %arg4[%add3A_50, %dma_wait3A_98] : memref<10240x128xf32, #tpu.memory_space<hbm>> -> memref<128x128xf32, #tpu.memory_space<hbm>>
        %dma_wait3A_100 = arith.constant 0 : i32
        %dma_wait3A_101 = arith.constant 0 : i32
        %dma_wait3A_102 = tpu.memref_slice %arg7[%dma_wait3A_100, %dma_wait3A_101] : memref<128x128xf32, #tpu.memory_space<vmem>> -> memref<128x128xf32, #tpu.memory_space<vmem>>
        tpu.wait_dma2 semaphore(%run_scoped3A : memref<!tpu.dma_semaphore, #tpu.memory_space<semaphore_mem>>) src(%dma_wait3A_102 : memref<128x128xf32, #tpu.memory_space<vmem>>) dst(%dma_wait3A_99 : memref<128x128xf32, #tpu.memory_space<hbm>>)
        tpu.yield
      }) : () -> ()
    } else {
    }
    %eq3A_56 = arith.constant 1 : i32
    %eq3A_57 = arith.cmpi eq, %arg0, %eq3A_56 : i32
    %convert_element_type3A_58 = arith.extui %eq3A_57 : i1 to i32
    %cond3A_59 = arith.constant 0 : i32
    %cond3A_60 = arith.cmpi ne, %convert_element_type3A_58, %cond3A_59 : i32
    scf.if %cond3A_60 {
      "tpu.region"() ({
        %run_scoped3A = tpu.sem_alloc : memref<!tpu.dma_semaphore, #tpu.memory_space<semaphore_mem>>
        %dma_start3A = arith.constant 0 : i32
        %dma_start3A_85 = arith.constant 0 : i32
        %dma_start3A_86 = tpu.memref_slice %arg7[%dma_start3A, %dma_start3A_85] : memref<128x128xf32, #tpu.memory_space<vmem>> -> memref<128x128xf32, #tpu.memory_space<vmem>>
        %dma_start3A_87 = arith.constant 0 : i32
        %dma_start3A_88 = tpu.memref_slice %arg5[%add3A_50, %dma_start3A_87] : memref<10240x128xf32, #tpu.memory_space<hbm>> -> memref<128x128xf32, #tpu.memory_space<hbm>>
        %dma_start3A_89 = arith.constant 0 : i32
        %dma_start3A_90 = tpu.memref_slice %arg5[%add3A_50, %dma_start3A_89] : memref<10240x128xf32, #tpu.memory_space<hbm>> -> memref<128x128xf32, #tpu.memory_space<hbm>>
        %dma_start3A_91 = arith.constant 0 : i32
        %dma_start3A_92 = arith.constant 0 : i32
        %dma_start3A_93 = tpu.memref_slice %arg7[%dma_start3A_91, %dma_start3A_92] : memref<128x128xf32, #tpu.memory_space<vmem>> -> memref<128x128xf32, #tpu.memory_space<vmem>>
        tpu.enqueue_dma source(%dma_start3A_93 : memref<128x128xf32, #tpu.memory_space<vmem>>) target(%dma_start3A_90 : memref<128x128xf32, #tpu.memory_space<hbm>>) target_semaphore(%run_scoped3A : memref<!tpu.dma_semaphore, #tpu.memory_space<semaphore_mem>>)
        %dma_wait3A = arith.constant 0 : i32
        %dma_wait3A_94 = arith.constant 0 : i32
        %dma_wait3A_95 = tpu.memref_slice %arg7[%dma_wait3A, %dma_wait3A_94] : memref<128x128xf32, #tpu.memory_space<vmem>> -> memref<128x128xf32, #tpu.memory_space<vmem>>
        %dma_wait3A_96 = arith.constant 0 : i32
        %dma_wait3A_97 = tpu.memref_slice %arg5[%add3A_50, %dma_wait3A_96] : memref<10240x128xf32, #tpu.memory_space<hbm>> -> memref<128x128xf32, #tpu.memory_space<hbm>>
        %dma_wait3A_98 = arith.constant 0 : i32
        %dma_wait3A_99 = tpu.memref_slice %arg5[%add3A_50, %dma_wait3A_98] : memref<10240x128xf32, #tpu.memory_space<hbm>> -> memref<128x128xf32, #tpu.memory_space<hbm>>
        %dma_wait3A_100 = arith.constant 0 : i32
        %dma_wait3A_101 = arith.constant 0 : i32
        %dma_wait3A_102 = tpu.memref_slice %arg7[%dma_wait3A_100, %dma_wait3A_101] : memref<128x128xf32, #tpu.memory_space<vmem>> -> memref<128x128xf32, #tpu.memory_space<vmem>>
        tpu.wait_dma2 semaphore(%run_scoped3A : memref<!tpu.dma_semaphore, #tpu.memory_space<semaphore_mem>>) src(%dma_wait3A_102 : memref<128x128xf32, #tpu.memory_space<vmem>>) dst(%dma_wait3A_99 : memref<128x128xf32, #tpu.memory_space<hbm>>)
        tpu.yield
      }) : () -> ()
    } else {
    }
    %add3A_61 = arith.constant 384 : i32
    %add3A_62 = arith.addi %mul3A_10, %add3A_61 : i32
    "tpu.region"() ({
      %run_scoped3A = tpu.sem_alloc : memref<!tpu.dma_semaphore, #tpu.memory_space<semaphore_mem>>
      %dma_start3A = arith.constant 0 : i32
      %dma_start3A_85 = arith.constant 0 : i32
      %dma_start3A_86 = tpu.memref_slice %arg7[%dma_start3A, %dma_start3A_85] : memref<128x128xf32, #tpu.memory_space<vmem>> -> memref<128x128xf32, #tpu.memory_space<vmem>>
      %dma_start3A_87 = arith.constant 0 : i32
      %dma_start3A_88 = tpu.memref_slice %arg9[%add3A_62, %dma_start3A_87] : memref<10240x128xf32, #tpu.memory_space<vmem_shared>> -> memref<128x128xf32, #tpu.memory_space<vmem_shared>>
      %dma_start3A_89 = arith.constant 0 : i32
      %dma_start3A_90 = arith.constant 0 : i32
      %dma_start3A_91 = tpu.memref_slice %arg7[%dma_start3A_89, %dma_start3A_90] : memref<128x128xf32, #tpu.memory_space<vmem>> -> memref<128x128xf32, #tpu.memory_space<vmem>>
      %dma_start3A_92 = arith.constant 0 : i32
      %dma_start3A_93 = tpu.memref_slice %arg9[%add3A_62, %dma_start3A_92] : memref<10240x128xf32, #tpu.memory_space<vmem_shared>> -> memref<128x128xf32, #tpu.memory_space<vmem_shared>>
      tpu.enqueue_dma source(%dma_start3A_93 : memref<128x128xf32, #tpu.memory_space<vmem_shared>>) target(%dma_start3A_91 : memref<128x128xf32, #tpu.memory_space<vmem>>) target_semaphore(%run_scoped3A : memref<!tpu.dma_semaphore, #tpu.memory_space<semaphore_mem>>)
      %dma_wait3A = arith.constant 0 : i32
      %dma_wait3A_94 = arith.constant 0 : i32
      %dma_wait3A_95 = tpu.memref_slice %arg7[%dma_wait3A, %dma_wait3A_94] : memref<128x128xf32, #tpu.memory_space<vmem>> -> memref<128x128xf32, #tpu.memory_space<vmem>>
      %dma_wait3A_96 = arith.constant 0 : i32
      %dma_wait3A_97 = tpu.memref_slice %arg9[%add3A_62, %dma_wait3A_96] : memref<10240x128xf32, #tpu.memory_space<vmem_shared>> -> memref<128x128xf32, #tpu.memory_space<vmem_shared>>
      %dma_wait3A_98 = arith.constant 0 : i32
      %dma_wait3A_99 = arith.constant 0 : i32
      %dma_wait3A_100 = tpu.memref_slice %arg7[%dma_wait3A_98, %dma_wait3A_99] : memref<128x128xf32, #tpu.memory_space<vmem>> -> memref<128x128xf32, #tpu.memory_space<vmem>>
      %dma_wait3A_101 = arith.constant 0 : i32
      %dma_wait3A_102 = tpu.memref_slice %arg9[%add3A_62, %dma_wait3A_101] : memref<10240x128xf32, #tpu.memory_space<vmem_shared>> -> memref<128x128xf32, #tpu.memory_space<vmem_shared>>
      tpu.wait_dma2 semaphore(%run_scoped3A : memref<!tpu.dma_semaphore, #tpu.memory_space<semaphore_mem>>) src(%dma_wait3A_102 : memref<128x128xf32, #tpu.memory_space<vmem_shared>>) dst(%dma_wait3A_100 : memref<128x128xf32, #tpu.memory_space<vmem>>)
      tpu.yield
    }) : () -> ()
    %eq3A_63 = arith.constant 0 : i32
    %eq3A_64 = arith.cmpi eq, %arg0, %eq3A_63 : i32
    %convert_element_type3A_65 = arith.extui %eq3A_64 : i1 to i32
    %cond3A_66 = arith.constant 0 : i32
    %cond3A_67 = arith.cmpi ne, %convert_element_type3A_65, %cond3A_66 : i32
    scf.if %cond3A_67 {
      "tpu.region"() ({
        %run_scoped3A = tpu.sem_alloc : memref<!tpu.dma_semaphore, #tpu.memory_space<semaphore_mem>>
        %dma_start3A = arith.constant 0 : i32
        %dma_start3A_85 = arith.constant 0 : i32
        %dma_start3A_86 = tpu.memref_slice %arg7[%dma_start3A, %dma_start3A_85] : memref<128x128xf32, #tpu.memory_space<vmem>> -> memref<128x128xf32, #tpu.memory_space<vmem>>
        %dma_start3A_87 = arith.constant 0 : i32
        %dma_start3A_88 = tpu.memref_slice %arg4[%add3A_62, %dma_start3A_87] : memref<10240x128xf32, #tpu.memory_space<hbm>> -> memref<128x128xf32, #tpu.memory_space<hbm>>
        %dma_start3A_89 = arith.constant 0 : i32
        %dma_start3A_90 = tpu.memref_slice %arg4[%add3A_62, %dma_start3A_89] : memref<10240x128xf32, #tpu.memory_space<hbm>> -> memref<128x128xf32, #tpu.memory_space<hbm>>
        %dma_start3A_91 = arith.constant 0 : i32
        %dma_start3A_92 = arith.constant 0 : i32
        %dma_start3A_93 = tpu.memref_slice %arg7[%dma_start3A_91, %dma_start3A_92] : memref<128x128xf32, #tpu.memory_space<vmem>> -> memref<128x128xf32, #tpu.memory_space<vmem>>
        tpu.enqueue_dma source(%dma_start3A_93 : memref<128x128xf32, #tpu.memory_space<vmem>>) target(%dma_start3A_90 : memref<128x128xf32, #tpu.memory_space<hbm>>) target_semaphore(%run_scoped3A : memref<!tpu.dma_semaphore, #tpu.memory_space<semaphore_mem>>)
        %dma_wait3A = arith.constant 0 : i32
        %dma_wait3A_94 = arith.constant 0 : i32
        %dma_wait3A_95 = tpu.memref_slice %arg7[%dma_wait3A, %dma_wait3A_94] : memref<128x128xf32, #tpu.memory_space<vmem>> -> memref<128x128xf32, #tpu.memory_space<vmem>>
        %dma_wait3A_96 = arith.constant 0 : i32
        %dma_wait3A_97 = tpu.memref_slice %arg4[%add3A_62, %dma_wait3A_96] : memref<10240x128xf32, #tpu.memory_space<hbm>> -> memref<128x128xf32, #tpu.memory_space<hbm>>
        %dma_wait3A_98 = arith.constant 0 : i32
        %dma_wait3A_99 = tpu.memref_slice %arg4[%add3A_62, %dma_wait3A_98] : memref<10240x128xf32, #tpu.memory_space<hbm>> -> memref<128x128xf32, #tpu.memory_space<hbm>>
        %dma_wait3A_100 = arith.constant 0 : i32
        %dma_wait3A_101 = arith.constant 0 : i32
        %dma_wait3A_102 = tpu.memref_slice %arg7[%dma_wait3A_100, %dma_wait3A_101] : memref<128x128xf32, #tpu.memory_space<vmem>> -> memref<128x128xf32, #tpu.memory_space<vmem>>
        tpu.wait_dma2 semaphore(%run_scoped3A : memref<!tpu.dma_semaphore, #tpu.memory_space<semaphore_mem>>) src(%dma_wait3A_102 : memref<128x128xf32, #tpu.memory_space<vmem>>) dst(%dma_wait3A_99 : memref<128x128xf32, #tpu.memory_space<hbm>>)
        tpu.yield
      }) : () -> ()
    } else {
    }
    %eq3A_68 = arith.constant 1 : i32
    %eq3A_69 = arith.cmpi eq, %arg0, %eq3A_68 : i32
    %convert_element_type3A_70 = arith.extui %eq3A_69 : i1 to i32
    %cond3A_71 = arith.constant 0 : i32
    %cond3A_72 = arith.cmpi ne, %convert_element_type3A_70, %cond3A_71 : i32
    scf.if %cond3A_72 {
      "tpu.region"() ({
        %run_scoped3A = tpu.sem_alloc : memref<!tpu.dma_semaphore, #tpu.memory_space<semaphore_mem>>
        %dma_start3A = arith.constant 0 : i32
        %dma_start3A_85 = arith.constant 0 : i32
        %dma_start3A_86 = tpu.memref_slice %arg7[%dma_start3A, %dma_start3A_85] : memref<128x128xf32, #tpu.memory_space<vmem>> -> memref<128x128xf32, #tpu.memory_space<vmem>>
        %dma_start3A_87 = arith.constant 0 : i32
        %dma_start3A_88 = tpu.memref_slice %arg5[%add3A_62, %dma_start3A_87] : memref<10240x128xf32, #tpu.memory_space<hbm>> -> memref<128x128xf32, #tpu.memory_space<hbm>>
        %dma_start3A_89 = arith.constant 0 : i32
        %dma_start3A_90 = tpu.memref_slice %arg5[%add3A_62, %dma_start3A_89] : memref<10240x128xf32, #tpu.memory_space<hbm>> -> memref<128x128xf32, #tpu.memory_space<hbm>>
        %dma_start3A_91 = arith.constant 0 : i32
        %dma_start3A_92 = arith.constant 0 : i32
        %dma_start3A_93 = tpu.memref_slice %arg7[%dma_start3A_91, %dma_start3A_92] : memref<128x128xf32, #tpu.memory_space<vmem>> -> memref<128x128xf32, #tpu.memory_space<vmem>>
        tpu.enqueue_dma source(%dma_start3A_93 : memref<128x128xf32, #tpu.memory_space<vmem>>) target(%dma_start3A_90 : memref<128x128xf32, #tpu.memory_space<hbm>>) target_semaphore(%run_scoped3A : memref<!tpu.dma_semaphore, #tpu.memory_space<semaphore_mem>>)
        %dma_wait3A = arith.constant 0 : i32
        %dma_wait3A_94 = arith.constant 0 : i32
        %dma_wait3A_95 = tpu.memref_slice %arg7[%dma_wait3A, %dma_wait3A_94] : memref<128x128xf32, #tpu.memory_space<vmem>> -> memref<128x128xf32, #tpu.memory_space<vmem>>
        %dma_wait3A_96 = arith.constant 0 : i32
        %dma_wait3A_97 = tpu.memref_slice %arg5[%add3A_62, %dma_wait3A_96] : memref<10240x128xf32, #tpu.memory_space<hbm>> -> memref<128x128xf32, #tpu.memory_space<hbm>>
        %dma_wait3A_98 = arith.constant 0 : i32
        %dma_wait3A_99 = tpu.memref_slice %arg5[%add3A_62, %dma_wait3A_98] : memref<10240x128xf32, #tpu.memory_space<hbm>> -> memref<128x128xf32, #tpu.memory_space<hbm>>
        %dma_wait3A_100 = arith.constant 0 : i32
        %dma_wait3A_101 = arith.constant 0 : i32
        %dma_wait3A_102 = tpu.memref_slice %arg7[%dma_wait3A_100, %dma_wait3A_101] : memref<128x128xf32, #tpu.memory_space<vmem>> -> memref<128x128xf32, #tpu.memory_space<vmem>>
        tpu.wait_dma2 semaphore(%run_scoped3A : memref<!tpu.dma_semaphore, #tpu.memory_space<semaphore_mem>>) src(%dma_wait3A_102 : memref<128x128xf32, #tpu.memory_space<vmem>>) dst(%dma_wait3A_99 : memref<128x128xf32, #tpu.memory_space<hbm>>)
        tpu.yield
      }) : () -> ()
    } else {
    }
    %add3A_73 = arith.constant 512 : i32
    %add3A_74 = arith.addi %mul3A_10, %add3A_73 : i32
    "tpu.region"() ({
      %run_scoped3A = tpu.sem_alloc : memref<!tpu.dma_semaphore, #tpu.memory_space<semaphore_mem>>
      %dma_start3A = arith.constant 0 : i32
      %dma_start3A_85 = arith.constant 0 : i32
      %dma_start3A_86 = tpu.memref_slice %arg7[%dma_start3A, %dma_start3A_85] : memref<128x128xf32, #tpu.memory_space<vmem>> -> memref<128x128xf32, #tpu.memory_space<vmem>>
      %dma_start3A_87 = arith.constant 0 : i32
      %dma_start3A_88 = tpu.memref_slice %arg9[%add3A_74, %dma_start3A_87] : memref<10240x128xf32, #tpu.memory_space<vmem_shared>> -> memref<128x128xf32, #tpu.memory_space<vmem_shared>>
      %dma_start3A_89 = arith.constant 0 : i32
      %dma_start3A_90 = arith.constant 0 : i32
      %dma_start3A_91 = tpu.memref_slice %arg7[%dma_start3A_89, %dma_start3A_90] : memref<128x128xf32, #tpu.memory_space<vmem>> -> memref<128x128xf32, #tpu.memory_space<vmem>>
      %dma_start3A_92 = arith.constant 0 : i32
      %dma_start3A_93 = tpu.memref_slice %arg9[%add3A_74, %dma_start3A_92] : memref<10240x128xf32, #tpu.memory_space<vmem_shared>> -> memref<128x128xf32, #tpu.memory_space<vmem_shared>>
      tpu.enqueue_dma source(%dma_start3A_93 : memref<128x128xf32, #tpu.memory_space<vmem_shared>>) target(%dma_start3A_91 : memref<128x128xf32, #tpu.memory_space<vmem>>) target_semaphore(%run_scoped3A : memref<!tpu.dma_semaphore, #tpu.memory_space<semaphore_mem>>)
      %dma_wait3A = arith.constant 0 : i32
      %dma_wait3A_94 = arith.constant 0 : i32
      %dma_wait3A_95 = tpu.memref_slice %arg7[%dma_wait3A, %dma_wait3A_94] : memref<128x128xf32, #tpu.memory_space<vmem>> -> memref<128x128xf32, #tpu.memory_space<vmem>>
      %dma_wait3A_96 = arith.constant 0 : i32
      %dma_wait3A_97 = tpu.memref_slice %arg9[%add3A_74, %dma_wait3A_96] : memref<10240x128xf32, #tpu.memory_space<vmem_shared>> -> memref<128x128xf32, #tpu.memory_space<vmem_shared>>
      %dma_wait3A_98 = arith.constant 0 : i32
      %dma_wait3A_99 = arith.constant 0 : i32
      %dma_wait3A_100 = tpu.memref_slice %arg7[%dma_wait3A_98, %dma_wait3A_99] : memref<128x128xf32, #tpu.memory_space<vmem>> -> memref<128x128xf32, #tpu.memory_space<vmem>>
      %dma_wait3A_101 = arith.constant 0 : i32
      %dma_wait3A_102 = tpu.memref_slice %arg9[%add3A_74, %dma_wait3A_101] : memref<10240x128xf32, #tpu.memory_space<vmem_shared>> -> memref<128x128xf32, #tpu.memory_space<vmem_shared>>
      tpu.wait_dma2 semaphore(%run_scoped3A : memref<!tpu.dma_semaphore, #tpu.memory_space<semaphore_mem>>) src(%dma_wait3A_102 : memref<128x128xf32, #tpu.memory_space<vmem_shared>>) dst(%dma_wait3A_100 : memref<128x128xf32, #tpu.memory_space<vmem>>)
      tpu.yield
    }) : () -> ()
    %eq3A_75 = arith.constant 0 : i32
    %eq3A_76 = arith.cmpi eq, %arg0, %eq3A_75 : i32
    %convert_element_type3A_77 = arith.extui %eq3A_76 : i1 to i32
    %cond3A_78 = arith.constant 0 : i32
    %cond3A_79 = arith.cmpi ne, %convert_element_type3A_77, %cond3A_78 : i32
    scf.if %cond3A_79 {
      "tpu.region"() ({
        %run_scoped3A = tpu.sem_alloc : memref<!tpu.dma_semaphore, #tpu.memory_space<semaphore_mem>>
        %dma_start3A = arith.constant 0 : i32
        %dma_start3A_85 = arith.constant 0 : i32
        %dma_start3A_86 = tpu.memref_slice %arg7[%dma_start3A, %dma_start3A_85] : memref<128x128xf32, #tpu.memory_space<vmem>> -> memref<128x128xf32, #tpu.memory_space<vmem>>
        %dma_start3A_87 = arith.constant 0 : i32
        %dma_start3A_88 = tpu.memref_slice %arg4[%add3A_74, %dma_start3A_87] : memref<10240x128xf32, #tpu.memory_space<hbm>> -> memref<128x128xf32, #tpu.memory_space<hbm>>
        %dma_start3A_89 = arith.constant 0 : i32
        %dma_start3A_90 = tpu.memref_slice %arg4[%add3A_74, %dma_start3A_89] : memref<10240x128xf32, #tpu.memory_space<hbm>> -> memref<128x128xf32, #tpu.memory_space<hbm>>
        %dma_start3A_91 = arith.constant 0 : i32
        %dma_start3A_92 = arith.constant 0 : i32
        %dma_start3A_93 = tpu.memref_slice %arg7[%dma_start3A_91, %dma_start3A_92] : memref<128x128xf32, #tpu.memory_space<vmem>> -> memref<128x128xf32, #tpu.memory_space<vmem>>
        tpu.enqueue_dma source(%dma_start3A_93 : memref<128x128xf32, #tpu.memory_space<vmem>>) target(%dma_start3A_90 : memref<128x128xf32, #tpu.memory_space<hbm>>) target_semaphore(%run_scoped3A : memref<!tpu.dma_semaphore, #tpu.memory_space<semaphore_mem>>)
        %dma_wait3A = arith.constant 0 : i32
        %dma_wait3A_94 = arith.constant 0 : i32
        %dma_wait3A_95 = tpu.memref_slice %arg7[%dma_wait3A, %dma_wait3A_94] : memref<128x128xf32, #tpu.memory_space<vmem>> -> memref<128x128xf32, #tpu.memory_space<vmem>>
        %dma_wait3A_96 = arith.constant 0 : i32
        %dma_wait3A_97 = tpu.memref_slice %arg4[%add3A_74, %dma_wait3A_96] : memref<10240x128xf32, #tpu.memory_space<hbm>> -> memref<128x128xf32, #tpu.memory_space<hbm>>
        %dma_wait3A_98 = arith.constant 0 : i32
        %dma_wait3A_99 = tpu.memref_slice %arg4[%add3A_74, %dma_wait3A_98] : memref<10240x128xf32, #tpu.memory_space<hbm>> -> memref<128x128xf32, #tpu.memory_space<hbm>>
        %dma_wait3A_100 = arith.constant 0 : i32
        %dma_wait3A_101 = arith.constant 0 : i32
        %dma_wait3A_102 = tpu.memref_slice %arg7[%dma_wait3A_100, %dma_wait3A_101] : memref<128x128xf32, #tpu.memory_space<vmem>> -> memref<128x128xf32, #tpu.memory_space<vmem>>
        tpu.wait_dma2 semaphore(%run_scoped3A : memref<!tpu.dma_semaphore, #tpu.memory_space<semaphore_mem>>) src(%dma_wait3A_102 : memref<128x128xf32, #tpu.memory_space<vmem>>) dst(%dma_wait3A_99 : memref<128x128xf32, #tpu.memory_space<hbm>>)
        tpu.yield
      }) : () -> ()
    } else {
    }
    %eq3A_80 = arith.constant 1 : i32
    %eq3A_81 = arith.cmpi eq, %arg0, %eq3A_80 : i32
    %convert_element_type3A_82 = arith.extui %eq3A_81 : i1 to i32
    %cond3A_83 = arith.constant 0 : i32
    %cond3A_84 = arith.cmpi ne, %convert_element_type3A_82, %cond3A_83 : i32
    scf.if %cond3A_84 {
      "tpu.region"() ({
        %run_scoped3A = tpu.sem_alloc : memref<!tpu.dma_semaphore, #tpu.memory_space<semaphore_mem>>
        %dma_start3A = arith.constant 0 : i32
        %dma_start3A_85 = arith.constant 0 : i32
        %dma_start3A_86 = tpu.memref_slice %arg7[%dma_start3A, %dma_start3A_85] : memref<128x128xf32, #tpu.memory_space<vmem>> -> memref<128x128xf32, #tpu.memory_space<vmem>>
        %dma_start3A_87 = arith.constant 0 : i32
        %dma_start3A_88 = tpu.memref_slice %arg5[%add3A_74, %dma_start3A_87] : memref<10240x128xf32, #tpu.memory_space<hbm>> -> memref<128x128xf32, #tpu.memory_space<hbm>>
        %dma_start3A_89 = arith.constant 0 : i32
        %dma_start3A_90 = tpu.memref_slice %arg5[%add3A_74, %dma_start3A_89] : memref<10240x128xf32, #tpu.memory_space<hbm>> -> memref<128x128xf32, #tpu.memory_space<hbm>>
        %dma_start3A_91 = arith.constant 0 : i32
        %dma_start3A_92 = arith.constant 0 : i32
        %dma_start3A_93 = tpu.memref_slice %arg7[%dma_start3A_91, %dma_start3A_92] : memref<128x128xf32, #tpu.memory_space<vmem>> -> memref<128x128xf32, #tpu.memory_space<vmem>>
        tpu.enqueue_dma source(%dma_start3A_93 : memref<128x128xf32, #tpu.memory_space<vmem>>) target(%dma_start3A_90 : memref<128x128xf32, #tpu.memory_space<hbm>>) target_semaphore(%run_scoped3A : memref<!tpu.dma_semaphore, #tpu.memory_space<semaphore_mem>>)
        %dma_wait3A = arith.constant 0 : i32
        %dma_wait3A_94 = arith.constant 0 : i32
        %dma_wait3A_95 = tpu.memref_slice %arg7[%dma_wait3A, %dma_wait3A_94] : memref<128x128xf32, #tpu.memory_space<vmem>> -> memref<128x128xf32, #tpu.memory_space<vmem>>
        %dma_wait3A_96 = arith.constant 0 : i32
        %dma_wait3A_97 = tpu.memref_slice %arg5[%add3A_74, %dma_wait3A_96] : memref<10240x128xf32, #tpu.memory_space<hbm>> -> memref<128x128xf32, #tpu.memory_space<hbm>>
        %dma_wait3A_98 = arith.constant 0 : i32
        %dma_wait3A_99 = tpu.memref_slice %arg5[%add3A_74, %dma_wait3A_98] : memref<10240x128xf32, #tpu.memory_space<hbm>> -> memref<128x128xf32, #tpu.memory_space<hbm>>
        %dma_wait3A_100 = arith.constant 0 : i32
        %dma_wait3A_101 = arith.constant 0 : i32
        %dma_wait3A_102 = tpu.memref_slice %arg7[%dma_wait3A_100, %dma_wait3A_101] : memref<128x128xf32, #tpu.memory_space<vmem>> -> memref<128x128xf32, #tpu.memory_space<vmem>>
        tpu.wait_dma2 semaphore(%run_scoped3A : memref<!tpu.dma_semaphore, #tpu.memory_space<semaphore_mem>>) src(%dma_wait3A_102 : memref<128x128xf32, #tpu.memory_space<vmem>>) dst(%dma_wait3A_99 : memref<128x128xf32, #tpu.memory_space<hbm>>)
        tpu.yield
      }) : () -> ()
    } else {
    }
    return
  }
}

#map = affine_map<(d0, d1) -> (0, 0, 0)>
#map1 = affine_map<(d0, d1) -> (0, 0)>
module attributes {stable_mosaic.version = 14 : i64} {
  func.func @counts_k(%arg0: i32, %arg1: i32, %arg2: memref<32x80x128xi32, #tpu.memory_space<hbm>>, %arg3: memref<10240x16xf32, #tpu.memory_space<hbm>>, %arg4: memref<10240x16xf32, #tpu.memory_space<hbm>>, %arg5: memref<80x128xi32, #tpu.memory_space<vmem>>, %arg6: memref<128x16xf32, #tpu.memory_space<vmem>>, %arg7: memref<128x16xf32, #tpu.memory_space<vmem>>, %arg8: memref<10240x16xf32, #tpu.memory_space<vmem_shared>>, %arg9: memref<!tpu.dma_semaphore, #tpu.memory_space<semaphore_mem>>) attributes {dimension_semantics = [#tpu.dimension_semantics<core_parallel>, #tpu.dimension_semantics<subcore_parallel>], iteration_bounds = array<i64: 2, 16>, scalar_prefetch = 0 : i64, scratch_operands = 5 : i64, tpu.core_type = #tpu.core_type<sc_vector_subcore>, window_params = [{transform_indices = #map}, {transform_indices = #map1}, {transform_indices = #map1}]} {
    %mul3A = arith.constant 2 : i32
    %mul3A_0 = arith.muli %arg1, %mul3A : i32
    %add3A = arith.addi %mul3A_0, %arg0 : i32
    "tpu.region"() ({
      %run_scoped3A = tpu.sem_alloc : memref<!tpu.dma_semaphore, #tpu.memory_space<semaphore_mem>>
      %dma_start3A = arith.constant 0 : i32
      %dma_start3A_85 = arith.constant 0 : i32
      %dma_start3A_86 = tpu.memref_slice %arg2[%add3A, %dma_start3A, %dma_start3A_85] : memref<32x80x128xi32, #tpu.memory_space<hbm>> -> memref<1x80x128xi32, #tpu.memory_space<hbm>>
      %dma_start3A_87 = tpu.memref_squeeze %dma_start3A_86 : memref<1x80x128xi32, #tpu.memory_space<hbm>> -> memref<80x128xi32, #tpu.memory_space<hbm>>
      %dma_start3A_88 = arith.constant 0 : i32
      %dma_start3A_89 = arith.constant 0 : i32
      %dma_start3A_90 = tpu.memref_slice %arg2[%add3A, %dma_start3A_88, %dma_start3A_89] : memref<32x80x128xi32, #tpu.memory_space<hbm>> -> memref<1x80x128xi32, #tpu.memory_space<hbm>>
      %dma_start3A_91 = tpu.memref_squeeze %dma_start3A_90 : memref<1x80x128xi32, #tpu.memory_space<hbm>> -> memref<80x128xi32, #tpu.memory_space<hbm>>
      tpu.enqueue_dma source(%dma_start3A_91 : memref<80x128xi32, #tpu.memory_space<hbm>>) target(%arg5 : memref<80x128xi32, #tpu.memory_space<vmem>>) target_semaphore(%run_scoped3A : memref<!tpu.dma_semaphore, #tpu.memory_space<semaphore_mem>>)
      %dma_wait3A = arith.constant 0 : i32
      %dma_wait3A_92 = arith.constant 0 : i32
      %dma_wait3A_93 = tpu.memref_slice %arg2[%add3A, %dma_wait3A, %dma_wait3A_92] : memref<32x80x128xi32, #tpu.memory_space<hbm>> -> memref<1x80x128xi32, #tpu.memory_space<hbm>>
      %dma_wait3A_94 = tpu.memref_squeeze %dma_wait3A_93 : memref<1x80x128xi32, #tpu.memory_space<hbm>> -> memref<80x128xi32, #tpu.memory_space<hbm>>
      %dma_wait3A_95 = arith.constant 0 : i32
      %dma_wait3A_96 = arith.constant 0 : i32
      %dma_wait3A_97 = tpu.memref_slice %arg2[%add3A, %dma_wait3A_95, %dma_wait3A_96] : memref<32x80x128xi32, #tpu.memory_space<hbm>> -> memref<1x80x128xi32, #tpu.memory_space<hbm>>
      %dma_wait3A_98 = tpu.memref_squeeze %dma_wait3A_97 : memref<1x80x128xi32, #tpu.memory_space<hbm>> -> memref<80x128xi32, #tpu.memory_space<hbm>>
      tpu.wait_dma2 semaphore(%run_scoped3A : memref<!tpu.dma_semaphore, #tpu.memory_space<semaphore_mem>>) src(%dma_wait3A_98 : memref<80x128xi32, #tpu.memory_space<hbm>>) dst(%arg5 : memref<80x128xi32, #tpu.memory_space<vmem>>)
      tpu.yield
    }) : () -> ()
    %broadcast_in_dim3A = arith.constant 0.000000e+00 : f32
    %broadcast_in_dim3A_1 = vector.broadcast %broadcast_in_dim3A : f32 to vector<16xf32>
    %broadcast_in_dim3A_2 = arith.constant 1.000000e+00 : f32
    %broadcast_in_dim3A_3 = vector.broadcast %broadcast_in_dim3A_2 : f32 to vector<16xf32>
    %scan3A = arith.constant 0 : i32
    %scan3A_4 = arith.constant 0 : i32
    %scan3A_5 = arith.constant 128 : i32
    %scan3A_6 = arith.addi %scan3A_4, %scan3A_5 : i32
    %scan3A_7 = arith.constant 1 : i32
    scf.for %scan3A_85 = %scan3A_4 to %scan3A_6 step %scan3A_7  : i32 {
      %swap3A = arith.index_cast %scan3A_85 : i32 to index
      %swap3A_86 = arith.constant 0 : index
      %swap3A_87 = tpu.vector_load %arg7[%swap3A, %swap3A_86] {strides = array<i32>} : memref<128x16xf32, #tpu.memory_space<vmem>>, vector<1x16xf32>,
      %swap3A_88 = vector.shape_cast %swap3A_87 : vector<1x16xf32> to vector<16xf32>
      %swap3A_89 = vector.shape_cast %broadcast_in_dim3A_1 : vector<16xf32> to vector<1x16xf32>
      tpu.vector_store %arg7[%swap3A, %swap3A_86], %swap3A_89 {strides = array<i32>} : memref<128x16xf32, #tpu.memory_space<vmem>>, vector<1x16xf32>,
      %swap3A_90 = arith.index_cast %scan3A_85 : i32 to index
      %swap3A_91 = arith.constant 0 : index
      %swap3A_92 = tpu.vector_load %arg6[%swap3A_90, %swap3A_91] {strides = array<i32>} : memref<128x16xf32, #tpu.memory_space<vmem>>, vector<1x16xf32>,
      %swap3A_93 = vector.shape_cast %swap3A_92 : vector<1x16xf32> to vector<16xf32>
      %swap3A_94 = vector.shape_cast %broadcast_in_dim3A_3 : vector<16xf32> to vector<1x16xf32>
      tpu.vector_store %arg6[%swap3A_90, %swap3A_91], %swap3A_94 {strides = array<i32>} : memref<128x16xf32, #tpu.memory_space<vmem>>, vector<1x16xf32>,
    }
    %scan3A_8 = arith.constant 128 : i32
    %mul3A_9 = arith.constant 640 : i32
    %mul3A_10 = arith.muli %arg1, %mul3A_9 : i32
    %add3A_11 = arith.constant 0 : i32
    %add3A_12 = arith.addi %mul3A_10, %add3A_11 : i32
    "tpu.region"() ({
      %run_scoped3A = tpu.sem_alloc : memref<!tpu.dma_semaphore, #tpu.memory_space<semaphore_mem>>
      %dma_start3A = arith.constant 0 : i32
      %dma_start3A_85 = arith.constant 0 : i32
      %dma_start3A_86 = tpu.memref_slice %arg7[%dma_start3A, %dma_start3A_85] : memref<128x16xf32, #tpu.memory_space<vmem>> -> memref<128x16xf32, #tpu.memory_space<vmem>>
      %dma_start3A_87 = arith.constant 0 : i32
      %dma_start3A_88 = tpu.memref_slice %arg8[%add3A_12, %dma_start3A_87] : memref<10240x16xf32, #tpu.memory_space<vmem_shared>> -> memref<128x16xf32, #tpu.memory_space<vmem_shared>>
      %dma_start3A_89 = arith.constant 0 : i32
      %dma_start3A_90 = tpu.memref_slice %arg8[%add3A_12, %dma_start3A_89] : memref<10240x16xf32, #tpu.memory_space<vmem_shared>> -> memref<128x16xf32, #tpu.memory_space<vmem_shared>>
      %dma_start3A_91 = arith.constant 0 : i32
      %dma_start3A_92 = arith.constant 0 : i32
      %dma_start3A_93 = tpu.memref_slice %arg7[%dma_start3A_91, %dma_start3A_92] : memref<128x16xf32, #tpu.memory_space<vmem>> -> memref<128x16xf32, #tpu.memory_space<vmem>>
      tpu.enqueue_dma source(%dma_start3A_93 : memref<128x16xf32, #tpu.memory_space<vmem>>) target(%dma_start3A_90 : memref<128x16xf32, #tpu.memory_space<vmem_shared>>) target_semaphore(%run_scoped3A : memref<!tpu.dma_semaphore, #tpu.memory_space<semaphore_mem>>)
      %dma_wait3A = arith.constant 0 : i32
      %dma_wait3A_94 = arith.constant 0 : i32
      %dma_wait3A_95 = tpu.memref_slice %arg7[%dma_wait3A, %dma_wait3A_94] : memref<128x16xf32, #tpu.memory_space<vmem>> -> memref<128x16xf32, #tpu.memory_space<vmem>>
      %dma_wait3A_96 = arith.constant 0 : i32
      %dma_wait3A_97 = tpu.memref_slice %arg8[%add3A_12, %dma_wait3A_96] : memref<10240x16xf32, #tpu.memory_space<vmem_shared>> -> memref<128x16xf32, #tpu.memory_space<vmem_shared>>
      %dma_wait3A_98 = arith.constant 0 : i32
      %dma_wait3A_99 = tpu.memref_slice %arg8[%add3A_12, %dma_wait3A_98] : memref<10240x16xf32, #tpu.memory_space<vmem_shared>> -> memref<128x16xf32, #tpu.memory_space<vmem_shared>>
      %dma_wait3A_100 = arith.constant 0 : i32
      %dma_wait3A_101 = arith.constant 0 : i32
      %dma_wait3A_102 = tpu.memref_slice %arg7[%dma_wait3A_100, %dma_wait3A_101] : memref<128x16xf32, #tpu.memory_space<vmem>> -> memref<128x16xf32, #tpu.memory_space<vmem>>
      tpu.wait_dma2 semaphore(%run_scoped3A : memref<!tpu.dma_semaphore, #tpu.memory_space<semaphore_mem>>) src(%dma_wait3A_102 : memref<128x16xf32, #tpu.memory_space<vmem>>) dst(%dma_wait3A_99 : memref<128x16xf32, #tpu.memory_space<vmem_shared>>)
      tpu.yield
    }) : () -> ()
    %add3A_13 = arith.constant 128 : i32
    %add3A_14 = arith.addi %mul3A_10, %add3A_13 : i32
    "tpu.region"() ({
      %run_scoped3A = tpu.sem_alloc : memref<!tpu.dma_semaphore, #tpu.memory_space<semaphore_mem>>
      %dma_start3A = arith.constant 0 : i32
      %dma_start3A_85 = arith.constant 0 : i32
      %dma_start3A_86 = tpu.memref_slice %arg7[%dma_start3A, %dma_start3A_85] : memref<128x16xf32, #tpu.memory_space<vmem>> -> memref<128x16xf32, #tpu.memory_space<vmem>>
      %dma_start3A_87 = arith.constant 0 : i32
      %dma_start3A_88 = tpu.memref_slice %arg8[%add3A_14, %dma_start3A_87] : memref<10240x16xf32, #tpu.memory_space<vmem_shared>> -> memref<128x16xf32, #tpu.memory_space<vmem_shared>>
      %dma_start3A_89 = arith.constant 0 : i32
      %dma_start3A_90 = tpu.memref_slice %arg8[%add3A_14, %dma_start3A_89] : memref<10240x16xf32, #tpu.memory_space<vmem_shared>> -> memref<128x16xf32, #tpu.memory_space<vmem_shared>>
      %dma_start3A_91 = arith.constant 0 : i32
      %dma_start3A_92 = arith.constant 0 : i32
      %dma_start3A_93 = tpu.memref_slice %arg7[%dma_start3A_91, %dma_start3A_92] : memref<128x16xf32, #tpu.memory_space<vmem>> -> memref<128x16xf32, #tpu.memory_space<vmem>>
      tpu.enqueue_dma source(%dma_start3A_93 : memref<128x16xf32, #tpu.memory_space<vmem>>) target(%dma_start3A_90 : memref<128x16xf32, #tpu.memory_space<vmem_shared>>) target_semaphore(%run_scoped3A : memref<!tpu.dma_semaphore, #tpu.memory_space<semaphore_mem>>)
      %dma_wait3A = arith.constant 0 : i32
      %dma_wait3A_94 = arith.constant 0 : i32
      %dma_wait3A_95 = tpu.memref_slice %arg7[%dma_wait3A, %dma_wait3A_94] : memref<128x16xf32, #tpu.memory_space<vmem>> -> memref<128x16xf32, #tpu.memory_space<vmem>>
      %dma_wait3A_96 = arith.constant 0 : i32
      %dma_wait3A_97 = tpu.memref_slice %arg8[%add3A_14, %dma_wait3A_96] : memref<10240x16xf32, #tpu.memory_space<vmem_shared>> -> memref<128x16xf32, #tpu.memory_space<vmem_shared>>
      %dma_wait3A_98 = arith.constant 0 : i32
      %dma_wait3A_99 = tpu.memref_slice %arg8[%add3A_14, %dma_wait3A_98] : memref<10240x16xf32, #tpu.memory_space<vmem_shared>> -> memref<128x16xf32, #tpu.memory_space<vmem_shared>>
      %dma_wait3A_100 = arith.constant 0 : i32
      %dma_wait3A_101 = arith.constant 0 : i32
      %dma_wait3A_102 = tpu.memref_slice %arg7[%dma_wait3A_100, %dma_wait3A_101] : memref<128x16xf32, #tpu.memory_space<vmem>> -> memref<128x16xf32, #tpu.memory_space<vmem>>
      tpu.wait_dma2 semaphore(%run_scoped3A : memref<!tpu.dma_semaphore, #tpu.memory_space<semaphore_mem>>) src(%dma_wait3A_102 : memref<128x16xf32, #tpu.memory_space<vmem>>) dst(%dma_wait3A_99 : memref<128x16xf32, #tpu.memory_space<vmem_shared>>)
      tpu.yield
    }) : () -> ()
    %add3A_15 = arith.constant 256 : i32
    %add3A_16 = arith.addi %mul3A_10, %add3A_15 : i32
    "tpu.region"() ({
      %run_scoped3A = tpu.sem_alloc : memref<!tpu.dma_semaphore, #tpu.memory_space<semaphore_mem>>
      %dma_start3A = arith.constant 0 : i32
      %dma_start3A_85 = arith.constant 0 : i32
      %dma_start3A_86 = tpu.memref_slice %arg7[%dma_start3A, %dma_start3A_85] : memref<128x16xf32, #tpu.memory_space<vmem>> -> memref<128x16xf32, #tpu.memory_space<vmem>>
      %dma_start3A_87 = arith.constant 0 : i32
      %dma_start3A_88 = tpu.memref_slice %arg8[%add3A_16, %dma_start3A_87] : memref<10240x16xf32, #tpu.memory_space<vmem_shared>> -> memref<128x16xf32, #tpu.memory_space<vmem_shared>>
      %dma_start3A_89 = arith.constant 0 : i32
      %dma_start3A_90 = tpu.memref_slice %arg8[%add3A_16, %dma_start3A_89] : memref<10240x16xf32, #tpu.memory_space<vmem_shared>> -> memref<128x16xf32, #tpu.memory_space<vmem_shared>>
      %dma_start3A_91 = arith.constant 0 : i32
      %dma_start3A_92 = arith.constant 0 : i32
      %dma_start3A_93 = tpu.memref_slice %arg7[%dma_start3A_91, %dma_start3A_92] : memref<128x16xf32, #tpu.memory_space<vmem>> -> memref<128x16xf32, #tpu.memory_space<vmem>>
      tpu.enqueue_dma source(%dma_start3A_93 : memref<128x16xf32, #tpu.memory_space<vmem>>) target(%dma_start3A_90 : memref<128x16xf32, #tpu.memory_space<vmem_shared>>) target_semaphore(%run_scoped3A : memref<!tpu.dma_semaphore, #tpu.memory_space<semaphore_mem>>)
      %dma_wait3A = arith.constant 0 : i32
      %dma_wait3A_94 = arith.constant 0 : i32
      %dma_wait3A_95 = tpu.memref_slice %arg7[%dma_wait3A, %dma_wait3A_94] : memref<128x16xf32, #tpu.memory_space<vmem>> -> memref<128x16xf32, #tpu.memory_space<vmem>>
      %dma_wait3A_96 = arith.constant 0 : i32
      %dma_wait3A_97 = tpu.memref_slice %arg8[%add3A_16, %dma_wait3A_96] : memref<10240x16xf32, #tpu.memory_space<vmem_shared>> -> memref<128x16xf32, #tpu.memory_space<vmem_shared>>
      %dma_wait3A_98 = arith.constant 0 : i32
      %dma_wait3A_99 = tpu.memref_slice %arg8[%add3A_16, %dma_wait3A_98] : memref<10240x16xf32, #tpu.memory_space<vmem_shared>> -> memref<128x16xf32, #tpu.memory_space<vmem_shared>>
      %dma_wait3A_100 = arith.constant 0 : i32
      %dma_wait3A_101 = arith.constant 0 : i32
      %dma_wait3A_102 = tpu.memref_slice %arg7[%dma_wait3A_100, %dma_wait3A_101] : memref<128x16xf32, #tpu.memory_space<vmem>> -> memref<128x16xf32, #tpu.memory_space<vmem>>
      tpu.wait_dma2 semaphore(%run_scoped3A : memref<!tpu.dma_semaphore, #tpu.memory_space<semaphore_mem>>) src(%dma_wait3A_102 : memref<128x16xf32, #tpu.memory_space<vmem>>) dst(%dma_wait3A_99 : memref<128x16xf32, #tpu.memory_space<vmem_shared>>)
      tpu.yield
    }) : () -> ()
    %add3A_17 = arith.constant 384 : i32
    %add3A_18 = arith.addi %mul3A_10, %add3A_17 : i32
    "tpu.region"() ({
      %run_scoped3A = tpu.sem_alloc : memref<!tpu.dma_semaphore, #tpu.memory_space<semaphore_mem>>
      %dma_start3A = arith.constant 0 : i32
      %dma_start3A_85 = arith.constant 0 : i32
      %dma_start3A_86 = tpu.memref_slice %arg7[%dma_start3A, %dma_start3A_85] : memref<128x16xf32, #tpu.memory_space<vmem>> -> memref<128x16xf32, #tpu.memory_space<vmem>>
      %dma_start3A_87 = arith.constant 0 : i32
      %dma_start3A_88 = tpu.memref_slice %arg8[%add3A_18, %dma_start3A_87] : memref<10240x16xf32, #tpu.memory_space<vmem_shared>> -> memref<128x16xf32, #tpu.memory_space<vmem_shared>>
      %dma_start3A_89 = arith.constant 0 : i32
      %dma_start3A_90 = tpu.memref_slice %arg8[%add3A_18, %dma_start3A_89] : memref<10240x16xf32, #tpu.memory_space<vmem_shared>> -> memref<128x16xf32, #tpu.memory_space<vmem_shared>>
      %dma_start3A_91 = arith.constant 0 : i32
      %dma_start3A_92 = arith.constant 0 : i32
      %dma_start3A_93 = tpu.memref_slice %arg7[%dma_start3A_91, %dma_start3A_92] : memref<128x16xf32, #tpu.memory_space<vmem>> -> memref<128x16xf32, #tpu.memory_space<vmem>>
      tpu.enqueue_dma source(%dma_start3A_93 : memref<128x16xf32, #tpu.memory_space<vmem>>) target(%dma_start3A_90 : memref<128x16xf32, #tpu.memory_space<vmem_shared>>) target_semaphore(%run_scoped3A : memref<!tpu.dma_semaphore, #tpu.memory_space<semaphore_mem>>)
      %dma_wait3A = arith.constant 0 : i32
      %dma_wait3A_94 = arith.constant 0 : i32
      %dma_wait3A_95 = tpu.memref_slice %arg7[%dma_wait3A, %dma_wait3A_94] : memref<128x16xf32, #tpu.memory_space<vmem>> -> memref<128x16xf32, #tpu.memory_space<vmem>>
      %dma_wait3A_96 = arith.constant 0 : i32
      %dma_wait3A_97 = tpu.memref_slice %arg8[%add3A_18, %dma_wait3A_96] : memref<10240x16xf32, #tpu.memory_space<vmem_shared>> -> memref<128x16xf32, #tpu.memory_space<vmem_shared>>
      %dma_wait3A_98 = arith.constant 0 : i32
      %dma_wait3A_99 = tpu.memref_slice %arg8[%add3A_18, %dma_wait3A_98] : memref<10240x16xf32, #tpu.memory_space<vmem_shared>> -> memref<128x16xf32, #tpu.memory_space<vmem_shared>>
      %dma_wait3A_100 = arith.constant 0 : i32
      %dma_wait3A_101 = arith.constant 0 : i32
      %dma_wait3A_102 = tpu.memref_slice %arg7[%dma_wait3A_100, %dma_wait3A_101] : memref<128x16xf32, #tpu.memory_space<vmem>> -> memref<128x16xf32, #tpu.memory_space<vmem>>
      tpu.wait_dma2 semaphore(%run_scoped3A : memref<!tpu.dma_semaphore, #tpu.memory_space<semaphore_mem>>) src(%dma_wait3A_102 : memref<128x16xf32, #tpu.memory_space<vmem>>) dst(%dma_wait3A_99 : memref<128x16xf32, #tpu.memory_space<vmem_shared>>)
      tpu.yield
    }) : () -> ()
    %add3A_19 = arith.constant 512 : i32
    %add3A_20 = arith.addi %mul3A_10, %add3A_19 : i32
    "tpu.region"() ({
      %run_scoped3A = tpu.sem_alloc : memref<!tpu.dma_semaphore, #tpu.memory_space<semaphore_mem>>
      %dma_start3A = arith.constant 0 : i32
      %dma_start3A_85 = arith.constant 0 : i32
      %dma_start3A_86 = tpu.memref_slice %arg7[%dma_start3A, %dma_start3A_85] : memref<128x16xf32, #tpu.memory_space<vmem>> -> memref<128x16xf32, #tpu.memory_space<vmem>>
      %dma_start3A_87 = arith.constant 0 : i32
      %dma_start3A_88 = tpu.memref_slice %arg8[%add3A_20, %dma_start3A_87] : memref<10240x16xf32, #tpu.memory_space<vmem_shared>> -> memref<128x16xf32, #tpu.memory_space<vmem_shared>>
      %dma_start3A_89 = arith.constant 0 : i32
      %dma_start3A_90 = tpu.memref_slice %arg8[%add3A_20, %dma_start3A_89] : memref<10240x16xf32, #tpu.memory_space<vmem_shared>> -> memref<128x16xf32, #tpu.memory_space<vmem_shared>>
      %dma_start3A_91 = arith.constant 0 : i32
      %dma_start3A_92 = arith.constant 0 : i32
      %dma_start3A_93 = tpu.memref_slice %arg7[%dma_start3A_91, %dma_start3A_92] : memref<128x16xf32, #tpu.memory_space<vmem>> -> memref<128x16xf32, #tpu.memory_space<vmem>>
      tpu.enqueue_dma source(%dma_start3A_93 : memref<128x16xf32, #tpu.memory_space<vmem>>) target(%dma_start3A_90 : memref<128x16xf32, #tpu.memory_space<vmem_shared>>) target_semaphore(%run_scoped3A : memref<!tpu.dma_semaphore, #tpu.memory_space<semaphore_mem>>)
      %dma_wait3A = arith.constant 0 : i32
      %dma_wait3A_94 = arith.constant 0 : i32
      %dma_wait3A_95 = tpu.memref_slice %arg7[%dma_wait3A, %dma_wait3A_94] : memref<128x16xf32, #tpu.memory_space<vmem>> -> memref<128x16xf32, #tpu.memory_space<vmem>>
      %dma_wait3A_96 = arith.constant 0 : i32
      %dma_wait3A_97 = tpu.memref_slice %arg8[%add3A_20, %dma_wait3A_96] : memref<10240x16xf32, #tpu.memory_space<vmem_shared>> -> memref<128x16xf32, #tpu.memory_space<vmem_shared>>
      %dma_wait3A_98 = arith.constant 0 : i32
      %dma_wait3A_99 = tpu.memref_slice %arg8[%add3A_20, %dma_wait3A_98] : memref<10240x16xf32, #tpu.memory_space<vmem_shared>> -> memref<128x16xf32, #tpu.memory_space<vmem_shared>>
      %dma_wait3A_100 = arith.constant 0 : i32
      %dma_wait3A_101 = arith.constant 0 : i32
      %dma_wait3A_102 = tpu.memref_slice %arg7[%dma_wait3A_100, %dma_wait3A_101] : memref<128x16xf32, #tpu.memory_space<vmem>> -> memref<128x16xf32, #tpu.memory_space<vmem>>
      tpu.wait_dma2 semaphore(%run_scoped3A : memref<!tpu.dma_semaphore, #tpu.memory_space<semaphore_mem>>) src(%dma_wait3A_102 : memref<128x16xf32, #tpu.memory_space<vmem>>) dst(%dma_wait3A_99 : memref<128x16xf32, #tpu.memory_space<vmem_shared>>)
      tpu.yield
    }) : () -> ()
    %barrier3A = arith.constant 0 : index
    tpu.barrier barrier_id(%barrier3A)
    %scan3A_21 = arith.constant 0 : i32
    %scan3A_22 = arith.constant 0 : i32
    %scan3A_23 = arith.constant 40 : i32
    %scan3A_24 = arith.addi %scan3A_22, %scan3A_23 : i32
    %scan3A_25 = arith.constant 1 : i32
    scf.for %scan3A_85 = %scan3A_22 to %scan3A_24 step %scan3A_25  : i32 {
      %mul3A_86 = arith.constant 2 : i32
      %mul3A_87 = arith.muli %mul3A_86, %scan3A_85 : i32
      %dma_start3A = arith.constant 0 : i32
      %dma_start3A_88 = tpu.memref_slice %arg5[%mul3A_87, %dma_start3A] : memref<80x128xi32, #tpu.memory_space<vmem>> -> memref<1x128xi32, #tpu.memory_space<vmem>>
      %dma_start3A_89 = tpu.memref_squeeze %dma_start3A_88 : memref<1x128xi32, #tpu.memory_space<vmem>> -> memref<128xi32, #tpu.memory_space<vmem>>
      %dma_start3A_90 = arith.constant 0 : i32
      %dma_start3A_91 = arith.constant 0 : i32
      %dma_start3A_92 = tpu.memref_slice %arg8[%dma_start3A_90, %dma_start3A_91] : memref<10240x16xf32, #tpu.memory_space<vmem_shared>> -> memref<10240x16xf32, #tpu.memory_space<vmem_shared>>
      tpu.enqueue_indirect_dma source(%arg6 : memref<128x16xf32, #tpu.memory_space<vmem>>) target(%dma_start3A_92 : memref<10240x16xf32, #tpu.memory_space<vmem_shared>>) offsets(%dma_start3A_89 : memref<128xi32, #tpu.memory_space<vmem>>) semaphore(%arg9 : memref<!tpu.dma_semaphore, #tpu.memory_space<semaphore_mem>>) {add = true}
      %mul3A_93 = arith.constant 2 : i32
      %mul3A_94 = arith.muli %mul3A_93, %scan3A_85 : i32
      %add3A_95 = arith.constant 1 : i32
      %add3A_96 = arith.addi %mul3A_94, %add3A_95 : i32
      %dma_start3A_97 = arith.constant 0 : i32
      %dma_start3A_98 = tpu.memref_slice %arg5[%add3A_96, %dma_start3A_97] : memref<80x128xi32, #tpu.memory_space<vmem>> -> memref<1x128xi32, #tpu.memory_space<vmem>>
      %dma_start3A_99 = tpu.memref_squeeze %dma_start3A_98 : memref<1x128xi32, #tpu.memory_space<vmem>> -> memref<128xi32, #tpu.memory_space<vmem>>
      %dma_start3A_100 = arith.constant 0 : i32
      %dma_start3A_101 = arith.constant 0 : i32
      %dma_start3A_102 = tpu.memref_slice %arg8[%dma_start3A_100, %dma_start3A_101] : memref<10240x16xf32, #tpu.memory_space<vmem_shared>> -> memref<10240x16xf32, #tpu.memory_space<vmem_shared>>
      tpu.enqueue_indirect_dma source(%arg6 : memref<128x16xf32, #tpu.memory_space<vmem>>) target(%dma_start3A_102 : memref<10240x16xf32, #tpu.memory_space<vmem_shared>>) offsets(%dma_start3A_99 : memref<128xi32, #tpu.memory_space<vmem>>) semaphore(%arg9 : memref<!tpu.dma_semaphore, #tpu.memory_space<semaphore_mem>>) {add = true}
      %dma_wait3A = arith.constant 0 : i32
      %dma_wait3A_103 = tpu.memref_slice %arg5[%mul3A_87, %dma_wait3A] : memref<80x128xi32, #tpu.memory_space<vmem>> -> memref<1x128xi32, #tpu.memory_space<vmem>>
      %dma_wait3A_104 = tpu.memref_squeeze %dma_wait3A_103 : memref<1x128xi32, #tpu.memory_space<vmem>> -> memref<128xi32, #tpu.memory_space<vmem>>
      %dma_wait3A_105 = arith.constant 0 : i32
      %dma_wait3A_106 = arith.constant 0 : i32
      %dma_wait3A_107 = tpu.memref_slice %arg8[%dma_wait3A_105, %dma_wait3A_106] : memref<10240x16xf32, #tpu.memory_space<vmem_shared>> -> memref<10240x16xf32, #tpu.memory_space<vmem_shared>>
      tpu.wait_indirect_dma semaphore(%arg9 : memref<!tpu.dma_semaphore, #tpu.memory_space<semaphore_mem>>) src(%arg6 : memref<128x16xf32, #tpu.memory_space<vmem>>) dst(%dma_wait3A_107 : memref<10240x16xf32, #tpu.memory_space<vmem_shared>>)
      %dma_wait3A_108 = arith.constant 0 : i32
      %dma_wait3A_109 = tpu.memref_slice %arg5[%add3A_96, %dma_wait3A_108] : memref<80x128xi32, #tpu.memory_space<vmem>> -> memref<1x128xi32, #tpu.memory_space<vmem>>
      %dma_wait3A_110 = tpu.memref_squeeze %dma_wait3A_109 : memref<1x128xi32, #tpu.memory_space<vmem>> -> memref<128xi32, #tpu.memory_space<vmem>>
      %dma_wait3A_111 = arith.constant 0 : i32
      %dma_wait3A_112 = arith.constant 0 : i32
      %dma_wait3A_113 = tpu.memref_slice %arg8[%dma_wait3A_111, %dma_wait3A_112] : memref<10240x16xf32, #tpu.memory_space<vmem_shared>> -> memref<10240x16xf32, #tpu.memory_space<vmem_shared>>
      tpu.wait_indirect_dma semaphore(%arg9 : memref<!tpu.dma_semaphore, #tpu.memory_space<semaphore_mem>>) src(%arg6 : memref<128x16xf32, #tpu.memory_space<vmem>>) dst(%dma_wait3A_113 : memref<10240x16xf32, #tpu.memory_space<vmem_shared>>)
    }
    %scan3A_26 = arith.constant 40 : i32
    %barrier3A_27 = arith.constant 0 : index
    tpu.barrier barrier_id(%barrier3A_27)
    %add3A_28 = arith.constant 0 : i32
    %add3A_29 = arith.addi %mul3A_10, %add3A_28 : i32
    "tpu.region"() ({
      %run_scoped3A = tpu.sem_alloc : memref<!tpu.dma_semaphore, #tpu.memory_space<semaphore_mem>>
      %dma_start3A = arith.constant 0 : i32
      %dma_start3A_85 = arith.constant 0 : i32
      %dma_start3A_86 = tpu.memref_slice %arg7[%dma_start3A, %dma_start3A_85] : memref<128x16xf32, #tpu.memory_space<vmem>> -> memref<128x16xf32, #tpu.memory_space<vmem>>
      %dma_start3A_87 = arith.constant 0 : i32
      %dma_start3A_88 = tpu.memref_slice %arg8[%add3A_29, %dma_start3A_87] : memref<10240x16xf32, #tpu.memory_space<vmem_shared>> -> memref<128x16xf32, #tpu.memory_space<vmem_shared>>
      %dma_start3A_89 = arith.constant 0 : i32
      %dma_start3A_90 = arith.constant 0 : i32
      %dma_start3A_91 = tpu.memref_slice %arg7[%dma_start3A_89, %dma_start3A_90] : memref<128x16xf32, #tpu.memory_space<vmem>> -> memref<128x16xf32, #tpu.memory_space<vmem>>
      %dma_start3A_92 = arith.constant 0 : i32
      %dma_start3A_93 = tpu.memref_slice %arg8[%add3A_29, %dma_start3A_92] : memref<10240x16xf32, #tpu.memory_space<vmem_shared>> -> memref<128x16xf32, #tpu.memory_space<vmem_shared>>
      tpu.enqueue_dma source(%dma_start3A_93 : memref<128x16xf32, #tpu.memory_space<vmem_shared>>) target(%dma_start3A_91 : memref<128x16xf32, #tpu.memory_space<vmem>>) target_semaphore(%run_scoped3A : memref<!tpu.dma_semaphore, #tpu.memory_space<semaphore_mem>>)
      %dma_wait3A = arith.constant 0 : i32
      %dma_wait3A_94 = arith.constant 0 : i32
      %dma_wait3A_95 = tpu.memref_slice %arg7[%dma_wait3A, %dma_wait3A_94] : memref<128x16xf32, #tpu.memory_space<vmem>> -> memref<128x16xf32, #tpu.memory_space<vmem>>
      %dma_wait3A_96 = arith.constant 0 : i32
      %dma_wait3A_97 = tpu.memref_slice %arg8[%add3A_29, %dma_wait3A_96] : memref<10240x16xf32, #tpu.memory_space<vmem_shared>> -> memref<128x16xf32, #tpu.memory_space<vmem_shared>>
      %dma_wait3A_98 = arith.constant 0 : i32
      %dma_wait3A_99 = arith.constant 0 : i32
      %dma_wait3A_100 = tpu.memref_slice %arg7[%dma_wait3A_98, %dma_wait3A_99] : memref<128x16xf32, #tpu.memory_space<vmem>> -> memref<128x16xf32, #tpu.memory_space<vmem>>
      %dma_wait3A_101 = arith.constant 0 : i32
      %dma_wait3A_102 = tpu.memref_slice %arg8[%add3A_29, %dma_wait3A_101] : memref<10240x16xf32, #tpu.memory_space<vmem_shared>> -> memref<128x16xf32, #tpu.memory_space<vmem_shared>>
      tpu.wait_dma2 semaphore(%run_scoped3A : memref<!tpu.dma_semaphore, #tpu.memory_space<semaphore_mem>>) src(%dma_wait3A_102 : memref<128x16xf32, #tpu.memory_space<vmem_shared>>) dst(%dma_wait3A_100 : memref<128x16xf32, #tpu.memory_space<vmem>>)
      tpu.yield
    }) : () -> ()
    %eq3A = arith.constant 0 : i32
    %eq3A_30 = arith.cmpi eq, %arg0, %eq3A : i32
    %convert_element_type3A = arith.extui %eq3A_30 : i1 to i32
    %cond3A = arith.constant 0 : i32
    %cond3A_31 = arith.cmpi ne, %convert_element_type3A, %cond3A : i32
    scf.if %cond3A_31 {
      "tpu.region"() ({
        %run_scoped3A = tpu.sem_alloc : memref<!tpu.dma_semaphore, #tpu.memory_space<semaphore_mem>>
        %dma_start3A = arith.constant 0 : i32
        %dma_start3A_85 = arith.constant 0 : i32
        %dma_start3A_86 = tpu.memref_slice %arg7[%dma_start3A, %dma_start3A_85] : memref<128x16xf32, #tpu.memory_space<vmem>> -> memref<128x16xf32, #tpu.memory_space<vmem>>
        %dma_start3A_87 = arith.constant 0 : i32
        %dma_start3A_88 = tpu.memref_slice %arg3[%add3A_29, %dma_start3A_87] : memref<10240x16xf32, #tpu.memory_space<hbm>> -> memref<128x16xf32, #tpu.memory_space<hbm>>
        %dma_start3A_89 = arith.constant 0 : i32
        %dma_start3A_90 = tpu.memref_slice %arg3[%add3A_29, %dma_start3A_89] : memref<10240x16xf32, #tpu.memory_space<hbm>> -> memref<128x16xf32, #tpu.memory_space<hbm>>
        %dma_start3A_91 = arith.constant 0 : i32
        %dma_start3A_92 = arith.constant 0 : i32
        %dma_start3A_93 = tpu.memref_slice %arg7[%dma_start3A_91, %dma_start3A_92] : memref<128x16xf32, #tpu.memory_space<vmem>> -> memref<128x16xf32, #tpu.memory_space<vmem>>
        tpu.enqueue_dma source(%dma_start3A_93 : memref<128x16xf32, #tpu.memory_space<vmem>>) target(%dma_start3A_90 : memref<128x16xf32, #tpu.memory_space<hbm>>) target_semaphore(%run_scoped3A : memref<!tpu.dma_semaphore, #tpu.memory_space<semaphore_mem>>)
        %dma_wait3A = arith.constant 0 : i32
        %dma_wait3A_94 = arith.constant 0 : i32
        %dma_wait3A_95 = tpu.memref_slice %arg7[%dma_wait3A, %dma_wait3A_94] : memref<128x16xf32, #tpu.memory_space<vmem>> -> memref<128x16xf32, #tpu.memory_space<vmem>>
        %dma_wait3A_96 = arith.constant 0 : i32
        %dma_wait3A_97 = tpu.memref_slice %arg3[%add3A_29, %dma_wait3A_96] : memref<10240x16xf32, #tpu.memory_space<hbm>> -> memref<128x16xf32, #tpu.memory_space<hbm>>
        %dma_wait3A_98 = arith.constant 0 : i32
        %dma_wait3A_99 = tpu.memref_slice %arg3[%add3A_29, %dma_wait3A_98] : memref<10240x16xf32, #tpu.memory_space<hbm>> -> memref<128x16xf32, #tpu.memory_space<hbm>>
        %dma_wait3A_100 = arith.constant 0 : i32
        %dma_wait3A_101 = arith.constant 0 : i32
        %dma_wait3A_102 = tpu.memref_slice %arg7[%dma_wait3A_100, %dma_wait3A_101] : memref<128x16xf32, #tpu.memory_space<vmem>> -> memref<128x16xf32, #tpu.memory_space<vmem>>
        tpu.wait_dma2 semaphore(%run_scoped3A : memref<!tpu.dma_semaphore, #tpu.memory_space<semaphore_mem>>) src(%dma_wait3A_102 : memref<128x16xf32, #tpu.memory_space<vmem>>) dst(%dma_wait3A_99 : memref<128x16xf32, #tpu.memory_space<hbm>>)
        tpu.yield
      }) : () -> ()
    } else {
    }
    %eq3A_32 = arith.constant 1 : i32
    %eq3A_33 = arith.cmpi eq, %arg0, %eq3A_32 : i32
    %convert_element_type3A_34 = arith.extui %eq3A_33 : i1 to i32
    %cond3A_35 = arith.constant 0 : i32
    %cond3A_36 = arith.cmpi ne, %convert_element_type3A_34, %cond3A_35 : i32
    scf.if %cond3A_36 {
      "tpu.region"() ({
        %run_scoped3A = tpu.sem_alloc : memref<!tpu.dma_semaphore, #tpu.memory_space<semaphore_mem>>
        %dma_start3A = arith.constant 0 : i32
        %dma_start3A_85 = arith.constant 0 : i32
        %dma_start3A_86 = tpu.memref_slice %arg7[%dma_start3A, %dma_start3A_85] : memref<128x16xf32, #tpu.memory_space<vmem>> -> memref<128x16xf32, #tpu.memory_space<vmem>>
        %dma_start3A_87 = arith.constant 0 : i32
        %dma_start3A_88 = tpu.memref_slice %arg4[%add3A_29, %dma_start3A_87] : memref<10240x16xf32, #tpu.memory_space<hbm>> -> memref<128x16xf32, #tpu.memory_space<hbm>>
        %dma_start3A_89 = arith.constant 0 : i32
        %dma_start3A_90 = tpu.memref_slice %arg4[%add3A_29, %dma_start3A_89] : memref<10240x16xf32, #tpu.memory_space<hbm>> -> memref<128x16xf32, #tpu.memory_space<hbm>>
        %dma_start3A_91 = arith.constant 0 : i32
        %dma_start3A_92 = arith.constant 0 : i32
        %dma_start3A_93 = tpu.memref_slice %arg7[%dma_start3A_91, %dma_start3A_92] : memref<128x16xf32, #tpu.memory_space<vmem>> -> memref<128x16xf32, #tpu.memory_space<vmem>>
        tpu.enqueue_dma source(%dma_start3A_93 : memref<128x16xf32, #tpu.memory_space<vmem>>) target(%dma_start3A_90 : memref<128x16xf32, #tpu.memory_space<hbm>>) target_semaphore(%run_scoped3A : memref<!tpu.dma_semaphore, #tpu.memory_space<semaphore_mem>>)
        %dma_wait3A = arith.constant 0 : i32
        %dma_wait3A_94 = arith.constant 0 : i32
        %dma_wait3A_95 = tpu.memref_slice %arg7[%dma_wait3A, %dma_wait3A_94] : memref<128x16xf32, #tpu.memory_space<vmem>> -> memref<128x16xf32, #tpu.memory_space<vmem>>
        %dma_wait3A_96 = arith.constant 0 : i32
        %dma_wait3A_97 = tpu.memref_slice %arg4[%add3A_29, %dma_wait3A_96] : memref<10240x16xf32, #tpu.memory_space<hbm>> -> memref<128x16xf32, #tpu.memory_space<hbm>>
        %dma_wait3A_98 = arith.constant 0 : i32
        %dma_wait3A_99 = tpu.memref_slice %arg4[%add3A_29, %dma_wait3A_98] : memref<10240x16xf32, #tpu.memory_space<hbm>> -> memref<128x16xf32, #tpu.memory_space<hbm>>
        %dma_wait3A_100 = arith.constant 0 : i32
        %dma_wait3A_101 = arith.constant 0 : i32
        %dma_wait3A_102 = tpu.memref_slice %arg7[%dma_wait3A_100, %dma_wait3A_101] : memref<128x16xf32, #tpu.memory_space<vmem>> -> memref<128x16xf32, #tpu.memory_space<vmem>>
        tpu.wait_dma2 semaphore(%run_scoped3A : memref<!tpu.dma_semaphore, #tpu.memory_space<semaphore_mem>>) src(%dma_wait3A_102 : memref<128x16xf32, #tpu.memory_space<vmem>>) dst(%dma_wait3A_99 : memref<128x16xf32, #tpu.memory_space<hbm>>)
        tpu.yield
      }) : () -> ()
    } else {
    }
    %add3A_37 = arith.constant 128 : i32
    %add3A_38 = arith.addi %mul3A_10, %add3A_37 : i32
    "tpu.region"() ({
      %run_scoped3A = tpu.sem_alloc : memref<!tpu.dma_semaphore, #tpu.memory_space<semaphore_mem>>
      %dma_start3A = arith.constant 0 : i32
      %dma_start3A_85 = arith.constant 0 : i32
      %dma_start3A_86 = tpu.memref_slice %arg7[%dma_start3A, %dma_start3A_85] : memref<128x16xf32, #tpu.memory_space<vmem>> -> memref<128x16xf32, #tpu.memory_space<vmem>>
      %dma_start3A_87 = arith.constant 0 : i32
      %dma_start3A_88 = tpu.memref_slice %arg8[%add3A_38, %dma_start3A_87] : memref<10240x16xf32, #tpu.memory_space<vmem_shared>> -> memref<128x16xf32, #tpu.memory_space<vmem_shared>>
      %dma_start3A_89 = arith.constant 0 : i32
      %dma_start3A_90 = arith.constant 0 : i32
      %dma_start3A_91 = tpu.memref_slice %arg7[%dma_start3A_89, %dma_start3A_90] : memref<128x16xf32, #tpu.memory_space<vmem>> -> memref<128x16xf32, #tpu.memory_space<vmem>>
      %dma_start3A_92 = arith.constant 0 : i32
      %dma_start3A_93 = tpu.memref_slice %arg8[%add3A_38, %dma_start3A_92] : memref<10240x16xf32, #tpu.memory_space<vmem_shared>> -> memref<128x16xf32, #tpu.memory_space<vmem_shared>>
      tpu.enqueue_dma source(%dma_start3A_93 : memref<128x16xf32, #tpu.memory_space<vmem_shared>>) target(%dma_start3A_91 : memref<128x16xf32, #tpu.memory_space<vmem>>) target_semaphore(%run_scoped3A : memref<!tpu.dma_semaphore, #tpu.memory_space<semaphore_mem>>)
      %dma_wait3A = arith.constant 0 : i32
      %dma_wait3A_94 = arith.constant 0 : i32
      %dma_wait3A_95 = tpu.memref_slice %arg7[%dma_wait3A, %dma_wait3A_94] : memref<128x16xf32, #tpu.memory_space<vmem>> -> memref<128x16xf32, #tpu.memory_space<vmem>>
      %dma_wait3A_96 = arith.constant 0 : i32
      %dma_wait3A_97 = tpu.memref_slice %arg8[%add3A_38, %dma_wait3A_96] : memref<10240x16xf32, #tpu.memory_space<vmem_shared>> -> memref<128x16xf32, #tpu.memory_space<vmem_shared>>
      %dma_wait3A_98 = arith.constant 0 : i32
      %dma_wait3A_99 = arith.constant 0 : i32
      %dma_wait3A_100 = tpu.memref_slice %arg7[%dma_wait3A_98, %dma_wait3A_99] : memref<128x16xf32, #tpu.memory_space<vmem>> -> memref<128x16xf32, #tpu.memory_space<vmem>>
      %dma_wait3A_101 = arith.constant 0 : i32
      %dma_wait3A_102 = tpu.memref_slice %arg8[%add3A_38, %dma_wait3A_101] : memref<10240x16xf32, #tpu.memory_space<vmem_shared>> -> memref<128x16xf32, #tpu.memory_space<vmem_shared>>
      tpu.wait_dma2 semaphore(%run_scoped3A : memref<!tpu.dma_semaphore, #tpu.memory_space<semaphore_mem>>) src(%dma_wait3A_102 : memref<128x16xf32, #tpu.memory_space<vmem_shared>>) dst(%dma_wait3A_100 : memref<128x16xf32, #tpu.memory_space<vmem>>)
      tpu.yield
    }) : () -> ()
    %eq3A_39 = arith.constant 0 : i32
    %eq3A_40 = arith.cmpi eq, %arg0, %eq3A_39 : i32
    %convert_element_type3A_41 = arith.extui %eq3A_40 : i1 to i32
    %cond3A_42 = arith.constant 0 : i32
    %cond3A_43 = arith.cmpi ne, %convert_element_type3A_41, %cond3A_42 : i32
    scf.if %cond3A_43 {
      "tpu.region"() ({
        %run_scoped3A = tpu.sem_alloc : memref<!tpu.dma_semaphore, #tpu.memory_space<semaphore_mem>>
        %dma_start3A = arith.constant 0 : i32
        %dma_start3A_85 = arith.constant 0 : i32
        %dma_start3A_86 = tpu.memref_slice %arg7[%dma_start3A, %dma_start3A_85] : memref<128x16xf32, #tpu.memory_space<vmem>> -> memref<128x16xf32, #tpu.memory_space<vmem>>
        %dma_start3A_87 = arith.constant 0 : i32
        %dma_start3A_88 = tpu.memref_slice %arg3[%add3A_38, %dma_start3A_87] : memref<10240x16xf32, #tpu.memory_space<hbm>> -> memref<128x16xf32, #tpu.memory_space<hbm>>
        %dma_start3A_89 = arith.constant 0 : i32
        %dma_start3A_90 = tpu.memref_slice %arg3[%add3A_38, %dma_start3A_89] : memref<10240x16xf32, #tpu.memory_space<hbm>> -> memref<128x16xf32, #tpu.memory_space<hbm>>
        %dma_start3A_91 = arith.constant 0 : i32
        %dma_start3A_92 = arith.constant 0 : i32
        %dma_start3A_93 = tpu.memref_slice %arg7[%dma_start3A_91, %dma_start3A_92] : memref<128x16xf32, #tpu.memory_space<vmem>> -> memref<128x16xf32, #tpu.memory_space<vmem>>
        tpu.enqueue_dma source(%dma_start3A_93 : memref<128x16xf32, #tpu.memory_space<vmem>>) target(%dma_start3A_90 : memref<128x16xf32, #tpu.memory_space<hbm>>) target_semaphore(%run_scoped3A : memref<!tpu.dma_semaphore, #tpu.memory_space<semaphore_mem>>)
        %dma_wait3A = arith.constant 0 : i32
        %dma_wait3A_94 = arith.constant 0 : i32
        %dma_wait3A_95 = tpu.memref_slice %arg7[%dma_wait3A, %dma_wait3A_94] : memref<128x16xf32, #tpu.memory_space<vmem>> -> memref<128x16xf32, #tpu.memory_space<vmem>>
        %dma_wait3A_96 = arith.constant 0 : i32
        %dma_wait3A_97 = tpu.memref_slice %arg3[%add3A_38, %dma_wait3A_96] : memref<10240x16xf32, #tpu.memory_space<hbm>> -> memref<128x16xf32, #tpu.memory_space<hbm>>
        %dma_wait3A_98 = arith.constant 0 : i32
        %dma_wait3A_99 = tpu.memref_slice %arg3[%add3A_38, %dma_wait3A_98] : memref<10240x16xf32, #tpu.memory_space<hbm>> -> memref<128x16xf32, #tpu.memory_space<hbm>>
        %dma_wait3A_100 = arith.constant 0 : i32
        %dma_wait3A_101 = arith.constant 0 : i32
        %dma_wait3A_102 = tpu.memref_slice %arg7[%dma_wait3A_100, %dma_wait3A_101] : memref<128x16xf32, #tpu.memory_space<vmem>> -> memref<128x16xf32, #tpu.memory_space<vmem>>
        tpu.wait_dma2 semaphore(%run_scoped3A : memref<!tpu.dma_semaphore, #tpu.memory_space<semaphore_mem>>) src(%dma_wait3A_102 : memref<128x16xf32, #tpu.memory_space<vmem>>) dst(%dma_wait3A_99 : memref<128x16xf32, #tpu.memory_space<hbm>>)
        tpu.yield
      }) : () -> ()
    } else {
    }
    %eq3A_44 = arith.constant 1 : i32
    %eq3A_45 = arith.cmpi eq, %arg0, %eq3A_44 : i32
    %convert_element_type3A_46 = arith.extui %eq3A_45 : i1 to i32
    %cond3A_47 = arith.constant 0 : i32
    %cond3A_48 = arith.cmpi ne, %convert_element_type3A_46, %cond3A_47 : i32
    scf.if %cond3A_48 {
      "tpu.region"() ({
        %run_scoped3A = tpu.sem_alloc : memref<!tpu.dma_semaphore, #tpu.memory_space<semaphore_mem>>
        %dma_start3A = arith.constant 0 : i32
        %dma_start3A_85 = arith.constant 0 : i32
        %dma_start3A_86 = tpu.memref_slice %arg7[%dma_start3A, %dma_start3A_85] : memref<128x16xf32, #tpu.memory_space<vmem>> -> memref<128x16xf32, #tpu.memory_space<vmem>>
        %dma_start3A_87 = arith.constant 0 : i32
        %dma_start3A_88 = tpu.memref_slice %arg4[%add3A_38, %dma_start3A_87] : memref<10240x16xf32, #tpu.memory_space<hbm>> -> memref<128x16xf32, #tpu.memory_space<hbm>>
        %dma_start3A_89 = arith.constant 0 : i32
        %dma_start3A_90 = tpu.memref_slice %arg4[%add3A_38, %dma_start3A_89] : memref<10240x16xf32, #tpu.memory_space<hbm>> -> memref<128x16xf32, #tpu.memory_space<hbm>>
        %dma_start3A_91 = arith.constant 0 : i32
        %dma_start3A_92 = arith.constant 0 : i32
        %dma_start3A_93 = tpu.memref_slice %arg7[%dma_start3A_91, %dma_start3A_92] : memref<128x16xf32, #tpu.memory_space<vmem>> -> memref<128x16xf32, #tpu.memory_space<vmem>>
        tpu.enqueue_dma source(%dma_start3A_93 : memref<128x16xf32, #tpu.memory_space<vmem>>) target(%dma_start3A_90 : memref<128x16xf32, #tpu.memory_space<hbm>>) target_semaphore(%run_scoped3A : memref<!tpu.dma_semaphore, #tpu.memory_space<semaphore_mem>>)
        %dma_wait3A = arith.constant 0 : i32
        %dma_wait3A_94 = arith.constant 0 : i32
        %dma_wait3A_95 = tpu.memref_slice %arg7[%dma_wait3A, %dma_wait3A_94] : memref<128x16xf32, #tpu.memory_space<vmem>> -> memref<128x16xf32, #tpu.memory_space<vmem>>
        %dma_wait3A_96 = arith.constant 0 : i32
        %dma_wait3A_97 = tpu.memref_slice %arg4[%add3A_38, %dma_wait3A_96] : memref<10240x16xf32, #tpu.memory_space<hbm>> -> memref<128x16xf32, #tpu.memory_space<hbm>>
        %dma_wait3A_98 = arith.constant 0 : i32
        %dma_wait3A_99 = tpu.memref_slice %arg4[%add3A_38, %dma_wait3A_98] : memref<10240x16xf32, #tpu.memory_space<hbm>> -> memref<128x16xf32, #tpu.memory_space<hbm>>
        %dma_wait3A_100 = arith.constant 0 : i32
        %dma_wait3A_101 = arith.constant 0 : i32
        %dma_wait3A_102 = tpu.memref_slice %arg7[%dma_wait3A_100, %dma_wait3A_101] : memref<128x16xf32, #tpu.memory_space<vmem>> -> memref<128x16xf32, #tpu.memory_space<vmem>>
        tpu.wait_dma2 semaphore(%run_scoped3A : memref<!tpu.dma_semaphore, #tpu.memory_space<semaphore_mem>>) src(%dma_wait3A_102 : memref<128x16xf32, #tpu.memory_space<vmem>>) dst(%dma_wait3A_99 : memref<128x16xf32, #tpu.memory_space<hbm>>)
        tpu.yield
      }) : () -> ()
    } else {
    }
    %add3A_49 = arith.constant 256 : i32
    %add3A_50 = arith.addi %mul3A_10, %add3A_49 : i32
    "tpu.region"() ({
      %run_scoped3A = tpu.sem_alloc : memref<!tpu.dma_semaphore, #tpu.memory_space<semaphore_mem>>
      %dma_start3A = arith.constant 0 : i32
      %dma_start3A_85 = arith.constant 0 : i32
      %dma_start3A_86 = tpu.memref_slice %arg7[%dma_start3A, %dma_start3A_85] : memref<128x16xf32, #tpu.memory_space<vmem>> -> memref<128x16xf32, #tpu.memory_space<vmem>>
      %dma_start3A_87 = arith.constant 0 : i32
      %dma_start3A_88 = tpu.memref_slice %arg8[%add3A_50, %dma_start3A_87] : memref<10240x16xf32, #tpu.memory_space<vmem_shared>> -> memref<128x16xf32, #tpu.memory_space<vmem_shared>>
      %dma_start3A_89 = arith.constant 0 : i32
      %dma_start3A_90 = arith.constant 0 : i32
      %dma_start3A_91 = tpu.memref_slice %arg7[%dma_start3A_89, %dma_start3A_90] : memref<128x16xf32, #tpu.memory_space<vmem>> -> memref<128x16xf32, #tpu.memory_space<vmem>>
      %dma_start3A_92 = arith.constant 0 : i32
      %dma_start3A_93 = tpu.memref_slice %arg8[%add3A_50, %dma_start3A_92] : memref<10240x16xf32, #tpu.memory_space<vmem_shared>> -> memref<128x16xf32, #tpu.memory_space<vmem_shared>>
      tpu.enqueue_dma source(%dma_start3A_93 : memref<128x16xf32, #tpu.memory_space<vmem_shared>>) target(%dma_start3A_91 : memref<128x16xf32, #tpu.memory_space<vmem>>) target_semaphore(%run_scoped3A : memref<!tpu.dma_semaphore, #tpu.memory_space<semaphore_mem>>)
      %dma_wait3A = arith.constant 0 : i32
      %dma_wait3A_94 = arith.constant 0 : i32
      %dma_wait3A_95 = tpu.memref_slice %arg7[%dma_wait3A, %dma_wait3A_94] : memref<128x16xf32, #tpu.memory_space<vmem>> -> memref<128x16xf32, #tpu.memory_space<vmem>>
      %dma_wait3A_96 = arith.constant 0 : i32
      %dma_wait3A_97 = tpu.memref_slice %arg8[%add3A_50, %dma_wait3A_96] : memref<10240x16xf32, #tpu.memory_space<vmem_shared>> -> memref<128x16xf32, #tpu.memory_space<vmem_shared>>
      %dma_wait3A_98 = arith.constant 0 : i32
      %dma_wait3A_99 = arith.constant 0 : i32
      %dma_wait3A_100 = tpu.memref_slice %arg7[%dma_wait3A_98, %dma_wait3A_99] : memref<128x16xf32, #tpu.memory_space<vmem>> -> memref<128x16xf32, #tpu.memory_space<vmem>>
      %dma_wait3A_101 = arith.constant 0 : i32
      %dma_wait3A_102 = tpu.memref_slice %arg8[%add3A_50, %dma_wait3A_101] : memref<10240x16xf32, #tpu.memory_space<vmem_shared>> -> memref<128x16xf32, #tpu.memory_space<vmem_shared>>
      tpu.wait_dma2 semaphore(%run_scoped3A : memref<!tpu.dma_semaphore, #tpu.memory_space<semaphore_mem>>) src(%dma_wait3A_102 : memref<128x16xf32, #tpu.memory_space<vmem_shared>>) dst(%dma_wait3A_100 : memref<128x16xf32, #tpu.memory_space<vmem>>)
      tpu.yield
    }) : () -> ()
    %eq3A_51 = arith.constant 0 : i32
    %eq3A_52 = arith.cmpi eq, %arg0, %eq3A_51 : i32
    %convert_element_type3A_53 = arith.extui %eq3A_52 : i1 to i32
    %cond3A_54 = arith.constant 0 : i32
    %cond3A_55 = arith.cmpi ne, %convert_element_type3A_53, %cond3A_54 : i32
    scf.if %cond3A_55 {
      "tpu.region"() ({
        %run_scoped3A = tpu.sem_alloc : memref<!tpu.dma_semaphore, #tpu.memory_space<semaphore_mem>>
        %dma_start3A = arith.constant 0 : i32
        %dma_start3A_85 = arith.constant 0 : i32
        %dma_start3A_86 = tpu.memref_slice %arg7[%dma_start3A, %dma_start3A_85] : memref<128x16xf32, #tpu.memory_space<vmem>> -> memref<128x16xf32, #tpu.memory_space<vmem>>
        %dma_start3A_87 = arith.constant 0 : i32
        %dma_start3A_88 = tpu.memref_slice %arg3[%add3A_50, %dma_start3A_87] : memref<10240x16xf32, #tpu.memory_space<hbm>> -> memref<128x16xf32, #tpu.memory_space<hbm>>
        %dma_start3A_89 = arith.constant 0 : i32
        %dma_start3A_90 = tpu.memref_slice %arg3[%add3A_50, %dma_start3A_89] : memref<10240x16xf32, #tpu.memory_space<hbm>> -> memref<128x16xf32, #tpu.memory_space<hbm>>
        %dma_start3A_91 = arith.constant 0 : i32
        %dma_start3A_92 = arith.constant 0 : i32
        %dma_start3A_93 = tpu.memref_slice %arg7[%dma_start3A_91, %dma_start3A_92] : memref<128x16xf32, #tpu.memory_space<vmem>> -> memref<128x16xf32, #tpu.memory_space<vmem>>
        tpu.enqueue_dma source(%dma_start3A_93 : memref<128x16xf32, #tpu.memory_space<vmem>>) target(%dma_start3A_90 : memref<128x16xf32, #tpu.memory_space<hbm>>) target_semaphore(%run_scoped3A : memref<!tpu.dma_semaphore, #tpu.memory_space<semaphore_mem>>)
        %dma_wait3A = arith.constant 0 : i32
        %dma_wait3A_94 = arith.constant 0 : i32
        %dma_wait3A_95 = tpu.memref_slice %arg7[%dma_wait3A, %dma_wait3A_94] : memref<128x16xf32, #tpu.memory_space<vmem>> -> memref<128x16xf32, #tpu.memory_space<vmem>>
        %dma_wait3A_96 = arith.constant 0 : i32
        %dma_wait3A_97 = tpu.memref_slice %arg3[%add3A_50, %dma_wait3A_96] : memref<10240x16xf32, #tpu.memory_space<hbm>> -> memref<128x16xf32, #tpu.memory_space<hbm>>
        %dma_wait3A_98 = arith.constant 0 : i32
        %dma_wait3A_99 = tpu.memref_slice %arg3[%add3A_50, %dma_wait3A_98] : memref<10240x16xf32, #tpu.memory_space<hbm>> -> memref<128x16xf32, #tpu.memory_space<hbm>>
        %dma_wait3A_100 = arith.constant 0 : i32
        %dma_wait3A_101 = arith.constant 0 : i32
        %dma_wait3A_102 = tpu.memref_slice %arg7[%dma_wait3A_100, %dma_wait3A_101] : memref<128x16xf32, #tpu.memory_space<vmem>> -> memref<128x16xf32, #tpu.memory_space<vmem>>
        tpu.wait_dma2 semaphore(%run_scoped3A : memref<!tpu.dma_semaphore, #tpu.memory_space<semaphore_mem>>) src(%dma_wait3A_102 : memref<128x16xf32, #tpu.memory_space<vmem>>) dst(%dma_wait3A_99 : memref<128x16xf32, #tpu.memory_space<hbm>>)
        tpu.yield
      }) : () -> ()
    } else {
    }
    %eq3A_56 = arith.constant 1 : i32
    %eq3A_57 = arith.cmpi eq, %arg0, %eq3A_56 : i32
    %convert_element_type3A_58 = arith.extui %eq3A_57 : i1 to i32
    %cond3A_59 = arith.constant 0 : i32
    %cond3A_60 = arith.cmpi ne, %convert_element_type3A_58, %cond3A_59 : i32
    scf.if %cond3A_60 {
      "tpu.region"() ({
        %run_scoped3A = tpu.sem_alloc : memref<!tpu.dma_semaphore, #tpu.memory_space<semaphore_mem>>
        %dma_start3A = arith.constant 0 : i32
        %dma_start3A_85 = arith.constant 0 : i32
        %dma_start3A_86 = tpu.memref_slice %arg7[%dma_start3A, %dma_start3A_85] : memref<128x16xf32, #tpu.memory_space<vmem>> -> memref<128x16xf32, #tpu.memory_space<vmem>>
        %dma_start3A_87 = arith.constant 0 : i32
        %dma_start3A_88 = tpu.memref_slice %arg4[%add3A_50, %dma_start3A_87] : memref<10240x16xf32, #tpu.memory_space<hbm>> -> memref<128x16xf32, #tpu.memory_space<hbm>>
        %dma_start3A_89 = arith.constant 0 : i32
        %dma_start3A_90 = tpu.memref_slice %arg4[%add3A_50, %dma_start3A_89] : memref<10240x16xf32, #tpu.memory_space<hbm>> -> memref<128x16xf32, #tpu.memory_space<hbm>>
        %dma_start3A_91 = arith.constant 0 : i32
        %dma_start3A_92 = arith.constant 0 : i32
        %dma_start3A_93 = tpu.memref_slice %arg7[%dma_start3A_91, %dma_start3A_92] : memref<128x16xf32, #tpu.memory_space<vmem>> -> memref<128x16xf32, #tpu.memory_space<vmem>>
        tpu.enqueue_dma source(%dma_start3A_93 : memref<128x16xf32, #tpu.memory_space<vmem>>) target(%dma_start3A_90 : memref<128x16xf32, #tpu.memory_space<hbm>>) target_semaphore(%run_scoped3A : memref<!tpu.dma_semaphore, #tpu.memory_space<semaphore_mem>>)
        %dma_wait3A = arith.constant 0 : i32
        %dma_wait3A_94 = arith.constant 0 : i32
        %dma_wait3A_95 = tpu.memref_slice %arg7[%dma_wait3A, %dma_wait3A_94] : memref<128x16xf32, #tpu.memory_space<vmem>> -> memref<128x16xf32, #tpu.memory_space<vmem>>
        %dma_wait3A_96 = arith.constant 0 : i32
        %dma_wait3A_97 = tpu.memref_slice %arg4[%add3A_50, %dma_wait3A_96] : memref<10240x16xf32, #tpu.memory_space<hbm>> -> memref<128x16xf32, #tpu.memory_space<hbm>>
        %dma_wait3A_98 = arith.constant 0 : i32
        %dma_wait3A_99 = tpu.memref_slice %arg4[%add3A_50, %dma_wait3A_98] : memref<10240x16xf32, #tpu.memory_space<hbm>> -> memref<128x16xf32, #tpu.memory_space<hbm>>
        %dma_wait3A_100 = arith.constant 0 : i32
        %dma_wait3A_101 = arith.constant 0 : i32
        %dma_wait3A_102 = tpu.memref_slice %arg7[%dma_wait3A_100, %dma_wait3A_101] : memref<128x16xf32, #tpu.memory_space<vmem>> -> memref<128x16xf32, #tpu.memory_space<vmem>>
        tpu.wait_dma2 semaphore(%run_scoped3A : memref<!tpu.dma_semaphore, #tpu.memory_space<semaphore_mem>>) src(%dma_wait3A_102 : memref<128x16xf32, #tpu.memory_space<vmem>>) dst(%dma_wait3A_99 : memref<128x16xf32, #tpu.memory_space<hbm>>)
        tpu.yield
      }) : () -> ()
    } else {
    }
    %add3A_61 = arith.constant 384 : i32
    %add3A_62 = arith.addi %mul3A_10, %add3A_61 : i32
    "tpu.region"() ({
      %run_scoped3A = tpu.sem_alloc : memref<!tpu.dma_semaphore, #tpu.memory_space<semaphore_mem>>
      %dma_start3A = arith.constant 0 : i32
      %dma_start3A_85 = arith.constant 0 : i32
      %dma_start3A_86 = tpu.memref_slice %arg7[%dma_start3A, %dma_start3A_85] : memref<128x16xf32, #tpu.memory_space<vmem>> -> memref<128x16xf32, #tpu.memory_space<vmem>>
      %dma_start3A_87 = arith.constant 0 : i32
      %dma_start3A_88 = tpu.memref_slice %arg8[%add3A_62, %dma_start3A_87] : memref<10240x16xf32, #tpu.memory_space<vmem_shared>> -> memref<128x16xf32, #tpu.memory_space<vmem_shared>>
      %dma_start3A_89 = arith.constant 0 : i32
      %dma_start3A_90 = arith.constant 0 : i32
      %dma_start3A_91 = tpu.memref_slice %arg7[%dma_start3A_89, %dma_start3A_90] : memref<128x16xf32, #tpu.memory_space<vmem>> -> memref<128x16xf32, #tpu.memory_space<vmem>>
      %dma_start3A_92 = arith.constant 0 : i32
      %dma_start3A_93 = tpu.memref_slice %arg8[%add3A_62, %dma_start3A_92] : memref<10240x16xf32, #tpu.memory_space<vmem_shared>> -> memref<128x16xf32, #tpu.memory_space<vmem_shared>>
      tpu.enqueue_dma source(%dma_start3A_93 : memref<128x16xf32, #tpu.memory_space<vmem_shared>>) target(%dma_start3A_91 : memref<128x16xf32, #tpu.memory_space<vmem>>) target_semaphore(%run_scoped3A : memref<!tpu.dma_semaphore, #tpu.memory_space<semaphore_mem>>)
      %dma_wait3A = arith.constant 0 : i32
      %dma_wait3A_94 = arith.constant 0 : i32
      %dma_wait3A_95 = tpu.memref_slice %arg7[%dma_wait3A, %dma_wait3A_94] : memref<128x16xf32, #tpu.memory_space<vmem>> -> memref<128x16xf32, #tpu.memory_space<vmem>>
      %dma_wait3A_96 = arith.constant 0 : i32
      %dma_wait3A_97 = tpu.memref_slice %arg8[%add3A_62, %dma_wait3A_96] : memref<10240x16xf32, #tpu.memory_space<vmem_shared>> -> memref<128x16xf32, #tpu.memory_space<vmem_shared>>
      %dma_wait3A_98 = arith.constant 0 : i32
      %dma_wait3A_99 = arith.constant 0 : i32
      %dma_wait3A_100 = tpu.memref_slice %arg7[%dma_wait3A_98, %dma_wait3A_99] : memref<128x16xf32, #tpu.memory_space<vmem>> -> memref<128x16xf32, #tpu.memory_space<vmem>>
      %dma_wait3A_101 = arith.constant 0 : i32
      %dma_wait3A_102 = tpu.memref_slice %arg8[%add3A_62, %dma_wait3A_101] : memref<10240x16xf32, #tpu.memory_space<vmem_shared>> -> memref<128x16xf32, #tpu.memory_space<vmem_shared>>
      tpu.wait_dma2 semaphore(%run_scoped3A : memref<!tpu.dma_semaphore, #tpu.memory_space<semaphore_mem>>) src(%dma_wait3A_102 : memref<128x16xf32, #tpu.memory_space<vmem_shared>>) dst(%dma_wait3A_100 : memref<128x16xf32, #tpu.memory_space<vmem>>)
      tpu.yield
    }) : () -> ()
    %eq3A_63 = arith.constant 0 : i32
    %eq3A_64 = arith.cmpi eq, %arg0, %eq3A_63 : i32
    %convert_element_type3A_65 = arith.extui %eq3A_64 : i1 to i32
    %cond3A_66 = arith.constant 0 : i32
    %cond3A_67 = arith.cmpi ne, %convert_element_type3A_65, %cond3A_66 : i32
    scf.if %cond3A_67 {
      "tpu.region"() ({
        %run_scoped3A = tpu.sem_alloc : memref<!tpu.dma_semaphore, #tpu.memory_space<semaphore_mem>>
        %dma_start3A = arith.constant 0 : i32
        %dma_start3A_85 = arith.constant 0 : i32
        %dma_start3A_86 = tpu.memref_slice %arg7[%dma_start3A, %dma_start3A_85] : memref<128x16xf32, #tpu.memory_space<vmem>> -> memref<128x16xf32, #tpu.memory_space<vmem>>
        %dma_start3A_87 = arith.constant 0 : i32
        %dma_start3A_88 = tpu.memref_slice %arg3[%add3A_62, %dma_start3A_87] : memref<10240x16xf32, #tpu.memory_space<hbm>> -> memref<128x16xf32, #tpu.memory_space<hbm>>
        %dma_start3A_89 = arith.constant 0 : i32
        %dma_start3A_90 = tpu.memref_slice %arg3[%add3A_62, %dma_start3A_89] : memref<10240x16xf32, #tpu.memory_space<hbm>> -> memref<128x16xf32, #tpu.memory_space<hbm>>
        %dma_start3A_91 = arith.constant 0 : i32
        %dma_start3A_92 = arith.constant 0 : i32
        %dma_start3A_93 = tpu.memref_slice %arg7[%dma_start3A_91, %dma_start3A_92] : memref<128x16xf32, #tpu.memory_space<vmem>> -> memref<128x16xf32, #tpu.memory_space<vmem>>
        tpu.enqueue_dma source(%dma_start3A_93 : memref<128x16xf32, #tpu.memory_space<vmem>>) target(%dma_start3A_90 : memref<128x16xf32, #tpu.memory_space<hbm>>) target_semaphore(%run_scoped3A : memref<!tpu.dma_semaphore, #tpu.memory_space<semaphore_mem>>)
        %dma_wait3A = arith.constant 0 : i32
        %dma_wait3A_94 = arith.constant 0 : i32
        %dma_wait3A_95 = tpu.memref_slice %arg7[%dma_wait3A, %dma_wait3A_94] : memref<128x16xf32, #tpu.memory_space<vmem>> -> memref<128x16xf32, #tpu.memory_space<vmem>>
        %dma_wait3A_96 = arith.constant 0 : i32
        %dma_wait3A_97 = tpu.memref_slice %arg3[%add3A_62, %dma_wait3A_96] : memref<10240x16xf32, #tpu.memory_space<hbm>> -> memref<128x16xf32, #tpu.memory_space<hbm>>
        %dma_wait3A_98 = arith.constant 0 : i32
        %dma_wait3A_99 = tpu.memref_slice %arg3[%add3A_62, %dma_wait3A_98] : memref<10240x16xf32, #tpu.memory_space<hbm>> -> memref<128x16xf32, #tpu.memory_space<hbm>>
        %dma_wait3A_100 = arith.constant 0 : i32
        %dma_wait3A_101 = arith.constant 0 : i32
        %dma_wait3A_102 = tpu.memref_slice %arg7[%dma_wait3A_100, %dma_wait3A_101] : memref<128x16xf32, #tpu.memory_space<vmem>> -> memref<128x16xf32, #tpu.memory_space<vmem>>
        tpu.wait_dma2 semaphore(%run_scoped3A : memref<!tpu.dma_semaphore, #tpu.memory_space<semaphore_mem>>) src(%dma_wait3A_102 : memref<128x16xf32, #tpu.memory_space<vmem>>) dst(%dma_wait3A_99 : memref<128x16xf32, #tpu.memory_space<hbm>>)
        tpu.yield
      }) : () -> ()
    } else {
    }
    %eq3A_68 = arith.constant 1 : i32
    %eq3A_69 = arith.cmpi eq, %arg0, %eq3A_68 : i32
    %convert_element_type3A_70 = arith.extui %eq3A_69 : i1 to i32
    %cond3A_71 = arith.constant 0 : i32
    %cond3A_72 = arith.cmpi ne, %convert_element_type3A_70, %cond3A_71 : i32
    scf.if %cond3A_72 {
      "tpu.region"() ({
        %run_scoped3A = tpu.sem_alloc : memref<!tpu.dma_semaphore, #tpu.memory_space<semaphore_mem>>
        %dma_start3A = arith.constant 0 : i32
        %dma_start3A_85 = arith.constant 0 : i32
        %dma_start3A_86 = tpu.memref_slice %arg7[%dma_start3A, %dma_start3A_85] : memref<128x16xf32, #tpu.memory_space<vmem>> -> memref<128x16xf32, #tpu.memory_space<vmem>>
        %dma_start3A_87 = arith.constant 0 : i32
        %dma_start3A_88 = tpu.memref_slice %arg4[%add3A_62, %dma_start3A_87] : memref<10240x16xf32, #tpu.memory_space<hbm>> -> memref<128x16xf32, #tpu.memory_space<hbm>>
        %dma_start3A_89 = arith.constant 0 : i32
        %dma_start3A_90 = tpu.memref_slice %arg4[%add3A_62, %dma_start3A_89] : memref<10240x16xf32, #tpu.memory_space<hbm>> -> memref<128x16xf32, #tpu.memory_space<hbm>>
        %dma_start3A_91 = arith.constant 0 : i32
        %dma_start3A_92 = arith.constant 0 : i32
        %dma_start3A_93 = tpu.memref_slice %arg7[%dma_start3A_91, %dma_start3A_92] : memref<128x16xf32, #tpu.memory_space<vmem>> -> memref<128x16xf32, #tpu.memory_space<vmem>>
        tpu.enqueue_dma source(%dma_start3A_93 : memref<128x16xf32, #tpu.memory_space<vmem>>) target(%dma_start3A_90 : memref<128x16xf32, #tpu.memory_space<hbm>>) target_semaphore(%run_scoped3A : memref<!tpu.dma_semaphore, #tpu.memory_space<semaphore_mem>>)
        %dma_wait3A = arith.constant 0 : i32
        %dma_wait3A_94 = arith.constant 0 : i32
        %dma_wait3A_95 = tpu.memref_slice %arg7[%dma_wait3A, %dma_wait3A_94] : memref<128x16xf32, #tpu.memory_space<vmem>> -> memref<128x16xf32, #tpu.memory_space<vmem>>
        %dma_wait3A_96 = arith.constant 0 : i32
        %dma_wait3A_97 = tpu.memref_slice %arg4[%add3A_62, %dma_wait3A_96] : memref<10240x16xf32, #tpu.memory_space<hbm>> -> memref<128x16xf32, #tpu.memory_space<hbm>>
        %dma_wait3A_98 = arith.constant 0 : i32
        %dma_wait3A_99 = tpu.memref_slice %arg4[%add3A_62, %dma_wait3A_98] : memref<10240x16xf32, #tpu.memory_space<hbm>> -> memref<128x16xf32, #tpu.memory_space<hbm>>
        %dma_wait3A_100 = arith.constant 0 : i32
        %dma_wait3A_101 = arith.constant 0 : i32
        %dma_wait3A_102 = tpu.memref_slice %arg7[%dma_wait3A_100, %dma_wait3A_101] : memref<128x16xf32, #tpu.memory_space<vmem>> -> memref<128x16xf32, #tpu.memory_space<vmem>>
        tpu.wait_dma2 semaphore(%run_scoped3A : memref<!tpu.dma_semaphore, #tpu.memory_space<semaphore_mem>>) src(%dma_wait3A_102 : memref<128x16xf32, #tpu.memory_space<vmem>>) dst(%dma_wait3A_99 : memref<128x16xf32, #tpu.memory_space<hbm>>)
        tpu.yield
      }) : () -> ()
    } else {
    }
    %add3A_73 = arith.constant 512 : i32
    %add3A_74 = arith.addi %mul3A_10, %add3A_73 : i32
    "tpu.region"() ({
      %run_scoped3A = tpu.sem_alloc : memref<!tpu.dma_semaphore, #tpu.memory_space<semaphore_mem>>
      %dma_start3A = arith.constant 0 : i32
      %dma_start3A_85 = arith.constant 0 : i32
      %dma_start3A_86 = tpu.memref_slice %arg7[%dma_start3A, %dma_start3A_85] : memref<128x16xf32, #tpu.memory_space<vmem>> -> memref<128x16xf32, #tpu.memory_space<vmem>>
      %dma_start3A_87 = arith.constant 0 : i32
      %dma_start3A_88 = tpu.memref_slice %arg8[%add3A_74, %dma_start3A_87] : memref<10240x16xf32, #tpu.memory_space<vmem_shared>> -> memref<128x16xf32, #tpu.memory_space<vmem_shared>>
      %dma_start3A_89 = arith.constant 0 : i32
      %dma_start3A_90 = arith.constant 0 : i32
      %dma_start3A_91 = tpu.memref_slice %arg7[%dma_start3A_89, %dma_start3A_90] : memref<128x16xf32, #tpu.memory_space<vmem>> -> memref<128x16xf32, #tpu.memory_space<vmem>>
      %dma_start3A_92 = arith.constant 0 : i32
      %dma_start3A_93 = tpu.memref_slice %arg8[%add3A_74, %dma_start3A_92] : memref<10240x16xf32, #tpu.memory_space<vmem_shared>> -> memref<128x16xf32, #tpu.memory_space<vmem_shared>>
      tpu.enqueue_dma source(%dma_start3A_93 : memref<128x16xf32, #tpu.memory_space<vmem_shared>>) target(%dma_start3A_91 : memref<128x16xf32, #tpu.memory_space<vmem>>) target_semaphore(%run_scoped3A : memref<!tpu.dma_semaphore, #tpu.memory_space<semaphore_mem>>)
      %dma_wait3A = arith.constant 0 : i32
      %dma_wait3A_94 = arith.constant 0 : i32
      %dma_wait3A_95 = tpu.memref_slice %arg7[%dma_wait3A, %dma_wait3A_94] : memref<128x16xf32, #tpu.memory_space<vmem>> -> memref<128x16xf32, #tpu.memory_space<vmem>>
      %dma_wait3A_96 = arith.constant 0 : i32
      %dma_wait3A_97 = tpu.memref_slice %arg8[%add3A_74, %dma_wait3A_96] : memref<10240x16xf32, #tpu.memory_space<vmem_shared>> -> memref<128x16xf32, #tpu.memory_space<vmem_shared>>
      %dma_wait3A_98 = arith.constant 0 : i32
      %dma_wait3A_99 = arith.constant 0 : i32
      %dma_wait3A_100 = tpu.memref_slice %arg7[%dma_wait3A_98, %dma_wait3A_99] : memref<128x16xf32, #tpu.memory_space<vmem>> -> memref<128x16xf32, #tpu.memory_space<vmem>>
      %dma_wait3A_101 = arith.constant 0 : i32
      %dma_wait3A_102 = tpu.memref_slice %arg8[%add3A_74, %dma_wait3A_101] : memref<10240x16xf32, #tpu.memory_space<vmem_shared>> -> memref<128x16xf32, #tpu.memory_space<vmem_shared>>
      tpu.wait_dma2 semaphore(%run_scoped3A : memref<!tpu.dma_semaphore, #tpu.memory_space<semaphore_mem>>) src(%dma_wait3A_102 : memref<128x16xf32, #tpu.memory_space<vmem_shared>>) dst(%dma_wait3A_100 : memref<128x16xf32, #tpu.memory_space<vmem>>)
      tpu.yield
    }) : () -> ()
    %eq3A_75 = arith.constant 0 : i32
    %eq3A_76 = arith.cmpi eq, %arg0, %eq3A_75 : i32
    %convert_element_type3A_77 = arith.extui %eq3A_76 : i1 to i32
    %cond3A_78 = arith.constant 0 : i32
    %cond3A_79 = arith.cmpi ne, %convert_element_type3A_77, %cond3A_78 : i32
    scf.if %cond3A_79 {
      "tpu.region"() ({
        %run_scoped3A = tpu.sem_alloc : memref<!tpu.dma_semaphore, #tpu.memory_space<semaphore_mem>>
        %dma_start3A = arith.constant 0 : i32
        %dma_start3A_85 = arith.constant 0 : i32
        %dma_start3A_86 = tpu.memref_slice %arg7[%dma_start3A, %dma_start3A_85] : memref<128x16xf32, #tpu.memory_space<vmem>> -> memref<128x16xf32, #tpu.memory_space<vmem>>
        %dma_start3A_87 = arith.constant 0 : i32
        %dma_start3A_88 = tpu.memref_slice %arg3[%add3A_74, %dma_start3A_87] : memref<10240x16xf32, #tpu.memory_space<hbm>> -> memref<128x16xf32, #tpu.memory_space<hbm>>
        %dma_start3A_89 = arith.constant 0 : i32
        %dma_start3A_90 = tpu.memref_slice %arg3[%add3A_74, %dma_start3A_89] : memref<10240x16xf32, #tpu.memory_space<hbm>> -> memref<128x16xf32, #tpu.memory_space<hbm>>
        %dma_start3A_91 = arith.constant 0 : i32
        %dma_start3A_92 = arith.constant 0 : i32
        %dma_start3A_93 = tpu.memref_slice %arg7[%dma_start3A_91, %dma_start3A_92] : memref<128x16xf32, #tpu.memory_space<vmem>> -> memref<128x16xf32, #tpu.memory_space<vmem>>
        tpu.enqueue_dma source(%dma_start3A_93 : memref<128x16xf32, #tpu.memory_space<vmem>>) target(%dma_start3A_90 : memref<128x16xf32, #tpu.memory_space<hbm>>) target_semaphore(%run_scoped3A : memref<!tpu.dma_semaphore, #tpu.memory_space<semaphore_mem>>)
        %dma_wait3A = arith.constant 0 : i32
        %dma_wait3A_94 = arith.constant 0 : i32
        %dma_wait3A_95 = tpu.memref_slice %arg7[%dma_wait3A, %dma_wait3A_94] : memref<128x16xf32, #tpu.memory_space<vmem>> -> memref<128x16xf32, #tpu.memory_space<vmem>>
        %dma_wait3A_96 = arith.constant 0 : i32
        %dma_wait3A_97 = tpu.memref_slice %arg3[%add3A_74, %dma_wait3A_96] : memref<10240x16xf32, #tpu.memory_space<hbm>> -> memref<128x16xf32, #tpu.memory_space<hbm>>
        %dma_wait3A_98 = arith.constant 0 : i32
        %dma_wait3A_99 = tpu.memref_slice %arg3[%add3A_74, %dma_wait3A_98] : memref<10240x16xf32, #tpu.memory_space<hbm>> -> memref<128x16xf32, #tpu.memory_space<hbm>>
        %dma_wait3A_100 = arith.constant 0 : i32
        %dma_wait3A_101 = arith.constant 0 : i32
        %dma_wait3A_102 = tpu.memref_slice %arg7[%dma_wait3A_100, %dma_wait3A_101] : memref<128x16xf32, #tpu.memory_space<vmem>> -> memref<128x16xf32, #tpu.memory_space<vmem>>
        tpu.wait_dma2 semaphore(%run_scoped3A : memref<!tpu.dma_semaphore, #tpu.memory_space<semaphore_mem>>) src(%dma_wait3A_102 : memref<128x16xf32, #tpu.memory_space<vmem>>) dst(%dma_wait3A_99 : memref<128x16xf32, #tpu.memory_space<hbm>>)
        tpu.yield
      }) : () -> ()
    } else {
    }
    %eq3A_80 = arith.constant 1 : i32
    %eq3A_81 = arith.cmpi eq, %arg0, %eq3A_80 : i32
    %convert_element_type3A_82 = arith.extui %eq3A_81 : i1 to i32
    %cond3A_83 = arith.constant 0 : i32
    %cond3A_84 = arith.cmpi ne, %convert_element_type3A_82, %cond3A_83 : i32
    scf.if %cond3A_84 {
      "tpu.region"() ({
        %run_scoped3A = tpu.sem_alloc : memref<!tpu.dma_semaphore, #tpu.memory_space<semaphore_mem>>
        %dma_start3A = arith.constant 0 : i32
        %dma_start3A_85 = arith.constant 0 : i32
        %dma_start3A_86 = tpu.memref_slice %arg7[%dma_start3A, %dma_start3A_85] : memref<128x16xf32, #tpu.memory_space<vmem>> -> memref<128x16xf32, #tpu.memory_space<vmem>>
        %dma_start3A_87 = arith.constant 0 : i32
        %dma_start3A_88 = tpu.memref_slice %arg4[%add3A_74, %dma_start3A_87] : memref<10240x16xf32, #tpu.memory_space<hbm>> -> memref<128x16xf32, #tpu.memory_space<hbm>>
        %dma_start3A_89 = arith.constant 0 : i32
        %dma_start3A_90 = tpu.memref_slice %arg4[%add3A_74, %dma_start3A_89] : memref<10240x16xf32, #tpu.memory_space<hbm>> -> memref<128x16xf32, #tpu.memory_space<hbm>>
        %dma_start3A_91 = arith.constant 0 : i32
        %dma_start3A_92 = arith.constant 0 : i32
        %dma_start3A_93 = tpu.memref_slice %arg7[%dma_start3A_91, %dma_start3A_92] : memref<128x16xf32, #tpu.memory_space<vmem>> -> memref<128x16xf32, #tpu.memory_space<vmem>>
        tpu.enqueue_dma source(%dma_start3A_93 : memref<128x16xf32, #tpu.memory_space<vmem>>) target(%dma_start3A_90 : memref<128x16xf32, #tpu.memory_space<hbm>>) target_semaphore(%run_scoped3A : memref<!tpu.dma_semaphore, #tpu.memory_space<semaphore_mem>>)
        %dma_wait3A = arith.constant 0 : i32
        %dma_wait3A_94 = arith.constant 0 : i32
        %dma_wait3A_95 = tpu.memref_slice %arg7[%dma_wait3A, %dma_wait3A_94] : memref<128x16xf32, #tpu.memory_space<vmem>> -> memref<128x16xf32, #tpu.memory_space<vmem>>
        %dma_wait3A_96 = arith.constant 0 : i32
        %dma_wait3A_97 = tpu.memref_slice %arg4[%add3A_74, %dma_wait3A_96] : memref<10240x16xf32, #tpu.memory_space<hbm>> -> memref<128x16xf32, #tpu.memory_space<hbm>>
        %dma_wait3A_98 = arith.constant 0 : i32
        %dma_wait3A_99 = tpu.memref_slice %arg4[%add3A_74, %dma_wait3A_98] : memref<10240x16xf32, #tpu.memory_space<hbm>> -> memref<128x16xf32, #tpu.memory_space<hbm>>
        %dma_wait3A_100 = arith.constant 0 : i32
        %dma_wait3A_101 = arith.constant 0 : i32
        %dma_wait3A_102 = tpu.memref_slice %arg7[%dma_wait3A_100, %dma_wait3A_101] : memref<128x16xf32, #tpu.memory_space<vmem>> -> memref<128x16xf32, #tpu.memory_space<vmem>>
        tpu.wait_dma2 semaphore(%run_scoped3A : memref<!tpu.dma_semaphore, #tpu.memory_space<semaphore_mem>>) src(%dma_wait3A_102 : memref<128x16xf32, #tpu.memory_space<vmem>>) dst(%dma_wait3A_99 : memref<128x16xf32, #tpu.memory_space<hbm>>)
        tpu.yield
      }) : () -> ()
    } else {
    }
    return
  }
}

#map = affine_map<(d0, d1) -> (0, 0)>
#map1 = affine_map<(d0, d1) -> (0, 0, 0)>
module attributes {stable_mosaic.version = 14 : i64} {
  func.func @gather_k(%arg0: i32, %arg1: i32, %arg2: memref<10240x128xbf16, #tpu.memory_space<hbm>>, %arg3: memref<32x80x128xi32, #tpu.memory_space<hbm>>, %arg4: memref<32x80x128xi32, #tpu.memory_space<hbm>>, %arg5: memref<327680x128xbf16, #tpu.memory_space<hbm>>, %arg6: memref<327680x128xbf16, #tpu.memory_space<hbm>>, %arg7: memref<80x128xi32, #tpu.memory_space<vmem>>, %arg8: memref<80x128xi32, #tpu.memory_space<vmem>>, %arg9: memref<128x128xbf16, #tpu.memory_space<vmem>>, %arg10: memref<128x128xbf16, #tpu.memory_space<vmem>>, %arg11: memref<128x128xbf16, #tpu.memory_space<vmem>>, %arg12: memref<128x128xbf16, #tpu.memory_space<vmem>>, %arg13: memref<10240x128xbf16, #tpu.memory_space<vmem_shared>>, %arg14: memref<!tpu.dma_semaphore, #tpu.memory_space<semaphore_mem>>, %arg15: memref<!tpu.dma_semaphore, #tpu.memory_space<semaphore_mem>>, %arg16: memref<!tpu.dma_semaphore, #tpu.memory_space<semaphore_mem>>, %arg17: memref<!tpu.dma_semaphore, #tpu.memory_space<semaphore_mem>>, %arg18: memref<!tpu.dma_semaphore, #tpu.memory_space<semaphore_mem>>) attributes {dimension_semantics = [#tpu.dimension_semantics<core_parallel>, #tpu.dimension_semantics<subcore_parallel>], iteration_bounds = array<i64: 2, 16>, scalar_prefetch = 0 : i64, scratch_operands = 12 : i64, tpu.core_type = #tpu.core_type<sc_vector_subcore>, window_params = [{transform_indices = #map}, {transform_indices = #map1}, {transform_indices = #map1}, {transform_indices = #map}, {transform_indices = #map}]} {
    %mul3A = arith.constant 2 : i32
    %mul3A_0 = arith.muli %arg1, %mul3A : i32
    %add3A = arith.addi %mul3A_0, %arg0 : i32
    %mul3A_1 = arith.constant 10240 : i32
    %mul3A_2 = arith.muli %add3A, %mul3A_1 : i32
    "tpu.region"() ({
      %run_scoped3A = tpu.sem_alloc : memref<!tpu.dma_semaphore, #tpu.memory_space<semaphore_mem>>
      %dma_start3A = arith.constant 0 : i32
      %dma_start3A_30 = arith.constant 0 : i32
      %dma_start3A_31 = tpu.memref_slice %arg3[%add3A, %dma_start3A, %dma_start3A_30] : memref<32x80x128xi32, #tpu.memory_space<hbm>> -> memref<1x80x128xi32, #tpu.memory_space<hbm>>
      %dma_start3A_32 = tpu.memref_squeeze %dma_start3A_31 : memref<1x80x128xi32, #tpu.memory_space<hbm>> -> memref<80x128xi32, #tpu.memory_space<hbm>>
      %dma_start3A_33 = arith.constant 0 : i32
      %dma_start3A_34 = arith.constant 0 : i32
      %dma_start3A_35 = tpu.memref_slice %arg3[%add3A, %dma_start3A_33, %dma_start3A_34] : memref<32x80x128xi32, #tpu.memory_space<hbm>> -> memref<1x80x128xi32, #tpu.memory_space<hbm>>
      %dma_start3A_36 = tpu.memref_squeeze %dma_start3A_35 : memref<1x80x128xi32, #tpu.memory_space<hbm>> -> memref<80x128xi32, #tpu.memory_space<hbm>>
      tpu.enqueue_dma source(%dma_start3A_36 : memref<80x128xi32, #tpu.memory_space<hbm>>) target(%arg7 : memref<80x128xi32, #tpu.memory_space<vmem>>) target_semaphore(%run_scoped3A : memref<!tpu.dma_semaphore, #tpu.memory_space<semaphore_mem>>)
      %dma_wait3A = arith.constant 0 : i32
      %dma_wait3A_37 = arith.constant 0 : i32
      %dma_wait3A_38 = tpu.memref_slice %arg3[%add3A, %dma_wait3A, %dma_wait3A_37] : memref<32x80x128xi32, #tpu.memory_space<hbm>> -> memref<1x80x128xi32, #tpu.memory_space<hbm>>
      %dma_wait3A_39 = tpu.memref_squeeze %dma_wait3A_38 : memref<1x80x128xi32, #tpu.memory_space<hbm>> -> memref<80x128xi32, #tpu.memory_space<hbm>>
      %dma_wait3A_40 = arith.constant 0 : i32
      %dma_wait3A_41 = arith.constant 0 : i32
      %dma_wait3A_42 = tpu.memref_slice %arg3[%add3A, %dma_wait3A_40, %dma_wait3A_41] : memref<32x80x128xi32, #tpu.memory_space<hbm>> -> memref<1x80x128xi32, #tpu.memory_space<hbm>>
      %dma_wait3A_43 = tpu.memref_squeeze %dma_wait3A_42 : memref<1x80x128xi32, #tpu.memory_space<hbm>> -> memref<80x128xi32, #tpu.memory_space<hbm>>
      tpu.wait_dma2 semaphore(%run_scoped3A : memref<!tpu.dma_semaphore, #tpu.memory_space<semaphore_mem>>) src(%dma_wait3A_43 : memref<80x128xi32, #tpu.memory_space<hbm>>) dst(%arg7 : memref<80x128xi32, #tpu.memory_space<vmem>>)
      tpu.yield
    }) : () -> ()
    "tpu.region"() ({
      %run_scoped3A = tpu.sem_alloc : memref<!tpu.dma_semaphore, #tpu.memory_space<semaphore_mem>>
      %dma_start3A = arith.constant 0 : i32
      %dma_start3A_30 = arith.constant 0 : i32
      %dma_start3A_31 = tpu.memref_slice %arg4[%add3A, %dma_start3A, %dma_start3A_30] : memref<32x80x128xi32, #tpu.memory_space<hbm>> -> memref<1x80x128xi32, #tpu.memory_space<hbm>>
      %dma_start3A_32 = tpu.memref_squeeze %dma_start3A_31 : memref<1x80x128xi32, #tpu.memory_space<hbm>> -> memref<80x128xi32, #tpu.memory_space<hbm>>
      %dma_start3A_33 = arith.constant 0 : i32
      %dma_start3A_34 = arith.constant 0 : i32
      %dma_start3A_35 = tpu.memref_slice %arg4[%add3A, %dma_start3A_33, %dma_start3A_34] : memref<32x80x128xi32, #tpu.memory_space<hbm>> -> memref<1x80x128xi32, #tpu.memory_space<hbm>>
      %dma_start3A_36 = tpu.memref_squeeze %dma_start3A_35 : memref<1x80x128xi32, #tpu.memory_space<hbm>> -> memref<80x128xi32, #tpu.memory_space<hbm>>
      tpu.enqueue_dma source(%dma_start3A_36 : memref<80x128xi32, #tpu.memory_space<hbm>>) target(%arg8 : memref<80x128xi32, #tpu.memory_space<vmem>>) target_semaphore(%run_scoped3A : memref<!tpu.dma_semaphore, #tpu.memory_space<semaphore_mem>>)
      %dma_wait3A = arith.constant 0 : i32
      %dma_wait3A_37 = arith.constant 0 : i32
      %dma_wait3A_38 = tpu.memref_slice %arg4[%add3A, %dma_wait3A, %dma_wait3A_37] : memref<32x80x128xi32, #tpu.memory_space<hbm>> -> memref<1x80x128xi32, #tpu.memory_space<hbm>>
      %dma_wait3A_39 = tpu.memref_squeeze %dma_wait3A_38 : memref<1x80x128xi32, #tpu.memory_space<hbm>> -> memref<80x128xi32, #tpu.memory_space<hbm>>
      %dma_wait3A_40 = arith.constant 0 : i32
      %dma_wait3A_41 = arith.constant 0 : i32
      %dma_wait3A_42 = tpu.memref_slice %arg4[%add3A, %dma_wait3A_40, %dma_wait3A_41] : memref<32x80x128xi32, #tpu.memory_space<hbm>> -> memref<1x80x128xi32, #tpu.memory_space<hbm>>
      %dma_wait3A_43 = tpu.memref_squeeze %dma_wait3A_42 : memref<1x80x128xi32, #tpu.memory_space<hbm>> -> memref<80x128xi32, #tpu.memory_space<hbm>>
      tpu.wait_dma2 semaphore(%run_scoped3A : memref<!tpu.dma_semaphore, #tpu.memory_space<semaphore_mem>>) src(%dma_wait3A_43 : memref<80x128xi32, #tpu.memory_space<hbm>>) dst(%arg8 : memref<80x128xi32, #tpu.memory_space<vmem>>)
      tpu.yield
    }) : () -> ()
    %mul3A_3 = arith.constant 640 : i32
    %mul3A_4 = arith.muli %arg1, %mul3A_3 : i32
    %add3A_5 = arith.constant 0 : i32
    %add3A_6 = arith.addi %mul3A_4, %add3A_5 : i32
    "tpu.region"() ({
      %run_scoped3A = tpu.sem_alloc : memref<!tpu.dma_semaphore, #tpu.memory_space<semaphore_mem>>
      %dma_start3A = arith.constant 0 : i32
      %dma_start3A_30 = arith.constant 0 : i32
      %dma_start3A_31 = tpu.memref_slice %arg9[%dma_start3A, %dma_start3A_30] : memref<128x128xbf16, #tpu.memory_space<vmem>> -> memref<128x128xbf16, #tpu.memory_space<vmem>>
      %dma_start3A_32 = arith.constant 0 : i32
      %dma_start3A_33 = tpu.memref_slice %arg2[%add3A_6, %dma_start3A_32] : memref<10240x128xbf16, #tpu.memory_space<hbm>> -> memref<128x128xbf16, #tpu.memory_space<hbm>>
      %dma_start3A_34 = arith.constant 0 : i32
      %dma_start3A_35 = arith.constant 0 : i32
      %dma_start3A_36 = tpu.memref_slice %arg9[%dma_start3A_34, %dma_start3A_35] : memref<128x128xbf16, #tpu.memory_space<vmem>> -> memref<128x128xbf16, #tpu.memory_space<vmem>>
      %dma_start3A_37 = arith.constant 0 : i32
      %dma_start3A_38 = tpu.memref_slice %arg2[%add3A_6, %dma_start3A_37] : memref<10240x128xbf16, #tpu.memory_space<hbm>> -> memref<128x128xbf16, #tpu.memory_space<hbm>>
      tpu.enqueue_dma source(%dma_start3A_38 : memref<128x128xbf16, #tpu.memory_space<hbm>>) target(%dma_start3A_36 : memref<128x128xbf16, #tpu.memory_space<vmem>>) target_semaphore(%run_scoped3A : memref<!tpu.dma_semaphore, #tpu.memory_space<semaphore_mem>>)
      %dma_wait3A = arith.constant 0 : i32
      %dma_wait3A_39 = arith.constant 0 : i32
      %dma_wait3A_40 = tpu.memref_slice %arg9[%dma_wait3A, %dma_wait3A_39] : memref<128x128xbf16, #tpu.memory_space<vmem>> -> memref<128x128xbf16, #tpu.memory_space<vmem>>
      %dma_wait3A_41 = arith.constant 0 : i32
      %dma_wait3A_42 = tpu.memref_slice %arg2[%add3A_6, %dma_wait3A_41] : memref<10240x128xbf16, #tpu.memory_space<hbm>> -> memref<128x128xbf16, #tpu.memory_space<hbm>>
      %dma_wait3A_43 = arith.constant 0 : i32
      %dma_wait3A_44 = arith.constant 0 : i32
      %dma_wait3A_45 = tpu.memref_slice %arg9[%dma_wait3A_43, %dma_wait3A_44] : memref<128x128xbf16, #tpu.memory_space<vmem>> -> memref<128x128xbf16, #tpu.memory_space<vmem>>
      %dma_wait3A_46 = arith.constant 0 : i32
      %dma_wait3A_47 = tpu.memref_slice %arg2[%add3A_6, %dma_wait3A_46] : memref<10240x128xbf16, #tpu.memory_space<hbm>> -> memref<128x128xbf16, #tpu.memory_space<hbm>>
      tpu.wait_dma2 semaphore(%run_scoped3A : memref<!tpu.dma_semaphore, #tpu.memory_space<semaphore_mem>>) src(%dma_wait3A_47 : memref<128x128xbf16, #tpu.memory_space<hbm>>) dst(%dma_wait3A_45 : memref<128x128xbf16, #tpu.memory_space<vmem>>)
      tpu.yield
    }) : () -> ()
    %add3A_7 = arith.constant 0 : i32
    %add3A_8 = arith.addi %mul3A_4, %add3A_7 : i32
    "tpu.region"() ({
      %run_scoped3A = tpu.sem_alloc : memref<!tpu.dma_semaphore, #tpu.memory_space<semaphore_mem>>
      %dma_start3A = arith.constant 0 : i32
      %dma_start3A_30 = arith.constant 0 : i32
      %dma_start3A_31 = tpu.memref_slice %arg9[%dma_start3A, %dma_start3A_30] : memref<128x128xbf16, #tpu.memory_space<vmem>> -> memref<128x128xbf16, #tpu.memory_space<vmem>>
      %dma_start3A_32 = arith.constant 0 : i32
      %dma_start3A_33 = tpu.memref_slice %arg13[%add3A_8, %dma_start3A_32] : memref<10240x128xbf16, #tpu.memory_space<vmem_shared>> -> memref<128x128xbf16, #tpu.memory_space<vmem_shared>>
      %dma_start3A_34 = arith.constant 0 : i32
      %dma_start3A_35 = tpu.memref_slice %arg13[%add3A_8, %dma_start3A_34] : memref<10240x128xbf16, #tpu.memory_space<vmem_shared>> -> memref<128x128xbf16, #tpu.memory_space<vmem_shared>>
      %dma_start3A_36 = arith.constant 0 : i32
      %dma_start3A_37 = arith.constant 0 : i32
      %dma_start3A_38 = tpu.memref_slice %arg9[%dma_start3A_36, %dma_start3A_37] : memref<128x128xbf16, #tpu.memory_space<vmem>> -> memref<128x128xbf16, #tpu.memory_space<vmem>>
      tpu.enqueue_dma source(%dma_start3A_38 : memref<128x128xbf16, #tpu.memory_space<vmem>>) target(%dma_start3A_35 : memref<128x128xbf16, #tpu.memory_space<vmem_shared>>) target_semaphore(%run_scoped3A : memref<!tpu.dma_semaphore, #tpu.memory_space<semaphore_mem>>)
      %dma_wait3A = arith.constant 0 : i32
      %dma_wait3A_39 = arith.constant 0 : i32
      %dma_wait3A_40 = tpu.memref_slice %arg9[%dma_wait3A, %dma_wait3A_39] : memref<128x128xbf16, #tpu.memory_space<vmem>> -> memref<128x128xbf16, #tpu.memory_space<vmem>>
      %dma_wait3A_41 = arith.constant 0 : i32
      %dma_wait3A_42 = tpu.memref_slice %arg13[%add3A_8, %dma_wait3A_41] : memref<10240x128xbf16, #tpu.memory_space<vmem_shared>> -> memref<128x128xbf16, #tpu.memory_space<vmem_shared>>
      %dma_wait3A_43 = arith.constant 0 : i32
      %dma_wait3A_44 = tpu.memref_slice %arg13[%add3A_8, %dma_wait3A_43] : memref<10240x128xbf16, #tpu.memory_space<vmem_shared>> -> memref<128x128xbf16, #tpu.memory_space<vmem_shared>>
      %dma_wait3A_45 = arith.constant 0 : i32
      %dma_wait3A_46 = arith.constant 0 : i32
      %dma_wait3A_47 = tpu.memref_slice %arg9[%dma_wait3A_45, %dma_wait3A_46] : memref<128x128xbf16, #tpu.memory_space<vmem>> -> memref<128x128xbf16, #tpu.memory_space<vmem>>
      tpu.wait_dma2 semaphore(%run_scoped3A : memref<!tpu.dma_semaphore, #tpu.memory_space<semaphore_mem>>) src(%dma_wait3A_47 : memref<128x128xbf16, #tpu.memory_space<vmem>>) dst(%dma_wait3A_44 : memref<128x128xbf16, #tpu.memory_space<vmem_shared>>)
      tpu.yield
    }) : () -> ()
    %add3A_9 = arith.constant 128 : i32
    %add3A_10 = arith.addi %mul3A_4, %add3A_9 : i32
    "tpu.region"() ({
      %run_scoped3A = tpu.sem_alloc : memref<!tpu.dma_semaphore, #tpu.memory_space<semaphore_mem>>
      %dma_start3A = arith.constant 0 : i32
      %dma_start3A_30 = arith.constant 0 : i32
      %dma_start3A_31 = tpu.memref_slice %arg9[%dma_start3A, %dma_start3A_30] : memref<128x128xbf16, #tpu.memory_space<vmem>> -> memref<128x128xbf16, #tpu.memory_space<vmem>>
      %dma_start3A_32 = arith.constant 0 : i32
      %dma_start3A_33 = tpu.memref_slice %arg2[%add3A_10, %dma_start3A_32] : memref<10240x128xbf16, #tpu.memory_space<hbm>> -> memref<128x128xbf16, #tpu.memory_space<hbm>>
      %dma_start3A_34 = arith.constant 0 : i32
      %dma_start3A_35 = arith.constant 0 : i32
      %dma_start3A_36 = tpu.memref_slice %arg9[%dma_start3A_34, %dma_start3A_35] : memref<128x128xbf16, #tpu.memory_space<vmem>> -> memref<128x128xbf16, #tpu.memory_space<vmem>>
      %dma_start3A_37 = arith.constant 0 : i32
      %dma_start3A_38 = tpu.memref_slice %arg2[%add3A_10, %dma_start3A_37] : memref<10240x128xbf16, #tpu.memory_space<hbm>> -> memref<128x128xbf16, #tpu.memory_space<hbm>>
      tpu.enqueue_dma source(%dma_start3A_38 : memref<128x128xbf16, #tpu.memory_space<hbm>>) target(%dma_start3A_36 : memref<128x128xbf16, #tpu.memory_space<vmem>>) target_semaphore(%run_scoped3A : memref<!tpu.dma_semaphore, #tpu.memory_space<semaphore_mem>>)
      %dma_wait3A = arith.constant 0 : i32
      %dma_wait3A_39 = arith.constant 0 : i32
      %dma_wait3A_40 = tpu.memref_slice %arg9[%dma_wait3A, %dma_wait3A_39] : memref<128x128xbf16, #tpu.memory_space<vmem>> -> memref<128x128xbf16, #tpu.memory_space<vmem>>
      %dma_wait3A_41 = arith.constant 0 : i32
      %dma_wait3A_42 = tpu.memref_slice %arg2[%add3A_10, %dma_wait3A_41] : memref<10240x128xbf16, #tpu.memory_space<hbm>> -> memref<128x128xbf16, #tpu.memory_space<hbm>>
      %dma_wait3A_43 = arith.constant 0 : i32
      %dma_wait3A_44 = arith.constant 0 : i32
      %dma_wait3A_45 = tpu.memref_slice %arg9[%dma_wait3A_43, %dma_wait3A_44] : memref<128x128xbf16, #tpu.memory_space<vmem>> -> memref<128x128xbf16, #tpu.memory_space<vmem>>
      %dma_wait3A_46 = arith.constant 0 : i32
      %dma_wait3A_47 = tpu.memref_slice %arg2[%add3A_10, %dma_wait3A_46] : memref<10240x128xbf16, #tpu.memory_space<hbm>> -> memref<128x128xbf16, #tpu.memory_space<hbm>>
      tpu.wait_dma2 semaphore(%run_scoped3A : memref<!tpu.dma_semaphore, #tpu.memory_space<semaphore_mem>>) src(%dma_wait3A_47 : memref<128x128xbf16, #tpu.memory_space<hbm>>) dst(%dma_wait3A_45 : memref<128x128xbf16, #tpu.memory_space<vmem>>)
      tpu.yield
    }) : () -> ()
    %add3A_11 = arith.constant 128 : i32
    %add3A_12 = arith.addi %mul3A_4, %add3A_11 : i32
    "tpu.region"() ({
      %run_scoped3A = tpu.sem_alloc : memref<!tpu.dma_semaphore, #tpu.memory_space<semaphore_mem>>
      %dma_start3A = arith.constant 0 : i32
      %dma_start3A_30 = arith.constant 0 : i32
      %dma_start3A_31 = tpu.memref_slice %arg9[%dma_start3A, %dma_start3A_30] : memref<128x128xbf16, #tpu.memory_space<vmem>> -> memref<128x128xbf16, #tpu.memory_space<vmem>>
      %dma_start3A_32 = arith.constant 0 : i32
      %dma_start3A_33 = tpu.memref_slice %arg13[%add3A_12, %dma_start3A_32] : memref<10240x128xbf16, #tpu.memory_space<vmem_shared>> -> memref<128x128xbf16, #tpu.memory_space<vmem_shared>>
      %dma_start3A_34 = arith.constant 0 : i32
      %dma_start3A_35 = tpu.memref_slice %arg13[%add3A_12, %dma_start3A_34] : memref<10240x128xbf16, #tpu.memory_space<vmem_shared>> -> memref<128x128xbf16, #tpu.memory_space<vmem_shared>>
      %dma_start3A_36 = arith.constant 0 : i32
      %dma_start3A_37 = arith.constant 0 : i32
      %dma_start3A_38 = tpu.memref_slice %arg9[%dma_start3A_36, %dma_start3A_37] : memref<128x128xbf16, #tpu.memory_space<vmem>> -> memref<128x128xbf16, #tpu.memory_space<vmem>>
      tpu.enqueue_dma source(%dma_start3A_38 : memref<128x128xbf16, #tpu.memory_space<vmem>>) target(%dma_start3A_35 : memref<128x128xbf16, #tpu.memory_space<vmem_shared>>) target_semaphore(%run_scoped3A : memref<!tpu.dma_semaphore, #tpu.memory_space<semaphore_mem>>)
      %dma_wait3A = arith.constant 0 : i32
      %dma_wait3A_39 = arith.constant 0 : i32
      %dma_wait3A_40 = tpu.memref_slice %arg9[%dma_wait3A, %dma_wait3A_39] : memref<128x128xbf16, #tpu.memory_space<vmem>> -> memref<128x128xbf16, #tpu.memory_space<vmem>>
      %dma_wait3A_41 = arith.constant 0 : i32
      %dma_wait3A_42 = tpu.memref_slice %arg13[%add3A_12, %dma_wait3A_41] : memref<10240x128xbf16, #tpu.memory_space<vmem_shared>> -> memref<128x128xbf16, #tpu.memory_space<vmem_shared>>
      %dma_wait3A_43 = arith.constant 0 : i32
      %dma_wait3A_44 = tpu.memref_slice %arg13[%add3A_12, %dma_wait3A_43] : memref<10240x128xbf16, #tpu.memory_space<vmem_shared>> -> memref<128x128xbf16, #tpu.memory_space<vmem_shared>>
      %dma_wait3A_45 = arith.constant 0 : i32
      %dma_wait3A_46 = arith.constant 0 : i32
      %dma_wait3A_47 = tpu.memref_slice %arg9[%dma_wait3A_45, %dma_wait3A_46] : memref<128x128xbf16, #tpu.memory_space<vmem>> -> memref<128x128xbf16, #tpu.memory_space<vmem>>
      tpu.wait_dma2 semaphore(%run_scoped3A : memref<!tpu.dma_semaphore, #tpu.memory_space<semaphore_mem>>) src(%dma_wait3A_47 : memref<128x128xbf16, #tpu.memory_space<vmem>>) dst(%dma_wait3A_44 : memref<128x128xbf16, #tpu.memory_space<vmem_shared>>)
      tpu.yield
    }) : () -> ()
    %add3A_13 = arith.constant 256 : i32
    %add3A_14 = arith.addi %mul3A_4, %add3A_13 : i32
    "tpu.region"() ({
      %run_scoped3A = tpu.sem_alloc : memref<!tpu.dma_semaphore, #tpu.memory_space<semaphore_mem>>
      %dma_start3A = arith.constant 0 : i32
      %dma_start3A_30 = arith.constant 0 : i32
      %dma_start3A_31 = tpu.memref_slice %arg9[%dma_start3A, %dma_start3A_30] : memref<128x128xbf16, #tpu.memory_space<vmem>> -> memref<128x128xbf16, #tpu.memory_space<vmem>>
      %dma_start3A_32 = arith.constant 0 : i32
      %dma_start3A_33 = tpu.memref_slice %arg2[%add3A_14, %dma_start3A_32] : memref<10240x128xbf16, #tpu.memory_space<hbm>> -> memref<128x128xbf16, #tpu.memory_space<hbm>>
      %dma_start3A_34 = arith.constant 0 : i32
      %dma_start3A_35 = arith.constant 0 : i32
      %dma_start3A_36 = tpu.memref_slice %arg9[%dma_start3A_34, %dma_start3A_35] : memref<128x128xbf16, #tpu.memory_space<vmem>> -> memref<128x128xbf16, #tpu.memory_space<vmem>>
      %dma_start3A_37 = arith.constant 0 : i32
      %dma_start3A_38 = tpu.memref_slice %arg2[%add3A_14, %dma_start3A_37] : memref<10240x128xbf16, #tpu.memory_space<hbm>> -> memref<128x128xbf16, #tpu.memory_space<hbm>>
      tpu.enqueue_dma source(%dma_start3A_38 : memref<128x128xbf16, #tpu.memory_space<hbm>>) target(%dma_start3A_36 : memref<128x128xbf16, #tpu.memory_space<vmem>>) target_semaphore(%run_scoped3A : memref<!tpu.dma_semaphore, #tpu.memory_space<semaphore_mem>>)
      %dma_wait3A = arith.constant 0 : i32
      %dma_wait3A_39 = arith.constant 0 : i32
      %dma_wait3A_40 = tpu.memref_slice %arg9[%dma_wait3A, %dma_wait3A_39] : memref<128x128xbf16, #tpu.memory_space<vmem>> -> memref<128x128xbf16, #tpu.memory_space<vmem>>
      %dma_wait3A_41 = arith.constant 0 : i32
      %dma_wait3A_42 = tpu.memref_slice %arg2[%add3A_14, %dma_wait3A_41] : memref<10240x128xbf16, #tpu.memory_space<hbm>> -> memref<128x128xbf16, #tpu.memory_space<hbm>>
      %dma_wait3A_43 = arith.constant 0 : i32
      %dma_wait3A_44 = arith.constant 0 : i32
      %dma_wait3A_45 = tpu.memref_slice %arg9[%dma_wait3A_43, %dma_wait3A_44] : memref<128x128xbf16, #tpu.memory_space<vmem>> -> memref<128x128xbf16, #tpu.memory_space<vmem>>
      %dma_wait3A_46 = arith.constant 0 : i32
      %dma_wait3A_47 = tpu.memref_slice %arg2[%add3A_14, %dma_wait3A_46] : memref<10240x128xbf16, #tpu.memory_space<hbm>> -> memref<128x128xbf16, #tpu.memory_space<hbm>>
      tpu.wait_dma2 semaphore(%run_scoped3A : memref<!tpu.dma_semaphore, #tpu.memory_space<semaphore_mem>>) src(%dma_wait3A_47 : memref<128x128xbf16, #tpu.memory_space<hbm>>) dst(%dma_wait3A_45 : memref<128x128xbf16, #tpu.memory_space<vmem>>)
      tpu.yield
    }) : () -> ()
    %add3A_15 = arith.constant 256 : i32
    %add3A_16 = arith.addi %mul3A_4, %add3A_15 : i32
    "tpu.region"() ({
      %run_scoped3A = tpu.sem_alloc : memref<!tpu.dma_semaphore, #tpu.memory_space<semaphore_mem>>
      %dma_start3A = arith.constant 0 : i32
      %dma_start3A_30 = arith.constant 0 : i32
      %dma_start3A_31 = tpu.memref_slice %arg9[%dma_start3A, %dma_start3A_30] : memref<128x128xbf16, #tpu.memory_space<vmem>> -> memref<128x128xbf16, #tpu.memory_space<vmem>>
      %dma_start3A_32 = arith.constant 0 : i32
      %dma_start3A_33 = tpu.memref_slice %arg13[%add3A_16, %dma_start3A_32] : memref<10240x128xbf16, #tpu.memory_space<vmem_shared>> -> memref<128x128xbf16, #tpu.memory_space<vmem_shared>>
      %dma_start3A_34 = arith.constant 0 : i32
      %dma_start3A_35 = tpu.memref_slice %arg13[%add3A_16, %dma_start3A_34] : memref<10240x128xbf16, #tpu.memory_space<vmem_shared>> -> memref<128x128xbf16, #tpu.memory_space<vmem_shared>>
      %dma_start3A_36 = arith.constant 0 : i32
      %dma_start3A_37 = arith.constant 0 : i32
      %dma_start3A_38 = tpu.memref_slice %arg9[%dma_start3A_36, %dma_start3A_37] : memref<128x128xbf16, #tpu.memory_space<vmem>> -> memref<128x128xbf16, #tpu.memory_space<vmem>>
      tpu.enqueue_dma source(%dma_start3A_38 : memref<128x128xbf16, #tpu.memory_space<vmem>>) target(%dma_start3A_35 : memref<128x128xbf16, #tpu.memory_space<vmem_shared>>) target_semaphore(%run_scoped3A : memref<!tpu.dma_semaphore, #tpu.memory_space<semaphore_mem>>)
      %dma_wait3A = arith.constant 0 : i32
      %dma_wait3A_39 = arith.constant 0 : i32
      %dma_wait3A_40 = tpu.memref_slice %arg9[%dma_wait3A, %dma_wait3A_39] : memref<128x128xbf16, #tpu.memory_space<vmem>> -> memref<128x128xbf16, #tpu.memory_space<vmem>>
      %dma_wait3A_41 = arith.constant 0 : i32
      %dma_wait3A_42 = tpu.memref_slice %arg13[%add3A_16, %dma_wait3A_41] : memref<10240x128xbf16, #tpu.memory_space<vmem_shared>> -> memref<128x128xbf16, #tpu.memory_space<vmem_shared>>
      %dma_wait3A_43 = arith.constant 0 : i32
      %dma_wait3A_44 = tpu.memref_slice %arg13[%add3A_16, %dma_wait3A_43] : memref<10240x128xbf16, #tpu.memory_space<vmem_shared>> -> memref<128x128xbf16, #tpu.memory_space<vmem_shared>>
      %dma_wait3A_45 = arith.constant 0 : i32
      %dma_wait3A_46 = arith.constant 0 : i32
      %dma_wait3A_47 = tpu.memref_slice %arg9[%dma_wait3A_45, %dma_wait3A_46] : memref<128x128xbf16, #tpu.memory_space<vmem>> -> memref<128x128xbf16, #tpu.memory_space<vmem>>
      tpu.wait_dma2 semaphore(%run_scoped3A : memref<!tpu.dma_semaphore, #tpu.memory_space<semaphore_mem>>) src(%dma_wait3A_47 : memref<128x128xbf16, #tpu.memory_space<vmem>>) dst(%dma_wait3A_44 : memref<128x128xbf16, #tpu.memory_space<vmem_shared>>)
      tpu.yield
    }) : () -> ()
    %add3A_17 = arith.constant 384 : i32
    %add3A_18 = arith.addi %mul3A_4, %add3A_17 : i32
    "tpu.region"() ({
      %run_scoped3A = tpu.sem_alloc : memref<!tpu.dma_semaphore, #tpu.memory_space<semaphore_mem>>
      %dma_start3A = arith.constant 0 : i32
      %dma_start3A_30 = arith.constant 0 : i32
      %dma_start3A_31 = tpu.memref_slice %arg9[%dma_start3A, %dma_start3A_30] : memref<128x128xbf16, #tpu.memory_space<vmem>> -> memref<128x128xbf16, #tpu.memory_space<vmem>>
      %dma_start3A_32 = arith.constant 0 : i32
      %dma_start3A_33 = tpu.memref_slice %arg2[%add3A_18, %dma_start3A_32] : memref<10240x128xbf16, #tpu.memory_space<hbm>> -> memref<128x128xbf16, #tpu.memory_space<hbm>>
      %dma_start3A_34 = arith.constant 0 : i32
      %dma_start3A_35 = arith.constant 0 : i32
      %dma_start3A_36 = tpu.memref_slice %arg9[%dma_start3A_34, %dma_start3A_35] : memref<128x128xbf16, #tpu.memory_space<vmem>> -> memref<128x128xbf16, #tpu.memory_space<vmem>>
      %dma_start3A_37 = arith.constant 0 : i32
      %dma_start3A_38 = tpu.memref_slice %arg2[%add3A_18, %dma_start3A_37] : memref<10240x128xbf16, #tpu.memory_space<hbm>> -> memref<128x128xbf16, #tpu.memory_space<hbm>>
      tpu.enqueue_dma source(%dma_start3A_38 : memref<128x128xbf16, #tpu.memory_space<hbm>>) target(%dma_start3A_36 : memref<128x128xbf16, #tpu.memory_space<vmem>>) target_semaphore(%run_scoped3A : memref<!tpu.dma_semaphore, #tpu.memory_space<semaphore_mem>>)
      %dma_wait3A = arith.constant 0 : i32
      %dma_wait3A_39 = arith.constant 0 : i32
      %dma_wait3A_40 = tpu.memref_slice %arg9[%dma_wait3A, %dma_wait3A_39] : memref<128x128xbf16, #tpu.memory_space<vmem>> -> memref<128x128xbf16, #tpu.memory_space<vmem>>
      %dma_wait3A_41 = arith.constant 0 : i32
      %dma_wait3A_42 = tpu.memref_slice %arg2[%add3A_18, %dma_wait3A_41] : memref<10240x128xbf16, #tpu.memory_space<hbm>> -> memref<128x128xbf16, #tpu.memory_space<hbm>>
      %dma_wait3A_43 = arith.constant 0 : i32
      %dma_wait3A_44 = arith.constant 0 : i32
      %dma_wait3A_45 = tpu.memref_slice %arg9[%dma_wait3A_43, %dma_wait3A_44] : memref<128x128xbf16, #tpu.memory_space<vmem>> -> memref<128x128xbf16, #tpu.memory_space<vmem>>
      %dma_wait3A_46 = arith.constant 0 : i32
      %dma_wait3A_47 = tpu.memref_slice %arg2[%add3A_18, %dma_wait3A_46] : memref<10240x128xbf16, #tpu.memory_space<hbm>> -> memref<128x128xbf16, #tpu.memory_space<hbm>>
      tpu.wait_dma2 semaphore(%run_scoped3A : memref<!tpu.dma_semaphore, #tpu.memory_space<semaphore_mem>>) src(%dma_wait3A_47 : memref<128x128xbf16, #tpu.memory_space<hbm>>) dst(%dma_wait3A_45 : memref<128x128xbf16, #tpu.memory_space<vmem>>)
      tpu.yield
    }) : () -> ()
    %add3A_19 = arith.constant 384 : i32
    %add3A_20 = arith.addi %mul3A_4, %add3A_19 : i32
    "tpu.region"() ({
      %run_scoped3A = tpu.sem_alloc : memref<!tpu.dma_semaphore, #tpu.memory_space<semaphore_mem>>
      %dma_start3A = arith.constant 0 : i32
      %dma_start3A_30 = arith.constant 0 : i32
      %dma_start3A_31 = tpu.memref_slice %arg9[%dma_start3A, %dma_start3A_30] : memref<128x128xbf16, #tpu.memory_space<vmem>> -> memref<128x128xbf16, #tpu.memory_space<vmem>>
      %dma_start3A_32 = arith.constant 0 : i32
      %dma_start3A_33 = tpu.memref_slice %arg13[%add3A_20, %dma_start3A_32] : memref<10240x128xbf16, #tpu.memory_space<vmem_shared>> -> memref<128x128xbf16, #tpu.memory_space<vmem_shared>>
      %dma_start3A_34 = arith.constant 0 : i32
      %dma_start3A_35 = tpu.memref_slice %arg13[%add3A_20, %dma_start3A_34] : memref<10240x128xbf16, #tpu.memory_space<vmem_shared>> -> memref<128x128xbf16, #tpu.memory_space<vmem_shared>>
      %dma_start3A_36 = arith.constant 0 : i32
      %dma_start3A_37 = arith.constant 0 : i32
      %dma_start3A_38 = tpu.memref_slice %arg9[%dma_start3A_36, %dma_start3A_37] : memref<128x128xbf16, #tpu.memory_space<vmem>> -> memref<128x128xbf16, #tpu.memory_space<vmem>>
      tpu.enqueue_dma source(%dma_start3A_38 : memref<128x128xbf16, #tpu.memory_space<vmem>>) target(%dma_start3A_35 : memref<128x128xbf16, #tpu.memory_space<vmem_shared>>) target_semaphore(%run_scoped3A : memref<!tpu.dma_semaphore, #tpu.memory_space<semaphore_mem>>)
      %dma_wait3A = arith.constant 0 : i32
      %dma_wait3A_39 = arith.constant 0 : i32
      %dma_wait3A_40 = tpu.memref_slice %arg9[%dma_wait3A, %dma_wait3A_39] : memref<128x128xbf16, #tpu.memory_space<vmem>> -> memref<128x128xbf16, #tpu.memory_space<vmem>>
      %dma_wait3A_41 = arith.constant 0 : i32
      %dma_wait3A_42 = tpu.memref_slice %arg13[%add3A_20, %dma_wait3A_41] : memref<10240x128xbf16, #tpu.memory_space<vmem_shared>> -> memref<128x128xbf16, #tpu.memory_space<vmem_shared>>
      %dma_wait3A_43 = arith.constant 0 : i32
      %dma_wait3A_44 = tpu.memref_slice %arg13[%add3A_20, %dma_wait3A_43] : memref<10240x128xbf16, #tpu.memory_space<vmem_shared>> -> memref<128x128xbf16, #tpu.memory_space<vmem_shared>>
      %dma_wait3A_45 = arith.constant 0 : i32
      %dma_wait3A_46 = arith.constant 0 : i32
      %dma_wait3A_47 = tpu.memref_slice %arg9[%dma_wait3A_45, %dma_wait3A_46] : memref<128x128xbf16, #tpu.memory_space<vmem>> -> memref<128x128xbf16, #tpu.memory_space<vmem>>
      tpu.wait_dma2 semaphore(%run_scoped3A : memref<!tpu.dma_semaphore, #tpu.memory_space<semaphore_mem>>) src(%dma_wait3A_47 : memref<128x128xbf16, #tpu.memory_space<vmem>>) dst(%dma_wait3A_44 : memref<128x128xbf16, #tpu.memory_space<vmem_shared>>)
      tpu.yield
    }) : () -> ()
    %add3A_21 = arith.constant 512 : i32
    %add3A_22 = arith.addi %mul3A_4, %add3A_21 : i32
    "tpu.region"() ({
      %run_scoped3A = tpu.sem_alloc : memref<!tpu.dma_semaphore, #tpu.memory_space<semaphore_mem>>
      %dma_start3A = arith.constant 0 : i32
      %dma_start3A_30 = arith.constant 0 : i32
      %dma_start3A_31 = tpu.memref_slice %arg9[%dma_start3A, %dma_start3A_30] : memref<128x128xbf16, #tpu.memory_space<vmem>> -> memref<128x128xbf16, #tpu.memory_space<vmem>>
      %dma_start3A_32 = arith.constant 0 : i32
      %dma_start3A_33 = tpu.memref_slice %arg2[%add3A_22, %dma_start3A_32] : memref<10240x128xbf16, #tpu.memory_space<hbm>> -> memref<128x128xbf16, #tpu.memory_space<hbm>>
      %dma_start3A_34 = arith.constant 0 : i32
      %dma_start3A_35 = arith.constant 0 : i32
      %dma_start3A_36 = tpu.memref_slice %arg9[%dma_start3A_34, %dma_start3A_35] : memref<128x128xbf16, #tpu.memory_space<vmem>> -> memref<128x128xbf16, #tpu.memory_space<vmem>>
      %dma_start3A_37 = arith.constant 0 : i32
      %dma_start3A_38 = tpu.memref_slice %arg2[%add3A_22, %dma_start3A_37] : memref<10240x128xbf16, #tpu.memory_space<hbm>> -> memref<128x128xbf16, #tpu.memory_space<hbm>>
      tpu.enqueue_dma source(%dma_start3A_38 : memref<128x128xbf16, #tpu.memory_space<hbm>>) target(%dma_start3A_36 : memref<128x128xbf16, #tpu.memory_space<vmem>>) target_semaphore(%run_scoped3A : memref<!tpu.dma_semaphore, #tpu.memory_space<semaphore_mem>>)
      %dma_wait3A = arith.constant 0 : i32
      %dma_wait3A_39 = arith.constant 0 : i32
      %dma_wait3A_40 = tpu.memref_slice %arg9[%dma_wait3A, %dma_wait3A_39] : memref<128x128xbf16, #tpu.memory_space<vmem>> -> memref<128x128xbf16, #tpu.memory_space<vmem>>
      %dma_wait3A_41 = arith.constant 0 : i32
      %dma_wait3A_42 = tpu.memref_slice %arg2[%add3A_22, %dma_wait3A_41] : memref<10240x128xbf16, #tpu.memory_space<hbm>> -> memref<128x128xbf16, #tpu.memory_space<hbm>>
      %dma_wait3A_43 = arith.constant 0 : i32
      %dma_wait3A_44 = arith.constant 0 : i32
      %dma_wait3A_45 = tpu.memref_slice %arg9[%dma_wait3A_43, %dma_wait3A_44] : memref<128x128xbf16, #tpu.memory_space<vmem>> -> memref<128x128xbf16, #tpu.memory_space<vmem>>
      %dma_wait3A_46 = arith.constant 0 : i32
      %dma_wait3A_47 = tpu.memref_slice %arg2[%add3A_22, %dma_wait3A_46] : memref<10240x128xbf16, #tpu.memory_space<hbm>> -> memref<128x128xbf16, #tpu.memory_space<hbm>>
      tpu.wait_dma2 semaphore(%run_scoped3A : memref<!tpu.dma_semaphore, #tpu.memory_space<semaphore_mem>>) src(%dma_wait3A_47 : memref<128x128xbf16, #tpu.memory_space<hbm>>) dst(%dma_wait3A_45 : memref<128x128xbf16, #tpu.memory_space<vmem>>)
      tpu.yield
    }) : () -> ()
    %add3A_23 = arith.constant 512 : i32
    %add3A_24 = arith.addi %mul3A_4, %add3A_23 : i32
    "tpu.region"() ({
      %run_scoped3A = tpu.sem_alloc : memref<!tpu.dma_semaphore, #tpu.memory_space<semaphore_mem>>
      %dma_start3A = arith.constant 0 : i32
      %dma_start3A_30 = arith.constant 0 : i32
      %dma_start3A_31 = tpu.memref_slice %arg9[%dma_start3A, %dma_start3A_30] : memref<128x128xbf16, #tpu.memory_space<vmem>> -> memref<128x128xbf16, #tpu.memory_space<vmem>>
      %dma_start3A_32 = arith.constant 0 : i32
      %dma_start3A_33 = tpu.memref_slice %arg13[%add3A_24, %dma_start3A_32] : memref<10240x128xbf16, #tpu.memory_space<vmem_shared>> -> memref<128x128xbf16, #tpu.memory_space<vmem_shared>>
      %dma_start3A_34 = arith.constant 0 : i32
      %dma_start3A_35 = tpu.memref_slice %arg13[%add3A_24, %dma_start3A_34] : memref<10240x128xbf16, #tpu.memory_space<vmem_shared>> -> memref<128x128xbf16, #tpu.memory_space<vmem_shared>>
      %dma_start3A_36 = arith.constant 0 : i32
      %dma_start3A_37 = arith.constant 0 : i32
      %dma_start3A_38 = tpu.memref_slice %arg9[%dma_start3A_36, %dma_start3A_37] : memref<128x128xbf16, #tpu.memory_space<vmem>> -> memref<128x128xbf16, #tpu.memory_space<vmem>>
      tpu.enqueue_dma source(%dma_start3A_38 : memref<128x128xbf16, #tpu.memory_space<vmem>>) target(%dma_start3A_35 : memref<128x128xbf16, #tpu.memory_space<vmem_shared>>) target_semaphore(%run_scoped3A : memref<!tpu.dma_semaphore, #tpu.memory_space<semaphore_mem>>)
      %dma_wait3A = arith.constant 0 : i32
      %dma_wait3A_39 = arith.constant 0 : i32
      %dma_wait3A_40 = tpu.memref_slice %arg9[%dma_wait3A, %dma_wait3A_39] : memref<128x128xbf16, #tpu.memory_space<vmem>> -> memref<128x128xbf16, #tpu.memory_space<vmem>>
      %dma_wait3A_41 = arith.constant 0 : i32
      %dma_wait3A_42 = tpu.memref_slice %arg13[%add3A_24, %dma_wait3A_41] : memref<10240x128xbf16, #tpu.memory_space<vmem_shared>> -> memref<128x128xbf16, #tpu.memory_space<vmem_shared>>
      %dma_wait3A_43 = arith.constant 0 : i32
      %dma_wait3A_44 = tpu.memref_slice %arg13[%add3A_24, %dma_wait3A_43] : memref<10240x128xbf16, #tpu.memory_space<vmem_shared>> -> memref<128x128xbf16, #tpu.memory_space<vmem_shared>>
      %dma_wait3A_45 = arith.constant 0 : i32
      %dma_wait3A_46 = arith.constant 0 : i32
      %dma_wait3A_47 = tpu.memref_slice %arg9[%dma_wait3A_45, %dma_wait3A_46] : memref<128x128xbf16, #tpu.memory_space<vmem>> -> memref<128x128xbf16, #tpu.memory_space<vmem>>
      tpu.wait_dma2 semaphore(%run_scoped3A : memref<!tpu.dma_semaphore, #tpu.memory_space<semaphore_mem>>) src(%dma_wait3A_47 : memref<128x128xbf16, #tpu.memory_space<vmem>>) dst(%dma_wait3A_44 : memref<128x128xbf16, #tpu.memory_space<vmem_shared>>)
      tpu.yield
    }) : () -> ()
    %barrier3A = arith.constant 0 : index
    tpu.barrier barrier_id(%barrier3A)
    %scan3A = arith.constant 0 : i32
    %scan3A_25 = arith.constant 0 : i32
    %scan3A_26 = arith.constant 40 : i32
    %scan3A_27 = arith.addi %scan3A_25, %scan3A_26 : i32
    %scan3A_28 = arith.constant 1 : i32
    scf.for %scan3A_30 = %scan3A_25 to %scan3A_27 step %scan3A_28  : i32 {
      %mul3A_31 = arith.constant 2 : i32
      %mul3A_32 = arith.muli %mul3A_31, %scan3A_30 : i32
      %add3A_33 = arith.constant 0 : i32
      %add3A_34 = arith.addi %mul3A_32, %add3A_33 : i32
      %dma_start3A = arith.constant 0 : i32
      %dma_start3A_35 = tpu.memref_slice %arg7[%add3A_34, %dma_start3A] : memref<80x128xi32, #tpu.memory_space<vmem>> -> memref<1x128xi32, #tpu.memory_space<vmem>>
      %dma_start3A_36 = tpu.memref_squeeze %dma_start3A_35 : memref<1x128xi32, #tpu.memory_space<vmem>> -> memref<128xi32, #tpu.memory_space<vmem>>
      %dma_start3A_37 = arith.constant 0 : i32
      %dma_start3A_38 = arith.constant 0 : i32
      %dma_start3A_39 = tpu.memref_slice %arg13[%dma_start3A_37, %dma_start3A_38] : memref<10240x128xbf16, #tpu.memory_space<vmem_shared>> -> memref<10240x128xbf16, #tpu.memory_space<vmem_shared>>
      tpu.enqueue_indirect_dma source(%dma_start3A_39 : memref<10240x128xbf16, #tpu.memory_space<vmem_shared>>) target(%arg9 : memref<128x128xbf16, #tpu.memory_space<vmem>>) offsets(%dma_start3A_36 : memref<128xi32, #tpu.memory_space<vmem>>) semaphore(%arg14 : memref<!tpu.dma_semaphore, #tpu.memory_space<semaphore_mem>>)
      %dma_start3A_40 = arith.constant 0 : i32
      %dma_start3A_41 = tpu.memref_slice %arg8[%add3A_34, %dma_start3A_40] : memref<80x128xi32, #tpu.memory_space<vmem>> -> memref<1x128xi32, #tpu.memory_space<vmem>>
      %dma_start3A_42 = tpu.memref_squeeze %dma_start3A_41 : memref<1x128xi32, #tpu.memory_space<vmem>> -> memref<128xi32, #tpu.memory_space<vmem>>
      %dma_start3A_43 = arith.constant 0 : i32
      %dma_start3A_44 = arith.constant 0 : i32
      %dma_start3A_45 = tpu.memref_slice %arg13[%dma_start3A_43, %dma_start3A_44] : memref<10240x128xbf16, #tpu.memory_space<vmem_shared>> -> memref<10240x128xbf16, #tpu.memory_space<vmem_shared>>
      tpu.enqueue_indirect_dma source(%dma_start3A_45 : memref<10240x128xbf16, #tpu.memory_space<vmem_shared>>) target(%arg11 : memref<128x128xbf16, #tpu.memory_space<vmem>>) offsets(%dma_start3A_42 : memref<128xi32, #tpu.memory_space<vmem>>) semaphore(%arg16 : memref<!tpu.dma_semaphore, #tpu.memory_space<semaphore_mem>>)
      %mul3A_46 = arith.constant 2 : i32
      %mul3A_47 = arith.muli %mul3A_46, %scan3A_30 : i32
      %add3A_48 = arith.constant 1 : i32
      %add3A_49 = arith.addi %mul3A_47, %add3A_48 : i32
      %dma_start3A_50 = arith.constant 0 : i32
      %dma_start3A_51 = tpu.memref_slice %arg7[%add3A_49, %dma_start3A_50] : memref<80x128xi32, #tpu.memory_space<vmem>> -> memref<1x128xi32, #tpu.memory_space<vmem>>
      %dma_start3A_52 = tpu.memref_squeeze %dma_start3A_51 : memref<1x128xi32, #tpu.memory_space<vmem>> -> memref<128xi32, #tpu.memory_space<vmem>>
      %dma_start3A_53 = arith.constant 0 : i32
      %dma_start3A_54 = arith.constant 0 : i32
      %dma_start3A_55 = tpu.memref_slice %arg13[%dma_start3A_53, %dma_start3A_54] : memref<10240x128xbf16, #tpu.memory_space<vmem_shared>> -> memref<10240x128xbf16, #tpu.memory_space<vmem_shared>>
      tpu.enqueue_indirect_dma source(%dma_start3A_55 : memref<10240x128xbf16, #tpu.memory_space<vmem_shared>>) target(%arg10 : memref<128x128xbf16, #tpu.memory_space<vmem>>) offsets(%dma_start3A_52 : memref<128xi32, #tpu.memory_space<vmem>>) semaphore(%arg15 : memref<!tpu.dma_semaphore, #tpu.memory_space<semaphore_mem>>)
      %dma_start3A_56 = arith.constant 0 : i32
      %dma_start3A_57 = tpu.memref_slice %arg8[%add3A_49, %dma_start3A_56] : memref<80x128xi32, #tpu.memory_space<vmem>> -> memref<1x128xi32, #tpu.memory_space<vmem>>
      %dma_start3A_58 = tpu.memref_squeeze %dma_start3A_57 : memref<1x128xi32, #tpu.memory_space<vmem>> -> memref<128xi32, #tpu.memory_space<vmem>>
      %dma_start3A_59 = arith.constant 0 : i32
      %dma_start3A_60 = arith.constant 0 : i32
      %dma_start3A_61 = tpu.memref_slice %arg13[%dma_start3A_59, %dma_start3A_60] : memref<10240x128xbf16, #tpu.memory_space<vmem_shared>> -> memref<10240x128xbf16, #tpu.memory_space<vmem_shared>>
      tpu.enqueue_indirect_dma source(%dma_start3A_61 : memref<10240x128xbf16, #tpu.memory_space<vmem_shared>>) target(%arg12 : memref<128x128xbf16, #tpu.memory_space<vmem>>) offsets(%dma_start3A_58 : memref<128xi32, #tpu.memory_space<vmem>>) semaphore(%arg17 : memref<!tpu.dma_semaphore, #tpu.memory_space<semaphore_mem>>)
      %mul3A_62 = arith.constant 2 : i32
      %mul3A_63 = arith.muli %mul3A_62, %scan3A_30 : i32
      %add3A_64 = arith.constant 0 : i32
      %add3A_65 = arith.addi %mul3A_63, %add3A_64 : i32
      %dma_wait3A = arith.constant 0 : i32
      %dma_wait3A_66 = tpu.memref_slice %arg7[%add3A_34, %dma_wait3A] : memref<80x128xi32, #tpu.memory_space<vmem>> -> memref<1x128xi32, #tpu.memory_space<vmem>>
      %dma_wait3A_67 = tpu.memref_squeeze %dma_wait3A_66 : memref<1x128xi32, #tpu.memory_space<vmem>> -> memref<128xi32, #tpu.memory_space<vmem>>
      %dma_wait3A_68 = arith.constant 0 : i32
      %dma_wait3A_69 = arith.constant 0 : i32
      %dma_wait3A_70 = tpu.memref_slice %arg13[%dma_wait3A_68, %dma_wait3A_69] : memref<10240x128xbf16, #tpu.memory_space<vmem_shared>> -> memref<10240x128xbf16, #tpu.memory_space<vmem_shared>>
      tpu.wait_indirect_dma semaphore(%arg14 : memref<!tpu.dma_semaphore, #tpu.memory_space<semaphore_mem>>) src(%dma_wait3A_70 : memref<10240x128xbf16, #tpu.memory_space<vmem_shared>>) dst(%arg9 : memref<128x128xbf16, #tpu.memory_space<vmem>>)
      %mul3A_71 = arith.constant 128 : i32
      %mul3A_72 = arith.muli %add3A_65, %mul3A_71 : i32
      %add3A_73 = arith.addi %mul3A_2, %mul3A_72 : i32
      %dma_start3A_74 = arith.constant 0 : i32
      %dma_start3A_75 = tpu.memref_slice %arg5[%add3A_73, %dma_start3A_74] : memref<327680x128xbf16, #tpu.memory_space<hbm>> -> memref<128x128xbf16, #tpu.memory_space<hbm>>
      %dma_start3A_76 = arith.constant 0 : i32
      %dma_start3A_77 = tpu.memref_slice %arg5[%add3A_73, %dma_start3A_76] : memref<327680x128xbf16, #tpu.memory_space<hbm>> -> memref<128x128xbf16, #tpu.memory_space<hbm>>
      tpu.enqueue_dma source(%arg9 : memref<128x128xbf16, #tpu.memory_space<vmem>>) target(%dma_start3A_77 : memref<128x128xbf16, #tpu.memory_space<hbm>>) target_semaphore(%arg18 : memref<!tpu.dma_semaphore, #tpu.memory_space<semaphore_mem>>)
      %dma_wait3A_78 = arith.constant 0 : i32
      %dma_wait3A_79 = tpu.memref_slice %arg8[%add3A_34, %dma_wait3A_78] : memref<80x128xi32, #tpu.memory_space<vmem>> -> memref<1x128xi32, #tpu.memory_space<vmem>>
      %dma_wait3A_80 = tpu.memref_squeeze %dma_wait3A_79 : memref<1x128xi32, #tpu.memory_space<vmem>> -> memref<128xi32, #tpu.memory_space<vmem>>
      %dma_wait3A_81 = arith.constant 0 : i32
      %dma_wait3A_82 = arith.constant 0 : i32
      %dma_wait3A_83 = tpu.memref_slice %arg13[%dma_wait3A_81, %dma_wait3A_82] : memref<10240x128xbf16, #tpu.memory_space<vmem_shared>> -> memref<10240x128xbf16, #tpu.memory_space<vmem_shared>>
      tpu.wait_indirect_dma semaphore(%arg16 : memref<!tpu.dma_semaphore, #tpu.memory_space<semaphore_mem>>) src(%dma_wait3A_83 : memref<10240x128xbf16, #tpu.memory_space<vmem_shared>>) dst(%arg11 : memref<128x128xbf16, #tpu.memory_space<vmem>>)
      %mul3A_84 = arith.constant 128 : i32
      %mul3A_85 = arith.muli %add3A_65, %mul3A_84 : i32
      %add3A_86 = arith.addi %mul3A_2, %mul3A_85 : i32
      %dma_start3A_87 = arith.constant 0 : i32
      %dma_start3A_88 = tpu.memref_slice %arg6[%add3A_86, %dma_start3A_87] : memref<327680x128xbf16, #tpu.memory_space<hbm>> -> memref<128x128xbf16, #tpu.memory_space<hbm>>
      %dma_start3A_89 = arith.constant 0 : i32
      %dma_start3A_90 = tpu.memref_slice %arg6[%add3A_86, %dma_start3A_89] : memref<327680x128xbf16, #tpu.memory_space<hbm>> -> memref<128x128xbf16, #tpu.memory_space<hbm>>
      tpu.enqueue_dma source(%arg11 : memref<128x128xbf16, #tpu.memory_space<vmem>>) target(%dma_start3A_90 : memref<128x128xbf16, #tpu.memory_space<hbm>>) target_semaphore(%arg18 : memref<!tpu.dma_semaphore, #tpu.memory_space<semaphore_mem>>)
      %mul3A_91 = arith.constant 2 : i32
      %mul3A_92 = arith.muli %mul3A_91, %scan3A_30 : i32
      %add3A_93 = arith.constant 1 : i32
      %add3A_94 = arith.addi %mul3A_92, %add3A_93 : i32
      %dma_wait3A_95 = arith.constant 0 : i32
      %dma_wait3A_96 = tpu.memref_slice %arg7[%add3A_49, %dma_wait3A_95] : memref<80x128xi32, #tpu.memory_space<vmem>> -> memref<1x128xi32, #tpu.memory_space<vmem>>
      %dma_wait3A_97 = tpu.memref_squeeze %dma_wait3A_96 : memref<1x128xi32, #tpu.memory_space<vmem>> -> memref<128xi32, #tpu.memory_space<vmem>>
      %dma_wait3A_98 = arith.constant 0 : i32
      %dma_wait3A_99 = arith.constant 0 : i32
      %dma_wait3A_100 = tpu.memref_slice %arg13[%dma_wait3A_98, %dma_wait3A_99] : memref<10240x128xbf16, #tpu.memory_space<vmem_shared>> -> memref<10240x128xbf16, #tpu.memory_space<vmem_shared>>
      tpu.wait_indirect_dma semaphore(%arg15 : memref<!tpu.dma_semaphore, #tpu.memory_space<semaphore_mem>>) src(%dma_wait3A_100 : memref<10240x128xbf16, #tpu.memory_space<vmem_shared>>) dst(%arg10 : memref<128x128xbf16, #tpu.memory_space<vmem>>)
      %mul3A_101 = arith.constant 128 : i32
      %mul3A_102 = arith.muli %add3A_94, %mul3A_101 : i32
      %add3A_103 = arith.addi %mul3A_2, %mul3A_102 : i32
      %dma_start3A_104 = arith.constant 0 : i32
      %dma_start3A_105 = tpu.memref_slice %arg5[%add3A_103, %dma_start3A_104] : memref<327680x128xbf16, #tpu.memory_space<hbm>> -> memref<128x128xbf16, #tpu.memory_space<hbm>>
      %dma_start3A_106 = arith.constant 0 : i32
      %dma_start3A_107 = tpu.memref_slice %arg5[%add3A_103, %dma_start3A_106] : memref<327680x128xbf16, #tpu.memory_space<hbm>> -> memref<128x128xbf16, #tpu.memory_space<hbm>>
      tpu.enqueue_dma source(%arg10 : memref<128x128xbf16, #tpu.memory_space<vmem>>) target(%dma_start3A_107 : memref<128x128xbf16, #tpu.memory_space<hbm>>) target_semaphore(%arg18 : memref<!tpu.dma_semaphore, #tpu.memory_space<semaphore_mem>>)
      %dma_wait3A_108 = arith.constant 0 : i32
      %dma_wait3A_109 = tpu.memref_slice %arg8[%add3A_49, %dma_wait3A_108] : memref<80x128xi32, #tpu.memory_space<vmem>> -> memref<1x128xi32, #tpu.memory_space<vmem>>
      %dma_wait3A_110 = tpu.memref_squeeze %dma_wait3A_109 : memref<1x128xi32, #tpu.memory_space<vmem>> -> memref<128xi32, #tpu.memory_space<vmem>>
      %dma_wait3A_111 = arith.constant 0 : i32
      %dma_wait3A_112 = arith.constant 0 : i32
      %dma_wait3A_113 = tpu.memref_slice %arg13[%dma_wait3A_111, %dma_wait3A_112] : memref<10240x128xbf16, #tpu.memory_space<vmem_shared>> -> memref<10240x128xbf16, #tpu.memory_space<vmem_shared>>
      tpu.wait_indirect_dma semaphore(%arg17 : memref<!tpu.dma_semaphore, #tpu.memory_space<semaphore_mem>>) src(%dma_wait3A_113 : memref<10240x128xbf16, #tpu.memory_space<vmem_shared>>) dst(%arg12 : memref<128x128xbf16, #tpu.memory_space<vmem>>)
      %mul3A_114 = arith.constant 128 : i32
      %mul3A_115 = arith.muli %add3A_94, %mul3A_114 : i32
      %add3A_116 = arith.addi %mul3A_2, %mul3A_115 : i32
      %dma_start3A_117 = arith.constant 0 : i32
      %dma_start3A_118 = tpu.memref_slice %arg6[%add3A_116, %dma_start3A_117] : memref<327680x128xbf16, #tpu.memory_space<hbm>> -> memref<128x128xbf16, #tpu.memory_space<hbm>>
      %dma_start3A_119 = arith.constant 0 : i32
      %dma_start3A_120 = tpu.memref_slice %arg6[%add3A_116, %dma_start3A_119] : memref<327680x128xbf16, #tpu.memory_space<hbm>> -> memref<128x128xbf16, #tpu.memory_space<hbm>>
      tpu.enqueue_dma source(%arg12 : memref<128x128xbf16, #tpu.memory_space<vmem>>) target(%dma_start3A_120 : memref<128x128xbf16, #tpu.memory_space<hbm>>) target_semaphore(%arg18 : memref<!tpu.dma_semaphore, #tpu.memory_space<semaphore_mem>>)
      %dma_wait3A_121 = arith.constant 0 : i32
      %dma_wait3A_122 = tpu.memref_slice %arg5[%add3A_73, %dma_wait3A_121] : memref<327680x128xbf16, #tpu.memory_space<hbm>> -> memref<128x128xbf16, #tpu.memory_space<hbm>>
      %dma_wait3A_123 = arith.constant 0 : i32
      %dma_wait3A_124 = tpu.memref_slice %arg5[%add3A_73, %dma_wait3A_123] : memref<327680x128xbf16, #tpu.memory_space<hbm>> -> memref<128x128xbf16, #tpu.memory_space<hbm>>
      tpu.wait_dma2 semaphore(%arg18 : memref<!tpu.dma_semaphore, #tpu.memory_space<semaphore_mem>>) src(%arg9 : memref<128x128xbf16, #tpu.memory_space<vmem>>) dst(%dma_wait3A_124 : memref<128x128xbf16, #tpu.memory_space<hbm>>)
      %dma_wait3A_125 = arith.constant 0 : i32
      %dma_wait3A_126 = tpu.memref_slice %arg6[%add3A_86, %dma_wait3A_125] : memref<327680x128xbf16, #tpu.memory_space<hbm>> -> memref<128x128xbf16, #tpu.memory_space<hbm>>
      %dma_wait3A_127 = arith.constant 0 : i32
      %dma_wait3A_128 = tpu.memref_slice %arg6[%add3A_86, %dma_wait3A_127] : memref<327680x128xbf16, #tpu.memory_space<hbm>> -> memref<128x128xbf16, #tpu.memory_space<hbm>>
      tpu.wait_dma2 semaphore(%arg18 : memref<!tpu.dma_semaphore, #tpu.memory_space<semaphore_mem>>) src(%arg11 : memref<128x128xbf16, #tpu.memory_space<vmem>>) dst(%dma_wait3A_128 : memref<128x128xbf16, #tpu.memory_space<hbm>>)
      %dma_wait3A_129 = arith.constant 0 : i32
      %dma_wait3A_130 = tpu.memref_slice %arg5[%add3A_103, %dma_wait3A_129] : memref<327680x128xbf16, #tpu.memory_space<hbm>> -> memref<128x128xbf16, #tpu.memory_space<hbm>>
      %dma_wait3A_131 = arith.constant 0 : i32
      %dma_wait3A_132 = tpu.memref_slice %arg5[%add3A_103, %dma_wait3A_131] : memref<327680x128xbf16, #tpu.memory_space<hbm>> -> memref<128x128xbf16, #tpu.memory_space<hbm>>
      tpu.wait_dma2 semaphore(%arg18 : memref<!tpu.dma_semaphore, #tpu.memory_space<semaphore_mem>>) src(%arg10 : memref<128x128xbf16, #tpu.memory_space<vmem>>) dst(%dma_wait3A_132 : memref<128x128xbf16, #tpu.memory_space<hbm>>)
      %dma_wait3A_133 = arith.constant 0 : i32
      %dma_wait3A_134 = tpu.memref_slice %arg6[%add3A_116, %dma_wait3A_133] : memref<327680x128xbf16, #tpu.memory_space<hbm>> -> memref<128x128xbf16, #tpu.memory_space<hbm>>
      %dma_wait3A_135 = arith.constant 0 : i32
      %dma_wait3A_136 = tpu.memref_slice %arg6[%add3A_116, %dma_wait3A_135] : memref<327680x128xbf16, #tpu.memory_space<hbm>> -> memref<128x128xbf16, #tpu.memory_space<hbm>>
      tpu.wait_dma2 semaphore(%arg18 : memref<!tpu.dma_semaphore, #tpu.memory_space<semaphore_mem>>) src(%arg12 : memref<128x128xbf16, #tpu.memory_space<vmem>>) dst(%dma_wait3A_136 : memref<128x128xbf16, #tpu.memory_space<hbm>>)
    }
    %scan3A_29 = arith.constant 40 : i32
    return
  }
}

#map = affine_map<(d0, d1) -> (0, 0)>
#map1 = affine_map<(d0, d1) -> (0, 0, 0)>
module attributes {stable_mosaic.version = 14 : i64} {
  func.func @gather_k(%arg0: i32, %arg1: i32, %arg2: memref<10240x128xbf16, #tpu.memory_space<hbm>>, %arg3: memref<32x80x128xi32, #tpu.memory_space<hbm>>, %arg4: memref<32x80x128xi32, #tpu.memory_space<hbm>>, %arg5: memref<327680x128xbf16, #tpu.memory_space<hbm>>, %arg6: memref<327680x128xbf16, #tpu.memory_space<hbm>>, %arg7: memref<80x128xi32, #tpu.memory_space<vmem>>, %arg8: memref<80x128xi32, #tpu.memory_space<vmem>>, %arg9: memref<128x128xbf16, #tpu.memory_space<vmem>>, %arg10: memref<128x128xbf16, #tpu.memory_space<vmem>>, %arg11: memref<128x128xbf16, #tpu.memory_space<vmem>>, %arg12: memref<128x128xbf16, #tpu.memory_space<vmem>>, %arg13: memref<10240x128xbf16, #tpu.memory_space<vmem_shared>>, %arg14: memref<!tpu.dma_semaphore, #tpu.memory_space<semaphore_mem>>, %arg15: memref<!tpu.dma_semaphore, #tpu.memory_space<semaphore_mem>>, %arg16: memref<!tpu.dma_semaphore, #tpu.memory_space<semaphore_mem>>, %arg17: memref<!tpu.dma_semaphore, #tpu.memory_space<semaphore_mem>>, %arg18: memref<!tpu.dma_semaphore, #tpu.memory_space<semaphore_mem>>) attributes {dimension_semantics = [#tpu.dimension_semantics<core_parallel>, #tpu.dimension_semantics<subcore_parallel>], iteration_bounds = array<i64: 2, 16>, scalar_prefetch = 0 : i64, scratch_operands = 12 : i64, tpu.core_type = #tpu.core_type<sc_vector_subcore>, window_params = [{transform_indices = #map}, {transform_indices = #map1}, {transform_indices = #map1}, {transform_indices = #map}, {transform_indices = #map}]} {
    %mul3A = arith.constant 2 : i32
    %mul3A_0 = arith.muli %arg1, %mul3A : i32
    %add3A = arith.addi %mul3A_0, %arg0 : i32
    %mul3A_1 = arith.constant 10240 : i32
    %mul3A_2 = arith.muli %add3A, %mul3A_1 : i32
    "tpu.region"() ({
      %run_scoped3A = tpu.sem_alloc : memref<!tpu.dma_semaphore, #tpu.memory_space<semaphore_mem>>
      %dma_start3A = arith.constant 0 : i32
      %dma_start3A_30 = arith.constant 0 : i32
      %dma_start3A_31 = tpu.memref_slice %arg3[%add3A, %dma_start3A, %dma_start3A_30] : memref<32x80x128xi32, #tpu.memory_space<hbm>> -> memref<1x80x128xi32, #tpu.memory_space<hbm>>
      %dma_start3A_32 = tpu.memref_squeeze %dma_start3A_31 : memref<1x80x128xi32, #tpu.memory_space<hbm>> -> memref<80x128xi32, #tpu.memory_space<hbm>>
      %dma_start3A_33 = arith.constant 0 : i32
      %dma_start3A_34 = arith.constant 0 : i32
      %dma_start3A_35 = tpu.memref_slice %arg3[%add3A, %dma_start3A_33, %dma_start3A_34] : memref<32x80x128xi32, #tpu.memory_space<hbm>> -> memref<1x80x128xi32, #tpu.memory_space<hbm>>
      %dma_start3A_36 = tpu.memref_squeeze %dma_start3A_35 : memref<1x80x128xi32, #tpu.memory_space<hbm>> -> memref<80x128xi32, #tpu.memory_space<hbm>>
      tpu.enqueue_dma source(%dma_start3A_36 : memref<80x128xi32, #tpu.memory_space<hbm>>) target(%arg7 : memref<80x128xi32, #tpu.memory_space<vmem>>) target_semaphore(%run_scoped3A : memref<!tpu.dma_semaphore, #tpu.memory_space<semaphore_mem>>)
      %dma_wait3A = arith.constant 0 : i32
      %dma_wait3A_37 = arith.constant 0 : i32
      %dma_wait3A_38 = tpu.memref_slice %arg3[%add3A, %dma_wait3A, %dma_wait3A_37] : memref<32x80x128xi32, #tpu.memory_space<hbm>> -> memref<1x80x128xi32, #tpu.memory_space<hbm>>
      %dma_wait3A_39 = tpu.memref_squeeze %dma_wait3A_38 : memref<1x80x128xi32, #tpu.memory_space<hbm>> -> memref<80x128xi32, #tpu.memory_space<hbm>>
      %dma_wait3A_40 = arith.constant 0 : i32
      %dma_wait3A_41 = arith.constant 0 : i32
      %dma_wait3A_42 = tpu.memref_slice %arg3[%add3A, %dma_wait3A_40, %dma_wait3A_41] : memref<32x80x128xi32, #tpu.memory_space<hbm>> -> memref<1x80x128xi32, #tpu.memory_space<hbm>>
      %dma_wait3A_43 = tpu.memref_squeeze %dma_wait3A_42 : memref<1x80x128xi32, #tpu.memory_space<hbm>> -> memref<80x128xi32, #tpu.memory_space<hbm>>
      tpu.wait_dma2 semaphore(%run_scoped3A : memref<!tpu.dma_semaphore, #tpu.memory_space<semaphore_mem>>) src(%dma_wait3A_43 : memref<80x128xi32, #tpu.memory_space<hbm>>) dst(%arg7 : memref<80x128xi32, #tpu.memory_space<vmem>>)
      tpu.yield
    }) : () -> ()
    "tpu.region"() ({
      %run_scoped3A = tpu.sem_alloc : memref<!tpu.dma_semaphore, #tpu.memory_space<semaphore_mem>>
      %dma_start3A = arith.constant 0 : i32
      %dma_start3A_30 = arith.constant 0 : i32
      %dma_start3A_31 = tpu.memref_slice %arg4[%add3A, %dma_start3A, %dma_start3A_30] : memref<32x80x128xi32, #tpu.memory_space<hbm>> -> memref<1x80x128xi32, #tpu.memory_space<hbm>>
      %dma_start3A_32 = tpu.memref_squeeze %dma_start3A_31 : memref<1x80x128xi32, #tpu.memory_space<hbm>> -> memref<80x128xi32, #tpu.memory_space<hbm>>
      %dma_start3A_33 = arith.constant 0 : i32
      %dma_start3A_34 = arith.constant 0 : i32
      %dma_start3A_35 = tpu.memref_slice %arg4[%add3A, %dma_start3A_33, %dma_start3A_34] : memref<32x80x128xi32, #tpu.memory_space<hbm>> -> memref<1x80x128xi32, #tpu.memory_space<hbm>>
      %dma_start3A_36 = tpu.memref_squeeze %dma_start3A_35 : memref<1x80x128xi32, #tpu.memory_space<hbm>> -> memref<80x128xi32, #tpu.memory_space<hbm>>
      tpu.enqueue_dma source(%dma_start3A_36 : memref<80x128xi32, #tpu.memory_space<hbm>>) target(%arg8 : memref<80x128xi32, #tpu.memory_space<vmem>>) target_semaphore(%run_scoped3A : memref<!tpu.dma_semaphore, #tpu.memory_space<semaphore_mem>>)
      %dma_wait3A = arith.constant 0 : i32
      %dma_wait3A_37 = arith.constant 0 : i32
      %dma_wait3A_38 = tpu.memref_slice %arg4[%add3A, %dma_wait3A, %dma_wait3A_37] : memref<32x80x128xi32, #tpu.memory_space<hbm>> -> memref<1x80x128xi32, #tpu.memory_space<hbm>>
      %dma_wait3A_39 = tpu.memref_squeeze %dma_wait3A_38 : memref<1x80x128xi32, #tpu.memory_space<hbm>> -> memref<80x128xi32, #tpu.memory_space<hbm>>
      %dma_wait3A_40 = arith.constant 0 : i32
      %dma_wait3A_41 = arith.constant 0 : i32
      %dma_wait3A_42 = tpu.memref_slice %arg4[%add3A, %dma_wait3A_40, %dma_wait3A_41] : memref<32x80x128xi32, #tpu.memory_space<hbm>> -> memref<1x80x128xi32, #tpu.memory_space<hbm>>
      %dma_wait3A_43 = tpu.memref_squeeze %dma_wait3A_42 : memref<1x80x128xi32, #tpu.memory_space<hbm>> -> memref<80x128xi32, #tpu.memory_space<hbm>>
      tpu.wait_dma2 semaphore(%run_scoped3A : memref<!tpu.dma_semaphore, #tpu.memory_space<semaphore_mem>>) src(%dma_wait3A_43 : memref<80x128xi32, #tpu.memory_space<hbm>>) dst(%arg8 : memref<80x128xi32, #tpu.memory_space<vmem>>)
      tpu.yield
    }) : () -> ()
    %mul3A_3 = arith.constant 640 : i32
    %mul3A_4 = arith.muli %arg1, %mul3A_3 : i32
    %add3A_5 = arith.constant 0 : i32
    %add3A_6 = arith.addi %mul3A_4, %add3A_5 : i32
    "tpu.region"() ({
      %run_scoped3A = tpu.sem_alloc : memref<!tpu.dma_semaphore, #tpu.memory_space<semaphore_mem>>
      %dma_start3A = arith.constant 0 : i32
      %dma_start3A_30 = arith.constant 0 : i32
      %dma_start3A_31 = tpu.memref_slice %arg9[%dma_start3A, %dma_start3A_30] : memref<128x128xbf16, #tpu.memory_space<vmem>> -> memref<128x128xbf16, #tpu.memory_space<vmem>>
      %dma_start3A_32 = arith.constant 0 : i32
      %dma_start3A_33 = tpu.memref_slice %arg2[%add3A_6, %dma_start3A_32] : memref<10240x128xbf16, #tpu.memory_space<hbm>> -> memref<128x128xbf16, #tpu.memory_space<hbm>>
      %dma_start3A_34 = arith.constant 0 : i32
      %dma_start3A_35 = arith.constant 0 : i32
      %dma_start3A_36 = tpu.memref_slice %arg9[%dma_start3A_34, %dma_start3A_35] : memref<128x128xbf16, #tpu.memory_space<vmem>> -> memref<128x128xbf16, #tpu.memory_space<vmem>>
      %dma_start3A_37 = arith.constant 0 : i32
      %dma_start3A_38 = tpu.memref_slice %arg2[%add3A_6, %dma_start3A_37] : memref<10240x128xbf16, #tpu.memory_space<hbm>> -> memref<128x128xbf16, #tpu.memory_space<hbm>>
      tpu.enqueue_dma source(%dma_start3A_38 : memref<128x128xbf16, #tpu.memory_space<hbm>>) target(%dma_start3A_36 : memref<128x128xbf16, #tpu.memory_space<vmem>>) target_semaphore(%run_scoped3A : memref<!tpu.dma_semaphore, #tpu.memory_space<semaphore_mem>>)
      %dma_wait3A = arith.constant 0 : i32
      %dma_wait3A_39 = arith.constant 0 : i32
      %dma_wait3A_40 = tpu.memref_slice %arg9[%dma_wait3A, %dma_wait3A_39] : memref<128x128xbf16, #tpu.memory_space<vmem>> -> memref<128x128xbf16, #tpu.memory_space<vmem>>
      %dma_wait3A_41 = arith.constant 0 : i32
      %dma_wait3A_42 = tpu.memref_slice %arg2[%add3A_6, %dma_wait3A_41] : memref<10240x128xbf16, #tpu.memory_space<hbm>> -> memref<128x128xbf16, #tpu.memory_space<hbm>>
      %dma_wait3A_43 = arith.constant 0 : i32
      %dma_wait3A_44 = arith.constant 0 : i32
      %dma_wait3A_45 = tpu.memref_slice %arg9[%dma_wait3A_43, %dma_wait3A_44] : memref<128x128xbf16, #tpu.memory_space<vmem>> -> memref<128x128xbf16, #tpu.memory_space<vmem>>
      %dma_wait3A_46 = arith.constant 0 : i32
      %dma_wait3A_47 = tpu.memref_slice %arg2[%add3A_6, %dma_wait3A_46] : memref<10240x128xbf16, #tpu.memory_space<hbm>> -> memref<128x128xbf16, #tpu.memory_space<hbm>>
      tpu.wait_dma2 semaphore(%run_scoped3A : memref<!tpu.dma_semaphore, #tpu.memory_space<semaphore_mem>>) src(%dma_wait3A_47 : memref<128x128xbf16, #tpu.memory_space<hbm>>) dst(%dma_wait3A_45 : memref<128x128xbf16, #tpu.memory_space<vmem>>)
      tpu.yield
    }) : () -> ()
    %add3A_7 = arith.constant 0 : i32
    %add3A_8 = arith.addi %mul3A_4, %add3A_7 : i32
    "tpu.region"() ({
      %run_scoped3A = tpu.sem_alloc : memref<!tpu.dma_semaphore, #tpu.memory_space<semaphore_mem>>
      %dma_start3A = arith.constant 0 : i32
      %dma_start3A_30 = arith.constant 0 : i32
      %dma_start3A_31 = tpu.memref_slice %arg9[%dma_start3A, %dma_start3A_30] : memref<128x128xbf16, #tpu.memory_space<vmem>> -> memref<128x128xbf16, #tpu.memory_space<vmem>>
      %dma_start3A_32 = arith.constant 0 : i32
      %dma_start3A_33 = tpu.memref_slice %arg13[%add3A_8, %dma_start3A_32] : memref<10240x128xbf16, #tpu.memory_space<vmem_shared>> -> memref<128x128xbf16, #tpu.memory_space<vmem_shared>>
      %dma_start3A_34 = arith.constant 0 : i32
      %dma_start3A_35 = tpu.memref_slice %arg13[%add3A_8, %dma_start3A_34] : memref<10240x128xbf16, #tpu.memory_space<vmem_shared>> -> memref<128x128xbf16, #tpu.memory_space<vmem_shared>>
      %dma_start3A_36 = arith.constant 0 : i32
      %dma_start3A_37 = arith.constant 0 : i32
      %dma_start3A_38 = tpu.memref_slice %arg9[%dma_start3A_36, %dma_start3A_37] : memref<128x128xbf16, #tpu.memory_space<vmem>> -> memref<128x128xbf16, #tpu.memory_space<vmem>>
      tpu.enqueue_dma source(%dma_start3A_38 : memref<128x128xbf16, #tpu.memory_space<vmem>>) target(%dma_start3A_35 : memref<128x128xbf16, #tpu.memory_space<vmem_shared>>) target_semaphore(%run_scoped3A : memref<!tpu.dma_semaphore, #tpu.memory_space<semaphore_mem>>)
      %dma_wait3A = arith.constant 0 : i32
      %dma_wait3A_39 = arith.constant 0 : i32
      %dma_wait3A_40 = tpu.memref_slice %arg9[%dma_wait3A, %dma_wait3A_39] : memref<128x128xbf16, #tpu.memory_space<vmem>> -> memref<128x128xbf16, #tpu.memory_space<vmem>>
      %dma_wait3A_41 = arith.constant 0 : i32
      %dma_wait3A_42 = tpu.memref_slice %arg13[%add3A_8, %dma_wait3A_41] : memref<10240x128xbf16, #tpu.memory_space<vmem_shared>> -> memref<128x128xbf16, #tpu.memory_space<vmem_shared>>
      %dma_wait3A_43 = arith.constant 0 : i32
      %dma_wait3A_44 = tpu.memref_slice %arg13[%add3A_8, %dma_wait3A_43] : memref<10240x128xbf16, #tpu.memory_space<vmem_shared>> -> memref<128x128xbf16, #tpu.memory_space<vmem_shared>>
      %dma_wait3A_45 = arith.constant 0 : i32
      %dma_wait3A_46 = arith.constant 0 : i32
      %dma_wait3A_47 = tpu.memref_slice %arg9[%dma_wait3A_45, %dma_wait3A_46] : memref<128x128xbf16, #tpu.memory_space<vmem>> -> memref<128x128xbf16, #tpu.memory_space<vmem>>
      tpu.wait_dma2 semaphore(%run_scoped3A : memref<!tpu.dma_semaphore, #tpu.memory_space<semaphore_mem>>) src(%dma_wait3A_47 : memref<128x128xbf16, #tpu.memory_space<vmem>>) dst(%dma_wait3A_44 : memref<128x128xbf16, #tpu.memory_space<vmem_shared>>)
      tpu.yield
    }) : () -> ()
    %add3A_9 = arith.constant 128 : i32
    %add3A_10 = arith.addi %mul3A_4, %add3A_9 : i32
    "tpu.region"() ({
      %run_scoped3A = tpu.sem_alloc : memref<!tpu.dma_semaphore, #tpu.memory_space<semaphore_mem>>
      %dma_start3A = arith.constant 0 : i32
      %dma_start3A_30 = arith.constant 0 : i32
      %dma_start3A_31 = tpu.memref_slice %arg9[%dma_start3A, %dma_start3A_30] : memref<128x128xbf16, #tpu.memory_space<vmem>> -> memref<128x128xbf16, #tpu.memory_space<vmem>>
      %dma_start3A_32 = arith.constant 0 : i32
      %dma_start3A_33 = tpu.memref_slice %arg2[%add3A_10, %dma_start3A_32] : memref<10240x128xbf16, #tpu.memory_space<hbm>> -> memref<128x128xbf16, #tpu.memory_space<hbm>>
      %dma_start3A_34 = arith.constant 0 : i32
      %dma_start3A_35 = arith.constant 0 : i32
      %dma_start3A_36 = tpu.memref_slice %arg9[%dma_start3A_34, %dma_start3A_35] : memref<128x128xbf16, #tpu.memory_space<vmem>> -> memref<128x128xbf16, #tpu.memory_space<vmem>>
      %dma_start3A_37 = arith.constant 0 : i32
      %dma_start3A_38 = tpu.memref_slice %arg2[%add3A_10, %dma_start3A_37] : memref<10240x128xbf16, #tpu.memory_space<hbm>> -> memref<128x128xbf16, #tpu.memory_space<hbm>>
      tpu.enqueue_dma source(%dma_start3A_38 : memref<128x128xbf16, #tpu.memory_space<hbm>>) target(%dma_start3A_36 : memref<128x128xbf16, #tpu.memory_space<vmem>>) target_semaphore(%run_scoped3A : memref<!tpu.dma_semaphore, #tpu.memory_space<semaphore_mem>>)
      %dma_wait3A = arith.constant 0 : i32
      %dma_wait3A_39 = arith.constant 0 : i32
      %dma_wait3A_40 = tpu.memref_slice %arg9[%dma_wait3A, %dma_wait3A_39] : memref<128x128xbf16, #tpu.memory_space<vmem>> -> memref<128x128xbf16, #tpu.memory_space<vmem>>
      %dma_wait3A_41 = arith.constant 0 : i32
      %dma_wait3A_42 = tpu.memref_slice %arg2[%add3A_10, %dma_wait3A_41] : memref<10240x128xbf16, #tpu.memory_space<hbm>> -> memref<128x128xbf16, #tpu.memory_space<hbm>>
      %dma_wait3A_43 = arith.constant 0 : i32
      %dma_wait3A_44 = arith.constant 0 : i32
      %dma_wait3A_45 = tpu.memref_slice %arg9[%dma_wait3A_43, %dma_wait3A_44] : memref<128x128xbf16, #tpu.memory_space<vmem>> -> memref<128x128xbf16, #tpu.memory_space<vmem>>
      %dma_wait3A_46 = arith.constant 0 : i32
      %dma_wait3A_47 = tpu.memref_slice %arg2[%add3A_10, %dma_wait3A_46] : memref<10240x128xbf16, #tpu.memory_space<hbm>> -> memref<128x128xbf16, #tpu.memory_space<hbm>>
      tpu.wait_dma2 semaphore(%run_scoped3A : memref<!tpu.dma_semaphore, #tpu.memory_space<semaphore_mem>>) src(%dma_wait3A_47 : memref<128x128xbf16, #tpu.memory_space<hbm>>) dst(%dma_wait3A_45 : memref<128x128xbf16, #tpu.memory_space<vmem>>)
      tpu.yield
    }) : () -> ()
    %add3A_11 = arith.constant 128 : i32
    %add3A_12 = arith.addi %mul3A_4, %add3A_11 : i32
    "tpu.region"() ({
      %run_scoped3A = tpu.sem_alloc : memref<!tpu.dma_semaphore, #tpu.memory_space<semaphore_mem>>
      %dma_start3A = arith.constant 0 : i32
      %dma_start3A_30 = arith.constant 0 : i32
      %dma_start3A_31 = tpu.memref_slice %arg9[%dma_start3A, %dma_start3A_30] : memref<128x128xbf16, #tpu.memory_space<vmem>> -> memref<128x128xbf16, #tpu.memory_space<vmem>>
      %dma_start3A_32 = arith.constant 0 : i32
      %dma_start3A_33 = tpu.memref_slice %arg13[%add3A_12, %dma_start3A_32] : memref<10240x128xbf16, #tpu.memory_space<vmem_shared>> -> memref<128x128xbf16, #tpu.memory_space<vmem_shared>>
      %dma_start3A_34 = arith.constant 0 : i32
      %dma_start3A_35 = tpu.memref_slice %arg13[%add3A_12, %dma_start3A_34] : memref<10240x128xbf16, #tpu.memory_space<vmem_shared>> -> memref<128x128xbf16, #tpu.memory_space<vmem_shared>>
      %dma_start3A_36 = arith.constant 0 : i32
      %dma_start3A_37 = arith.constant 0 : i32
      %dma_start3A_38 = tpu.memref_slice %arg9[%dma_start3A_36, %dma_start3A_37] : memref<128x128xbf16, #tpu.memory_space<vmem>> -> memref<128x128xbf16, #tpu.memory_space<vmem>>
      tpu.enqueue_dma source(%dma_start3A_38 : memref<128x128xbf16, #tpu.memory_space<vmem>>) target(%dma_start3A_35 : memref<128x128xbf16, #tpu.memory_space<vmem_shared>>) target_semaphore(%run_scoped3A : memref<!tpu.dma_semaphore, #tpu.memory_space<semaphore_mem>>)
      %dma_wait3A = arith.constant 0 : i32
      %dma_wait3A_39 = arith.constant 0 : i32
      %dma_wait3A_40 = tpu.memref_slice %arg9[%dma_wait3A, %dma_wait3A_39] : memref<128x128xbf16, #tpu.memory_space<vmem>> -> memref<128x128xbf16, #tpu.memory_space<vmem>>
      %dma_wait3A_41 = arith.constant 0 : i32
      %dma_wait3A_42 = tpu.memref_slice %arg13[%add3A_12, %dma_wait3A_41] : memref<10240x128xbf16, #tpu.memory_space<vmem_shared>> -> memref<128x128xbf16, #tpu.memory_space<vmem_shared>>
      %dma_wait3A_43 = arith.constant 0 : i32
      %dma_wait3A_44 = tpu.memref_slice %arg13[%add3A_12, %dma_wait3A_43] : memref<10240x128xbf16, #tpu.memory_space<vmem_shared>> -> memref<128x128xbf16, #tpu.memory_space<vmem_shared>>
      %dma_wait3A_45 = arith.constant 0 : i32
      %dma_wait3A_46 = arith.constant 0 : i32
      %dma_wait3A_47 = tpu.memref_slice %arg9[%dma_wait3A_45, %dma_wait3A_46] : memref<128x128xbf16, #tpu.memory_space<vmem>> -> memref<128x128xbf16, #tpu.memory_space<vmem>>
      tpu.wait_dma2 semaphore(%run_scoped3A : memref<!tpu.dma_semaphore, #tpu.memory_space<semaphore_mem>>) src(%dma_wait3A_47 : memref<128x128xbf16, #tpu.memory_space<vmem>>) dst(%dma_wait3A_44 : memref<128x128xbf16, #tpu.memory_space<vmem_shared>>)
      tpu.yield
    }) : () -> ()
    %add3A_13 = arith.constant 256 : i32
    %add3A_14 = arith.addi %mul3A_4, %add3A_13 : i32
    "tpu.region"() ({
      %run_scoped3A = tpu.sem_alloc : memref<!tpu.dma_semaphore, #tpu.memory_space<semaphore_mem>>
      %dma_start3A = arith.constant 0 : i32
      %dma_start3A_30 = arith.constant 0 : i32
      %dma_start3A_31 = tpu.memref_slice %arg9[%dma_start3A, %dma_start3A_30] : memref<128x128xbf16, #tpu.memory_space<vmem>> -> memref<128x128xbf16, #tpu.memory_space<vmem>>
      %dma_start3A_32 = arith.constant 0 : i32
      %dma_start3A_33 = tpu.memref_slice %arg2[%add3A_14, %dma_start3A_32] : memref<10240x128xbf16, #tpu.memory_space<hbm>> -> memref<128x128xbf16, #tpu.memory_space<hbm>>
      %dma_start3A_34 = arith.constant 0 : i32
      %dma_start3A_35 = arith.constant 0 : i32
      %dma_start3A_36 = tpu.memref_slice %arg9[%dma_start3A_34, %dma_start3A_35] : memref<128x128xbf16, #tpu.memory_space<vmem>> -> memref<128x128xbf16, #tpu.memory_space<vmem>>
      %dma_start3A_37 = arith.constant 0 : i32
      %dma_start3A_38 = tpu.memref_slice %arg2[%add3A_14, %dma_start3A_37] : memref<10240x128xbf16, #tpu.memory_space<hbm>> -> memref<128x128xbf16, #tpu.memory_space<hbm>>
      tpu.enqueue_dma source(%dma_start3A_38 : memref<128x128xbf16, #tpu.memory_space<hbm>>) target(%dma_start3A_36 : memref<128x128xbf16, #tpu.memory_space<vmem>>) target_semaphore(%run_scoped3A : memref<!tpu.dma_semaphore, #tpu.memory_space<semaphore_mem>>)
      %dma_wait3A = arith.constant 0 : i32
      %dma_wait3A_39 = arith.constant 0 : i32
      %dma_wait3A_40 = tpu.memref_slice %arg9[%dma_wait3A, %dma_wait3A_39] : memref<128x128xbf16, #tpu.memory_space<vmem>> -> memref<128x128xbf16, #tpu.memory_space<vmem>>
      %dma_wait3A_41 = arith.constant 0 : i32
      %dma_wait3A_42 = tpu.memref_slice %arg2[%add3A_14, %dma_wait3A_41] : memref<10240x128xbf16, #tpu.memory_space<hbm>> -> memref<128x128xbf16, #tpu.memory_space<hbm>>
      %dma_wait3A_43 = arith.constant 0 : i32
      %dma_wait3A_44 = arith.constant 0 : i32
      %dma_wait3A_45 = tpu.memref_slice %arg9[%dma_wait3A_43, %dma_wait3A_44] : memref<128x128xbf16, #tpu.memory_space<vmem>> -> memref<128x128xbf16, #tpu.memory_space<vmem>>
      %dma_wait3A_46 = arith.constant 0 : i32
      %dma_wait3A_47 = tpu.memref_slice %arg2[%add3A_14, %dma_wait3A_46] : memref<10240x128xbf16, #tpu.memory_space<hbm>> -> memref<128x128xbf16, #tpu.memory_space<hbm>>
      tpu.wait_dma2 semaphore(%run_scoped3A : memref<!tpu.dma_semaphore, #tpu.memory_space<semaphore_mem>>) src(%dma_wait3A_47 : memref<128x128xbf16, #tpu.memory_space<hbm>>) dst(%dma_wait3A_45 : memref<128x128xbf16, #tpu.memory_space<vmem>>)
      tpu.yield
    }) : () -> ()
    %add3A_15 = arith.constant 256 : i32
    %add3A_16 = arith.addi %mul3A_4, %add3A_15 : i32
    "tpu.region"() ({
      %run_scoped3A = tpu.sem_alloc : memref<!tpu.dma_semaphore, #tpu.memory_space<semaphore_mem>>
      %dma_start3A = arith.constant 0 : i32
      %dma_start3A_30 = arith.constant 0 : i32
      %dma_start3A_31 = tpu.memref_slice %arg9[%dma_start3A, %dma_start3A_30] : memref<128x128xbf16, #tpu.memory_space<vmem>> -> memref<128x128xbf16, #tpu.memory_space<vmem>>
      %dma_start3A_32 = arith.constant 0 : i32
      %dma_start3A_33 = tpu.memref_slice %arg13[%add3A_16, %dma_start3A_32] : memref<10240x128xbf16, #tpu.memory_space<vmem_shared>> -> memref<128x128xbf16, #tpu.memory_space<vmem_shared>>
      %dma_start3A_34 = arith.constant 0 : i32
      %dma_start3A_35 = tpu.memref_slice %arg13[%add3A_16, %dma_start3A_34] : memref<10240x128xbf16, #tpu.memory_space<vmem_shared>> -> memref<128x128xbf16, #tpu.memory_space<vmem_shared>>
      %dma_start3A_36 = arith.constant 0 : i32
      %dma_start3A_37 = arith.constant 0 : i32
      %dma_start3A_38 = tpu.memref_slice %arg9[%dma_start3A_36, %dma_start3A_37] : memref<128x128xbf16, #tpu.memory_space<vmem>> -> memref<128x128xbf16, #tpu.memory_space<vmem>>
      tpu.enqueue_dma source(%dma_start3A_38 : memref<128x128xbf16, #tpu.memory_space<vmem>>) target(%dma_start3A_35 : memref<128x128xbf16, #tpu.memory_space<vmem_shared>>) target_semaphore(%run_scoped3A : memref<!tpu.dma_semaphore, #tpu.memory_space<semaphore_mem>>)
      %dma_wait3A = arith.constant 0 : i32
      %dma_wait3A_39 = arith.constant 0 : i32
      %dma_wait3A_40 = tpu.memref_slice %arg9[%dma_wait3A, %dma_wait3A_39] : memref<128x128xbf16, #tpu.memory_space<vmem>> -> memref<128x128xbf16, #tpu.memory_space<vmem>>
      %dma_wait3A_41 = arith.constant 0 : i32
      %dma_wait3A_42 = tpu.memref_slice %arg13[%add3A_16, %dma_wait3A_41] : memref<10240x128xbf16, #tpu.memory_space<vmem_shared>> -> memref<128x128xbf16, #tpu.memory_space<vmem_shared>>
      %dma_wait3A_43 = arith.constant 0 : i32
      %dma_wait3A_44 = tpu.memref_slice %arg13[%add3A_16, %dma_wait3A_43] : memref<10240x128xbf16, #tpu.memory_space<vmem_shared>> -> memref<128x128xbf16, #tpu.memory_space<vmem_shared>>
      %dma_wait3A_45 = arith.constant 0 : i32
      %dma_wait3A_46 = arith.constant 0 : i32
      %dma_wait3A_47 = tpu.memref_slice %arg9[%dma_wait3A_45, %dma_wait3A_46] : memref<128x128xbf16, #tpu.memory_space<vmem>> -> memref<128x128xbf16, #tpu.memory_space<vmem>>
      tpu.wait_dma2 semaphore(%run_scoped3A : memref<!tpu.dma_semaphore, #tpu.memory_space<semaphore_mem>>) src(%dma_wait3A_47 : memref<128x128xbf16, #tpu.memory_space<vmem>>) dst(%dma_wait3A_44 : memref<128x128xbf16, #tpu.memory_space<vmem_shared>>)
      tpu.yield
    }) : () -> ()
    %add3A_17 = arith.constant 384 : i32
    %add3A_18 = arith.addi %mul3A_4, %add3A_17 : i32
    "tpu.region"() ({
      %run_scoped3A = tpu.sem_alloc : memref<!tpu.dma_semaphore, #tpu.memory_space<semaphore_mem>>
      %dma_start3A = arith.constant 0 : i32
      %dma_start3A_30 = arith.constant 0 : i32
      %dma_start3A_31 = tpu.memref_slice %arg9[%dma_start3A, %dma_start3A_30] : memref<128x128xbf16, #tpu.memory_space<vmem>> -> memref<128x128xbf16, #tpu.memory_space<vmem>>
      %dma_start3A_32 = arith.constant 0 : i32
      %dma_start3A_33 = tpu.memref_slice %arg2[%add3A_18, %dma_start3A_32] : memref<10240x128xbf16, #tpu.memory_space<hbm>> -> memref<128x128xbf16, #tpu.memory_space<hbm>>
      %dma_start3A_34 = arith.constant 0 : i32
      %dma_start3A_35 = arith.constant 0 : i32
      %dma_start3A_36 = tpu.memref_slice %arg9[%dma_start3A_34, %dma_start3A_35] : memref<128x128xbf16, #tpu.memory_space<vmem>> -> memref<128x128xbf16, #tpu.memory_space<vmem>>
      %dma_start3A_37 = arith.constant 0 : i32
      %dma_start3A_38 = tpu.memref_slice %arg2[%add3A_18, %dma_start3A_37] : memref<10240x128xbf16, #tpu.memory_space<hbm>> -> memref<128x128xbf16, #tpu.memory_space<hbm>>
      tpu.enqueue_dma source(%dma_start3A_38 : memref<128x128xbf16, #tpu.memory_space<hbm>>) target(%dma_start3A_36 : memref<128x128xbf16, #tpu.memory_space<vmem>>) target_semaphore(%run_scoped3A : memref<!tpu.dma_semaphore, #tpu.memory_space<semaphore_mem>>)
      %dma_wait3A = arith.constant 0 : i32
      %dma_wait3A_39 = arith.constant 0 : i32
      %dma_wait3A_40 = tpu.memref_slice %arg9[%dma_wait3A, %dma_wait3A_39] : memref<128x128xbf16, #tpu.memory_space<vmem>> -> memref<128x128xbf16, #tpu.memory_space<vmem>>
      %dma_wait3A_41 = arith.constant 0 : i32
      %dma_wait3A_42 = tpu.memref_slice %arg2[%add3A_18, %dma_wait3A_41] : memref<10240x128xbf16, #tpu.memory_space<hbm>> -> memref<128x128xbf16, #tpu.memory_space<hbm>>
      %dma_wait3A_43 = arith.constant 0 : i32
      %dma_wait3A_44 = arith.constant 0 : i32
      %dma_wait3A_45 = tpu.memref_slice %arg9[%dma_wait3A_43, %dma_wait3A_44] : memref<128x128xbf16, #tpu.memory_space<vmem>> -> memref<128x128xbf16, #tpu.memory_space<vmem>>
      %dma_wait3A_46 = arith.constant 0 : i32
      %dma_wait3A_47 = tpu.memref_slice %arg2[%add3A_18, %dma_wait3A_46] : memref<10240x128xbf16, #tpu.memory_space<hbm>> -> memref<128x128xbf16, #tpu.memory_space<hbm>>
      tpu.wait_dma2 semaphore(%run_scoped3A : memref<!tpu.dma_semaphore, #tpu.memory_space<semaphore_mem>>) src(%dma_wait3A_47 : memref<128x128xbf16, #tpu.memory_space<hbm>>) dst(%dma_wait3A_45 : memref<128x128xbf16, #tpu.memory_space<vmem>>)
      tpu.yield
    }) : () -> ()
    %add3A_19 = arith.constant 384 : i32
    %add3A_20 = arith.addi %mul3A_4, %add3A_19 : i32
    "tpu.region"() ({
      %run_scoped3A = tpu.sem_alloc : memref<!tpu.dma_semaphore, #tpu.memory_space<semaphore_mem>>
      %dma_start3A = arith.constant 0 : i32
      %dma_start3A_30 = arith.constant 0 : i32
      %dma_start3A_31 = tpu.memref_slice %arg9[%dma_start3A, %dma_start3A_30] : memref<128x128xbf16, #tpu.memory_space<vmem>> -> memref<128x128xbf16, #tpu.memory_space<vmem>>
      %dma_start3A_32 = arith.constant 0 : i32
      %dma_start3A_33 = tpu.memref_slice %arg13[%add3A_20, %dma_start3A_32] : memref<10240x128xbf16, #tpu.memory_space<vmem_shared>> -> memref<128x128xbf16, #tpu.memory_space<vmem_shared>>
      %dma_start3A_34 = arith.constant 0 : i32
      %dma_start3A_35 = tpu.memref_slice %arg13[%add3A_20, %dma_start3A_34] : memref<10240x128xbf16, #tpu.memory_space<vmem_shared>> -> memref<128x128xbf16, #tpu.memory_space<vmem_shared>>
      %dma_start3A_36 = arith.constant 0 : i32
      %dma_start3A_37 = arith.constant 0 : i32
      %dma_start3A_38 = tpu.memref_slice %arg9[%dma_start3A_36, %dma_start3A_37] : memref<128x128xbf16, #tpu.memory_space<vmem>> -> memref<128x128xbf16, #tpu.memory_space<vmem>>
      tpu.enqueue_dma source(%dma_start3A_38 : memref<128x128xbf16, #tpu.memory_space<vmem>>) target(%dma_start3A_35 : memref<128x128xbf16, #tpu.memory_space<vmem_shared>>) target_semaphore(%run_scoped3A : memref<!tpu.dma_semaphore, #tpu.memory_space<semaphore_mem>>)
      %dma_wait3A = arith.constant 0 : i32
      %dma_wait3A_39 = arith.constant 0 : i32
      %dma_wait3A_40 = tpu.memref_slice %arg9[%dma_wait3A, %dma_wait3A_39] : memref<128x128xbf16, #tpu.memory_space<vmem>> -> memref<128x128xbf16, #tpu.memory_space<vmem>>
      %dma_wait3A_41 = arith.constant 0 : i32
      %dma_wait3A_42 = tpu.memref_slice %arg13[%add3A_20, %dma_wait3A_41] : memref<10240x128xbf16, #tpu.memory_space<vmem_shared>> -> memref<128x128xbf16, #tpu.memory_space<vmem_shared>>
      %dma_wait3A_43 = arith.constant 0 : i32
      %dma_wait3A_44 = tpu.memref_slice %arg13[%add3A_20, %dma_wait3A_43] : memref<10240x128xbf16, #tpu.memory_space<vmem_shared>> -> memref<128x128xbf16, #tpu.memory_space<vmem_shared>>
      %dma_wait3A_45 = arith.constant 0 : i32
      %dma_wait3A_46 = arith.constant 0 : i32
      %dma_wait3A_47 = tpu.memref_slice %arg9[%dma_wait3A_45, %dma_wait3A_46] : memref<128x128xbf16, #tpu.memory_space<vmem>> -> memref<128x128xbf16, #tpu.memory_space<vmem>>
      tpu.wait_dma2 semaphore(%run_scoped3A : memref<!tpu.dma_semaphore, #tpu.memory_space<semaphore_mem>>) src(%dma_wait3A_47 : memref<128x128xbf16, #tpu.memory_space<vmem>>) dst(%dma_wait3A_44 : memref<128x128xbf16, #tpu.memory_space<vmem_shared>>)
      tpu.yield
    }) : () -> ()
    %add3A_21 = arith.constant 512 : i32
    %add3A_22 = arith.addi %mul3A_4, %add3A_21 : i32
    "tpu.region"() ({
      %run_scoped3A = tpu.sem_alloc : memref<!tpu.dma_semaphore, #tpu.memory_space<semaphore_mem>>
      %dma_start3A = arith.constant 0 : i32
      %dma_start3A_30 = arith.constant 0 : i32
      %dma_start3A_31 = tpu.memref_slice %arg9[%dma_start3A, %dma_start3A_30] : memref<128x128xbf16, #tpu.memory_space<vmem>> -> memref<128x128xbf16, #tpu.memory_space<vmem>>
      %dma_start3A_32 = arith.constant 0 : i32
      %dma_start3A_33 = tpu.memref_slice %arg2[%add3A_22, %dma_start3A_32] : memref<10240x128xbf16, #tpu.memory_space<hbm>> -> memref<128x128xbf16, #tpu.memory_space<hbm>>
      %dma_start3A_34 = arith.constant 0 : i32
      %dma_start3A_35 = arith.constant 0 : i32
      %dma_start3A_36 = tpu.memref_slice %arg9[%dma_start3A_34, %dma_start3A_35] : memref<128x128xbf16, #tpu.memory_space<vmem>> -> memref<128x128xbf16, #tpu.memory_space<vmem>>
      %dma_start3A_37 = arith.constant 0 : i32
      %dma_start3A_38 = tpu.memref_slice %arg2[%add3A_22, %dma_start3A_37] : memref<10240x128xbf16, #tpu.memory_space<hbm>> -> memref<128x128xbf16, #tpu.memory_space<hbm>>
      tpu.enqueue_dma source(%dma_start3A_38 : memref<128x128xbf16, #tpu.memory_space<hbm>>) target(%dma_start3A_36 : memref<128x128xbf16, #tpu.memory_space<vmem>>) target_semaphore(%run_scoped3A : memref<!tpu.dma_semaphore, #tpu.memory_space<semaphore_mem>>)
      %dma_wait3A = arith.constant 0 : i32
      %dma_wait3A_39 = arith.constant 0 : i32
      %dma_wait3A_40 = tpu.memref_slice %arg9[%dma_wait3A, %dma_wait3A_39] : memref<128x128xbf16, #tpu.memory_space<vmem>> -> memref<128x128xbf16, #tpu.memory_space<vmem>>
      %dma_wait3A_41 = arith.constant 0 : i32
      %dma_wait3A_42 = tpu.memref_slice %arg2[%add3A_22, %dma_wait3A_41] : memref<10240x128xbf16, #tpu.memory_space<hbm>> -> memref<128x128xbf16, #tpu.memory_space<hbm>>
      %dma_wait3A_43 = arith.constant 0 : i32
      %dma_wait3A_44 = arith.constant 0 : i32
      %dma_wait3A_45 = tpu.memref_slice %arg9[%dma_wait3A_43, %dma_wait3A_44] : memref<128x128xbf16, #tpu.memory_space<vmem>> -> memref<128x128xbf16, #tpu.memory_space<vmem>>
      %dma_wait3A_46 = arith.constant 0 : i32
      %dma_wait3A_47 = tpu.memref_slice %arg2[%add3A_22, %dma_wait3A_46] : memref<10240x128xbf16, #tpu.memory_space<hbm>> -> memref<128x128xbf16, #tpu.memory_space<hbm>>
      tpu.wait_dma2 semaphore(%run_scoped3A : memref<!tpu.dma_semaphore, #tpu.memory_space<semaphore_mem>>) src(%dma_wait3A_47 : memref<128x128xbf16, #tpu.memory_space<hbm>>) dst(%dma_wait3A_45 : memref<128x128xbf16, #tpu.memory_space<vmem>>)
      tpu.yield
    }) : () -> ()
    %add3A_23 = arith.constant 512 : i32
    %add3A_24 = arith.addi %mul3A_4, %add3A_23 : i32
    "tpu.region"() ({
      %run_scoped3A = tpu.sem_alloc : memref<!tpu.dma_semaphore, #tpu.memory_space<semaphore_mem>>
      %dma_start3A = arith.constant 0 : i32
      %dma_start3A_30 = arith.constant 0 : i32
      %dma_start3A_31 = tpu.memref_slice %arg9[%dma_start3A, %dma_start3A_30] : memref<128x128xbf16, #tpu.memory_space<vmem>> -> memref<128x128xbf16, #tpu.memory_space<vmem>>
      %dma_start3A_32 = arith.constant 0 : i32
      %dma_start3A_33 = tpu.memref_slice %arg13[%add3A_24, %dma_start3A_32] : memref<10240x128xbf16, #tpu.memory_space<vmem_shared>> -> memref<128x128xbf16, #tpu.memory_space<vmem_shared>>
      %dma_start3A_34 = arith.constant 0 : i32
      %dma_start3A_35 = tpu.memref_slice %arg13[%add3A_24, %dma_start3A_34] : memref<10240x128xbf16, #tpu.memory_space<vmem_shared>> -> memref<128x128xbf16, #tpu.memory_space<vmem_shared>>
      %dma_start3A_36 = arith.constant 0 : i32
      %dma_start3A_37 = arith.constant 0 : i32
      %dma_start3A_38 = tpu.memref_slice %arg9[%dma_start3A_36, %dma_start3A_37] : memref<128x128xbf16, #tpu.memory_space<vmem>> -> memref<128x128xbf16, #tpu.memory_space<vmem>>
      tpu.enqueue_dma source(%dma_start3A_38 : memref<128x128xbf16, #tpu.memory_space<vmem>>) target(%dma_start3A_35 : memref<128x128xbf16, #tpu.memory_space<vmem_shared>>) target_semaphore(%run_scoped3A : memref<!tpu.dma_semaphore, #tpu.memory_space<semaphore_mem>>)
      %dma_wait3A = arith.constant 0 : i32
      %dma_wait3A_39 = arith.constant 0 : i32
      %dma_wait3A_40 = tpu.memref_slice %arg9[%dma_wait3A, %dma_wait3A_39] : memref<128x128xbf16, #tpu.memory_space<vmem>> -> memref<128x128xbf16, #tpu.memory_space<vmem>>
      %dma_wait3A_41 = arith.constant 0 : i32
      %dma_wait3A_42 = tpu.memref_slice %arg13[%add3A_24, %dma_wait3A_41] : memref<10240x128xbf16, #tpu.memory_space<vmem_shared>> -> memref<128x128xbf16, #tpu.memory_space<vmem_shared>>
      %dma_wait3A_43 = arith.constant 0 : i32
      %dma_wait3A_44 = tpu.memref_slice %arg13[%add3A_24, %dma_wait3A_43] : memref<10240x128xbf16, #tpu.memory_space<vmem_shared>> -> memref<128x128xbf16, #tpu.memory_space<vmem_shared>>
      %dma_wait3A_45 = arith.constant 0 : i32
      %dma_wait3A_46 = arith.constant 0 : i32
      %dma_wait3A_47 = tpu.memref_slice %arg9[%dma_wait3A_45, %dma_wait3A_46] : memref<128x128xbf16, #tpu.memory_space<vmem>> -> memref<128x128xbf16, #tpu.memory_space<vmem>>
      tpu.wait_dma2 semaphore(%run_scoped3A : memref<!tpu.dma_semaphore, #tpu.memory_space<semaphore_mem>>) src(%dma_wait3A_47 : memref<128x128xbf16, #tpu.memory_space<vmem>>) dst(%dma_wait3A_44 : memref<128x128xbf16, #tpu.memory_space<vmem_shared>>)
      tpu.yield
    }) : () -> ()
    %barrier3A = arith.constant 0 : index
    tpu.barrier barrier_id(%barrier3A)
    %scan3A = arith.constant 0 : i32
    %scan3A_25 = arith.constant 0 : i32
    %scan3A_26 = arith.constant 40 : i32
    %scan3A_27 = arith.addi %scan3A_25, %scan3A_26 : i32
    %scan3A_28 = arith.constant 1 : i32
    scf.for %scan3A_30 = %scan3A_25 to %scan3A_27 step %scan3A_28  : i32 {
      %mul3A_31 = arith.constant 2 : i32
      %mul3A_32 = arith.muli %mul3A_31, %scan3A_30 : i32
      %add3A_33 = arith.constant 0 : i32
      %add3A_34 = arith.addi %mul3A_32, %add3A_33 : i32
      %dma_start3A = arith.constant 0 : i32
      %dma_start3A_35 = tpu.memref_slice %arg7[%add3A_34, %dma_start3A] : memref<80x128xi32, #tpu.memory_space<vmem>> -> memref<1x128xi32, #tpu.memory_space<vmem>>
      %dma_start3A_36 = tpu.memref_squeeze %dma_start3A_35 : memref<1x128xi32, #tpu.memory_space<vmem>> -> memref<128xi32, #tpu.memory_space<vmem>>
      %dma_start3A_37 = arith.constant 0 : i32
      %dma_start3A_38 = arith.constant 0 : i32
      %dma_start3A_39 = tpu.memref_slice %arg13[%dma_start3A_37, %dma_start3A_38] : memref<10240x128xbf16, #tpu.memory_space<vmem_shared>> -> memref<10240x128xbf16, #tpu.memory_space<vmem_shared>>
      tpu.enqueue_indirect_dma source(%dma_start3A_39 : memref<10240x128xbf16, #tpu.memory_space<vmem_shared>>) target(%arg9 : memref<128x128xbf16, #tpu.memory_space<vmem>>) offsets(%dma_start3A_36 : memref<128xi32, #tpu.memory_space<vmem>>) semaphore(%arg14 : memref<!tpu.dma_semaphore, #tpu.memory_space<semaphore_mem>>)
      %dma_start3A_40 = arith.constant 0 : i32
      %dma_start3A_41 = tpu.memref_slice %arg8[%add3A_34, %dma_start3A_40] : memref<80x128xi32, #tpu.memory_space<vmem>> -> memref<1x128xi32, #tpu.memory_space<vmem>>
      %dma_start3A_42 = tpu.memref_squeeze %dma_start3A_41 : memref<1x128xi32, #tpu.memory_space<vmem>> -> memref<128xi32, #tpu.memory_space<vmem>>
      %dma_start3A_43 = arith.constant 0 : i32
      %dma_start3A_44 = arith.constant 0 : i32
      %dma_start3A_45 = tpu.memref_slice %arg13[%dma_start3A_43, %dma_start3A_44] : memref<10240x128xbf16, #tpu.memory_space<vmem_shared>> -> memref<10240x128xbf16, #tpu.memory_space<vmem_shared>>
      tpu.enqueue_indirect_dma source(%dma_start3A_45 : memref<10240x128xbf16, #tpu.memory_space<vmem_shared>>) target(%arg11 : memref<128x128xbf16, #tpu.memory_space<vmem>>) offsets(%dma_start3A_42 : memref<128xi32, #tpu.memory_space<vmem>>) semaphore(%arg16 : memref<!tpu.dma_semaphore, #tpu.memory_space<semaphore_mem>>)
      %mul3A_46 = arith.constant 2 : i32
      %mul3A_47 = arith.muli %mul3A_46, %scan3A_30 : i32
      %add3A_48 = arith.constant 1 : i32
      %add3A_49 = arith.addi %mul3A_47, %add3A_48 : i32
      %dma_start3A_50 = arith.constant 0 : i32
      %dma_start3A_51 = tpu.memref_slice %arg7[%add3A_49, %dma_start3A_50] : memref<80x128xi32, #tpu.memory_space<vmem>> -> memref<1x128xi32, #tpu.memory_space<vmem>>
      %dma_start3A_52 = tpu.memref_squeeze %dma_start3A_51 : memref<1x128xi32, #tpu.memory_space<vmem>> -> memref<128xi32, #tpu.memory_space<vmem>>
      %dma_start3A_53 = arith.constant 0 : i32
      %dma_start3A_54 = arith.constant 0 : i32
      %dma_start3A_55 = tpu.memref_slice %arg13[%dma_start3A_53, %dma_start3A_54] : memref<10240x128xbf16, #tpu.memory_space<vmem_shared>> -> memref<10240x128xbf16, #tpu.memory_space<vmem_shared>>
      tpu.enqueue_indirect_dma source(%dma_start3A_55 : memref<10240x128xbf16, #tpu.memory_space<vmem_shared>>) target(%arg10 : memref<128x128xbf16, #tpu.memory_space<vmem>>) offsets(%dma_start3A_52 : memref<128xi32, #tpu.memory_space<vmem>>) semaphore(%arg15 : memref<!tpu.dma_semaphore, #tpu.memory_space<semaphore_mem>>)
      %dma_start3A_56 = arith.constant 0 : i32
      %dma_start3A_57 = tpu.memref_slice %arg8[%add3A_49, %dma_start3A_56] : memref<80x128xi32, #tpu.memory_space<vmem>> -> memref<1x128xi32, #tpu.memory_space<vmem>>
      %dma_start3A_58 = tpu.memref_squeeze %dma_start3A_57 : memref<1x128xi32, #tpu.memory_space<vmem>> -> memref<128xi32, #tpu.memory_space<vmem>>
      %dma_start3A_59 = arith.constant 0 : i32
      %dma_start3A_60 = arith.constant 0 : i32
      %dma_start3A_61 = tpu.memref_slice %arg13[%dma_start3A_59, %dma_start3A_60] : memref<10240x128xbf16, #tpu.memory_space<vmem_shared>> -> memref<10240x128xbf16, #tpu.memory_space<vmem_shared>>
      tpu.enqueue_indirect_dma source(%dma_start3A_61 : memref<10240x128xbf16, #tpu.memory_space<vmem_shared>>) target(%arg12 : memref<128x128xbf16, #tpu.memory_space<vmem>>) offsets(%dma_start3A_58 : memref<128xi32, #tpu.memory_space<vmem>>) semaphore(%arg17 : memref<!tpu.dma_semaphore, #tpu.memory_space<semaphore_mem>>)
      %mul3A_62 = arith.constant 2 : i32
      %mul3A_63 = arith.muli %mul3A_62, %scan3A_30 : i32
      %add3A_64 = arith.constant 0 : i32
      %add3A_65 = arith.addi %mul3A_63, %add3A_64 : i32
      %dma_wait3A = arith.constant 0 : i32
      %dma_wait3A_66 = tpu.memref_slice %arg7[%add3A_34, %dma_wait3A] : memref<80x128xi32, #tpu.memory_space<vmem>> -> memref<1x128xi32, #tpu.memory_space<vmem>>
      %dma_wait3A_67 = tpu.memref_squeeze %dma_wait3A_66 : memref<1x128xi32, #tpu.memory_space<vmem>> -> memref<128xi32, #tpu.memory_space<vmem>>
      %dma_wait3A_68 = arith.constant 0 : i32
      %dma_wait3A_69 = arith.constant 0 : i32
      %dma_wait3A_70 = tpu.memref_slice %arg13[%dma_wait3A_68, %dma_wait3A_69] : memref<10240x128xbf16, #tpu.memory_space<vmem_shared>> -> memref<10240x128xbf16, #tpu.memory_space<vmem_shared>>
      tpu.wait_indirect_dma semaphore(%arg14 : memref<!tpu.dma_semaphore, #tpu.memory_space<semaphore_mem>>) src(%dma_wait3A_70 : memref<10240x128xbf16, #tpu.memory_space<vmem_shared>>) dst(%arg9 : memref<128x128xbf16, #tpu.memory_space<vmem>>)
      %mul3A_71 = arith.constant 128 : i32
      %mul3A_72 = arith.muli %add3A_65, %mul3A_71 : i32
      %add3A_73 = arith.addi %mul3A_2, %mul3A_72 : i32
      %dma_start3A_74 = arith.constant 0 : i32
      %dma_start3A_75 = tpu.memref_slice %arg5[%add3A_73, %dma_start3A_74] : memref<327680x128xbf16, #tpu.memory_space<hbm>> -> memref<128x128xbf16, #tpu.memory_space<hbm>>
      %dma_start3A_76 = arith.constant 0 : i32
      %dma_start3A_77 = tpu.memref_slice %arg5[%add3A_73, %dma_start3A_76] : memref<327680x128xbf16, #tpu.memory_space<hbm>> -> memref<128x128xbf16, #tpu.memory_space<hbm>>
      tpu.enqueue_dma source(%arg9 : memref<128x128xbf16, #tpu.memory_space<vmem>>) target(%dma_start3A_77 : memref<128x128xbf16, #tpu.memory_space<hbm>>) target_semaphore(%arg18 : memref<!tpu.dma_semaphore, #tpu.memory_space<semaphore_mem>>)
      %dma_wait3A_78 = arith.constant 0 : i32
      %dma_wait3A_79 = tpu.memref_slice %arg8[%add3A_34, %dma_wait3A_78] : memref<80x128xi32, #tpu.memory_space<vmem>> -> memref<1x128xi32, #tpu.memory_space<vmem>>
      %dma_wait3A_80 = tpu.memref_squeeze %dma_wait3A_79 : memref<1x128xi32, #tpu.memory_space<vmem>> -> memref<128xi32, #tpu.memory_space<vmem>>
      %dma_wait3A_81 = arith.constant 0 : i32
      %dma_wait3A_82 = arith.constant 0 : i32
      %dma_wait3A_83 = tpu.memref_slice %arg13[%dma_wait3A_81, %dma_wait3A_82] : memref<10240x128xbf16, #tpu.memory_space<vmem_shared>> -> memref<10240x128xbf16, #tpu.memory_space<vmem_shared>>
      tpu.wait_indirect_dma semaphore(%arg16 : memref<!tpu.dma_semaphore, #tpu.memory_space<semaphore_mem>>) src(%dma_wait3A_83 : memref<10240x128xbf16, #tpu.memory_space<vmem_shared>>) dst(%arg11 : memref<128x128xbf16, #tpu.memory_space<vmem>>)
      %mul3A_84 = arith.constant 128 : i32
      %mul3A_85 = arith.muli %add3A_65, %mul3A_84 : i32
      %add3A_86 = arith.addi %mul3A_2, %mul3A_85 : i32
      %dma_start3A_87 = arith.constant 0 : i32
      %dma_start3A_88 = tpu.memref_slice %arg6[%add3A_86, %dma_start3A_87] : memref<327680x128xbf16, #tpu.memory_space<hbm>> -> memref<128x128xbf16, #tpu.memory_space<hbm>>
      %dma_start3A_89 = arith.constant 0 : i32
      %dma_start3A_90 = tpu.memref_slice %arg6[%add3A_86, %dma_start3A_89] : memref<327680x128xbf16, #tpu.memory_space<hbm>> -> memref<128x128xbf16, #tpu.memory_space<hbm>>
      tpu.enqueue_dma source(%arg11 : memref<128x128xbf16, #tpu.memory_space<vmem>>) target(%dma_start3A_90 : memref<128x128xbf16, #tpu.memory_space<hbm>>) target_semaphore(%arg18 : memref<!tpu.dma_semaphore, #tpu.memory_space<semaphore_mem>>)
      %mul3A_91 = arith.constant 2 : i32
      %mul3A_92 = arith.muli %mul3A_91, %scan3A_30 : i32
      %add3A_93 = arith.constant 1 : i32
      %add3A_94 = arith.addi %mul3A_92, %add3A_93 : i32
      %dma_wait3A_95 = arith.constant 0 : i32
      %dma_wait3A_96 = tpu.memref_slice %arg7[%add3A_49, %dma_wait3A_95] : memref<80x128xi32, #tpu.memory_space<vmem>> -> memref<1x128xi32, #tpu.memory_space<vmem>>
      %dma_wait3A_97 = tpu.memref_squeeze %dma_wait3A_96 : memref<1x128xi32, #tpu.memory_space<vmem>> -> memref<128xi32, #tpu.memory_space<vmem>>
      %dma_wait3A_98 = arith.constant 0 : i32
      %dma_wait3A_99 = arith.constant 0 : i32
      %dma_wait3A_100 = tpu.memref_slice %arg13[%dma_wait3A_98, %dma_wait3A_99] : memref<10240x128xbf16, #tpu.memory_space<vmem_shared>> -> memref<10240x128xbf16, #tpu.memory_space<vmem_shared>>
      tpu.wait_indirect_dma semaphore(%arg15 : memref<!tpu.dma_semaphore, #tpu.memory_space<semaphore_mem>>) src(%dma_wait3A_100 : memref<10240x128xbf16, #tpu.memory_space<vmem_shared>>) dst(%arg10 : memref<128x128xbf16, #tpu.memory_space<vmem>>)
      %mul3A_101 = arith.constant 128 : i32
      %mul3A_102 = arith.muli %add3A_94, %mul3A_101 : i32
      %add3A_103 = arith.addi %mul3A_2, %mul3A_102 : i32
      %dma_start3A_104 = arith.constant 0 : i32
      %dma_start3A_105 = tpu.memref_slice %arg5[%add3A_103, %dma_start3A_104] : memref<327680x128xbf16, #tpu.memory_space<hbm>> -> memref<128x128xbf16, #tpu.memory_space<hbm>>
      %dma_start3A_106 = arith.constant 0 : i32
      %dma_start3A_107 = tpu.memref_slice %arg5[%add3A_103, %dma_start3A_106] : memref<327680x128xbf16, #tpu.memory_space<hbm>> -> memref<128x128xbf16, #tpu.memory_space<hbm>>
      tpu.enqueue_dma source(%arg10 : memref<128x128xbf16, #tpu.memory_space<vmem>>) target(%dma_start3A_107 : memref<128x128xbf16, #tpu.memory_space<hbm>>) target_semaphore(%arg18 : memref<!tpu.dma_semaphore, #tpu.memory_space<semaphore_mem>>)
      %dma_wait3A_108 = arith.constant 0 : i32
      %dma_wait3A_109 = tpu.memref_slice %arg8[%add3A_49, %dma_wait3A_108] : memref<80x128xi32, #tpu.memory_space<vmem>> -> memref<1x128xi32, #tpu.memory_space<vmem>>
      %dma_wait3A_110 = tpu.memref_squeeze %dma_wait3A_109 : memref<1x128xi32, #tpu.memory_space<vmem>> -> memref<128xi32, #tpu.memory_space<vmem>>
      %dma_wait3A_111 = arith.constant 0 : i32
      %dma_wait3A_112 = arith.constant 0 : i32
      %dma_wait3A_113 = tpu.memref_slice %arg13[%dma_wait3A_111, %dma_wait3A_112] : memref<10240x128xbf16, #tpu.memory_space<vmem_shared>> -> memref<10240x128xbf16, #tpu.memory_space<vmem_shared>>
      tpu.wait_indirect_dma semaphore(%arg17 : memref<!tpu.dma_semaphore, #tpu.memory_space<semaphore_mem>>) src(%dma_wait3A_113 : memref<10240x128xbf16, #tpu.memory_space<vmem_shared>>) dst(%arg12 : memref<128x128xbf16, #tpu.memory_space<vmem>>)
      %mul3A_114 = arith.constant 128 : i32
      %mul3A_115 = arith.muli %add3A_94, %mul3A_114 : i32
      %add3A_116 = arith.addi %mul3A_2, %mul3A_115 : i32
      %dma_start3A_117 = arith.constant 0 : i32
      %dma_start3A_118 = tpu.memref_slice %arg6[%add3A_116, %dma_start3A_117] : memref<327680x128xbf16, #tpu.memory_space<hbm>> -> memref<128x128xbf16, #tpu.memory_space<hbm>>
      %dma_start3A_119 = arith.constant 0 : i32
      %dma_start3A_120 = tpu.memref_slice %arg6[%add3A_116, %dma_start3A_119] : memref<327680x128xbf16, #tpu.memory_space<hbm>> -> memref<128x128xbf16, #tpu.memory_space<hbm>>
      tpu.enqueue_dma source(%arg12 : memref<128x128xbf16, #tpu.memory_space<vmem>>) target(%dma_start3A_120 : memref<128x128xbf16, #tpu.memory_space<hbm>>) target_semaphore(%arg18 : memref<!tpu.dma_semaphore, #tpu.memory_space<semaphore_mem>>)
      %dma_wait3A_121 = arith.constant 0 : i32
      %dma_wait3A_122 = tpu.memref_slice %arg5[%add3A_73, %dma_wait3A_121] : memref<327680x128xbf16, #tpu.memory_space<hbm>> -> memref<128x128xbf16, #tpu.memory_space<hbm>>
      %dma_wait3A_123 = arith.constant 0 : i32
      %dma_wait3A_124 = tpu.memref_slice %arg5[%add3A_73, %dma_wait3A_123] : memref<327680x128xbf16, #tpu.memory_space<hbm>> -> memref<128x128xbf16, #tpu.memory_space<hbm>>
      tpu.wait_dma2 semaphore(%arg18 : memref<!tpu.dma_semaphore, #tpu.memory_space<semaphore_mem>>) src(%arg9 : memref<128x128xbf16, #tpu.memory_space<vmem>>) dst(%dma_wait3A_124 : memref<128x128xbf16, #tpu.memory_space<hbm>>)
      %dma_wait3A_125 = arith.constant 0 : i32
      %dma_wait3A_126 = tpu.memref_slice %arg6[%add3A_86, %dma_wait3A_125] : memref<327680x128xbf16, #tpu.memory_space<hbm>> -> memref<128x128xbf16, #tpu.memory_space<hbm>>
      %dma_wait3A_127 = arith.constant 0 : i32
      %dma_wait3A_128 = tpu.memref_slice %arg6[%add3A_86, %dma_wait3A_127] : memref<327680x128xbf16, #tpu.memory_space<hbm>> -> memref<128x128xbf16, #tpu.memory_space<hbm>>
      tpu.wait_dma2 semaphore(%arg18 : memref<!tpu.dma_semaphore, #tpu.memory_space<semaphore_mem>>) src(%arg11 : memref<128x128xbf16, #tpu.memory_space<vmem>>) dst(%dma_wait3A_128 : memref<128x128xbf16, #tpu.memory_space<hbm>>)
      %dma_wait3A_129 = arith.constant 0 : i32
      %dma_wait3A_130 = tpu.memref_slice %arg5[%add3A_103, %dma_wait3A_129] : memref<327680x128xbf16, #tpu.memory_space<hbm>> -> memref<128x128xbf16, #tpu.memory_space<hbm>>
      %dma_wait3A_131 = arith.constant 0 : i32
      %dma_wait3A_132 = tpu.memref_slice %arg5[%add3A_103, %dma_wait3A_131] : memref<327680x128xbf16, #tpu.memory_space<hbm>> -> memref<128x128xbf16, #tpu.memory_space<hbm>>
      tpu.wait_dma2 semaphore(%arg18 : memref<!tpu.dma_semaphore, #tpu.memory_space<semaphore_mem>>) src(%arg10 : memref<128x128xbf16, #tpu.memory_space<vmem>>) dst(%dma_wait3A_132 : memref<128x128xbf16, #tpu.memory_space<hbm>>)
      %dma_wait3A_133 = arith.constant 0 : i32
      %dma_wait3A_134 = tpu.memref_slice %arg6[%add3A_116, %dma_wait3A_133] : memref<327680x128xbf16, #tpu.memory_space<hbm>> -> memref<128x128xbf16, #tpu.memory_space<hbm>>
      %dma_wait3A_135 = arith.constant 0 : i32
      %dma_wait3A_136 = tpu.memref_slice %arg6[%add3A_116, %dma_wait3A_135] : memref<327680x128xbf16, #tpu.memory_space<hbm>> -> memref<128x128xbf16, #tpu.memory_space<hbm>>
      tpu.wait_dma2 semaphore(%arg18 : memref<!tpu.dma_semaphore, #tpu.memory_space<semaphore_mem>>) src(%arg12 : memref<128x128xbf16, #tpu.memory_space<vmem>>) dst(%dma_wait3A_136 : memref<128x128xbf16, #tpu.memory_space<hbm>>)
    }
    %scan3A_29 = arith.constant 40 : i32
    return
  }
}

#map = affine_map<(d0, d1) -> (0, 0)>
#map1 = affine_map<(d0, d1) -> (0, 0, 0)>
module attributes {stable_mosaic.version = 14 : i64} {
  func.func @scatter_k(%arg0: i32, %arg1: i32, %arg2: memref<327680x128xf32, #tpu.memory_space<hbm>>, %arg3: memref<32x80x128xi32, #tpu.memory_space<hbm>>, %arg4: memref<10240x128xf32, #tpu.memory_space<hbm>>, %arg5: memref<10240x128xf32, #tpu.memory_space<hbm>>, %arg6: memref<80x128xi32, #tpu.memory_space<vmem>>, %arg7: memref<128x128xf32, #tpu.memory_space<vmem>>, %arg8: memref<128x128xf32, #tpu.memory_space<vmem>>, %arg9: memref<10240x128xf32, #tpu.memory_space<vmem_shared>>, %arg10: memref<!tpu.dma_semaphore, #tpu.memory_space<semaphore_mem>>, %arg11: memref<!tpu.dma_semaphore, #tpu.memory_space<semaphore_mem>>, %arg12: memref<!tpu.dma_semaphore, #tpu.memory_space<semaphore_mem>>, %arg13: memref<!tpu.dma_semaphore, #tpu.memory_space<semaphore_mem>>) attributes {dimension_semantics = [#tpu.dimension_semantics<core_parallel>, #tpu.dimension_semantics<subcore_parallel>], iteration_bounds = array<i64: 2, 16>, scalar_prefetch = 0 : i64, scratch_operands = 8 : i64, tpu.core_type = #tpu.core_type<sc_vector_subcore>, window_params = [{transform_indices = #map}, {transform_indices = #map1}, {transform_indices = #map}, {transform_indices = #map}]} {
    %mul3A = arith.constant 2 : i32
    %mul3A_0 = arith.muli %arg1, %mul3A : i32
    %add3A = arith.addi %mul3A_0, %arg0 : i32
    %mul3A_1 = arith.constant 10240 : i32
    %mul3A_2 = arith.muli %add3A, %mul3A_1 : i32
    "tpu.region"() ({
      %run_scoped3A = tpu.sem_alloc : memref<!tpu.dma_semaphore, #tpu.memory_space<semaphore_mem>>
      %dma_start3A = arith.constant 0 : i32
      %dma_start3A_85 = arith.constant 0 : i32
      %dma_start3A_86 = tpu.memref_slice %arg3[%add3A, %dma_start3A, %dma_start3A_85] : memref<32x80x128xi32, #tpu.memory_space<hbm>> -> memref<1x80x128xi32, #tpu.memory_space<hbm>>
      %dma_start3A_87 = tpu.memref_squeeze %dma_start3A_86 : memref<1x80x128xi32, #tpu.memory_space<hbm>> -> memref<80x128xi32, #tpu.memory_space<hbm>>
      %dma_start3A_88 = arith.constant 0 : i32
      %dma_start3A_89 = arith.constant 0 : i32
      %dma_start3A_90 = tpu.memref_slice %arg3[%add3A, %dma_start3A_88, %dma_start3A_89] : memref<32x80x128xi32, #tpu.memory_space<hbm>> -> memref<1x80x128xi32, #tpu.memory_space<hbm>>
      %dma_start3A_91 = tpu.memref_squeeze %dma_start3A_90 : memref<1x80x128xi32, #tpu.memory_space<hbm>> -> memref<80x128xi32, #tpu.memory_space<hbm>>
      tpu.enqueue_dma source(%dma_start3A_91 : memref<80x128xi32, #tpu.memory_space<hbm>>) target(%arg6 : memref<80x128xi32, #tpu.memory_space<vmem>>) target_semaphore(%run_scoped3A : memref<!tpu.dma_semaphore, #tpu.memory_space<semaphore_mem>>)
      %dma_wait3A = arith.constant 0 : i32
      %dma_wait3A_92 = arith.constant 0 : i32
      %dma_wait3A_93 = tpu.memref_slice %arg3[%add3A, %dma_wait3A, %dma_wait3A_92] : memref<32x80x128xi32, #tpu.memory_space<hbm>> -> memref<1x80x128xi32, #tpu.memory_space<hbm>>
      %dma_wait3A_94 = tpu.memref_squeeze %dma_wait3A_93 : memref<1x80x128xi32, #tpu.memory_space<hbm>> -> memref<80x128xi32, #tpu.memory_space<hbm>>
      %dma_wait3A_95 = arith.constant 0 : i32
      %dma_wait3A_96 = arith.constant 0 : i32
      %dma_wait3A_97 = tpu.memref_slice %arg3[%add3A, %dma_wait3A_95, %dma_wait3A_96] : memref<32x80x128xi32, #tpu.memory_space<hbm>> -> memref<1x80x128xi32, #tpu.memory_space<hbm>>
      %dma_wait3A_98 = tpu.memref_squeeze %dma_wait3A_97 : memref<1x80x128xi32, #tpu.memory_space<hbm>> -> memref<80x128xi32, #tpu.memory_space<hbm>>
      tpu.wait_dma2 semaphore(%run_scoped3A : memref<!tpu.dma_semaphore, #tpu.memory_space<semaphore_mem>>) src(%dma_wait3A_98 : memref<80x128xi32, #tpu.memory_space<hbm>>) dst(%arg6 : memref<80x128xi32, #tpu.memory_space<vmem>>)
      tpu.yield
    }) : () -> ()
    %broadcast_in_dim3A = arith.constant 0.000000e+00 : f32
    %broadcast_in_dim3A_3 = vector.broadcast %broadcast_in_dim3A : f32 to vector<16xf32>
    %scan3A = arith.constant 0 : i32
    %scan3A_4 = arith.constant 0 : i32
    %scan3A_5 = arith.constant 128 : i32
    %scan3A_6 = arith.addi %scan3A_4, %scan3A_5 : i32
    %scan3A_7 = arith.constant 1 : i32
    scf.for %scan3A_85 = %scan3A_4 to %scan3A_6 step %scan3A_7  : i32 {
      %swap3A = arith.index_cast %scan3A_85 : i32 to index
      %swap3A_86 = arith.constant 0 : index
      %swap3A_87 = tpu.vector_load %arg7[%swap3A, %swap3A_86] {strides = array<i32>} : memref<128x128xf32, #tpu.memory_space<vmem>>, vector<1x16xf32>,
      %swap3A_88 = vector.shape_cast %swap3A_87 : vector<1x16xf32> to vector<16xf32>
      %swap3A_89 = vector.shape_cast %broadcast_in_dim3A_3 : vector<16xf32> to vector<1x16xf32>
      tpu.vector_store %arg7[%swap3A, %swap3A_86], %swap3A_89 {strides = array<i32>} : memref<128x128xf32, #tpu.memory_space<vmem>>, vector<1x16xf32>,
      %swap3A_90 = arith.index_cast %scan3A_85 : i32 to index
      %swap3A_91 = arith.constant 16 : index
      %swap3A_92 = tpu.vector_load %arg7[%swap3A_90, %swap3A_91] {strides = array<i32>} : memref<128x128xf32, #tpu.memory_space<vmem>>, vector<1x16xf32>,
      %swap3A_93 = vector.shape_cast %swap3A_92 : vector<1x16xf32> to vector<16xf32>
      %swap3A_94 = vector.shape_cast %broadcast_in_dim3A_3 : vector<16xf32> to vector<1x16xf32>
      tpu.vector_store %arg7[%swap3A_90, %swap3A_91], %swap3A_94 {strides = array<i32>} : memref<128x128xf32, #tpu.memory_space<vmem>>, vector<1x16xf32>,
      %swap3A_95 = arith.index_cast %scan3A_85 : i32 to index
      %swap3A_96 = arith.constant 32 : index
      %swap3A_97 = tpu.vector_load %arg7[%swap3A_95, %swap3A_96] {strides = array<i32>} : memref<128x128xf32, #tpu.memory_space<vmem>>, vector<1x16xf32>,
      %swap3A_98 = vector.shape_cast %swap3A_97 : vector<1x16xf32> to vector<16xf32>
      %swap3A_99 = vector.shape_cast %broadcast_in_dim3A_3 : vector<16xf32> to vector<1x16xf32>
      tpu.vector_store %arg7[%swap3A_95, %swap3A_96], %swap3A_99 {strides = array<i32>} : memref<128x128xf32, #tpu.memory_space<vmem>>, vector<1x16xf32>,
      %swap3A_100 = arith.index_cast %scan3A_85 : i32 to index
      %swap3A_101 = arith.constant 48 : index
      %swap3A_102 = tpu.vector_load %arg7[%swap3A_100, %swap3A_101] {strides = array<i32>} : memref<128x128xf32, #tpu.memory_space<vmem>>, vector<1x16xf32>,
      %swap3A_103 = vector.shape_cast %swap3A_102 : vector<1x16xf32> to vector<16xf32>
      %swap3A_104 = vector.shape_cast %broadcast_in_dim3A_3 : vector<16xf32> to vector<1x16xf32>
      tpu.vector_store %arg7[%swap3A_100, %swap3A_101], %swap3A_104 {strides = array<i32>} : memref<128x128xf32, #tpu.memory_space<vmem>>, vector<1x16xf32>,
      %swap3A_105 = arith.index_cast %scan3A_85 : i32 to index
      %swap3A_106 = arith.constant 64 : index
      %swap3A_107 = tpu.vector_load %arg7[%swap3A_105, %swap3A_106] {strides = array<i32>} : memref<128x128xf32, #tpu.memory_space<vmem>>, vector<1x16xf32>,
      %swap3A_108 = vector.shape_cast %swap3A_107 : vector<1x16xf32> to vector<16xf32>
      %swap3A_109 = vector.shape_cast %broadcast_in_dim3A_3 : vector<16xf32> to vector<1x16xf32>
      tpu.vector_store %arg7[%swap3A_105, %swap3A_106], %swap3A_109 {strides = array<i32>} : memref<128x128xf32, #tpu.memory_space<vmem>>, vector<1x16xf32>,
      %swap3A_110 = arith.index_cast %scan3A_85 : i32 to index
      %swap3A_111 = arith.constant 80 : index
      %swap3A_112 = tpu.vector_load %arg7[%swap3A_110, %swap3A_111] {strides = array<i32>} : memref<128x128xf32, #tpu.memory_space<vmem>>, vector<1x16xf32>,
      %swap3A_113 = vector.shape_cast %swap3A_112 : vector<1x16xf32> to vector<16xf32>
      %swap3A_114 = vector.shape_cast %broadcast_in_dim3A_3 : vector<16xf32> to vector<1x16xf32>
      tpu.vector_store %arg7[%swap3A_110, %swap3A_111], %swap3A_114 {strides = array<i32>} : memref<128x128xf32, #tpu.memory_space<vmem>>, vector<1x16xf32>,
      %swap3A_115 = arith.index_cast %scan3A_85 : i32 to index
      %swap3A_116 = arith.constant 96 : index
      %swap3A_117 = tpu.vector_load %arg7[%swap3A_115, %swap3A_116] {strides = array<i32>} : memref<128x128xf32, #tpu.memory_space<vmem>>, vector<1x16xf32>,
      %swap3A_118 = vector.shape_cast %swap3A_117 : vector<1x16xf32> to vector<16xf32>
      %swap3A_119 = vector.shape_cast %broadcast_in_dim3A_3 : vector<16xf32> to vector<1x16xf32>
      tpu.vector_store %arg7[%swap3A_115, %swap3A_116], %swap3A_119 {strides = array<i32>} : memref<128x128xf32, #tpu.memory_space<vmem>>, vector<1x16xf32>,
      %swap3A_120 = arith.index_cast %scan3A_85 : i32 to index
      %swap3A_121 = arith.constant 112 : index
      %swap3A_122 = tpu.vector_load %arg7[%swap3A_120, %swap3A_121] {strides = array<i32>} : memref<128x128xf32, #tpu.memory_space<vmem>>, vector<1x16xf32>,
      %swap3A_123 = vector.shape_cast %swap3A_122 : vector<1x16xf32> to vector<16xf32>
      %swap3A_124 = vector.shape_cast %broadcast_in_dim3A_3 : vector<16xf32> to vector<1x16xf32>
      tpu.vector_store %arg7[%swap3A_120, %swap3A_121], %swap3A_124 {strides = array<i32>} : memref<128x128xf32, #tpu.memory_space<vmem>>, vector<1x16xf32>,
    }
    %scan3A_8 = arith.constant 128 : i32
    %mul3A_9 = arith.constant 640 : i32
    %mul3A_10 = arith.muli %arg1, %mul3A_9 : i32
    %add3A_11 = arith.constant 0 : i32
    %add3A_12 = arith.addi %mul3A_10, %add3A_11 : i32
    "tpu.region"() ({
      %run_scoped3A = tpu.sem_alloc : memref<!tpu.dma_semaphore, #tpu.memory_space<semaphore_mem>>
      %dma_start3A = arith.constant 0 : i32
      %dma_start3A_85 = arith.constant 0 : i32
      %dma_start3A_86 = tpu.memref_slice %arg7[%dma_start3A, %dma_start3A_85] : memref<128x128xf32, #tpu.memory_space<vmem>> -> memref<128x128xf32, #tpu.memory_space<vmem>>
      %dma_start3A_87 = arith.constant 0 : i32
      %dma_start3A_88 = tpu.memref_slice %arg9[%add3A_12, %dma_start3A_87] : memref<10240x128xf32, #tpu.memory_space<vmem_shared>> -> memref<128x128xf32, #tpu.memory_space<vmem_shared>>
      %dma_start3A_89 = arith.constant 0 : i32
      %dma_start3A_90 = tpu.memref_slice %arg9[%add3A_12, %dma_start3A_89] : memref<10240x128xf32, #tpu.memory_space<vmem_shared>> -> memref<128x128xf32, #tpu.memory_space<vmem_shared>>
      %dma_start3A_91 = arith.constant 0 : i32
      %dma_start3A_92 = arith.constant 0 : i32
      %dma_start3A_93 = tpu.memref_slice %arg7[%dma_start3A_91, %dma_start3A_92] : memref<128x128xf32, #tpu.memory_space<vmem>> -> memref<128x128xf32, #tpu.memory_space<vmem>>
      tpu.enqueue_dma source(%dma_start3A_93 : memref<128x128xf32, #tpu.memory_space<vmem>>) target(%dma_start3A_90 : memref<128x128xf32, #tpu.memory_space<vmem_shared>>) target_semaphore(%run_scoped3A : memref<!tpu.dma_semaphore, #tpu.memory_space<semaphore_mem>>)
      %dma_wait3A = arith.constant 0 : i32
      %dma_wait3A_94 = arith.constant 0 : i32
      %dma_wait3A_95 = tpu.memref_slice %arg7[%dma_wait3A, %dma_wait3A_94] : memref<128x128xf32, #tpu.memory_space<vmem>> -> memref<128x128xf32, #tpu.memory_space<vmem>>
      %dma_wait3A_96 = arith.constant 0 : i32
      %dma_wait3A_97 = tpu.memref_slice %arg9[%add3A_12, %dma_wait3A_96] : memref<10240x128xf32, #tpu.memory_space<vmem_shared>> -> memref<128x128xf32, #tpu.memory_space<vmem_shared>>
      %dma_wait3A_98 = arith.constant 0 : i32
      %dma_wait3A_99 = tpu.memref_slice %arg9[%add3A_12, %dma_wait3A_98] : memref<10240x128xf32, #tpu.memory_space<vmem_shared>> -> memref<128x128xf32, #tpu.memory_space<vmem_shared>>
      %dma_wait3A_100 = arith.constant 0 : i32
      %dma_wait3A_101 = arith.constant 0 : i32
      %dma_wait3A_102 = tpu.memref_slice %arg7[%dma_wait3A_100, %dma_wait3A_101] : memref<128x128xf32, #tpu.memory_space<vmem>> -> memref<128x128xf32, #tpu.memory_space<vmem>>
      tpu.wait_dma2 semaphore(%run_scoped3A : memref<!tpu.dma_semaphore, #tpu.memory_space<semaphore_mem>>) src(%dma_wait3A_102 : memref<128x128xf32, #tpu.memory_space<vmem>>) dst(%dma_wait3A_99 : memref<128x128xf32, #tpu.memory_space<vmem_shared>>)
      tpu.yield
    }) : () -> ()
    %add3A_13 = arith.constant 128 : i32
    %add3A_14 = arith.addi %mul3A_10, %add3A_13 : i32
    "tpu.region"() ({
      %run_scoped3A = tpu.sem_alloc : memref<!tpu.dma_semaphore, #tpu.memory_space<semaphore_mem>>
      %dma_start3A = arith.constant 0 : i32
      %dma_start3A_85 = arith.constant 0 : i32
      %dma_start3A_86 = tpu.memref_slice %arg7[%dma_start3A, %dma_start3A_85] : memref<128x128xf32, #tpu.memory_space<vmem>> -> memref<128x128xf32, #tpu.memory_space<vmem>>
      %dma_start3A_87 = arith.constant 0 : i32
      %dma_start3A_88 = tpu.memref_slice %arg9[%add3A_14, %dma_start3A_87] : memref<10240x128xf32, #tpu.memory_space<vmem_shared>> -> memref<128x128xf32, #tpu.memory_space<vmem_shared>>
      %dma_start3A_89 = arith.constant 0 : i32
      %dma_start3A_90 = tpu.memref_slice %arg9[%add3A_14, %dma_start3A_89] : memref<10240x128xf32, #tpu.memory_space<vmem_shared>> -> memref<128x128xf32, #tpu.memory_space<vmem_shared>>
      %dma_start3A_91 = arith.constant 0 : i32
      %dma_start3A_92 = arith.constant 0 : i32
      %dma_start3A_93 = tpu.memref_slice %arg7[%dma_start3A_91, %dma_start3A_92] : memref<128x128xf32, #tpu.memory_space<vmem>> -> memref<128x128xf32, #tpu.memory_space<vmem>>
      tpu.enqueue_dma source(%dma_start3A_93 : memref<128x128xf32, #tpu.memory_space<vmem>>) target(%dma_start3A_90 : memref<128x128xf32, #tpu.memory_space<vmem_shared>>) target_semaphore(%run_scoped3A : memref<!tpu.dma_semaphore, #tpu.memory_space<semaphore_mem>>)
      %dma_wait3A = arith.constant 0 : i32
      %dma_wait3A_94 = arith.constant 0 : i32
      %dma_wait3A_95 = tpu.memref_slice %arg7[%dma_wait3A, %dma_wait3A_94] : memref<128x128xf32, #tpu.memory_space<vmem>> -> memref<128x128xf32, #tpu.memory_space<vmem>>
      %dma_wait3A_96 = arith.constant 0 : i32
      %dma_wait3A_97 = tpu.memref_slice %arg9[%add3A_14, %dma_wait3A_96] : memref<10240x128xf32, #tpu.memory_space<vmem_shared>> -> memref<128x128xf32, #tpu.memory_space<vmem_shared>>
      %dma_wait3A_98 = arith.constant 0 : i32
      %dma_wait3A_99 = tpu.memref_slice %arg9[%add3A_14, %dma_wait3A_98] : memref<10240x128xf32, #tpu.memory_space<vmem_shared>> -> memref<128x128xf32, #tpu.memory_space<vmem_shared>>
      %dma_wait3A_100 = arith.constant 0 : i32
      %dma_wait3A_101 = arith.constant 0 : i32
      %dma_wait3A_102 = tpu.memref_slice %arg7[%dma_wait3A_100, %dma_wait3A_101] : memref<128x128xf32, #tpu.memory_space<vmem>> -> memref<128x128xf32, #tpu.memory_space<vmem>>
      tpu.wait_dma2 semaphore(%run_scoped3A : memref<!tpu.dma_semaphore, #tpu.memory_space<semaphore_mem>>) src(%dma_wait3A_102 : memref<128x128xf32, #tpu.memory_space<vmem>>) dst(%dma_wait3A_99 : memref<128x128xf32, #tpu.memory_space<vmem_shared>>)
      tpu.yield
    }) : () -> ()
    %add3A_15 = arith.constant 256 : i32
    %add3A_16 = arith.addi %mul3A_10, %add3A_15 : i32
    "tpu.region"() ({
      %run_scoped3A = tpu.sem_alloc : memref<!tpu.dma_semaphore, #tpu.memory_space<semaphore_mem>>
      %dma_start3A = arith.constant 0 : i32
      %dma_start3A_85 = arith.constant 0 : i32
      %dma_start3A_86 = tpu.memref_slice %arg7[%dma_start3A, %dma_start3A_85] : memref<128x128xf32, #tpu.memory_space<vmem>> -> memref<128x128xf32, #tpu.memory_space<vmem>>
      %dma_start3A_87 = arith.constant 0 : i32
      %dma_start3A_88 = tpu.memref_slice %arg9[%add3A_16, %dma_start3A_87] : memref<10240x128xf32, #tpu.memory_space<vmem_shared>> -> memref<128x128xf32, #tpu.memory_space<vmem_shared>>
      %dma_start3A_89 = arith.constant 0 : i32
      %dma_start3A_90 = tpu.memref_slice %arg9[%add3A_16, %dma_start3A_89] : memref<10240x128xf32, #tpu.memory_space<vmem_shared>> -> memref<128x128xf32, #tpu.memory_space<vmem_shared>>
      %dma_start3A_91 = arith.constant 0 : i32
      %dma_start3A_92 = arith.constant 0 : i32
      %dma_start3A_93 = tpu.memref_slice %arg7[%dma_start3A_91, %dma_start3A_92] : memref<128x128xf32, #tpu.memory_space<vmem>> -> memref<128x128xf32, #tpu.memory_space<vmem>>
      tpu.enqueue_dma source(%dma_start3A_93 : memref<128x128xf32, #tpu.memory_space<vmem>>) target(%dma_start3A_90 : memref<128x128xf32, #tpu.memory_space<vmem_shared>>) target_semaphore(%run_scoped3A : memref<!tpu.dma_semaphore, #tpu.memory_space<semaphore_mem>>)
      %dma_wait3A = arith.constant 0 : i32
      %dma_wait3A_94 = arith.constant 0 : i32
      %dma_wait3A_95 = tpu.memref_slice %arg7[%dma_wait3A, %dma_wait3A_94] : memref<128x128xf32, #tpu.memory_space<vmem>> -> memref<128x128xf32, #tpu.memory_space<vmem>>
      %dma_wait3A_96 = arith.constant 0 : i32
      %dma_wait3A_97 = tpu.memref_slice %arg9[%add3A_16, %dma_wait3A_96] : memref<10240x128xf32, #tpu.memory_space<vmem_shared>> -> memref<128x128xf32, #tpu.memory_space<vmem_shared>>
      %dma_wait3A_98 = arith.constant 0 : i32
      %dma_wait3A_99 = tpu.memref_slice %arg9[%add3A_16, %dma_wait3A_98] : memref<10240x128xf32, #tpu.memory_space<vmem_shared>> -> memref<128x128xf32, #tpu.memory_space<vmem_shared>>
      %dma_wait3A_100 = arith.constant 0 : i32
      %dma_wait3A_101 = arith.constant 0 : i32
      %dma_wait3A_102 = tpu.memref_slice %arg7[%dma_wait3A_100, %dma_wait3A_101] : memref<128x128xf32, #tpu.memory_space<vmem>> -> memref<128x128xf32, #tpu.memory_space<vmem>>
      tpu.wait_dma2 semaphore(%run_scoped3A : memref<!tpu.dma_semaphore, #tpu.memory_space<semaphore_mem>>) src(%dma_wait3A_102 : memref<128x128xf32, #tpu.memory_space<vmem>>) dst(%dma_wait3A_99 : memref<128x128xf32, #tpu.memory_space<vmem_shared>>)
      tpu.yield
    }) : () -> ()
    %add3A_17 = arith.constant 384 : i32
    %add3A_18 = arith.addi %mul3A_10, %add3A_17 : i32
    "tpu.region"() ({
      %run_scoped3A = tpu.sem_alloc : memref<!tpu.dma_semaphore, #tpu.memory_space<semaphore_mem>>
      %dma_start3A = arith.constant 0 : i32
      %dma_start3A_85 = arith.constant 0 : i32
      %dma_start3A_86 = tpu.memref_slice %arg7[%dma_start3A, %dma_start3A_85] : memref<128x128xf32, #tpu.memory_space<vmem>> -> memref<128x128xf32, #tpu.memory_space<vmem>>
      %dma_start3A_87 = arith.constant 0 : i32
      %dma_start3A_88 = tpu.memref_slice %arg9[%add3A_18, %dma_start3A_87] : memref<10240x128xf32, #tpu.memory_space<vmem_shared>> -> memref<128x128xf32, #tpu.memory_space<vmem_shared>>
      %dma_start3A_89 = arith.constant 0 : i32
      %dma_start3A_90 = tpu.memref_slice %arg9[%add3A_18, %dma_start3A_89] : memref<10240x128xf32, #tpu.memory_space<vmem_shared>> -> memref<128x128xf32, #tpu.memory_space<vmem_shared>>
      %dma_start3A_91 = arith.constant 0 : i32
      %dma_start3A_92 = arith.constant 0 : i32
      %dma_start3A_93 = tpu.memref_slice %arg7[%dma_start3A_91, %dma_start3A_92] : memref<128x128xf32, #tpu.memory_space<vmem>> -> memref<128x128xf32, #tpu.memory_space<vmem>>
      tpu.enqueue_dma source(%dma_start3A_93 : memref<128x128xf32, #tpu.memory_space<vmem>>) target(%dma_start3A_90 : memref<128x128xf32, #tpu.memory_space<vmem_shared>>) target_semaphore(%run_scoped3A : memref<!tpu.dma_semaphore, #tpu.memory_space<semaphore_mem>>)
      %dma_wait3A = arith.constant 0 : i32
      %dma_wait3A_94 = arith.constant 0 : i32
      %dma_wait3A_95 = tpu.memref_slice %arg7[%dma_wait3A, %dma_wait3A_94] : memref<128x128xf32, #tpu.memory_space<vmem>> -> memref<128x128xf32, #tpu.memory_space<vmem>>
      %dma_wait3A_96 = arith.constant 0 : i32
      %dma_wait3A_97 = tpu.memref_slice %arg9[%add3A_18, %dma_wait3A_96] : memref<10240x128xf32, #tpu.memory_space<vmem_shared>> -> memref<128x128xf32, #tpu.memory_space<vmem_shared>>
      %dma_wait3A_98 = arith.constant 0 : i32
      %dma_wait3A_99 = tpu.memref_slice %arg9[%add3A_18, %dma_wait3A_98] : memref<10240x128xf32, #tpu.memory_space<vmem_shared>> -> memref<128x128xf32, #tpu.memory_space<vmem_shared>>
      %dma_wait3A_100 = arith.constant 0 : i32
      %dma_wait3A_101 = arith.constant 0 : i32
      %dma_wait3A_102 = tpu.memref_slice %arg7[%dma_wait3A_100, %dma_wait3A_101] : memref<128x128xf32, #tpu.memory_space<vmem>> -> memref<128x128xf32, #tpu.memory_space<vmem>>
      tpu.wait_dma2 semaphore(%run_scoped3A : memref<!tpu.dma_semaphore, #tpu.memory_space<semaphore_mem>>) src(%dma_wait3A_102 : memref<128x128xf32, #tpu.memory_space<vmem>>) dst(%dma_wait3A_99 : memref<128x128xf32, #tpu.memory_space<vmem_shared>>)
      tpu.yield
    }) : () -> ()
    %add3A_19 = arith.constant 512 : i32
    %add3A_20 = arith.addi %mul3A_10, %add3A_19 : i32
    "tpu.region"() ({
      %run_scoped3A = tpu.sem_alloc : memref<!tpu.dma_semaphore, #tpu.memory_space<semaphore_mem>>
      %dma_start3A = arith.constant 0 : i32
      %dma_start3A_85 = arith.constant 0 : i32
      %dma_start3A_86 = tpu.memref_slice %arg7[%dma_start3A, %dma_start3A_85] : memref<128x128xf32, #tpu.memory_space<vmem>> -> memref<128x128xf32, #tpu.memory_space<vmem>>
      %dma_start3A_87 = arith.constant 0 : i32
      %dma_start3A_88 = tpu.memref_slice %arg9[%add3A_20, %dma_start3A_87] : memref<10240x128xf32, #tpu.memory_space<vmem_shared>> -> memref<128x128xf32, #tpu.memory_space<vmem_shared>>
      %dma_start3A_89 = arith.constant 0 : i32
      %dma_start3A_90 = tpu.memref_slice %arg9[%add3A_20, %dma_start3A_89] : memref<10240x128xf32, #tpu.memory_space<vmem_shared>> -> memref<128x128xf32, #tpu.memory_space<vmem_shared>>
      %dma_start3A_91 = arith.constant 0 : i32
      %dma_start3A_92 = arith.constant 0 : i32
      %dma_start3A_93 = tpu.memref_slice %arg7[%dma_start3A_91, %dma_start3A_92] : memref<128x128xf32, #tpu.memory_space<vmem>> -> memref<128x128xf32, #tpu.memory_space<vmem>>
      tpu.enqueue_dma source(%dma_start3A_93 : memref<128x128xf32, #tpu.memory_space<vmem>>) target(%dma_start3A_90 : memref<128x128xf32, #tpu.memory_space<vmem_shared>>) target_semaphore(%run_scoped3A : memref<!tpu.dma_semaphore, #tpu.memory_space<semaphore_mem>>)
      %dma_wait3A = arith.constant 0 : i32
      %dma_wait3A_94 = arith.constant 0 : i32
      %dma_wait3A_95 = tpu.memref_slice %arg7[%dma_wait3A, %dma_wait3A_94] : memref<128x128xf32, #tpu.memory_space<vmem>> -> memref<128x128xf32, #tpu.memory_space<vmem>>
      %dma_wait3A_96 = arith.constant 0 : i32
      %dma_wait3A_97 = tpu.memref_slice %arg9[%add3A_20, %dma_wait3A_96] : memref<10240x128xf32, #tpu.memory_space<vmem_shared>> -> memref<128x128xf32, #tpu.memory_space<vmem_shared>>
      %dma_wait3A_98 = arith.constant 0 : i32
      %dma_wait3A_99 = tpu.memref_slice %arg9[%add3A_20, %dma_wait3A_98] : memref<10240x128xf32, #tpu.memory_space<vmem_shared>> -> memref<128x128xf32, #tpu.memory_space<vmem_shared>>
      %dma_wait3A_100 = arith.constant 0 : i32
      %dma_wait3A_101 = arith.constant 0 : i32
      %dma_wait3A_102 = tpu.memref_slice %arg7[%dma_wait3A_100, %dma_wait3A_101] : memref<128x128xf32, #tpu.memory_space<vmem>> -> memref<128x128xf32, #tpu.memory_space<vmem>>
      tpu.wait_dma2 semaphore(%run_scoped3A : memref<!tpu.dma_semaphore, #tpu.memory_space<semaphore_mem>>) src(%dma_wait3A_102 : memref<128x128xf32, #tpu.memory_space<vmem>>) dst(%dma_wait3A_99 : memref<128x128xf32, #tpu.memory_space<vmem_shared>>)
      tpu.yield
    }) : () -> ()
    %barrier3A = arith.constant 0 : index
    tpu.barrier barrier_id(%barrier3A)
    %scan3A_21 = arith.constant 0 : i32
    %scan3A_22 = arith.constant 0 : i32
    %scan3A_23 = arith.constant 40 : i32
    %scan3A_24 = arith.addi %scan3A_22, %scan3A_23 : i32
    %scan3A_25 = arith.constant 1 : i32
    scf.for %scan3A_85 = %scan3A_22 to %scan3A_24 step %scan3A_25  : i32 {
      %mul3A_86 = arith.constant 2 : i32
      %mul3A_87 = arith.muli %mul3A_86, %scan3A_85 : i32
      %add3A_88 = arith.constant 1 : i32
      %add3A_89 = arith.addi %mul3A_87, %add3A_88 : i32
      %mul3A_90 = arith.constant 128 : i32
      %mul3A_91 = arith.muli %mul3A_87, %mul3A_90 : i32
      %add3A_92 = arith.addi %mul3A_2, %mul3A_91 : i32
      %dma_start3A = arith.constant 0 : i32
      %dma_start3A_93 = tpu.memref_slice %arg2[%add3A_92, %dma_start3A] : memref<327680x128xf32, #tpu.memory_space<hbm>> -> memref<128x128xf32, #tpu.memory_space<hbm>>
      %dma_start3A_94 = arith.constant 0 : i32
      %dma_start3A_95 = tpu.memref_slice %arg2[%add3A_92, %dma_start3A_94] : memref<327680x128xf32, #tpu.memory_space<hbm>> -> memref<128x128xf32, #tpu.memory_space<hbm>>
      tpu.enqueue_dma source(%dma_start3A_95 : memref<128x128xf32, #tpu.memory_space<hbm>>) target(%arg7 : memref<128x128xf32, #tpu.memory_space<vmem>>) target_semaphore(%arg10 : memref<!tpu.dma_semaphore, #tpu.memory_space<semaphore_mem>>)
      %mul3A_96 = arith.constant 128 : i32
      %mul3A_97 = arith.muli %add3A_89, %mul3A_96 : i32
      %add3A_98 = arith.addi %mul3A_2, %mul3A_97 : i32
      %dma_start3A_99 = arith.constant 0 : i32
      %dma_start3A_100 = tpu.memref_slice %arg2[%add3A_98, %dma_start3A_99] : memref<327680x128xf32, #tpu.memory_space<hbm>> -> memref<128x128xf32, #tpu.memory_space<hbm>>
      %dma_start3A_101 = arith.constant 0 : i32
      %dma_start3A_102 = tpu.memref_slice %arg2[%add3A_98, %dma_start3A_101] : memref<327680x128xf32, #tpu.memory_space<hbm>> -> memref<128x128xf32, #tpu.memory_space<hbm>>
      tpu.enqueue_dma source(%dma_start3A_102 : memref<128x128xf32, #tpu.memory_space<hbm>>) target(%arg8 : memref<128x128xf32, #tpu.memory_space<vmem>>) target_semaphore(%arg11 : memref<!tpu.dma_semaphore, #tpu.memory_space<semaphore_mem>>)
      %dma_wait3A = arith.constant 0 : i32
      %dma_wait3A_103 = tpu.memref_slice %arg2[%add3A_92, %dma_wait3A] : memref<327680x128xf32, #tpu.memory_space<hbm>> -> memref<128x128xf32, #tpu.memory_space<hbm>>
      %dma_wait3A_104 = arith.constant 0 : i32
      %dma_wait3A_105 = tpu.memref_slice %arg2[%add3A_92, %dma_wait3A_104] : memref<327680x128xf32, #tpu.memory_space<hbm>> -> memref<128x128xf32, #tpu.memory_space<hbm>>
      tpu.wait_dma2 semaphore(%arg10 : memref<!tpu.dma_semaphore, #tpu.memory_space<semaphore_mem>>) src(%dma_wait3A_105 : memref<128x128xf32, #tpu.memory_space<hbm>>) dst(%arg7 : memref<128x128xf32, #tpu.memory_space<vmem>>)
      %dma_start3A_106 = arith.constant 0 : i32
      %dma_start3A_107 = tpu.memref_slice %arg6[%mul3A_87, %dma_start3A_106] : memref<80x128xi32, #tpu.memory_space<vmem>> -> memref<1x128xi32, #tpu.memory_space<vmem>>
      %dma_start3A_108 = tpu.memref_squeeze %dma_start3A_107 : memref<1x128xi32, #tpu.memory_space<vmem>> -> memref<128xi32, #tpu.memory_space<vmem>>
      %dma_start3A_109 = arith.constant 0 : i32
      %dma_start3A_110 = arith.constant 0 : i32
      %dma_start3A_111 = tpu.memref_slice %arg9[%dma_start3A_109, %dma_start3A_110] : memref<10240x128xf32, #tpu.memory_space<vmem_shared>> -> memref<10240x128xf32, #tpu.memory_space<vmem_shared>>
      tpu.enqueue_indirect_dma source(%arg7 : memref<128x128xf32, #tpu.memory_space<vmem>>) target(%dma_start3A_111 : memref<10240x128xf32, #tpu.memory_space<vmem_shared>>) offsets(%dma_start3A_108 : memref<128xi32, #tpu.memory_space<vmem>>) semaphore(%arg12 : memref<!tpu.dma_semaphore, #tpu.memory_space<semaphore_mem>>) {add = true}
      %dma_wait3A_112 = arith.constant 0 : i32
      %dma_wait3A_113 = tpu.memref_slice %arg2[%add3A_98, %dma_wait3A_112] : memref<327680x128xf32, #tpu.memory_space<hbm>> -> memref<128x128xf32, #tpu.memory_space<hbm>>
      %dma_wait3A_114 = arith.constant 0 : i32
      %dma_wait3A_115 = tpu.memref_slice %arg2[%add3A_98, %dma_wait3A_114] : memref<327680x128xf32, #tpu.memory_space<hbm>> -> memref<128x128xf32, #tpu.memory_space<hbm>>
      tpu.wait_dma2 semaphore(%arg11 : memref<!tpu.dma_semaphore, #tpu.memory_space<semaphore_mem>>) src(%dma_wait3A_115 : memref<128x128xf32, #tpu.memory_space<hbm>>) dst(%arg8 : memref<128x128xf32, #tpu.memory_space<vmem>>)
      %dma_start3A_116 = arith.constant 0 : i32
      %dma_start3A_117 = tpu.memref_slice %arg6[%add3A_89, %dma_start3A_116] : memref<80x128xi32, #tpu.memory_space<vmem>> -> memref<1x128xi32, #tpu.memory_space<vmem>>
      %dma_start3A_118 = tpu.memref_squeeze %dma_start3A_117 : memref<1x128xi32, #tpu.memory_space<vmem>> -> memref<128xi32, #tpu.memory_space<vmem>>
      %dma_start3A_119 = arith.constant 0 : i32
      %dma_start3A_120 = arith.constant 0 : i32
      %dma_start3A_121 = tpu.memref_slice %arg9[%dma_start3A_119, %dma_start3A_120] : memref<10240x128xf32, #tpu.memory_space<vmem_shared>> -> memref<10240x128xf32, #tpu.memory_space<vmem_shared>>
      tpu.enqueue_indirect_dma source(%arg8 : memref<128x128xf32, #tpu.memory_space<vmem>>) target(%dma_start3A_121 : memref<10240x128xf32, #tpu.memory_space<vmem_shared>>) offsets(%dma_start3A_118 : memref<128xi32, #tpu.memory_space<vmem>>) semaphore(%arg13 : memref<!tpu.dma_semaphore, #tpu.memory_space<semaphore_mem>>) {add = true}
      %dma_wait3A_122 = arith.constant 0 : i32
      %dma_wait3A_123 = tpu.memref_slice %arg6[%mul3A_87, %dma_wait3A_122] : memref<80x128xi32, #tpu.memory_space<vmem>> -> memref<1x128xi32, #tpu.memory_space<vmem>>
      %dma_wait3A_124 = tpu.memref_squeeze %dma_wait3A_123 : memref<1x128xi32, #tpu.memory_space<vmem>> -> memref<128xi32, #tpu.memory_space<vmem>>
      %dma_wait3A_125 = arith.constant 0 : i32
      %dma_wait3A_126 = arith.constant 0 : i32
      %dma_wait3A_127 = tpu.memref_slice %arg9[%dma_wait3A_125, %dma_wait3A_126] : memref<10240x128xf32, #tpu.memory_space<vmem_shared>> -> memref<10240x128xf32, #tpu.memory_space<vmem_shared>>
      tpu.wait_indirect_dma semaphore(%arg12 : memref<!tpu.dma_semaphore, #tpu.memory_space<semaphore_mem>>) src(%arg7 : memref<128x128xf32, #tpu.memory_space<vmem>>) dst(%dma_wait3A_127 : memref<10240x128xf32, #tpu.memory_space<vmem_shared>>)
      %dma_wait3A_128 = arith.constant 0 : i32
      %dma_wait3A_129 = tpu.memref_slice %arg6[%add3A_89, %dma_wait3A_128] : memref<80x128xi32, #tpu.memory_space<vmem>> -> memref<1x128xi32, #tpu.memory_space<vmem>>
      %dma_wait3A_130 = tpu.memref_squeeze %dma_wait3A_129 : memref<1x128xi32, #tpu.memory_space<vmem>> -> memref<128xi32, #tpu.memory_space<vmem>>
      %dma_wait3A_131 = arith.constant 0 : i32
      %dma_wait3A_132 = arith.constant 0 : i32
      %dma_wait3A_133 = tpu.memref_slice %arg9[%dma_wait3A_131, %dma_wait3A_132] : memref<10240x128xf32, #tpu.memory_space<vmem_shared>> -> memref<10240x128xf32, #tpu.memory_space<vmem_shared>>
      tpu.wait_indirect_dma semaphore(%arg13 : memref<!tpu.dma_semaphore, #tpu.memory_space<semaphore_mem>>) src(%arg8 : memref<128x128xf32, #tpu.memory_space<vmem>>) dst(%dma_wait3A_133 : memref<10240x128xf32, #tpu.memory_space<vmem_shared>>)
    }
    %scan3A_26 = arith.constant 40 : i32
    %barrier3A_27 = arith.constant 0 : index
    tpu.barrier barrier_id(%barrier3A_27)
    %add3A_28 = arith.constant 0 : i32
    %add3A_29 = arith.addi %mul3A_10, %add3A_28 : i32
    "tpu.region"() ({
      %run_scoped3A = tpu.sem_alloc : memref<!tpu.dma_semaphore, #tpu.memory_space<semaphore_mem>>
      %dma_start3A = arith.constant 0 : i32
      %dma_start3A_85 = arith.constant 0 : i32
      %dma_start3A_86 = tpu.memref_slice %arg7[%dma_start3A, %dma_start3A_85] : memref<128x128xf32, #tpu.memory_space<vmem>> -> memref<128x128xf32, #tpu.memory_space<vmem>>
      %dma_start3A_87 = arith.constant 0 : i32
      %dma_start3A_88 = tpu.memref_slice %arg9[%add3A_29, %dma_start3A_87] : memref<10240x128xf32, #tpu.memory_space<vmem_shared>> -> memref<128x128xf32, #tpu.memory_space<vmem_shared>>
      %dma_start3A_89 = arith.constant 0 : i32
      %dma_start3A_90 = arith.constant 0 : i32
      %dma_start3A_91 = tpu.memref_slice %arg7[%dma_start3A_89, %dma_start3A_90] : memref<128x128xf32, #tpu.memory_space<vmem>> -> memref<128x128xf32, #tpu.memory_space<vmem>>
      %dma_start3A_92 = arith.constant 0 : i32
      %dma_start3A_93 = tpu.memref_slice %arg9[%add3A_29, %dma_start3A_92] : memref<10240x128xf32, #tpu.memory_space<vmem_shared>> -> memref<128x128xf32, #tpu.memory_space<vmem_shared>>
      tpu.enqueue_dma source(%dma_start3A_93 : memref<128x128xf32, #tpu.memory_space<vmem_shared>>) target(%dma_start3A_91 : memref<128x128xf32, #tpu.memory_space<vmem>>) target_semaphore(%run_scoped3A : memref<!tpu.dma_semaphore, #tpu.memory_space<semaphore_mem>>)
      %dma_wait3A = arith.constant 0 : i32
      %dma_wait3A_94 = arith.constant 0 : i32
      %dma_wait3A_95 = tpu.memref_slice %arg7[%dma_wait3A, %dma_wait3A_94] : memref<128x128xf32, #tpu.memory_space<vmem>> -> memref<128x128xf32, #tpu.memory_space<vmem>>
      %dma_wait3A_96 = arith.constant 0 : i32
      %dma_wait3A_97 = tpu.memref_slice %arg9[%add3A_29, %dma_wait3A_96] : memref<10240x128xf32, #tpu.memory_space<vmem_shared>> -> memref<128x128xf32, #tpu.memory_space<vmem_shared>>
      %dma_wait3A_98 = arith.constant 0 : i32
      %dma_wait3A_99 = arith.constant 0 : i32
      %dma_wait3A_100 = tpu.memref_slice %arg7[%dma_wait3A_98, %dma_wait3A_99] : memref<128x128xf32, #tpu.memory_space<vmem>> -> memref<128x128xf32, #tpu.memory_space<vmem>>
      %dma_wait3A_101 = arith.constant 0 : i32
      %dma_wait3A_102 = tpu.memref_slice %arg9[%add3A_29, %dma_wait3A_101] : memref<10240x128xf32, #tpu.memory_space<vmem_shared>> -> memref<128x128xf32, #tpu.memory_space<vmem_shared>>
      tpu.wait_dma2 semaphore(%run_scoped3A : memref<!tpu.dma_semaphore, #tpu.memory_space<semaphore_mem>>) src(%dma_wait3A_102 : memref<128x128xf32, #tpu.memory_space<vmem_shared>>) dst(%dma_wait3A_100 : memref<128x128xf32, #tpu.memory_space<vmem>>)
      tpu.yield
    }) : () -> ()
    %eq3A = arith.constant 0 : i32
    %eq3A_30 = arith.cmpi eq, %arg0, %eq3A : i32
    %convert_element_type3A = arith.extui %eq3A_30 : i1 to i32
    %cond3A = arith.constant 0 : i32
    %cond3A_31 = arith.cmpi ne, %convert_element_type3A, %cond3A : i32
    scf.if %cond3A_31 {
      "tpu.region"() ({
        %run_scoped3A = tpu.sem_alloc : memref<!tpu.dma_semaphore, #tpu.memory_space<semaphore_mem>>
        %dma_start3A = arith.constant 0 : i32
        %dma_start3A_85 = arith.constant 0 : i32
        %dma_start3A_86 = tpu.memref_slice %arg7[%dma_start3A, %dma_start3A_85] : memref<128x128xf32, #tpu.memory_space<vmem>> -> memref<128x128xf32, #tpu.memory_space<vmem>>
        %dma_start3A_87 = arith.constant 0 : i32
        %dma_start3A_88 = tpu.memref_slice %arg4[%add3A_29, %dma_start3A_87] : memref<10240x128xf32, #tpu.memory_space<hbm>> -> memref<128x128xf32, #tpu.memory_space<hbm>>
        %dma_start3A_89 = arith.constant 0 : i32
        %dma_start3A_90 = tpu.memref_slice %arg4[%add3A_29, %dma_start3A_89] : memref<10240x128xf32, #tpu.memory_space<hbm>> -> memref<128x128xf32, #tpu.memory_space<hbm>>
        %dma_start3A_91 = arith.constant 0 : i32
        %dma_start3A_92 = arith.constant 0 : i32
        %dma_start3A_93 = tpu.memref_slice %arg7[%dma_start3A_91, %dma_start3A_92] : memref<128x128xf32, #tpu.memory_space<vmem>> -> memref<128x128xf32, #tpu.memory_space<vmem>>
        tpu.enqueue_dma source(%dma_start3A_93 : memref<128x128xf32, #tpu.memory_space<vmem>>) target(%dma_start3A_90 : memref<128x128xf32, #tpu.memory_space<hbm>>) target_semaphore(%run_scoped3A : memref<!tpu.dma_semaphore, #tpu.memory_space<semaphore_mem>>)
        %dma_wait3A = arith.constant 0 : i32
        %dma_wait3A_94 = arith.constant 0 : i32
        %dma_wait3A_95 = tpu.memref_slice %arg7[%dma_wait3A, %dma_wait3A_94] : memref<128x128xf32, #tpu.memory_space<vmem>> -> memref<128x128xf32, #tpu.memory_space<vmem>>
        %dma_wait3A_96 = arith.constant 0 : i32
        %dma_wait3A_97 = tpu.memref_slice %arg4[%add3A_29, %dma_wait3A_96] : memref<10240x128xf32, #tpu.memory_space<hbm>> -> memref<128x128xf32, #tpu.memory_space<hbm>>
        %dma_wait3A_98 = arith.constant 0 : i32
        %dma_wait3A_99 = tpu.memref_slice %arg4[%add3A_29, %dma_wait3A_98] : memref<10240x128xf32, #tpu.memory_space<hbm>> -> memref<128x128xf32, #tpu.memory_space<hbm>>
        %dma_wait3A_100 = arith.constant 0 : i32
        %dma_wait3A_101 = arith.constant 0 : i32
        %dma_wait3A_102 = tpu.memref_slice %arg7[%dma_wait3A_100, %dma_wait3A_101] : memref<128x128xf32, #tpu.memory_space<vmem>> -> memref<128x128xf32, #tpu.memory_space<vmem>>
        tpu.wait_dma2 semaphore(%run_scoped3A : memref<!tpu.dma_semaphore, #tpu.memory_space<semaphore_mem>>) src(%dma_wait3A_102 : memref<128x128xf32, #tpu.memory_space<vmem>>) dst(%dma_wait3A_99 : memref<128x128xf32, #tpu.memory_space<hbm>>)
        tpu.yield
      }) : () -> ()
    } else {
    }
    %eq3A_32 = arith.constant 1 : i32
    %eq3A_33 = arith.cmpi eq, %arg0, %eq3A_32 : i32
    %convert_element_type3A_34 = arith.extui %eq3A_33 : i1 to i32
    %cond3A_35 = arith.constant 0 : i32
    %cond3A_36 = arith.cmpi ne, %convert_element_type3A_34, %cond3A_35 : i32
    scf.if %cond3A_36 {
      "tpu.region"() ({
        %run_scoped3A = tpu.sem_alloc : memref<!tpu.dma_semaphore, #tpu.memory_space<semaphore_mem>>
        %dma_start3A = arith.constant 0 : i32
        %dma_start3A_85 = arith.constant 0 : i32
        %dma_start3A_86 = tpu.memref_slice %arg7[%dma_start3A, %dma_start3A_85] : memref<128x128xf32, #tpu.memory_space<vmem>> -> memref<128x128xf32, #tpu.memory_space<vmem>>
        %dma_start3A_87 = arith.constant 0 : i32
        %dma_start3A_88 = tpu.memref_slice %arg5[%add3A_29, %dma_start3A_87] : memref<10240x128xf32, #tpu.memory_space<hbm>> -> memref<128x128xf32, #tpu.memory_space<hbm>>
        %dma_start3A_89 = arith.constant 0 : i32
        %dma_start3A_90 = tpu.memref_slice %arg5[%add3A_29, %dma_start3A_89] : memref<10240x128xf32, #tpu.memory_space<hbm>> -> memref<128x128xf32, #tpu.memory_space<hbm>>
        %dma_start3A_91 = arith.constant 0 : i32
        %dma_start3A_92 = arith.constant 0 : i32
        %dma_start3A_93 = tpu.memref_slice %arg7[%dma_start3A_91, %dma_start3A_92] : memref<128x128xf32, #tpu.memory_space<vmem>> -> memref<128x128xf32, #tpu.memory_space<vmem>>
        tpu.enqueue_dma source(%dma_start3A_93 : memref<128x128xf32, #tpu.memory_space<vmem>>) target(%dma_start3A_90 : memref<128x128xf32, #tpu.memory_space<hbm>>) target_semaphore(%run_scoped3A : memref<!tpu.dma_semaphore, #tpu.memory_space<semaphore_mem>>)
        %dma_wait3A = arith.constant 0 : i32
        %dma_wait3A_94 = arith.constant 0 : i32
        %dma_wait3A_95 = tpu.memref_slice %arg7[%dma_wait3A, %dma_wait3A_94] : memref<128x128xf32, #tpu.memory_space<vmem>> -> memref<128x128xf32, #tpu.memory_space<vmem>>
        %dma_wait3A_96 = arith.constant 0 : i32
        %dma_wait3A_97 = tpu.memref_slice %arg5[%add3A_29, %dma_wait3A_96] : memref<10240x128xf32, #tpu.memory_space<hbm>> -> memref<128x128xf32, #tpu.memory_space<hbm>>
        %dma_wait3A_98 = arith.constant 0 : i32
        %dma_wait3A_99 = tpu.memref_slice %arg5[%add3A_29, %dma_wait3A_98] : memref<10240x128xf32, #tpu.memory_space<hbm>> -> memref<128x128xf32, #tpu.memory_space<hbm>>
        %dma_wait3A_100 = arith.constant 0 : i32
        %dma_wait3A_101 = arith.constant 0 : i32
        %dma_wait3A_102 = tpu.memref_slice %arg7[%dma_wait3A_100, %dma_wait3A_101] : memref<128x128xf32, #tpu.memory_space<vmem>> -> memref<128x128xf32, #tpu.memory_space<vmem>>
        tpu.wait_dma2 semaphore(%run_scoped3A : memref<!tpu.dma_semaphore, #tpu.memory_space<semaphore_mem>>) src(%dma_wait3A_102 : memref<128x128xf32, #tpu.memory_space<vmem>>) dst(%dma_wait3A_99 : memref<128x128xf32, #tpu.memory_space<hbm>>)
        tpu.yield
      }) : () -> ()
    } else {
    }
    %add3A_37 = arith.constant 128 : i32
    %add3A_38 = arith.addi %mul3A_10, %add3A_37 : i32
    "tpu.region"() ({
      %run_scoped3A = tpu.sem_alloc : memref<!tpu.dma_semaphore, #tpu.memory_space<semaphore_mem>>
      %dma_start3A = arith.constant 0 : i32
      %dma_start3A_85 = arith.constant 0 : i32
      %dma_start3A_86 = tpu.memref_slice %arg7[%dma_start3A, %dma_start3A_85] : memref<128x128xf32, #tpu.memory_space<vmem>> -> memref<128x128xf32, #tpu.memory_space<vmem>>
      %dma_start3A_87 = arith.constant 0 : i32
      %dma_start3A_88 = tpu.memref_slice %arg9[%add3A_38, %dma_start3A_87] : memref<10240x128xf32, #tpu.memory_space<vmem_shared>> -> memref<128x128xf32, #tpu.memory_space<vmem_shared>>
      %dma_start3A_89 = arith.constant 0 : i32
      %dma_start3A_90 = arith.constant 0 : i32
      %dma_start3A_91 = tpu.memref_slice %arg7[%dma_start3A_89, %dma_start3A_90] : memref<128x128xf32, #tpu.memory_space<vmem>> -> memref<128x128xf32, #tpu.memory_space<vmem>>
      %dma_start3A_92 = arith.constant 0 : i32
      %dma_start3A_93 = tpu.memref_slice %arg9[%add3A_38, %dma_start3A_92] : memref<10240x128xf32, #tpu.memory_space<vmem_shared>> -> memref<128x128xf32, #tpu.memory_space<vmem_shared>>
      tpu.enqueue_dma source(%dma_start3A_93 : memref<128x128xf32, #tpu.memory_space<vmem_shared>>) target(%dma_start3A_91 : memref<128x128xf32, #tpu.memory_space<vmem>>) target_semaphore(%run_scoped3A : memref<!tpu.dma_semaphore, #tpu.memory_space<semaphore_mem>>)
      %dma_wait3A = arith.constant 0 : i32
      %dma_wait3A_94 = arith.constant 0 : i32
      %dma_wait3A_95 = tpu.memref_slice %arg7[%dma_wait3A, %dma_wait3A_94] : memref<128x128xf32, #tpu.memory_space<vmem>> -> memref<128x128xf32, #tpu.memory_space<vmem>>
      %dma_wait3A_96 = arith.constant 0 : i32
      %dma_wait3A_97 = tpu.memref_slice %arg9[%add3A_38, %dma_wait3A_96] : memref<10240x128xf32, #tpu.memory_space<vmem_shared>> -> memref<128x128xf32, #tpu.memory_space<vmem_shared>>
      %dma_wait3A_98 = arith.constant 0 : i32
      %dma_wait3A_99 = arith.constant 0 : i32
      %dma_wait3A_100 = tpu.memref_slice %arg7[%dma_wait3A_98, %dma_wait3A_99] : memref<128x128xf32, #tpu.memory_space<vmem>> -> memref<128x128xf32, #tpu.memory_space<vmem>>
      %dma_wait3A_101 = arith.constant 0 : i32
      %dma_wait3A_102 = tpu.memref_slice %arg9[%add3A_38, %dma_wait3A_101] : memref<10240x128xf32, #tpu.memory_space<vmem_shared>> -> memref<128x128xf32, #tpu.memory_space<vmem_shared>>
      tpu.wait_dma2 semaphore(%run_scoped3A : memref<!tpu.dma_semaphore, #tpu.memory_space<semaphore_mem>>) src(%dma_wait3A_102 : memref<128x128xf32, #tpu.memory_space<vmem_shared>>) dst(%dma_wait3A_100 : memref<128x128xf32, #tpu.memory_space<vmem>>)
      tpu.yield
    }) : () -> ()
    %eq3A_39 = arith.constant 0 : i32
    %eq3A_40 = arith.cmpi eq, %arg0, %eq3A_39 : i32
    %convert_element_type3A_41 = arith.extui %eq3A_40 : i1 to i32
    %cond3A_42 = arith.constant 0 : i32
    %cond3A_43 = arith.cmpi ne, %convert_element_type3A_41, %cond3A_42 : i32
    scf.if %cond3A_43 {
      "tpu.region"() ({
        %run_scoped3A = tpu.sem_alloc : memref<!tpu.dma_semaphore, #tpu.memory_space<semaphore_mem>>
        %dma_start3A = arith.constant 0 : i32
        %dma_start3A_85 = arith.constant 0 : i32
        %dma_start3A_86 = tpu.memref_slice %arg7[%dma_start3A, %dma_start3A_85] : memref<128x128xf32, #tpu.memory_space<vmem>> -> memref<128x128xf32, #tpu.memory_space<vmem>>
        %dma_start3A_87 = arith.constant 0 : i32
        %dma_start3A_88 = tpu.memref_slice %arg4[%add3A_38, %dma_start3A_87] : memref<10240x128xf32, #tpu.memory_space<hbm>> -> memref<128x128xf32, #tpu.memory_space<hbm>>
        %dma_start3A_89 = arith.constant 0 : i32
        %dma_start3A_90 = tpu.memref_slice %arg4[%add3A_38, %dma_start3A_89] : memref<10240x128xf32, #tpu.memory_space<hbm>> -> memref<128x128xf32, #tpu.memory_space<hbm>>
        %dma_start3A_91 = arith.constant 0 : i32
        %dma_start3A_92 = arith.constant 0 : i32
        %dma_start3A_93 = tpu.memref_slice %arg7[%dma_start3A_91, %dma_start3A_92] : memref<128x128xf32, #tpu.memory_space<vmem>> -> memref<128x128xf32, #tpu.memory_space<vmem>>
        tpu.enqueue_dma source(%dma_start3A_93 : memref<128x128xf32, #tpu.memory_space<vmem>>) target(%dma_start3A_90 : memref<128x128xf32, #tpu.memory_space<hbm>>) target_semaphore(%run_scoped3A : memref<!tpu.dma_semaphore, #tpu.memory_space<semaphore_mem>>)
        %dma_wait3A = arith.constant 0 : i32
        %dma_wait3A_94 = arith.constant 0 : i32
        %dma_wait3A_95 = tpu.memref_slice %arg7[%dma_wait3A, %dma_wait3A_94] : memref<128x128xf32, #tpu.memory_space<vmem>> -> memref<128x128xf32, #tpu.memory_space<vmem>>
        %dma_wait3A_96 = arith.constant 0 : i32
        %dma_wait3A_97 = tpu.memref_slice %arg4[%add3A_38, %dma_wait3A_96] : memref<10240x128xf32, #tpu.memory_space<hbm>> -> memref<128x128xf32, #tpu.memory_space<hbm>>
        %dma_wait3A_98 = arith.constant 0 : i32
        %dma_wait3A_99 = tpu.memref_slice %arg4[%add3A_38, %dma_wait3A_98] : memref<10240x128xf32, #tpu.memory_space<hbm>> -> memref<128x128xf32, #tpu.memory_space<hbm>>
        %dma_wait3A_100 = arith.constant 0 : i32
        %dma_wait3A_101 = arith.constant 0 : i32
        %dma_wait3A_102 = tpu.memref_slice %arg7[%dma_wait3A_100, %dma_wait3A_101] : memref<128x128xf32, #tpu.memory_space<vmem>> -> memref<128x128xf32, #tpu.memory_space<vmem>>
        tpu.wait_dma2 semaphore(%run_scoped3A : memref<!tpu.dma_semaphore, #tpu.memory_space<semaphore_mem>>) src(%dma_wait3A_102 : memref<128x128xf32, #tpu.memory_space<vmem>>) dst(%dma_wait3A_99 : memref<128x128xf32, #tpu.memory_space<hbm>>)
        tpu.yield
      }) : () -> ()
    } else {
    }
    %eq3A_44 = arith.constant 1 : i32
    %eq3A_45 = arith.cmpi eq, %arg0, %eq3A_44 : i32
    %convert_element_type3A_46 = arith.extui %eq3A_45 : i1 to i32
    %cond3A_47 = arith.constant 0 : i32
    %cond3A_48 = arith.cmpi ne, %convert_element_type3A_46, %cond3A_47 : i32
    scf.if %cond3A_48 {
      "tpu.region"() ({
        %run_scoped3A = tpu.sem_alloc : memref<!tpu.dma_semaphore, #tpu.memory_space<semaphore_mem>>
        %dma_start3A = arith.constant 0 : i32
        %dma_start3A_85 = arith.constant 0 : i32
        %dma_start3A_86 = tpu.memref_slice %arg7[%dma_start3A, %dma_start3A_85] : memref<128x128xf32, #tpu.memory_space<vmem>> -> memref<128x128xf32, #tpu.memory_space<vmem>>
        %dma_start3A_87 = arith.constant 0 : i32
        %dma_start3A_88 = tpu.memref_slice %arg5[%add3A_38, %dma_start3A_87] : memref<10240x128xf32, #tpu.memory_space<hbm>> -> memref<128x128xf32, #tpu.memory_space<hbm>>
        %dma_start3A_89 = arith.constant 0 : i32
        %dma_start3A_90 = tpu.memref_slice %arg5[%add3A_38, %dma_start3A_89] : memref<10240x128xf32, #tpu.memory_space<hbm>> -> memref<128x128xf32, #tpu.memory_space<hbm>>
        %dma_start3A_91 = arith.constant 0 : i32
        %dma_start3A_92 = arith.constant 0 : i32
        %dma_start3A_93 = tpu.memref_slice %arg7[%dma_start3A_91, %dma_start3A_92] : memref<128x128xf32, #tpu.memory_space<vmem>> -> memref<128x128xf32, #tpu.memory_space<vmem>>
        tpu.enqueue_dma source(%dma_start3A_93 : memref<128x128xf32, #tpu.memory_space<vmem>>) target(%dma_start3A_90 : memref<128x128xf32, #tpu.memory_space<hbm>>) target_semaphore(%run_scoped3A : memref<!tpu.dma_semaphore, #tpu.memory_space<semaphore_mem>>)
        %dma_wait3A = arith.constant 0 : i32
        %dma_wait3A_94 = arith.constant 0 : i32
        %dma_wait3A_95 = tpu.memref_slice %arg7[%dma_wait3A, %dma_wait3A_94] : memref<128x128xf32, #tpu.memory_space<vmem>> -> memref<128x128xf32, #tpu.memory_space<vmem>>
        %dma_wait3A_96 = arith.constant 0 : i32
        %dma_wait3A_97 = tpu.memref_slice %arg5[%add3A_38, %dma_wait3A_96] : memref<10240x128xf32, #tpu.memory_space<hbm>> -> memref<128x128xf32, #tpu.memory_space<hbm>>
        %dma_wait3A_98 = arith.constant 0 : i32
        %dma_wait3A_99 = tpu.memref_slice %arg5[%add3A_38, %dma_wait3A_98] : memref<10240x128xf32, #tpu.memory_space<hbm>> -> memref<128x128xf32, #tpu.memory_space<hbm>>
        %dma_wait3A_100 = arith.constant 0 : i32
        %dma_wait3A_101 = arith.constant 0 : i32
        %dma_wait3A_102 = tpu.memref_slice %arg7[%dma_wait3A_100, %dma_wait3A_101] : memref<128x128xf32, #tpu.memory_space<vmem>> -> memref<128x128xf32, #tpu.memory_space<vmem>>
        tpu.wait_dma2 semaphore(%run_scoped3A : memref<!tpu.dma_semaphore, #tpu.memory_space<semaphore_mem>>) src(%dma_wait3A_102 : memref<128x128xf32, #tpu.memory_space<vmem>>) dst(%dma_wait3A_99 : memref<128x128xf32, #tpu.memory_space<hbm>>)
        tpu.yield
      }) : () -> ()
    } else {
    }
    %add3A_49 = arith.constant 256 : i32
    %add3A_50 = arith.addi %mul3A_10, %add3A_49 : i32
    "tpu.region"() ({
      %run_scoped3A = tpu.sem_alloc : memref<!tpu.dma_semaphore, #tpu.memory_space<semaphore_mem>>
      %dma_start3A = arith.constant 0 : i32
      %dma_start3A_85 = arith.constant 0 : i32
      %dma_start3A_86 = tpu.memref_slice %arg7[%dma_start3A, %dma_start3A_85] : memref<128x128xf32, #tpu.memory_space<vmem>> -> memref<128x128xf32, #tpu.memory_space<vmem>>
      %dma_start3A_87 = arith.constant 0 : i32
      %dma_start3A_88 = tpu.memref_slice %arg9[%add3A_50, %dma_start3A_87] : memref<10240x128xf32, #tpu.memory_space<vmem_shared>> -> memref<128x128xf32, #tpu.memory_space<vmem_shared>>
      %dma_start3A_89 = arith.constant 0 : i32
      %dma_start3A_90 = arith.constant 0 : i32
      %dma_start3A_91 = tpu.memref_slice %arg7[%dma_start3A_89, %dma_start3A_90] : memref<128x128xf32, #tpu.memory_space<vmem>> -> memref<128x128xf32, #tpu.memory_space<vmem>>
      %dma_start3A_92 = arith.constant 0 : i32
      %dma_start3A_93 = tpu.memref_slice %arg9[%add3A_50, %dma_start3A_92] : memref<10240x128xf32, #tpu.memory_space<vmem_shared>> -> memref<128x128xf32, #tpu.memory_space<vmem_shared>>
      tpu.enqueue_dma source(%dma_start3A_93 : memref<128x128xf32, #tpu.memory_space<vmem_shared>>) target(%dma_start3A_91 : memref<128x128xf32, #tpu.memory_space<vmem>>) target_semaphore(%run_scoped3A : memref<!tpu.dma_semaphore, #tpu.memory_space<semaphore_mem>>)
      %dma_wait3A = arith.constant 0 : i32
      %dma_wait3A_94 = arith.constant 0 : i32
      %dma_wait3A_95 = tpu.memref_slice %arg7[%dma_wait3A, %dma_wait3A_94] : memref<128x128xf32, #tpu.memory_space<vmem>> -> memref<128x128xf32, #tpu.memory_space<vmem>>
      %dma_wait3A_96 = arith.constant 0 : i32
      %dma_wait3A_97 = tpu.memref_slice %arg9[%add3A_50, %dma_wait3A_96] : memref<10240x128xf32, #tpu.memory_space<vmem_shared>> -> memref<128x128xf32, #tpu.memory_space<vmem_shared>>
      %dma_wait3A_98 = arith.constant 0 : i32
      %dma_wait3A_99 = arith.constant 0 : i32
      %dma_wait3A_100 = tpu.memref_slice %arg7[%dma_wait3A_98, %dma_wait3A_99] : memref<128x128xf32, #tpu.memory_space<vmem>> -> memref<128x128xf32, #tpu.memory_space<vmem>>
      %dma_wait3A_101 = arith.constant 0 : i32
      %dma_wait3A_102 = tpu.memref_slice %arg9[%add3A_50, %dma_wait3A_101] : memref<10240x128xf32, #tpu.memory_space<vmem_shared>> -> memref<128x128xf32, #tpu.memory_space<vmem_shared>>
      tpu.wait_dma2 semaphore(%run_scoped3A : memref<!tpu.dma_semaphore, #tpu.memory_space<semaphore_mem>>) src(%dma_wait3A_102 : memref<128x128xf32, #tpu.memory_space<vmem_shared>>) dst(%dma_wait3A_100 : memref<128x128xf32, #tpu.memory_space<vmem>>)
      tpu.yield
    }) : () -> ()
    %eq3A_51 = arith.constant 0 : i32
    %eq3A_52 = arith.cmpi eq, %arg0, %eq3A_51 : i32
    %convert_element_type3A_53 = arith.extui %eq3A_52 : i1 to i32
    %cond3A_54 = arith.constant 0 : i32
    %cond3A_55 = arith.cmpi ne, %convert_element_type3A_53, %cond3A_54 : i32
    scf.if %cond3A_55 {
      "tpu.region"() ({
        %run_scoped3A = tpu.sem_alloc : memref<!tpu.dma_semaphore, #tpu.memory_space<semaphore_mem>>
        %dma_start3A = arith.constant 0 : i32
        %dma_start3A_85 = arith.constant 0 : i32
        %dma_start3A_86 = tpu.memref_slice %arg7[%dma_start3A, %dma_start3A_85] : memref<128x128xf32, #tpu.memory_space<vmem>> -> memref<128x128xf32, #tpu.memory_space<vmem>>
        %dma_start3A_87 = arith.constant 0 : i32
        %dma_start3A_88 = tpu.memref_slice %arg4[%add3A_50, %dma_start3A_87] : memref<10240x128xf32, #tpu.memory_space<hbm>> -> memref<128x128xf32, #tpu.memory_space<hbm>>
        %dma_start3A_89 = arith.constant 0 : i32
        %dma_start3A_90 = tpu.memref_slice %arg4[%add3A_50, %dma_start3A_89] : memref<10240x128xf32, #tpu.memory_space<hbm>> -> memref<128x128xf32, #tpu.memory_space<hbm>>
        %dma_start3A_91 = arith.constant 0 : i32
        %dma_start3A_92 = arith.constant 0 : i32
        %dma_start3A_93 = tpu.memref_slice %arg7[%dma_start3A_91, %dma_start3A_92] : memref<128x128xf32, #tpu.memory_space<vmem>> -> memref<128x128xf32, #tpu.memory_space<vmem>>
        tpu.enqueue_dma source(%dma_start3A_93 : memref<128x128xf32, #tpu.memory_space<vmem>>) target(%dma_start3A_90 : memref<128x128xf32, #tpu.memory_space<hbm>>) target_semaphore(%run_scoped3A : memref<!tpu.dma_semaphore, #tpu.memory_space<semaphore_mem>>)
        %dma_wait3A = arith.constant 0 : i32
        %dma_wait3A_94 = arith.constant 0 : i32
        %dma_wait3A_95 = tpu.memref_slice %arg7[%dma_wait3A, %dma_wait3A_94] : memref<128x128xf32, #tpu.memory_space<vmem>> -> memref<128x128xf32, #tpu.memory_space<vmem>>
        %dma_wait3A_96 = arith.constant 0 : i32
        %dma_wait3A_97 = tpu.memref_slice %arg4[%add3A_50, %dma_wait3A_96] : memref<10240x128xf32, #tpu.memory_space<hbm>> -> memref<128x128xf32, #tpu.memory_space<hbm>>
        %dma_wait3A_98 = arith.constant 0 : i32
        %dma_wait3A_99 = tpu.memref_slice %arg4[%add3A_50, %dma_wait3A_98] : memref<10240x128xf32, #tpu.memory_space<hbm>> -> memref<128x128xf32, #tpu.memory_space<hbm>>
        %dma_wait3A_100 = arith.constant 0 : i32
        %dma_wait3A_101 = arith.constant 0 : i32
        %dma_wait3A_102 = tpu.memref_slice %arg7[%dma_wait3A_100, %dma_wait3A_101] : memref<128x128xf32, #tpu.memory_space<vmem>> -> memref<128x128xf32, #tpu.memory_space<vmem>>
        tpu.wait_dma2 semaphore(%run_scoped3A : memref<!tpu.dma_semaphore, #tpu.memory_space<semaphore_mem>>) src(%dma_wait3A_102 : memref<128x128xf32, #tpu.memory_space<vmem>>) dst(%dma_wait3A_99 : memref<128x128xf32, #tpu.memory_space<hbm>>)
        tpu.yield
      }) : () -> ()
    } else {
    }
    %eq3A_56 = arith.constant 1 : i32
    %eq3A_57 = arith.cmpi eq, %arg0, %eq3A_56 : i32
    %convert_element_type3A_58 = arith.extui %eq3A_57 : i1 to i32
    %cond3A_59 = arith.constant 0 : i32
    %cond3A_60 = arith.cmpi ne, %convert_element_type3A_58, %cond3A_59 : i32
    scf.if %cond3A_60 {
      "tpu.region"() ({
        %run_scoped3A = tpu.sem_alloc : memref<!tpu.dma_semaphore, #tpu.memory_space<semaphore_mem>>
        %dma_start3A = arith.constant 0 : i32
        %dma_start3A_85 = arith.constant 0 : i32
        %dma_start3A_86 = tpu.memref_slice %arg7[%dma_start3A, %dma_start3A_85] : memref<128x128xf32, #tpu.memory_space<vmem>> -> memref<128x128xf32, #tpu.memory_space<vmem>>
        %dma_start3A_87 = arith.constant 0 : i32
        %dma_start3A_88 = tpu.memref_slice %arg5[%add3A_50, %dma_start3A_87] : memref<10240x128xf32, #tpu.memory_space<hbm>> -> memref<128x128xf32, #tpu.memory_space<hbm>>
        %dma_start3A_89 = arith.constant 0 : i32
        %dma_start3A_90 = tpu.memref_slice %arg5[%add3A_50, %dma_start3A_89] : memref<10240x128xf32, #tpu.memory_space<hbm>> -> memref<128x128xf32, #tpu.memory_space<hbm>>
        %dma_start3A_91 = arith.constant 0 : i32
        %dma_start3A_92 = arith.constant 0 : i32
        %dma_start3A_93 = tpu.memref_slice %arg7[%dma_start3A_91, %dma_start3A_92] : memref<128x128xf32, #tpu.memory_space<vmem>> -> memref<128x128xf32, #tpu.memory_space<vmem>>
        tpu.enqueue_dma source(%dma_start3A_93 : memref<128x128xf32, #tpu.memory_space<vmem>>) target(%dma_start3A_90 : memref<128x128xf32, #tpu.memory_space<hbm>>) target_semaphore(%run_scoped3A : memref<!tpu.dma_semaphore, #tpu.memory_space<semaphore_mem>>)
        %dma_wait3A = arith.constant 0 : i32
        %dma_wait3A_94 = arith.constant 0 : i32
        %dma_wait3A_95 = tpu.memref_slice %arg7[%dma_wait3A, %dma_wait3A_94] : memref<128x128xf32, #tpu.memory_space<vmem>> -> memref<128x128xf32, #tpu.memory_space<vmem>>
        %dma_wait3A_96 = arith.constant 0 : i32
        %dma_wait3A_97 = tpu.memref_slice %arg5[%add3A_50, %dma_wait3A_96] : memref<10240x128xf32, #tpu.memory_space<hbm>> -> memref<128x128xf32, #tpu.memory_space<hbm>>
        %dma_wait3A_98 = arith.constant 0 : i32
        %dma_wait3A_99 = tpu.memref_slice %arg5[%add3A_50, %dma_wait3A_98] : memref<10240x128xf32, #tpu.memory_space<hbm>> -> memref<128x128xf32, #tpu.memory_space<hbm>>
        %dma_wait3A_100 = arith.constant 0 : i32
        %dma_wait3A_101 = arith.constant 0 : i32
        %dma_wait3A_102 = tpu.memref_slice %arg7[%dma_wait3A_100, %dma_wait3A_101] : memref<128x128xf32, #tpu.memory_space<vmem>> -> memref<128x128xf32, #tpu.memory_space<vmem>>
        tpu.wait_dma2 semaphore(%run_scoped3A : memref<!tpu.dma_semaphore, #tpu.memory_space<semaphore_mem>>) src(%dma_wait3A_102 : memref<128x128xf32, #tpu.memory_space<vmem>>) dst(%dma_wait3A_99 : memref<128x128xf32, #tpu.memory_space<hbm>>)
        tpu.yield
      }) : () -> ()
    } else {
    }
    %add3A_61 = arith.constant 384 : i32
    %add3A_62 = arith.addi %mul3A_10, %add3A_61 : i32
    "tpu.region"() ({
      %run_scoped3A = tpu.sem_alloc : memref<!tpu.dma_semaphore, #tpu.memory_space<semaphore_mem>>
      %dma_start3A = arith.constant 0 : i32
      %dma_start3A_85 = arith.constant 0 : i32
      %dma_start3A_86 = tpu.memref_slice %arg7[%dma_start3A, %dma_start3A_85] : memref<128x128xf32, #tpu.memory_space<vmem>> -> memref<128x128xf32, #tpu.memory_space<vmem>>
      %dma_start3A_87 = arith.constant 0 : i32
      %dma_start3A_88 = tpu.memref_slice %arg9[%add3A_62, %dma_start3A_87] : memref<10240x128xf32, #tpu.memory_space<vmem_shared>> -> memref<128x128xf32, #tpu.memory_space<vmem_shared>>
      %dma_start3A_89 = arith.constant 0 : i32
      %dma_start3A_90 = arith.constant 0 : i32
      %dma_start3A_91 = tpu.memref_slice %arg7[%dma_start3A_89, %dma_start3A_90] : memref<128x128xf32, #tpu.memory_space<vmem>> -> memref<128x128xf32, #tpu.memory_space<vmem>>
      %dma_start3A_92 = arith.constant 0 : i32
      %dma_start3A_93 = tpu.memref_slice %arg9[%add3A_62, %dma_start3A_92] : memref<10240x128xf32, #tpu.memory_space<vmem_shared>> -> memref<128x128xf32, #tpu.memory_space<vmem_shared>>
      tpu.enqueue_dma source(%dma_start3A_93 : memref<128x128xf32, #tpu.memory_space<vmem_shared>>) target(%dma_start3A_91 : memref<128x128xf32, #tpu.memory_space<vmem>>) target_semaphore(%run_scoped3A : memref<!tpu.dma_semaphore, #tpu.memory_space<semaphore_mem>>)
      %dma_wait3A = arith.constant 0 : i32
      %dma_wait3A_94 = arith.constant 0 : i32
      %dma_wait3A_95 = tpu.memref_slice %arg7[%dma_wait3A, %dma_wait3A_94] : memref<128x128xf32, #tpu.memory_space<vmem>> -> memref<128x128xf32, #tpu.memory_space<vmem>>
      %dma_wait3A_96 = arith.constant 0 : i32
      %dma_wait3A_97 = tpu.memref_slice %arg9[%add3A_62, %dma_wait3A_96] : memref<10240x128xf32, #tpu.memory_space<vmem_shared>> -> memref<128x128xf32, #tpu.memory_space<vmem_shared>>
      %dma_wait3A_98 = arith.constant 0 : i32
      %dma_wait3A_99 = arith.constant 0 : i32
      %dma_wait3A_100 = tpu.memref_slice %arg7[%dma_wait3A_98, %dma_wait3A_99] : memref<128x128xf32, #tpu.memory_space<vmem>> -> memref<128x128xf32, #tpu.memory_space<vmem>>
      %dma_wait3A_101 = arith.constant 0 : i32
      %dma_wait3A_102 = tpu.memref_slice %arg9[%add3A_62, %dma_wait3A_101] : memref<10240x128xf32, #tpu.memory_space<vmem_shared>> -> memref<128x128xf32, #tpu.memory_space<vmem_shared>>
      tpu.wait_dma2 semaphore(%run_scoped3A : memref<!tpu.dma_semaphore, #tpu.memory_space<semaphore_mem>>) src(%dma_wait3A_102 : memref<128x128xf32, #tpu.memory_space<vmem_shared>>) dst(%dma_wait3A_100 : memref<128x128xf32, #tpu.memory_space<vmem>>)
      tpu.yield
    }) : () -> ()
    %eq3A_63 = arith.constant 0 : i32
    %eq3A_64 = arith.cmpi eq, %arg0, %eq3A_63 : i32
    %convert_element_type3A_65 = arith.extui %eq3A_64 : i1 to i32
    %cond3A_66 = arith.constant 0 : i32
    %cond3A_67 = arith.cmpi ne, %convert_element_type3A_65, %cond3A_66 : i32
    scf.if %cond3A_67 {
      "tpu.region"() ({
        %run_scoped3A = tpu.sem_alloc : memref<!tpu.dma_semaphore, #tpu.memory_space<semaphore_mem>>
        %dma_start3A = arith.constant 0 : i32
        %dma_start3A_85 = arith.constant 0 : i32
        %dma_start3A_86 = tpu.memref_slice %arg7[%dma_start3A, %dma_start3A_85] : memref<128x128xf32, #tpu.memory_space<vmem>> -> memref<128x128xf32, #tpu.memory_space<vmem>>
        %dma_start3A_87 = arith.constant 0 : i32
        %dma_start3A_88 = tpu.memref_slice %arg4[%add3A_62, %dma_start3A_87] : memref<10240x128xf32, #tpu.memory_space<hbm>> -> memref<128x128xf32, #tpu.memory_space<hbm>>
        %dma_start3A_89 = arith.constant 0 : i32
        %dma_start3A_90 = tpu.memref_slice %arg4[%add3A_62, %dma_start3A_89] : memref<10240x128xf32, #tpu.memory_space<hbm>> -> memref<128x128xf32, #tpu.memory_space<hbm>>
        %dma_start3A_91 = arith.constant 0 : i32
        %dma_start3A_92 = arith.constant 0 : i32
        %dma_start3A_93 = tpu.memref_slice %arg7[%dma_start3A_91, %dma_start3A_92] : memref<128x128xf32, #tpu.memory_space<vmem>> -> memref<128x128xf32, #tpu.memory_space<vmem>>
        tpu.enqueue_dma source(%dma_start3A_93 : memref<128x128xf32, #tpu.memory_space<vmem>>) target(%dma_start3A_90 : memref<128x128xf32, #tpu.memory_space<hbm>>) target_semaphore(%run_scoped3A : memref<!tpu.dma_semaphore, #tpu.memory_space<semaphore_mem>>)
        %dma_wait3A = arith.constant 0 : i32
        %dma_wait3A_94 = arith.constant 0 : i32
        %dma_wait3A_95 = tpu.memref_slice %arg7[%dma_wait3A, %dma_wait3A_94] : memref<128x128xf32, #tpu.memory_space<vmem>> -> memref<128x128xf32, #tpu.memory_space<vmem>>
        %dma_wait3A_96 = arith.constant 0 : i32
        %dma_wait3A_97 = tpu.memref_slice %arg4[%add3A_62, %dma_wait3A_96] : memref<10240x128xf32, #tpu.memory_space<hbm>> -> memref<128x128xf32, #tpu.memory_space<hbm>>
        %dma_wait3A_98 = arith.constant 0 : i32
        %dma_wait3A_99 = tpu.memref_slice %arg4[%add3A_62, %dma_wait3A_98] : memref<10240x128xf32, #tpu.memory_space<hbm>> -> memref<128x128xf32, #tpu.memory_space<hbm>>
        %dma_wait3A_100 = arith.constant 0 : i32
        %dma_wait3A_101 = arith.constant 0 : i32
        %dma_wait3A_102 = tpu.memref_slice %arg7[%dma_wait3A_100, %dma_wait3A_101] : memref<128x128xf32, #tpu.memory_space<vmem>> -> memref<128x128xf32, #tpu.memory_space<vmem>>
        tpu.wait_dma2 semaphore(%run_scoped3A : memref<!tpu.dma_semaphore, #tpu.memory_space<semaphore_mem>>) src(%dma_wait3A_102 : memref<128x128xf32, #tpu.memory_space<vmem>>) dst(%dma_wait3A_99 : memref<128x128xf32, #tpu.memory_space<hbm>>)
        tpu.yield
      }) : () -> ()
    } else {
    }
    %eq3A_68 = arith.constant 1 : i32
    %eq3A_69 = arith.cmpi eq, %arg0, %eq3A_68 : i32
    %convert_element_type3A_70 = arith.extui %eq3A_69 : i1 to i32
    %cond3A_71 = arith.constant 0 : i32
    %cond3A_72 = arith.cmpi ne, %convert_element_type3A_70, %cond3A_71 : i32
    scf.if %cond3A_72 {
      "tpu.region"() ({
        %run_scoped3A = tpu.sem_alloc : memref<!tpu.dma_semaphore, #tpu.memory_space<semaphore_mem>>
        %dma_start3A = arith.constant 0 : i32
        %dma_start3A_85 = arith.constant 0 : i32
        %dma_start3A_86 = tpu.memref_slice %arg7[%dma_start3A, %dma_start3A_85] : memref<128x128xf32, #tpu.memory_space<vmem>> -> memref<128x128xf32, #tpu.memory_space<vmem>>
        %dma_start3A_87 = arith.constant 0 : i32
        %dma_start3A_88 = tpu.memref_slice %arg5[%add3A_62, %dma_start3A_87] : memref<10240x128xf32, #tpu.memory_space<hbm>> -> memref<128x128xf32, #tpu.memory_space<hbm>>
        %dma_start3A_89 = arith.constant 0 : i32
        %dma_start3A_90 = tpu.memref_slice %arg5[%add3A_62, %dma_start3A_89] : memref<10240x128xf32, #tpu.memory_space<hbm>> -> memref<128x128xf32, #tpu.memory_space<hbm>>
        %dma_start3A_91 = arith.constant 0 : i32
        %dma_start3A_92 = arith.constant 0 : i32
        %dma_start3A_93 = tpu.memref_slice %arg7[%dma_start3A_91, %dma_start3A_92] : memref<128x128xf32, #tpu.memory_space<vmem>> -> memref<128x128xf32, #tpu.memory_space<vmem>>
        tpu.enqueue_dma source(%dma_start3A_93 : memref<128x128xf32, #tpu.memory_space<vmem>>) target(%dma_start3A_90 : memref<128x128xf32, #tpu.memory_space<hbm>>) target_semaphore(%run_scoped3A : memref<!tpu.dma_semaphore, #tpu.memory_space<semaphore_mem>>)
        %dma_wait3A = arith.constant 0 : i32
        %dma_wait3A_94 = arith.constant 0 : i32
        %dma_wait3A_95 = tpu.memref_slice %arg7[%dma_wait3A, %dma_wait3A_94] : memref<128x128xf32, #tpu.memory_space<vmem>> -> memref<128x128xf32, #tpu.memory_space<vmem>>
        %dma_wait3A_96 = arith.constant 0 : i32
        %dma_wait3A_97 = tpu.memref_slice %arg5[%add3A_62, %dma_wait3A_96] : memref<10240x128xf32, #tpu.memory_space<hbm>> -> memref<128x128xf32, #tpu.memory_space<hbm>>
        %dma_wait3A_98 = arith.constant 0 : i32
        %dma_wait3A_99 = tpu.memref_slice %arg5[%add3A_62, %dma_wait3A_98] : memref<10240x128xf32, #tpu.memory_space<hbm>> -> memref<128x128xf32, #tpu.memory_space<hbm>>
        %dma_wait3A_100 = arith.constant 0 : i32
        %dma_wait3A_101 = arith.constant 0 : i32
        %dma_wait3A_102 = tpu.memref_slice %arg7[%dma_wait3A_100, %dma_wait3A_101] : memref<128x128xf32, #tpu.memory_space<vmem>> -> memref<128x128xf32, #tpu.memory_space<vmem>>
        tpu.wait_dma2 semaphore(%run_scoped3A : memref<!tpu.dma_semaphore, #tpu.memory_space<semaphore_mem>>) src(%dma_wait3A_102 : memref<128x128xf32, #tpu.memory_space<vmem>>) dst(%dma_wait3A_99 : memref<128x128xf32, #tpu.memory_space<hbm>>)
        tpu.yield
      }) : () -> ()
    } else {
    }
    %add3A_73 = arith.constant 512 : i32
    %add3A_74 = arith.addi %mul3A_10, %add3A_73 : i32
    "tpu.region"() ({
      %run_scoped3A = tpu.sem_alloc : memref<!tpu.dma_semaphore, #tpu.memory_space<semaphore_mem>>
      %dma_start3A = arith.constant 0 : i32
      %dma_start3A_85 = arith.constant 0 : i32
      %dma_start3A_86 = tpu.memref_slice %arg7[%dma_start3A, %dma_start3A_85] : memref<128x128xf32, #tpu.memory_space<vmem>> -> memref<128x128xf32, #tpu.memory_space<vmem>>
      %dma_start3A_87 = arith.constant 0 : i32
      %dma_start3A_88 = tpu.memref_slice %arg9[%add3A_74, %dma_start3A_87] : memref<10240x128xf32, #tpu.memory_space<vmem_shared>> -> memref<128x128xf32, #tpu.memory_space<vmem_shared>>
      %dma_start3A_89 = arith.constant 0 : i32
      %dma_start3A_90 = arith.constant 0 : i32
      %dma_start3A_91 = tpu.memref_slice %arg7[%dma_start3A_89, %dma_start3A_90] : memref<128x128xf32, #tpu.memory_space<vmem>> -> memref<128x128xf32, #tpu.memory_space<vmem>>
      %dma_start3A_92 = arith.constant 0 : i32
      %dma_start3A_93 = tpu.memref_slice %arg9[%add3A_74, %dma_start3A_92] : memref<10240x128xf32, #tpu.memory_space<vmem_shared>> -> memref<128x128xf32, #tpu.memory_space<vmem_shared>>
      tpu.enqueue_dma source(%dma_start3A_93 : memref<128x128xf32, #tpu.memory_space<vmem_shared>>) target(%dma_start3A_91 : memref<128x128xf32, #tpu.memory_space<vmem>>) target_semaphore(%run_scoped3A : memref<!tpu.dma_semaphore, #tpu.memory_space<semaphore_mem>>)
      %dma_wait3A = arith.constant 0 : i32
      %dma_wait3A_94 = arith.constant 0 : i32
      %dma_wait3A_95 = tpu.memref_slice %arg7[%dma_wait3A, %dma_wait3A_94] : memref<128x128xf32, #tpu.memory_space<vmem>> -> memref<128x128xf32, #tpu.memory_space<vmem>>
      %dma_wait3A_96 = arith.constant 0 : i32
      %dma_wait3A_97 = tpu.memref_slice %arg9[%add3A_74, %dma_wait3A_96] : memref<10240x128xf32, #tpu.memory_space<vmem_shared>> -> memref<128x128xf32, #tpu.memory_space<vmem_shared>>
      %dma_wait3A_98 = arith.constant 0 : i32
      %dma_wait3A_99 = arith.constant 0 : i32
      %dma_wait3A_100 = tpu.memref_slice %arg7[%dma_wait3A_98, %dma_wait3A_99] : memref<128x128xf32, #tpu.memory_space<vmem>> -> memref<128x128xf32, #tpu.memory_space<vmem>>
      %dma_wait3A_101 = arith.constant 0 : i32
      %dma_wait3A_102 = tpu.memref_slice %arg9[%add3A_74, %dma_wait3A_101] : memref<10240x128xf32, #tpu.memory_space<vmem_shared>> -> memref<128x128xf32, #tpu.memory_space<vmem_shared>>
      tpu.wait_dma2 semaphore(%run_scoped3A : memref<!tpu.dma_semaphore, #tpu.memory_space<semaphore_mem>>) src(%dma_wait3A_102 : memref<128x128xf32, #tpu.memory_space<vmem_shared>>) dst(%dma_wait3A_100 : memref<128x128xf32, #tpu.memory_space<vmem>>)
      tpu.yield
    }) : () -> ()
    %eq3A_75 = arith.constant 0 : i32
    %eq3A_76 = arith.cmpi eq, %arg0, %eq3A_75 : i32
    %convert_element_type3A_77 = arith.extui %eq3A_76 : i1 to i32
    %cond3A_78 = arith.constant 0 : i32
    %cond3A_79 = arith.cmpi ne, %convert_element_type3A_77, %cond3A_78 : i32
    scf.if %cond3A_79 {
      "tpu.region"() ({
        %run_scoped3A = tpu.sem_alloc : memref<!tpu.dma_semaphore, #tpu.memory_space<semaphore_mem>>
        %dma_start3A = arith.constant 0 : i32
        %dma_start3A_85 = arith.constant 0 : i32
        %dma_start3A_86 = tpu.memref_slice %arg7[%dma_start3A, %dma_start3A_85] : memref<128x128xf32, #tpu.memory_space<vmem>> -> memref<128x128xf32, #tpu.memory_space<vmem>>
        %dma_start3A_87 = arith.constant 0 : i32
        %dma_start3A_88 = tpu.memref_slice %arg4[%add3A_74, %dma_start3A_87] : memref<10240x128xf32, #tpu.memory_space<hbm>> -> memref<128x128xf32, #tpu.memory_space<hbm>>
        %dma_start3A_89 = arith.constant 0 : i32
        %dma_start3A_90 = tpu.memref_slice %arg4[%add3A_74, %dma_start3A_89] : memref<10240x128xf32, #tpu.memory_space<hbm>> -> memref<128x128xf32, #tpu.memory_space<hbm>>
        %dma_start3A_91 = arith.constant 0 : i32
        %dma_start3A_92 = arith.constant 0 : i32
        %dma_start3A_93 = tpu.memref_slice %arg7[%dma_start3A_91, %dma_start3A_92] : memref<128x128xf32, #tpu.memory_space<vmem>> -> memref<128x128xf32, #tpu.memory_space<vmem>>
        tpu.enqueue_dma source(%dma_start3A_93 : memref<128x128xf32, #tpu.memory_space<vmem>>) target(%dma_start3A_90 : memref<128x128xf32, #tpu.memory_space<hbm>>) target_semaphore(%run_scoped3A : memref<!tpu.dma_semaphore, #tpu.memory_space<semaphore_mem>>)
        %dma_wait3A = arith.constant 0 : i32
        %dma_wait3A_94 = arith.constant 0 : i32
        %dma_wait3A_95 = tpu.memref_slice %arg7[%dma_wait3A, %dma_wait3A_94] : memref<128x128xf32, #tpu.memory_space<vmem>> -> memref<128x128xf32, #tpu.memory_space<vmem>>
        %dma_wait3A_96 = arith.constant 0 : i32
        %dma_wait3A_97 = tpu.memref_slice %arg4[%add3A_74, %dma_wait3A_96] : memref<10240x128xf32, #tpu.memory_space<hbm>> -> memref<128x128xf32, #tpu.memory_space<hbm>>
        %dma_wait3A_98 = arith.constant 0 : i32
        %dma_wait3A_99 = tpu.memref_slice %arg4[%add3A_74, %dma_wait3A_98] : memref<10240x128xf32, #tpu.memory_space<hbm>> -> memref<128x128xf32, #tpu.memory_space<hbm>>
        %dma_wait3A_100 = arith.constant 0 : i32
        %dma_wait3A_101 = arith.constant 0 : i32
        %dma_wait3A_102 = tpu.memref_slice %arg7[%dma_wait3A_100, %dma_wait3A_101] : memref<128x128xf32, #tpu.memory_space<vmem>> -> memref<128x128xf32, #tpu.memory_space<vmem>>
        tpu.wait_dma2 semaphore(%run_scoped3A : memref<!tpu.dma_semaphore, #tpu.memory_space<semaphore_mem>>) src(%dma_wait3A_102 : memref<128x128xf32, #tpu.memory_space<vmem>>) dst(%dma_wait3A_99 : memref<128x128xf32, #tpu.memory_space<hbm>>)
        tpu.yield
      }) : () -> ()
    } else {
    }
    %eq3A_80 = arith.constant 1 : i32
    %eq3A_81 = arith.cmpi eq, %arg0, %eq3A_80 : i32
    %convert_element_type3A_82 = arith.extui %eq3A_81 : i1 to i32
    %cond3A_83 = arith.constant 0 : i32
    %cond3A_84 = arith.cmpi ne, %convert_element_type3A_82, %cond3A_83 : i32
    scf.if %cond3A_84 {
      "tpu.region"() ({
        %run_scoped3A = tpu.sem_alloc : memref<!tpu.dma_semaphore, #tpu.memory_space<semaphore_mem>>
        %dma_start3A = arith.constant 0 : i32
        %dma_start3A_85 = arith.constant 0 : i32
        %dma_start3A_86 = tpu.memref_slice %arg7[%dma_start3A, %dma_start3A_85] : memref<128x128xf32, #tpu.memory_space<vmem>> -> memref<128x128xf32, #tpu.memory_space<vmem>>
        %dma_start3A_87 = arith.constant 0 : i32
        %dma_start3A_88 = tpu.memref_slice %arg5[%add3A_74, %dma_start3A_87] : memref<10240x128xf32, #tpu.memory_space<hbm>> -> memref<128x128xf32, #tpu.memory_space<hbm>>
        %dma_start3A_89 = arith.constant 0 : i32
        %dma_start3A_90 = tpu.memref_slice %arg5[%add3A_74, %dma_start3A_89] : memref<10240x128xf32, #tpu.memory_space<hbm>> -> memref<128x128xf32, #tpu.memory_space<hbm>>
        %dma_start3A_91 = arith.constant 0 : i32
        %dma_start3A_92 = arith.constant 0 : i32
        %dma_start3A_93 = tpu.memref_slice %arg7[%dma_start3A_91, %dma_start3A_92] : memref<128x128xf32, #tpu.memory_space<vmem>> -> memref<128x128xf32, #tpu.memory_space<vmem>>
        tpu.enqueue_dma source(%dma_start3A_93 : memref<128x128xf32, #tpu.memory_space<vmem>>) target(%dma_start3A_90 : memref<128x128xf32, #tpu.memory_space<hbm>>) target_semaphore(%run_scoped3A : memref<!tpu.dma_semaphore, #tpu.memory_space<semaphore_mem>>)
        %dma_wait3A = arith.constant 0 : i32
        %dma_wait3A_94 = arith.constant 0 : i32
        %dma_wait3A_95 = tpu.memref_slice %arg7[%dma_wait3A, %dma_wait3A_94] : memref<128x128xf32, #tpu.memory_space<vmem>> -> memref<128x128xf32, #tpu.memory_space<vmem>>
        %dma_wait3A_96 = arith.constant 0 : i32
        %dma_wait3A_97 = tpu.memref_slice %arg5[%add3A_74, %dma_wait3A_96] : memref<10240x128xf32, #tpu.memory_space<hbm>> -> memref<128x128xf32, #tpu.memory_space<hbm>>
        %dma_wait3A_98 = arith.constant 0 : i32
        %dma_wait3A_99 = tpu.memref_slice %arg5[%add3A_74, %dma_wait3A_98] : memref<10240x128xf32, #tpu.memory_space<hbm>> -> memref<128x128xf32, #tpu.memory_space<hbm>>
        %dma_wait3A_100 = arith.constant 0 : i32
        %dma_wait3A_101 = arith.constant 0 : i32
        %dma_wait3A_102 = tpu.memref_slice %arg7[%dma_wait3A_100, %dma_wait3A_101] : memref<128x128xf32, #tpu.memory_space<vmem>> -> memref<128x128xf32, #tpu.memory_space<vmem>>
        tpu.wait_dma2 semaphore(%run_scoped3A : memref<!tpu.dma_semaphore, #tpu.memory_space<semaphore_mem>>) src(%dma_wait3A_102 : memref<128x128xf32, #tpu.memory_space<vmem>>) dst(%dma_wait3A_99 : memref<128x128xf32, #tpu.memory_space<hbm>>)
        tpu.yield
      }) : () -> ()
    } else {
    }
    return
  }
}

module attributes {stable_mosaic.version = 14 : i64} {
  func.func @_edge_body(%arg0: i32, %arg1: memref<2560x128xbf16, #tpu.memory_space<vmem>>, %arg2: memref<2560x128xbf16, #tpu.memory_space<vmem>>, %arg3: memref<2560x128xf32, #tpu.memory_space<vmem>>, %arg4: memref<128x256xbf16, #tpu.memory_space<vmem>>, %arg5: memref<5x128x128xbf16, #tpu.memory_space<vmem>>, %arg6: memref<12x128xf32, #tpu.memory_space<vmem>>, %arg7: memref<2560x128xf32, #tpu.memory_space<vmem>>, %arg8: memref<2560x128xf32, #tpu.memory_space<vmem>>) attributes {dimension_semantics = [#tpu.dimension_semantics<arbitrary>], iteration_bounds = array<i64: 128>, scalar_prefetch = 0 : i64, scratch_operands = 0 : i64, tpu.core_type = #tpu.core_type<tc>, window_params = [{transform_indices = @transform_0, window_bounds = array<i64: 2560, 128>}, {transform_indices = @transform_1, window_bounds = array<i64: 2560, 128>}, {transform_indices = @transform_2, window_bounds = array<i64: 2560, 128>}, {pipeline_mode = #tpu.pipeline_mode<synchronous>, transform_indices = @transform_3, window_bounds = array<i64: 128, 256>}, {pipeline_mode = #tpu.pipeline_mode<synchronous>, transform_indices = @transform_4, window_bounds = array<i64: 5, 128, 128>}, {pipeline_mode = #tpu.pipeline_mode<synchronous>, transform_indices = @transform_5, window_bounds = array<i64: 12, 128>}, {transform_indices = @transform_6, window_bounds = array<i64: 2560, 128>}, {transform_indices = @transform_7, window_bounds = array<i64: 2560, 128>}]} {
    %get3A = arith.constant 0 : index
    %get3A_0 = arith.constant 0 : index
    %get3A_1 = vector.load %arg3[%get3A, %get3A_0] : memref<2560x128xf32, #tpu.memory_space<vmem>>, vector<2560x128xf32>
    %get3A_2 = arith.constant 0 : index
    %get3A_3 = arith.constant 0 : index
    %get3A_4 = vector.load %arg6[%get3A_2, %get3A_3] : memref<12x128xf32, #tpu.memory_space<vmem>>, vector<12x128xf32>
    %get3A_5 = arith.constant 0 : index
    %get3A_6 = arith.constant 0 : index
    %get3A_7 = vector.load %arg1[%get3A_5, %get3A_6] : memref<2560x128xbf16, #tpu.memory_space<vmem>>, vector<2560x128xbf16>
    %get3A_8 = arith.constant 0 : index
    %get3A_9 = arith.constant 0 : index
    %get3A_10 = vector.load %arg4[%get3A_8, %get3A_9] : memref<128x256xbf16, #tpu.memory_space<vmem>>, vector<128x256xbf16>
    %dot_general3A = arith.constant dense<0.000000e+00> : vector<2560x256xf32>
    %dot_general3A_11 = tpu.matmul %get3A_7, %get3A_10, %dot_general3A {dimension_numbers = #tpu.dot_dimension_numbers<[1], [0], [0], [1], [0, 0, 1, 1], [], []>, transpose_lhs_hint = false} : vector<2560x128xbf16>, vector<128x256xbf16>, vector<2560x256xf32> -> vector<2560x256xf32>
    %slice3A = vector.extract_strided_slice %dot_general3A_11 {offsets = [0, 0], sizes = [2560, 128], strides = [1, 1]} : vector<2560x256xf32> to vector<2560x128xf32>
    %get3A_12 = arith.constant 0 : index
    %get3A_13 = arith.constant 0 : index
    %get3A_14 = vector.load %arg2[%get3A_12, %get3A_13] : memref<2560x128xbf16, #tpu.memory_space<vmem>>, vector<2560x128xbf16>
    %get3A_15 = arith.constant 0 : index
    %get3A_16 = arith.constant 0 : index
    %get3A_17 = arith.constant 0 : index
    %get3A_18 = vector.load %arg5[%get3A_15, %get3A_16, %get3A_17] : memref<5x128x128xbf16, #tpu.memory_space<vmem>>, vector<1x128x128xbf16>
    %get3A_19 = vector.shape_cast %get3A_18 : vector<1x128x128xbf16> to vector<128x128xbf16>
    %dot_general3A_20 = arith.constant dense<0.000000e+00> : vector<2560x128xf32>
    %dot_general3A_21 = tpu.matmul %get3A_14, %get3A_19, %dot_general3A_20 {dimension_numbers = #tpu.dot_dimension_numbers<[1], [0], [0], [1], [0, 0, 1, 1], [], []>, transpose_lhs_hint = false} : vector<2560x128xbf16>, vector<128x128xbf16>, vector<2560x128xf32> -> vector<2560x128xf32>
    %add3A = arith.addf %slice3A, %dot_general3A_21 : vector<2560x128xf32>
    %convert_element_type3A = arith.truncf %get3A_1 : vector<2560x128xf32> to vector<2560x128xbf16>
    %get3A_22 = arith.constant 1 : index
    %get3A_23 = arith.constant 0 : index
    %get3A_24 = arith.constant 0 : index
    %get3A_25 = vector.load %arg5[%get3A_22, %get3A_23, %get3A_24] : memref<5x128x128xbf16, #tpu.memory_space<vmem>>, vector<1x128x128xbf16>
    %get3A_26 = vector.shape_cast %get3A_25 : vector<1x128x128xbf16> to vector<128x128xbf16>
    %dot_general3A_27 = arith.constant dense<0.000000e+00> : vector<2560x128xf32>
    %dot_general3A_28 = tpu.matmul %convert_element_type3A, %get3A_26, %dot_general3A_27 {dimension_numbers = #tpu.dot_dimension_numbers<[1], [0], [0], [1], [0, 0, 1, 1], [], []>, transpose_lhs_hint = false} : vector<2560x128xbf16>, vector<128x128xbf16>, vector<2560x128xf32> -> vector<2560x128xf32>
    %add3A_29 = arith.addf %add3A, %dot_general3A_28 : vector<2560x128xf32>
    %slice3A_30 = vector.extract_strided_slice %get3A_4 {offsets = [0, 0], sizes = [1, 128], strides = [1, 1]} : vector<12x128xf32> to vector<1x128xf32>
    %add3A_31 = vector.broadcast %slice3A_30 : vector<1x128xf32> to vector<2560x128xf32>
    %add3A_32 = arith.addf %add3A_29, %add3A_31 : vector<2560x128xf32>
    %max3A = arith.constant 0.000000e+00 : f32
    %max3A_33 = vector.broadcast %max3A : f32 to vector<2560x128xf32>
    %max3A_34 = arith.maximumf %add3A_32, %max3A_33 : vector<2560x128xf32>
    %slice3A_35 = vector.extract_strided_slice %get3A_4 {offsets = [1, 0], sizes = [1, 128], strides = [1, 1]} : vector<12x128xf32> to vector<1x128xf32>
    %slice3A_36 = vector.extract_strided_slice %get3A_4 {offsets = [2, 0], sizes = [1, 128], strides = [1, 1]} : vector<12x128xf32> to vector<1x128xf32>
    %reduce_sum3A = arith.constant dense<0.000000e+00> : vector<2560xf32>
    %reduce_sum3A_37 = vector.multi_reduction <add>, %max3A_34, %reduce_sum3A [1] : vector<2560x128xf32> to vector<2560xf32>
    %broadcast_in_dim3A = vector.shape_cast %reduce_sum3A_37 : vector<2560xf32> to vector<2560x1xf32>
    %div3A = arith.constant 1.280000e+02 : f32
    %div3A_38 = vector.broadcast %div3A : f32 to vector<2560x1xf32>
    %div3A_39 = arith.divf %broadcast_in_dim3A, %div3A_38 : vector<2560x1xf32>
    %jit3A = arith.constant 0 : i32
    %reduce_sum3A_40 = arith.constant dense<0.000000e+00> : vector<2560xf32>
    %reduce_sum3A_41 = vector.multi_reduction <add>, %max3A_34, %reduce_sum3A_40 [1] : vector<2560x128xf32> to vector<2560xf32>
    %broadcast_in_dim3A_42 = vector.shape_cast %reduce_sum3A_41 : vector<2560xf32> to vector<2560x1xf32>
    %div3A_43 = arith.constant 1.280000e+02 : f32
    %div3A_44 = vector.broadcast %div3A_43 : f32 to vector<2560x1xf32>
    %div3A_45 = arith.divf %broadcast_in_dim3A_42, %div3A_44 : vector<2560x1xf32>
    %sub3A = vector.broadcast %div3A_45 : vector<2560x1xf32> to vector<2560x128xf32>
    %sub3A_46 = arith.subf %max3A_34, %sub3A : vector<2560x128xf32>
    %square3A = arith.mulf %sub3A_46, %sub3A_46 : vector<2560x128xf32>
    %convert_element_type3A_47 = arith.sitofp %jit3A : i32 to f32
    %sub3A_48 = arith.constant 1.280000e+02 : f32
    %sub3A_49 = arith.subf %sub3A_48, %convert_element_type3A_47 : f32
    %reduce_sum3A_50 = arith.constant dense<0.000000e+00> : vector<2560xf32>
    %reduce_sum3A_51 = vector.multi_reduction <add>, %square3A, %reduce_sum3A_50 [1] : vector<2560x128xf32> to vector<2560xf32>
    %broadcast_in_dim3A_52 = vector.shape_cast %reduce_sum3A_51 : vector<2560xf32> to vector<2560x1xf32>
    %div3A_53 = vector.broadcast %sub3A_49 : f32 to vector<2560x1xf32>
    %div3A_54 = arith.divf %broadcast_in_dim3A_52, %div3A_53 : vector<2560x1xf32>
    %gt3A = arith.constant 0.000000e+00 : f32
    %gt3A_55 = arith.cmpf ogt, %sub3A_49, %gt3A : f32
    %jit3A_56 = arith.constant 0x7FC00000 : f32
    %broadcast_in_dim3A_57 = vector.broadcast %jit3A_56 : f32 to vector<2560x1xf32>
    %select_n3A = arith.select %gt3A_55, %div3A_54, %broadcast_in_dim3A_57 : vector<2560x1xf32>
    %sub3A_58 = vector.broadcast %div3A_39 : vector<2560x1xf32> to vector<2560x128xf32>
    %sub3A_59 = arith.subf %max3A_34, %sub3A_58 : vector<2560x128xf32>
    %add3A_60 = arith.constant 9.99999974E-6 : f32
    %add3A_61 = vector.broadcast %add3A_60 : f32 to vector<2560x1xf32>
    %add3A_62 = arith.addf %select_n3A, %add3A_61 : vector<2560x1xf32>
    %sqrt3A = math.sqrt %add3A_62 : vector<2560x1xf32>
    %div3A_63 = vector.broadcast %sqrt3A : vector<2560x1xf32> to vector<2560x128xf32>
    %div3A_64 = arith.divf %sub3A_59, %div3A_63 : vector<2560x128xf32>
    %mul3A = vector.broadcast %slice3A_35 : vector<1x128xf32> to vector<2560x128xf32>
    %mul3A_65 = arith.mulf %div3A_64, %mul3A : vector<2560x128xf32>
    %add3A_66 = vector.broadcast %slice3A_36 : vector<1x128xf32> to vector<2560x128xf32>
    %add3A_67 = arith.addf %mul3A_65, %add3A_66 : vector<2560x128xf32>
    %convert_element_type3A_68 = arith.truncf %add3A_67 : vector<2560x128xf32> to vector<2560x128xbf16>
    %get3A_69 = arith.constant 2 : index
    %get3A_70 = arith.constant 0 : index
    %get3A_71 = arith.constant 0 : index
    %get3A_72 = vector.load %arg5[%get3A_69, %get3A_70, %get3A_71] : memref<5x128x128xbf16, #tpu.memory_space<vmem>>, vector<1x128x128xbf16>
    %get3A_73 = vector.shape_cast %get3A_72 : vector<1x128x128xbf16> to vector<128x128xbf16>
    %dot_general3A_74 = arith.constant dense<0.000000e+00> : vector<2560x128xf32>
    %dot_general3A_75 = tpu.matmul %convert_element_type3A_68, %get3A_73, %dot_general3A_74 {dimension_numbers = #tpu.dot_dimension_numbers<[1], [0], [0], [1], [0, 0, 1, 1], [], []>, transpose_lhs_hint = false} : vector<2560x128xbf16>, vector<128x128xbf16>, vector<2560x128xf32> -> vector<2560x128xf32>
    %slice3A_76 = vector.extract_strided_slice %get3A_4 {offsets = [3, 0], sizes = [1, 128], strides = [1, 1]} : vector<12x128xf32> to vector<1x128xf32>
    %add3A_77 = vector.broadcast %slice3A_76 : vector<1x128xf32> to vector<2560x128xf32>
    %add3A_78 = arith.addf %dot_general3A_75, %add3A_77 : vector<2560x128xf32>
    %max3A_79 = arith.constant 0.000000e+00 : f32
    %max3A_80 = vector.broadcast %max3A_79 : f32 to vector<2560x128xf32>
    %max3A_81 = arith.maximumf %add3A_78, %max3A_80 : vector<2560x128xf32>
    %slice3A_82 = vector.extract_strided_slice %get3A_4 {offsets = [4, 0], sizes = [1, 128], strides = [1, 1]} : vector<12x128xf32> to vector<1x128xf32>
    %slice3A_83 = vector.extract_strided_slice %get3A_4 {offsets = [5, 0], sizes = [1, 128], strides = [1, 1]} : vector<12x128xf32> to vector<1x128xf32>
    %reduce_sum3A_84 = arith.constant dense<0.000000e+00> : vector<2560xf32>
    %reduce_sum3A_85 = vector.multi_reduction <add>, %max3A_81, %reduce_sum3A_84 [1] : vector<2560x128xf32> to vector<2560xf32>
    %broadcast_in_dim3A_86 = vector.shape_cast %reduce_sum3A_85 : vector<2560xf32> to vector<2560x1xf32>
    %div3A_87 = arith.constant 1.280000e+02 : f32
    %div3A_88 = vector.broadcast %div3A_87 : f32 to vector<2560x1xf32>
    %div3A_89 = arith.divf %broadcast_in_dim3A_86, %div3A_88 : vector<2560x1xf32>
    %jit3A_90 = arith.constant 0 : i32
    %reduce_sum3A_91 = arith.constant dense<0.000000e+00> : vector<2560xf32>
    %reduce_sum3A_92 = vector.multi_reduction <add>, %max3A_81, %reduce_sum3A_91 [1] : vector<2560x128xf32> to vector<2560xf32>
    %broadcast_in_dim3A_93 = vector.shape_cast %reduce_sum3A_92 : vector<2560xf32> to vector<2560x1xf32>
    %div3A_94 = arith.constant 1.280000e+02 : f32
    %div3A_95 = vector.broadcast %div3A_94 : f32 to vector<2560x1xf32>
    %div3A_96 = arith.divf %broadcast_in_dim3A_93, %div3A_95 : vector<2560x1xf32>
    %sub3A_97 = vector.broadcast %div3A_96 : vector<2560x1xf32> to vector<2560x128xf32>
    %sub3A_98 = arith.subf %max3A_81, %sub3A_97 : vector<2560x128xf32>
    %square3A_99 = arith.mulf %sub3A_98, %sub3A_98 : vector<2560x128xf32>
    %convert_element_type3A_100 = arith.sitofp %jit3A_90 : i32 to f32
    %sub3A_101 = arith.constant 1.280000e+02 : f32
    %sub3A_102 = arith.subf %sub3A_101, %convert_element_type3A_100 : f32
    %reduce_sum3A_103 = arith.constant dense<0.000000e+00> : vector<2560xf32>
    %reduce_sum3A_104 = vector.multi_reduction <add>, %square3A_99, %reduce_sum3A_103 [1] : vector<2560x128xf32> to vector<2560xf32>
    %broadcast_in_dim3A_105 = vector.shape_cast %reduce_sum3A_104 : vector<2560xf32> to vector<2560x1xf32>
    %div3A_106 = vector.broadcast %sub3A_102 : f32 to vector<2560x1xf32>
    %div3A_107 = arith.divf %broadcast_in_dim3A_105, %div3A_106 : vector<2560x1xf32>
    %gt3A_108 = arith.constant 0.000000e+00 : f32
    %gt3A_109 = arith.cmpf ogt, %sub3A_102, %gt3A_108 : f32
    %jit3A_110 = arith.constant 0x7FC00000 : f32
    %broadcast_in_dim3A_111 = vector.broadcast %jit3A_110 : f32 to vector<2560x1xf32>
    %select_n3A_112 = arith.select %gt3A_109, %div3A_107, %broadcast_in_dim3A_111 : vector<2560x1xf32>
    %sub3A_113 = vector.broadcast %div3A_89 : vector<2560x1xf32> to vector<2560x128xf32>
    %sub3A_114 = arith.subf %max3A_81, %sub3A_113 : vector<2560x128xf32>
    %add3A_115 = arith.constant 9.99999974E-6 : f32
    %add3A_116 = vector.broadcast %add3A_115 : f32 to vector<2560x1xf32>
    %add3A_117 = arith.addf %select_n3A_112, %add3A_116 : vector<2560x1xf32>
    %sqrt3A_118 = math.sqrt %add3A_117 : vector<2560x1xf32>
    %div3A_119 = vector.broadcast %sqrt3A_118 : vector<2560x1xf32> to vector<2560x128xf32>
    %div3A_120 = arith.divf %sub3A_114, %div3A_119 : vector<2560x128xf32>
    %mul3A_121 = vector.broadcast %slice3A_82 : vector<1x128xf32> to vector<2560x128xf32>
    %mul3A_122 = arith.mulf %div3A_120, %mul3A_121 : vector<2560x128xf32>
    %add3A_123 = vector.broadcast %slice3A_83 : vector<1x128xf32> to vector<2560x128xf32>
    %add3A_124 = arith.addf %mul3A_122, %add3A_123 : vector<2560x128xf32>
    %convert_element_type3A_125 = arith.truncf %add3A_124 : vector<2560x128xf32> to vector<2560x128xbf16>
    %get3A_126 = arith.constant 3 : index
    %get3A_127 = arith.constant 0 : index
    %get3A_128 = arith.constant 0 : index
    %get3A_129 = vector.load %arg5[%get3A_126, %get3A_127, %get3A_128] : memref<5x128x128xbf16, #tpu.memory_space<vmem>>, vector<1x128x128xbf16>
    %get3A_130 = vector.shape_cast %get3A_129 : vector<1x128x128xbf16> to vector<128x128xbf16>
    %dot_general3A_131 = arith.constant dense<0.000000e+00> : vector<2560x128xf32>
    %dot_general3A_132 = tpu.matmul %convert_element_type3A_125, %get3A_130, %dot_general3A_131 {dimension_numbers = #tpu.dot_dimension_numbers<[1], [0], [0], [1], [0, 0, 1, 1], [], []>, transpose_lhs_hint = false} : vector<2560x128xbf16>, vector<128x128xbf16>, vector<2560x128xf32> -> vector<2560x128xf32>
    %slice3A_133 = vector.extract_strided_slice %get3A_4 {offsets = [6, 0], sizes = [1, 128], strides = [1, 1]} : vector<12x128xf32> to vector<1x128xf32>
    %add3A_134 = vector.broadcast %slice3A_133 : vector<1x128xf32> to vector<2560x128xf32>
    %add3A_135 = arith.addf %dot_general3A_132, %add3A_134 : vector<2560x128xf32>
    %slice3A_136 = vector.extract_strided_slice %get3A_4 {offsets = [7, 0], sizes = [1, 128], strides = [1, 1]} : vector<12x128xf32> to vector<1x128xf32>
    %slice3A_137 = vector.extract_strided_slice %get3A_4 {offsets = [8, 0], sizes = [1, 128], strides = [1, 1]} : vector<12x128xf32> to vector<1x128xf32>
    %reduce_sum3A_138 = arith.constant dense<0.000000e+00> : vector<2560xf32>
    %reduce_sum3A_139 = vector.multi_reduction <add>, %add3A_135, %reduce_sum3A_138 [1] : vector<2560x128xf32> to vector<2560xf32>
    %broadcast_in_dim3A_140 = vector.shape_cast %reduce_sum3A_139 : vector<2560xf32> to vector<2560x1xf32>
    %div3A_141 = arith.constant 1.280000e+02 : f32
    %div3A_142 = vector.broadcast %div3A_141 : f32 to vector<2560x1xf32>
    %div3A_143 = arith.divf %broadcast_in_dim3A_140, %div3A_142 : vector<2560x1xf32>
    %jit3A_144 = arith.constant 0 : i32
    %reduce_sum3A_145 = arith.constant dense<0.000000e+00> : vector<2560xf32>
    %reduce_sum3A_146 = vector.multi_reduction <add>, %add3A_135, %reduce_sum3A_145 [1] : vector<2560x128xf32> to vector<2560xf32>
    %broadcast_in_dim3A_147 = vector.shape_cast %reduce_sum3A_146 : vector<2560xf32> to vector<2560x1xf32>
    %div3A_148 = arith.constant 1.280000e+02 : f32
    %div3A_149 = vector.broadcast %div3A_148 : f32 to vector<2560x1xf32>
    %div3A_150 = arith.divf %broadcast_in_dim3A_147, %div3A_149 : vector<2560x1xf32>
    %sub3A_151 = vector.broadcast %div3A_150 : vector<2560x1xf32> to vector<2560x128xf32>
    %sub3A_152 = arith.subf %add3A_135, %sub3A_151 : vector<2560x128xf32>
    %square3A_153 = arith.mulf %sub3A_152, %sub3A_152 : vector<2560x128xf32>
    %convert_element_type3A_154 = arith.sitofp %jit3A_144 : i32 to f32
    %sub3A_155 = arith.constant 1.280000e+02 : f32
    %sub3A_156 = arith.subf %sub3A_155, %convert_element_type3A_154 : f32
    %reduce_sum3A_157 = arith.constant dense<0.000000e+00> : vector<2560xf32>
    %reduce_sum3A_158 = vector.multi_reduction <add>, %square3A_153, %reduce_sum3A_157 [1] : vector<2560x128xf32> to vector<2560xf32>
    %broadcast_in_dim3A_159 = vector.shape_cast %reduce_sum3A_158 : vector<2560xf32> to vector<2560x1xf32>
    %div3A_160 = vector.broadcast %sub3A_156 : f32 to vector<2560x1xf32>
    %div3A_161 = arith.divf %broadcast_in_dim3A_159, %div3A_160 : vector<2560x1xf32>
    %gt3A_162 = arith.constant 0.000000e+00 : f32
    %gt3A_163 = arith.cmpf ogt, %sub3A_156, %gt3A_162 : f32
    %jit3A_164 = arith.constant 0x7FC00000 : f32
    %broadcast_in_dim3A_165 = vector.broadcast %jit3A_164 : f32 to vector<2560x1xf32>
    %select_n3A_166 = arith.select %gt3A_163, %div3A_161, %broadcast_in_dim3A_165 : vector<2560x1xf32>
    %sub3A_167 = vector.broadcast %div3A_143 : vector<2560x1xf32> to vector<2560x128xf32>
    %sub3A_168 = arith.subf %add3A_135, %sub3A_167 : vector<2560x128xf32>
    %add3A_169 = arith.constant 9.99999974E-6 : f32
    %add3A_170 = vector.broadcast %add3A_169 : f32 to vector<2560x1xf32>
    %add3A_171 = arith.addf %select_n3A_166, %add3A_170 : vector<2560x1xf32>
    %sqrt3A_172 = math.sqrt %add3A_171 : vector<2560x1xf32>
    %div3A_173 = vector.broadcast %sqrt3A_172 : vector<2560x1xf32> to vector<2560x128xf32>
    %div3A_174 = arith.divf %sub3A_168, %div3A_173 : vector<2560x128xf32>
    %mul3A_175 = vector.broadcast %slice3A_136 : vector<1x128xf32> to vector<2560x128xf32>
    %mul3A_176 = arith.mulf %div3A_174, %mul3A_175 : vector<2560x128xf32>
    %add3A_177 = vector.broadcast %slice3A_137 : vector<1x128xf32> to vector<2560x128xf32>
    %add3A_178 = arith.addf %mul3A_176, %add3A_177 : vector<2560x128xf32>
    %add3A_179 = arith.addf %add3A_178, %get3A_1 : vector<2560x128xf32>
    %swap3A = arith.constant 0 : index
    %swap3A_180 = arith.constant 0 : index
    %swap3A_181 = vector.load %arg7[%swap3A, %swap3A_180] : memref<2560x128xf32, #tpu.memory_space<vmem>>, vector<2560x128xf32>
    tpu.vector_store %arg7[%swap3A, %swap3A_180], %add3A_179 {strides = array<i32>} : memref<2560x128xf32, #tpu.memory_space<vmem>>, vector<2560x128xf32>,
    %slice3A_182 = vector.extract_strided_slice %dot_general3A_11 {offsets = [0, 128], sizes = [2560, 128], strides = [1, 1]} : vector<2560x256xf32> to vector<2560x128xf32>
    %convert_element_type3A_183 = arith.truncf %add3A_179 : vector<2560x128xf32> to vector<2560x128xbf16>
    %get3A_184 = arith.constant 4 : index
    %get3A_185 = arith.constant 0 : index
    %get3A_186 = arith.constant 0 : index
    %get3A_187 = vector.load %arg5[%get3A_184, %get3A_185, %get3A_186] : memref<5x128x128xbf16, #tpu.memory_space<vmem>>, vector<1x128x128xbf16>
    %get3A_188 = vector.shape_cast %get3A_187 : vector<1x128x128xbf16> to vector<128x128xbf16>
    %dot_general3A_189 = arith.constant dense<0.000000e+00> : vector<2560x128xf32>
    %dot_general3A_190 = tpu.matmul %convert_element_type3A_183, %get3A_188, %dot_general3A_189 {dimension_numbers = #tpu.dot_dimension_numbers<[1], [0], [0], [1], [0, 0, 1, 1], [], []>, transpose_lhs_hint = false} : vector<2560x128xbf16>, vector<128x128xbf16>, vector<2560x128xf32> -> vector<2560x128xf32>
    %add3A_191 = arith.addf %slice3A_182, %dot_general3A_190 : vector<2560x128xf32>
    %slice3A_192 = vector.extract_strided_slice %get3A_4 {offsets = [9, 0], sizes = [1, 128], strides = [1, 1]} : vector<12x128xf32> to vector<1x128xf32>
    %add3A_193 = vector.broadcast %slice3A_192 : vector<1x128xf32> to vector<2560x128xf32>
    %add3A_194 = arith.addf %add3A_191, %add3A_193 : vector<2560x128xf32>
    %max3A_195 = arith.constant 0.000000e+00 : f32
    %max3A_196 = vector.broadcast %max3A_195 : f32 to vector<2560x128xf32>
    %max3A_197 = arith.maximumf %add3A_194, %max3A_196 : vector<2560x128xf32>
    %slice3A_198 = vector.extract_strided_slice %get3A_4 {offsets = [10, 0], sizes = [1, 128], strides = [1, 1]} : vector<12x128xf32> to vector<1x128xf32>
    %slice3A_199 = vector.extract_strided_slice %get3A_4 {offsets = [11, 0], sizes = [1, 128], strides = [1, 1]} : vector<12x128xf32> to vector<1x128xf32>
    %reduce_sum3A_200 = arith.constant dense<0.000000e+00> : vector<2560xf32>
    %reduce_sum3A_201 = vector.multi_reduction <add>, %max3A_197, %reduce_sum3A_200 [1] : vector<2560x128xf32> to vector<2560xf32>
    %broadcast_in_dim3A_202 = vector.shape_cast %reduce_sum3A_201 : vector<2560xf32> to vector<2560x1xf32>
    %div3A_203 = arith.constant 1.280000e+02 : f32
    %div3A_204 = vector.broadcast %div3A_203 : f32 to vector<2560x1xf32>
    %div3A_205 = arith.divf %broadcast_in_dim3A_202, %div3A_204 : vector<2560x1xf32>
    %jit3A_206 = arith.constant 0 : i32
    %reduce_sum3A_207 = arith.constant dense<0.000000e+00> : vector<2560xf32>
    %reduce_sum3A_208 = vector.multi_reduction <add>, %max3A_197, %reduce_sum3A_207 [1] : vector<2560x128xf32> to vector<2560xf32>
    %broadcast_in_dim3A_209 = vector.shape_cast %reduce_sum3A_208 : vector<2560xf32> to vector<2560x1xf32>
    %div3A_210 = arith.constant 1.280000e+02 : f32
    %div3A_211 = vector.broadcast %div3A_210 : f32 to vector<2560x1xf32>
    %div3A_212 = arith.divf %broadcast_in_dim3A_209, %div3A_211 : vector<2560x1xf32>
    %sub3A_213 = vector.broadcast %div3A_212 : vector<2560x1xf32> to vector<2560x128xf32>
    %sub3A_214 = arith.subf %max3A_197, %sub3A_213 : vector<2560x128xf32>
    %square3A_215 = arith.mulf %sub3A_214, %sub3A_214 : vector<2560x128xf32>
    %convert_element_type3A_216 = arith.sitofp %jit3A_206 : i32 to f32
    %sub3A_217 = arith.constant 1.280000e+02 : f32
    %sub3A_218 = arith.subf %sub3A_217, %convert_element_type3A_216 : f32
    %reduce_sum3A_219 = arith.constant dense<0.000000e+00> : vector<2560xf32>
    %reduce_sum3A_220 = vector.multi_reduction <add>, %square3A_215, %reduce_sum3A_219 [1] : vector<2560x128xf32> to vector<2560xf32>
    %broadcast_in_dim3A_221 = vector.shape_cast %reduce_sum3A_220 : vector<2560xf32> to vector<2560x1xf32>
    %div3A_222 = vector.broadcast %sub3A_218 : f32 to vector<2560x1xf32>
    %div3A_223 = arith.divf %broadcast_in_dim3A_221, %div3A_222 : vector<2560x1xf32>
    %gt3A_224 = arith.constant 0.000000e+00 : f32
    %gt3A_225 = arith.cmpf ogt, %sub3A_218, %gt3A_224 : f32
    %jit3A_226 = arith.constant 0x7FC00000 : f32
    %broadcast_in_dim3A_227 = vector.broadcast %jit3A_226 : f32 to vector<2560x1xf32>
    %select_n3A_228 = arith.select %gt3A_225, %div3A_223, %broadcast_in_dim3A_227 : vector<2560x1xf32>
    %sub3A_229 = vector.broadcast %div3A_205 : vector<2560x1xf32> to vector<2560x128xf32>
    %sub3A_230 = arith.subf %max3A_197, %sub3A_229 : vector<2560x128xf32>
    %add3A_231 = arith.constant 9.99999974E-6 : f32
    %add3A_232 = vector.broadcast %add3A_231 : f32 to vector<2560x1xf32>
    %add3A_233 = arith.addf %select_n3A_228, %add3A_232 : vector<2560x1xf32>
    %sqrt3A_234 = math.sqrt %add3A_233 : vector<2560x1xf32>
    %div3A_235 = vector.broadcast %sqrt3A_234 : vector<2560x1xf32> to vector<2560x128xf32>
    %div3A_236 = arith.divf %sub3A_230, %div3A_235 : vector<2560x128xf32>
    %mul3A_237 = vector.broadcast %slice3A_198 : vector<1x128xf32> to vector<2560x128xf32>
    %mul3A_238 = arith.mulf %div3A_236, %mul3A_237 : vector<2560x128xf32>
    %add3A_239 = vector.broadcast %slice3A_199 : vector<1x128xf32> to vector<2560x128xf32>
    %add3A_240 = arith.addf %mul3A_238, %add3A_239 : vector<2560x128xf32>
    %swap3A_241 = arith.constant 0 : index
    %swap3A_242 = arith.constant 0 : index
    %swap3A_243 = vector.load %arg8[%swap3A_241, %swap3A_242] : memref<2560x128xf32, #tpu.memory_space<vmem>>, vector<2560x128xf32>
    tpu.vector_store %arg8[%swap3A_241, %swap3A_242], %add3A_240 {strides = array<i32>} : memref<2560x128xf32, #tpu.memory_space<vmem>>, vector<2560x128xf32>,
    return
  }
  func.func @transform_0(%arg0: i32) -> (i32, i32) {
    %c0_i32 = arith.constant 0 : i32
    %c0_i32_0 = arith.constant 0 : i32
    return %arg0, %c0_i32 : i32, i32
  }
  func.func @transform_1(%arg0: i32) -> (i32, i32) {
    %c0_i32 = arith.constant 0 : i32
    %c0_i32_0 = arith.constant 0 : i32
    return %arg0, %c0_i32 : i32, i32
  }
  func.func @transform_2(%arg0: i32) -> (i32, i32) {
    %c0_i32 = arith.constant 0 : i32
    %c0_i32_0 = arith.constant 0 : i32
    return %arg0, %c0_i32 : i32, i32
  }
  func.func @transform_3(%arg0: i32) -> (i32, i32) {
    %c0_i32 = arith.constant 0 : i32
    %c0_i32_0 = arith.constant 0 : i32
    %c0_i32_1 = arith.constant 0 : i32
    return %c0_i32, %c0_i32_0 : i32, i32
  }
  func.func @transform_4(%arg0: i32) -> (i32, i32, i32) {
    %c0_i32 = arith.constant 0 : i32
    %c0_i32_0 = arith.constant 0 : i32
    %c0_i32_1 = arith.constant 0 : i32
    %c0_i32_2 = arith.constant 0 : i32
    return %c0_i32, %c0_i32_0, %c0_i32_1 : i32, i32, i32
  }
  func.func @transform_5(%arg0: i32) -> (i32, i32) {
    %c0_i32 = arith.constant 0 : i32
    %c0_i32_0 = arith.constant 0 : i32
    %c0_i32_1 = arith.constant 0 : i32
    return %c0_i32, %c0_i32_0 : i32, i32
  }
  func.func @transform_6(%arg0: i32) -> (i32, i32) {
    %c0_i32 = arith.constant 0 : i32
    %c0_i32_0 = arith.constant 0 : i32
    return %arg0, %c0_i32 : i32, i32
  }
  func.func @transform_7(%arg0: i32) -> (i32, i32) {
    %c0_i32 = arith.constant 0 : i32
    %c0_i32_0 = arith.constant 0 : i32
    return %arg0, %c0_i32 : i32, i32
  }
}

module attributes {stable_mosaic.version = 14 : i64} {
  func.func @_node_body(%arg0: i32, %arg1: memref<2000x128xf32, #tpu.memory_space<vmem>>, %arg2: memref<2000x128xf32, #tpu.memory_space<vmem>>, %arg3: memref<2000x128xf32, #tpu.memory_space<vmem>>, %arg4: memref<2000x16xf32, #tpu.memory_space<vmem>>, %arg5: memref<2000x16xf32, #tpu.memory_space<vmem>>, %arg6: memref<3x128x128xf32, #tpu.memory_space<vmem>>, %arg7: memref<6x128xf32, #tpu.memory_space<vmem>>, %arg8: memref<2000x128xf32, #tpu.memory_space<vmem>>) attributes {dimension_semantics = [#tpu.dimension_semantics<arbitrary>], iteration_bounds = array<i64: 5>, scalar_prefetch = 0 : i64, scratch_operands = 0 : i64, tpu.core_type = #tpu.core_type<tc>, window_params = [{transform_indices = @transform_0, window_bounds = array<i64: 2000, 128>}, {transform_indices = @transform_1, window_bounds = array<i64: 2000, 128>}, {transform_indices = @transform_2, window_bounds = array<i64: 2000, 128>}, {transform_indices = @transform_3, window_bounds = array<i64: 2000, 16>}, {transform_indices = @transform_4, window_bounds = array<i64: 2000, 16>}, {pipeline_mode = #tpu.pipeline_mode<synchronous>, transform_indices = @transform_5, window_bounds = array<i64: 3, 128, 128>}, {pipeline_mode = #tpu.pipeline_mode<synchronous>, transform_indices = @transform_6, window_bounds = array<i64: 6, 128>}, {transform_indices = @transform_7, window_bounds = array<i64: 2000, 128>}]} {
    %get3A = arith.constant 0 : index
    %get3A_0 = arith.constant 0 : index
    %get3A_1 = vector.load %arg1[%get3A, %get3A_0] : memref<2000x128xf32, #tpu.memory_space<vmem>>, vector<2000x128xf32>
    %get3A_2 = arith.constant 0 : index
    %get3A_3 = arith.constant 0 : index
    %get3A_4 = vector.load %arg2[%get3A_2, %get3A_3] : memref<2000x128xf32, #tpu.memory_space<vmem>>, vector<2000x128xf32>
    %get3A_5 = arith.constant 0 : index
    %get3A_6 = arith.constant 0 : index
    %get3A_7 = vector.load %arg3[%get3A_5, %get3A_6] : memref<2000x128xf32, #tpu.memory_space<vmem>>, vector<2000x128xf32>
    %add3A = arith.addf %get3A_4, %get3A_7 : vector<2000x128xf32>
    %get3A_8 = arith.constant 0 : index
    %get3A_9 = arith.constant 0 : index
    %get3A_10 = vector.load %arg4[%get3A_8, %get3A_9] : memref<2000x16xf32, #tpu.memory_space<vmem>>, vector<2000x16xf32>
    %get3A_11 = arith.constant 0 : index
    %get3A_12 = arith.constant 0 : index
    %get3A_13 = vector.load %arg5[%get3A_11, %get3A_12] : memref<2000x16xf32, #tpu.memory_space<vmem>>, vector<2000x16xf32>
    %add3A_14 = arith.addf %get3A_10, %get3A_13 : vector<2000x16xf32>
    %slice3A = vector.extract_strided_slice %add3A_14 {offsets = [0, 0], sizes = [2000, 1], strides = [1, 1]} : vector<2000x16xf32> to vector<2000x1xf32>
    %max3A = arith.constant 1.000000e+00 : f32
    %max3A_15 = vector.broadcast %max3A : f32 to vector<2000x1xf32>
    %max3A_16 = arith.maximumf %slice3A, %max3A_15 : vector<2000x1xf32>
    %div3A = vector.broadcast %max3A_16 : vector<2000x1xf32> to vector<2000x128xf32>
    %div3A_17 = arith.divf %add3A, %div3A : vector<2000x128xf32>
    %get3A_18 = arith.constant 0 : index
    %get3A_19 = arith.constant 0 : index
    %get3A_20 = vector.load %arg7[%get3A_18, %get3A_19] : memref<6x128xf32, #tpu.memory_space<vmem>>, vector<6x128xf32>
    %get3A_21 = arith.constant 0 : index
    %get3A_22 = arith.constant 0 : index
    %get3A_23 = arith.constant 0 : index
    %get3A_24 = vector.load %arg6[%get3A_21, %get3A_22, %get3A_23] : memref<3x128x128xf32, #tpu.memory_space<vmem>>, vector<1x128x128xf32>
    %get3A_25 = vector.shape_cast %get3A_24 : vector<1x128x128xf32> to vector<128x128xf32>
    %dot_general3A = arith.constant dense<0.000000e+00> : vector<2000x128xf32>
    %dot_general3A_26 = tpu.matmul %get3A_1, %get3A_25, %dot_general3A {dimension_numbers = #tpu.dot_dimension_numbers<[1], [0], [0], [1], [0, 0, 1, 1], [], []>, transpose_lhs_hint = false} : vector<2000x128xf32>, vector<128x128xf32>, vector<2000x128xf32> -> vector<2000x128xf32>
    %get3A_27 = arith.constant 1 : index
    %get3A_28 = arith.constant 0 : index
    %get3A_29 = arith.constant 0 : index
    %get3A_30 = vector.load %arg6[%get3A_27, %get3A_28, %get3A_29] : memref<3x128x128xf32, #tpu.memory_space<vmem>>, vector<1x128x128xf32>
    %get3A_31 = vector.shape_cast %get3A_30 : vector<1x128x128xf32> to vector<128x128xf32>
    %dot_general3A_32 = arith.constant dense<0.000000e+00> : vector<2000x128xf32>
    %dot_general3A_33 = tpu.matmul %div3A_17, %get3A_31, %dot_general3A_32 {dimension_numbers = #tpu.dot_dimension_numbers<[1], [0], [0], [1], [0, 0, 1, 1], [], []>, transpose_lhs_hint = false} : vector<2000x128xf32>, vector<128x128xf32>, vector<2000x128xf32> -> vector<2000x128xf32>
    %add3A_34 = arith.addf %dot_general3A_26, %dot_general3A_33 : vector<2000x128xf32>
    %slice3A_35 = vector.extract_strided_slice %get3A_20 {offsets = [0, 0], sizes = [1, 128], strides = [1, 1]} : vector<6x128xf32> to vector<1x128xf32>
    %add3A_36 = vector.broadcast %slice3A_35 : vector<1x128xf32> to vector<2000x128xf32>
    %add3A_37 = arith.addf %add3A_34, %add3A_36 : vector<2000x128xf32>
    %max3A_38 = arith.constant 0.000000e+00 : f32
    %max3A_39 = vector.broadcast %max3A_38 : f32 to vector<2000x128xf32>
    %max3A_40 = arith.maximumf %add3A_37, %max3A_39 : vector<2000x128xf32>
    %slice3A_41 = vector.extract_strided_slice %get3A_20 {offsets = [1, 0], sizes = [1, 128], strides = [1, 1]} : vector<6x128xf32> to vector<1x128xf32>
    %slice3A_42 = vector.extract_strided_slice %get3A_20 {offsets = [2, 0], sizes = [1, 128], strides = [1, 1]} : vector<6x128xf32> to vector<1x128xf32>
    %reduce_sum3A = arith.constant dense<0.000000e+00> : vector<2000xf32>
    %reduce_sum3A_43 = vector.multi_reduction <add>, %max3A_40, %reduce_sum3A [1] : vector<2000x128xf32> to vector<2000xf32>
    %broadcast_in_dim3A = vector.shape_cast %reduce_sum3A_43 : vector<2000xf32> to vector<2000x1xf32>
    %div3A_44 = arith.constant 1.280000e+02 : f32
    %div3A_45 = vector.broadcast %div3A_44 : f32 to vector<2000x1xf32>
    %div3A_46 = arith.divf %broadcast_in_dim3A, %div3A_45 : vector<2000x1xf32>
    %jit3A = arith.constant 0 : i32
    %reduce_sum3A_47 = arith.constant dense<0.000000e+00> : vector<2000xf32>
    %reduce_sum3A_48 = vector.multi_reduction <add>, %max3A_40, %reduce_sum3A_47 [1] : vector<2000x128xf32> to vector<2000xf32>
    %broadcast_in_dim3A_49 = vector.shape_cast %reduce_sum3A_48 : vector<2000xf32> to vector<2000x1xf32>
    %div3A_50 = arith.constant 1.280000e+02 : f32
    %div3A_51 = vector.broadcast %div3A_50 : f32 to vector<2000x1xf32>
    %div3A_52 = arith.divf %broadcast_in_dim3A_49, %div3A_51 : vector<2000x1xf32>
    %sub3A = vector.broadcast %div3A_52 : vector<2000x1xf32> to vector<2000x128xf32>
    %sub3A_53 = arith.subf %max3A_40, %sub3A : vector<2000x128xf32>
    %square3A = arith.mulf %sub3A_53, %sub3A_53 : vector<2000x128xf32>
    %convert_element_type3A = arith.sitofp %jit3A : i32 to f32
    %sub3A_54 = arith.constant 1.280000e+02 : f32
    %sub3A_55 = arith.subf %sub3A_54, %convert_element_type3A : f32
    %reduce_sum3A_56 = arith.constant dense<0.000000e+00> : vector<2000xf32>
    %reduce_sum3A_57 = vector.multi_reduction <add>, %square3A, %reduce_sum3A_56 [1] : vector<2000x128xf32> to vector<2000xf32>
    %broadcast_in_dim3A_58 = vector.shape_cast %reduce_sum3A_57 : vector<2000xf32> to vector<2000x1xf32>
    %div3A_59 = vector.broadcast %sub3A_55 : f32 to vector<2000x1xf32>
    %div3A_60 = arith.divf %broadcast_in_dim3A_58, %div3A_59 : vector<2000x1xf32>
    %gt3A = arith.constant 0.000000e+00 : f32
    %gt3A_61 = arith.cmpf ogt, %sub3A_55, %gt3A : f32
    %jit3A_62 = arith.constant 0x7FC00000 : f32
    %broadcast_in_dim3A_63 = vector.broadcast %jit3A_62 : f32 to vector<2000x1xf32>
    %select_n3A = arith.select %gt3A_61, %div3A_60, %broadcast_in_dim3A_63 : vector<2000x1xf32>
    %sub3A_64 = vector.broadcast %div3A_46 : vector<2000x1xf32> to vector<2000x128xf32>
    %sub3A_65 = arith.subf %max3A_40, %sub3A_64 : vector<2000x128xf32>
    %add3A_66 = arith.constant 9.99999974E-6 : f32
    %add3A_67 = vector.broadcast %add3A_66 : f32 to vector<2000x1xf32>
    %add3A_68 = arith.addf %select_n3A, %add3A_67 : vector<2000x1xf32>
    %sqrt3A = math.sqrt %add3A_68 : vector<2000x1xf32>
    %div3A_69 = vector.broadcast %sqrt3A : vector<2000x1xf32> to vector<2000x128xf32>
    %div3A_70 = arith.divf %sub3A_65, %div3A_69 : vector<2000x128xf32>
    %mul3A = vector.broadcast %slice3A_41 : vector<1x128xf32> to vector<2000x128xf32>
    %mul3A_71 = arith.mulf %div3A_70, %mul3A : vector<2000x128xf32>
    %add3A_72 = vector.broadcast %slice3A_42 : vector<1x128xf32> to vector<2000x128xf32>
    %add3A_73 = arith.addf %mul3A_71, %add3A_72 : vector<2000x128xf32>
    %get3A_74 = arith.constant 2 : index
    %get3A_75 = arith.constant 0 : index
    %get3A_76 = arith.constant 0 : index
    %get3A_77 = vector.load %arg6[%get3A_74, %get3A_75, %get3A_76] : memref<3x128x128xf32, #tpu.memory_space<vmem>>, vector<1x128x128xf32>
    %get3A_78 = vector.shape_cast %get3A_77 : vector<1x128x128xf32> to vector<128x128xf32>
    %dot_general3A_79 = arith.constant dense<0.000000e+00> : vector<2000x128xf32>
    %dot_general3A_80 = tpu.matmul %add3A_73, %get3A_78, %dot_general3A_79 {dimension_numbers = #tpu.dot_dimension_numbers<[1], [0], [0], [1], [0, 0, 1, 1], [], []>, transpose_lhs_hint = false} : vector<2000x128xf32>, vector<128x128xf32>, vector<2000x128xf32> -> vector<2000x128xf32>
    %slice3A_81 = vector.extract_strided_slice %get3A_20 {offsets = [3, 0], sizes = [1, 128], strides = [1, 1]} : vector<6x128xf32> to vector<1x128xf32>
    %add3A_82 = vector.broadcast %slice3A_81 : vector<1x128xf32> to vector<2000x128xf32>
    %add3A_83 = arith.addf %dot_general3A_80, %add3A_82 : vector<2000x128xf32>
    %slice3A_84 = vector.extract_strided_slice %get3A_20 {offsets = [4, 0], sizes = [1, 128], strides = [1, 1]} : vector<6x128xf32> to vector<1x128xf32>
    %slice3A_85 = vector.extract_strided_slice %get3A_20 {offsets = [5, 0], sizes = [1, 128], strides = [1, 1]} : vector<6x128xf32> to vector<1x128xf32>
    %reduce_sum3A_86 = arith.constant dense<0.000000e+00> : vector<2000xf32>
    %reduce_sum3A_87 = vector.multi_reduction <add>, %add3A_83, %reduce_sum3A_86 [1] : vector<2000x128xf32> to vector<2000xf32>
    %broadcast_in_dim3A_88 = vector.shape_cast %reduce_sum3A_87 : vector<2000xf32> to vector<2000x1xf32>
    %div3A_89 = arith.constant 1.280000e+02 : f32
    %div3A_90 = vector.broadcast %div3A_89 : f32 to vector<2000x1xf32>
    %div3A_91 = arith.divf %broadcast_in_dim3A_88, %div3A_90 : vector<2000x1xf32>
    %jit3A_92 = arith.constant 0 : i32
    %reduce_sum3A_93 = arith.constant dense<0.000000e+00> : vector<2000xf32>
    %reduce_sum3A_94 = vector.multi_reduction <add>, %add3A_83, %reduce_sum3A_93 [1] : vector<2000x128xf32> to vector<2000xf32>
    %broadcast_in_dim3A_95 = vector.shape_cast %reduce_sum3A_94 : vector<2000xf32> to vector<2000x1xf32>
    %div3A_96 = arith.constant 1.280000e+02 : f32
    %div3A_97 = vector.broadcast %div3A_96 : f32 to vector<2000x1xf32>
    %div3A_98 = arith.divf %broadcast_in_dim3A_95, %div3A_97 : vector<2000x1xf32>
    %sub3A_99 = vector.broadcast %div3A_98 : vector<2000x1xf32> to vector<2000x128xf32>
    %sub3A_100 = arith.subf %add3A_83, %sub3A_99 : vector<2000x128xf32>
    %square3A_101 = arith.mulf %sub3A_100, %sub3A_100 : vector<2000x128xf32>
    %convert_element_type3A_102 = arith.sitofp %jit3A_92 : i32 to f32
    %sub3A_103 = arith.constant 1.280000e+02 : f32
    %sub3A_104 = arith.subf %sub3A_103, %convert_element_type3A_102 : f32
    %reduce_sum3A_105 = arith.constant dense<0.000000e+00> : vector<2000xf32>
    %reduce_sum3A_106 = vector.multi_reduction <add>, %square3A_101, %reduce_sum3A_105 [1] : vector<2000x128xf32> to vector<2000xf32>
    %broadcast_in_dim3A_107 = vector.shape_cast %reduce_sum3A_106 : vector<2000xf32> to vector<2000x1xf32>
    %div3A_108 = vector.broadcast %sub3A_104 : f32 to vector<2000x1xf32>
    %div3A_109 = arith.divf %broadcast_in_dim3A_107, %div3A_108 : vector<2000x1xf32>
    %gt3A_110 = arith.constant 0.000000e+00 : f32
    %gt3A_111 = arith.cmpf ogt, %sub3A_104, %gt3A_110 : f32
    %jit3A_112 = arith.constant 0x7FC00000 : f32
    %broadcast_in_dim3A_113 = vector.broadcast %jit3A_112 : f32 to vector<2000x1xf32>
    %select_n3A_114 = arith.select %gt3A_111, %div3A_109, %broadcast_in_dim3A_113 : vector<2000x1xf32>
    %sub3A_115 = vector.broadcast %div3A_91 : vector<2000x1xf32> to vector<2000x128xf32>
    %sub3A_116 = arith.subf %add3A_83, %sub3A_115 : vector<2000x128xf32>
    %add3A_117 = arith.constant 9.99999974E-6 : f32
    %add3A_118 = vector.broadcast %add3A_117 : f32 to vector<2000x1xf32>
    %add3A_119 = arith.addf %select_n3A_114, %add3A_118 : vector<2000x1xf32>
    %sqrt3A_120 = math.sqrt %add3A_119 : vector<2000x1xf32>
    %div3A_121 = vector.broadcast %sqrt3A_120 : vector<2000x1xf32> to vector<2000x128xf32>
    %div3A_122 = arith.divf %sub3A_116, %div3A_121 : vector<2000x128xf32>
    %mul3A_123 = vector.broadcast %slice3A_84 : vector<1x128xf32> to vector<2000x128xf32>
    %mul3A_124 = arith.mulf %div3A_122, %mul3A_123 : vector<2000x128xf32>
    %add3A_125 = vector.broadcast %slice3A_85 : vector<1x128xf32> to vector<2000x128xf32>
    %add3A_126 = arith.addf %mul3A_124, %add3A_125 : vector<2000x128xf32>
    %add3A_127 = arith.addf %add3A_126, %get3A_1 : vector<2000x128xf32>
    %swap3A = arith.constant 0 : index
    %swap3A_128 = arith.constant 0 : index
    %swap3A_129 = vector.load %arg8[%swap3A, %swap3A_128] : memref<2000x128xf32, #tpu.memory_space<vmem>>, vector<2000x128xf32>
    tpu.vector_store %arg8[%swap3A, %swap3A_128], %add3A_127 {strides = array<i32>} : memref<2000x128xf32, #tpu.memory_space<vmem>>, vector<2000x128xf32>,
    return
  }
  func.func @transform_0(%arg0: i32) -> (i32, i32) {
    %c0_i32 = arith.constant 0 : i32
    %c0_i32_0 = arith.constant 0 : i32
    return %arg0, %c0_i32 : i32, i32
  }
  func.func @transform_1(%arg0: i32) -> (i32, i32) {
    %c0_i32 = arith.constant 0 : i32
    %c0_i32_0 = arith.constant 0 : i32
    return %arg0, %c0_i32 : i32, i32
  }
  func.func @transform_2(%arg0: i32) -> (i32, i32) {
    %c0_i32 = arith.constant 0 : i32
    %c0_i32_0 = arith.constant 0 : i32
    return %arg0, %c0_i32 : i32, i32
  }
  func.func @transform_3(%arg0: i32) -> (i32, i32) {
    %c0_i32 = arith.constant 0 : i32
    %c0_i32_0 = arith.constant 0 : i32
    return %arg0, %c0_i32 : i32, i32
  }
  func.func @transform_4(%arg0: i32) -> (i32, i32) {
    %c0_i32 = arith.constant 0 : i32
    %c0_i32_0 = arith.constant 0 : i32
    return %arg0, %c0_i32 : i32, i32
  }
  func.func @transform_5(%arg0: i32) -> (i32, i32, i32) {
    %c0_i32 = arith.constant 0 : i32
    %c0_i32_0 = arith.constant 0 : i32
    %c0_i32_1 = arith.constant 0 : i32
    %c0_i32_2 = arith.constant 0 : i32
    return %c0_i32, %c0_i32_0, %c0_i32_1 : i32, i32, i32
  }
  func.func @transform_6(%arg0: i32) -> (i32, i32) {
    %c0_i32 = arith.constant 0 : i32
    %c0_i32_0 = arith.constant 0 : i32
    %c0_i32_1 = arith.constant 0 : i32
    return %c0_i32, %c0_i32_0 : i32, i32
  }
  func.func @transform_7(%arg0: i32) -> (i32, i32) {
    %c0_i32 = arith.constant 0 : i32
    %c0_i32_0 = arith.constant 0 : i32
    return %arg0, %c0_i32 : i32, i32
  }
}

module attributes {stable_mosaic.version = 14 : i64} {
  func.func @_edge_body(%arg0: i32, %arg1: memref<2560x128xbf16, #tpu.memory_space<vmem>>, %arg2: memref<2560x128xbf16, #tpu.memory_space<vmem>>, %arg3: memref<2560x128xf32, #tpu.memory_space<vmem>>, %arg4: memref<128x256xbf16, #tpu.memory_space<vmem>>, %arg5: memref<5x128x128xbf16, #tpu.memory_space<vmem>>, %arg6: memref<12x128xf32, #tpu.memory_space<vmem>>, %arg7: memref<2560x128xf32, #tpu.memory_space<vmem>>, %arg8: memref<2560x128xf32, #tpu.memory_space<vmem>>) attributes {dimension_semantics = [#tpu.dimension_semantics<arbitrary>], iteration_bounds = array<i64: 128>, scalar_prefetch = 0 : i64, scratch_operands = 0 : i64, tpu.core_type = #tpu.core_type<tc>, window_params = [{transform_indices = @transform_0, window_bounds = array<i64: 2560, 128>}, {transform_indices = @transform_1, window_bounds = array<i64: 2560, 128>}, {transform_indices = @transform_2, window_bounds = array<i64: 2560, 128>}, {pipeline_mode = #tpu.pipeline_mode<synchronous>, transform_indices = @transform_3, window_bounds = array<i64: 128, 256>}, {pipeline_mode = #tpu.pipeline_mode<synchronous>, transform_indices = @transform_4, window_bounds = array<i64: 5, 128, 128>}, {pipeline_mode = #tpu.pipeline_mode<synchronous>, transform_indices = @transform_5, window_bounds = array<i64: 12, 128>}, {transform_indices = @transform_6, window_bounds = array<i64: 2560, 128>}, {transform_indices = @transform_7, window_bounds = array<i64: 2560, 128>}]} {
    %get3A = arith.constant 0 : index
    %get3A_0 = arith.constant 0 : index
    %get3A_1 = vector.load %arg3[%get3A, %get3A_0] : memref<2560x128xf32, #tpu.memory_space<vmem>>, vector<2560x128xf32>
    %get3A_2 = arith.constant 0 : index
    %get3A_3 = arith.constant 0 : index
    %get3A_4 = vector.load %arg6[%get3A_2, %get3A_3] : memref<12x128xf32, #tpu.memory_space<vmem>>, vector<12x128xf32>
    %get3A_5 = arith.constant 0 : index
    %get3A_6 = arith.constant 0 : index
    %get3A_7 = vector.load %arg1[%get3A_5, %get3A_6] : memref<2560x128xbf16, #tpu.memory_space<vmem>>, vector<2560x128xbf16>
    %get3A_8 = arith.constant 0 : index
    %get3A_9 = arith.constant 0 : index
    %get3A_10 = vector.load %arg4[%get3A_8, %get3A_9] : memref<128x256xbf16, #tpu.memory_space<vmem>>, vector<128x256xbf16>
    %dot_general3A = arith.constant dense<0.000000e+00> : vector<2560x256xf32>
    %dot_general3A_11 = tpu.matmul %get3A_7, %get3A_10, %dot_general3A {dimension_numbers = #tpu.dot_dimension_numbers<[1], [0], [0], [1], [0, 0, 1, 1], [], []>, transpose_lhs_hint = false} : vector<2560x128xbf16>, vector<128x256xbf16>, vector<2560x256xf32> -> vector<2560x256xf32>
    %slice3A = vector.extract_strided_slice %dot_general3A_11 {offsets = [0, 0], sizes = [2560, 128], strides = [1, 1]} : vector<2560x256xf32> to vector<2560x128xf32>
    %get3A_12 = arith.constant 0 : index
    %get3A_13 = arith.constant 0 : index
    %get3A_14 = vector.load %arg2[%get3A_12, %get3A_13] : memref<2560x128xbf16, #tpu.memory_space<vmem>>, vector<2560x128xbf16>
    %get3A_15 = arith.constant 0 : index
    %get3A_16 = arith.constant 0 : index
    %get3A_17 = arith.constant 0 : index
    %get3A_18 = vector.load %arg5[%get3A_15, %get3A_16, %get3A_17] : memref<5x128x128xbf16, #tpu.memory_space<vmem>>, vector<1x128x128xbf16>
    %get3A_19 = vector.shape_cast %get3A_18 : vector<1x128x128xbf16> to vector<128x128xbf16>
    %dot_general3A_20 = arith.constant dense<0.000000e+00> : vector<2560x128xf32>
    %dot_general3A_21 = tpu.matmul %get3A_14, %get3A_19, %dot_general3A_20 {dimension_numbers = #tpu.dot_dimension_numbers<[1], [0], [0], [1], [0, 0, 1, 1], [], []>, transpose_lhs_hint = false} : vector<2560x128xbf16>, vector<128x128xbf16>, vector<2560x128xf32> -> vector<2560x128xf32>
    %add3A = arith.addf %slice3A, %dot_general3A_21 : vector<2560x128xf32>
    %convert_element_type3A = arith.truncf %get3A_1 : vector<2560x128xf32> to vector<2560x128xbf16>
    %get3A_22 = arith.constant 1 : index
    %get3A_23 = arith.constant 0 : index
    %get3A_24 = arith.constant 0 : index
    %get3A_25 = vector.load %arg5[%get3A_22, %get3A_23, %get3A_24] : memref<5x128x128xbf16, #tpu.memory_space<vmem>>, vector<1x128x128xbf16>
    %get3A_26 = vector.shape_cast %get3A_25 : vector<1x128x128xbf16> to vector<128x128xbf16>
    %dot_general3A_27 = arith.constant dense<0.000000e+00> : vector<2560x128xf32>
    %dot_general3A_28 = tpu.matmul %convert_element_type3A, %get3A_26, %dot_general3A_27 {dimension_numbers = #tpu.dot_dimension_numbers<[1], [0], [0], [1], [0, 0, 1, 1], [], []>, transpose_lhs_hint = false} : vector<2560x128xbf16>, vector<128x128xbf16>, vector<2560x128xf32> -> vector<2560x128xf32>
    %add3A_29 = arith.addf %add3A, %dot_general3A_28 : vector<2560x128xf32>
    %slice3A_30 = vector.extract_strided_slice %get3A_4 {offsets = [0, 0], sizes = [1, 128], strides = [1, 1]} : vector<12x128xf32> to vector<1x128xf32>
    %add3A_31 = vector.broadcast %slice3A_30 : vector<1x128xf32> to vector<2560x128xf32>
    %add3A_32 = arith.addf %add3A_29, %add3A_31 : vector<2560x128xf32>
    %max3A = arith.constant 0.000000e+00 : f32
    %max3A_33 = vector.broadcast %max3A : f32 to vector<2560x128xf32>
    %max3A_34 = arith.maximumf %add3A_32, %max3A_33 : vector<2560x128xf32>
    %slice3A_35 = vector.extract_strided_slice %get3A_4 {offsets = [1, 0], sizes = [1, 128], strides = [1, 1]} : vector<12x128xf32> to vector<1x128xf32>
    %slice3A_36 = vector.extract_strided_slice %get3A_4 {offsets = [2, 0], sizes = [1, 128], strides = [1, 1]} : vector<12x128xf32> to vector<1x128xf32>
    %reduce_sum3A = arith.constant dense<0.000000e+00> : vector<2560xf32>
    %reduce_sum3A_37 = vector.multi_reduction <add>, %max3A_34, %reduce_sum3A [1] : vector<2560x128xf32> to vector<2560xf32>
    %broadcast_in_dim3A = vector.shape_cast %reduce_sum3A_37 : vector<2560xf32> to vector<2560x1xf32>
    %div3A = arith.constant 1.280000e+02 : f32
    %div3A_38 = vector.broadcast %div3A : f32 to vector<2560x1xf32>
    %div3A_39 = arith.divf %broadcast_in_dim3A, %div3A_38 : vector<2560x1xf32>
    %jit3A = arith.constant 0 : i32
    %reduce_sum3A_40 = arith.constant dense<0.000000e+00> : vector<2560xf32>
    %reduce_sum3A_41 = vector.multi_reduction <add>, %max3A_34, %reduce_sum3A_40 [1] : vector<2560x128xf32> to vector<2560xf32>
    %broadcast_in_dim3A_42 = vector.shape_cast %reduce_sum3A_41 : vector<2560xf32> to vector<2560x1xf32>
    %div3A_43 = arith.constant 1.280000e+02 : f32
    %div3A_44 = vector.broadcast %div3A_43 : f32 to vector<2560x1xf32>
    %div3A_45 = arith.divf %broadcast_in_dim3A_42, %div3A_44 : vector<2560x1xf32>
    %sub3A = vector.broadcast %div3A_45 : vector<2560x1xf32> to vector<2560x128xf32>
    %sub3A_46 = arith.subf %max3A_34, %sub3A : vector<2560x128xf32>
    %square3A = arith.mulf %sub3A_46, %sub3A_46 : vector<2560x128xf32>
    %convert_element_type3A_47 = arith.sitofp %jit3A : i32 to f32
    %sub3A_48 = arith.constant 1.280000e+02 : f32
    %sub3A_49 = arith.subf %sub3A_48, %convert_element_type3A_47 : f32
    %reduce_sum3A_50 = arith.constant dense<0.000000e+00> : vector<2560xf32>
    %reduce_sum3A_51 = vector.multi_reduction <add>, %square3A, %reduce_sum3A_50 [1] : vector<2560x128xf32> to vector<2560xf32>
    %broadcast_in_dim3A_52 = vector.shape_cast %reduce_sum3A_51 : vector<2560xf32> to vector<2560x1xf32>
    %div3A_53 = vector.broadcast %sub3A_49 : f32 to vector<2560x1xf32>
    %div3A_54 = arith.divf %broadcast_in_dim3A_52, %div3A_53 : vector<2560x1xf32>
    %gt3A = arith.constant 0.000000e+00 : f32
    %gt3A_55 = arith.cmpf ogt, %sub3A_49, %gt3A : f32
    %jit3A_56 = arith.constant 0x7FC00000 : f32
    %broadcast_in_dim3A_57 = vector.broadcast %jit3A_56 : f32 to vector<2560x1xf32>
    %select_n3A = arith.select %gt3A_55, %div3A_54, %broadcast_in_dim3A_57 : vector<2560x1xf32>
    %sub3A_58 = vector.broadcast %div3A_39 : vector<2560x1xf32> to vector<2560x128xf32>
    %sub3A_59 = arith.subf %max3A_34, %sub3A_58 : vector<2560x128xf32>
    %add3A_60 = arith.constant 9.99999974E-6 : f32
    %add3A_61 = vector.broadcast %add3A_60 : f32 to vector<2560x1xf32>
    %add3A_62 = arith.addf %select_n3A, %add3A_61 : vector<2560x1xf32>
    %sqrt3A = math.sqrt %add3A_62 : vector<2560x1xf32>
    %div3A_63 = vector.broadcast %sqrt3A : vector<2560x1xf32> to vector<2560x128xf32>
    %div3A_64 = arith.divf %sub3A_59, %div3A_63 : vector<2560x128xf32>
    %mul3A = vector.broadcast %slice3A_35 : vector<1x128xf32> to vector<2560x128xf32>
    %mul3A_65 = arith.mulf %div3A_64, %mul3A : vector<2560x128xf32>
    %add3A_66 = vector.broadcast %slice3A_36 : vector<1x128xf32> to vector<2560x128xf32>
    %add3A_67 = arith.addf %mul3A_65, %add3A_66 : vector<2560x128xf32>
    %convert_element_type3A_68 = arith.truncf %add3A_67 : vector<2560x128xf32> to vector<2560x128xbf16>
    %get3A_69 = arith.constant 2 : index
    %get3A_70 = arith.constant 0 : index
    %get3A_71 = arith.constant 0 : index
    %get3A_72 = vector.load %arg5[%get3A_69, %get3A_70, %get3A_71] : memref<5x128x128xbf16, #tpu.memory_space<vmem>>, vector<1x128x128xbf16>
    %get3A_73 = vector.shape_cast %get3A_72 : vector<1x128x128xbf16> to vector<128x128xbf16>
    %dot_general3A_74 = arith.constant dense<0.000000e+00> : vector<2560x128xf32>
    %dot_general3A_75 = tpu.matmul %convert_element_type3A_68, %get3A_73, %dot_general3A_74 {dimension_numbers = #tpu.dot_dimension_numbers<[1], [0], [0], [1], [0, 0, 1, 1], [], []>, transpose_lhs_hint = false} : vector<2560x128xbf16>, vector<128x128xbf16>, vector<2560x128xf32> -> vector<2560x128xf32>
    %slice3A_76 = vector.extract_strided_slice %get3A_4 {offsets = [3, 0], sizes = [1, 128], strides = [1, 1]} : vector<12x128xf32> to vector<1x128xf32>
    %add3A_77 = vector.broadcast %slice3A_76 : vector<1x128xf32> to vector<2560x128xf32>
    %add3A_78 = arith.addf %dot_general3A_75, %add3A_77 : vector<2560x128xf32>
    %max3A_79 = arith.constant 0.000000e+00 : f32
    %max3A_80 = vector.broadcast %max3A_79 : f32 to vector<2560x128xf32>
    %max3A_81 = arith.maximumf %add3A_78, %max3A_80 : vector<2560x128xf32>
    %slice3A_82 = vector.extract_strided_slice %get3A_4 {offsets = [4, 0], sizes = [1, 128], strides = [1, 1]} : vector<12x128xf32> to vector<1x128xf32>
    %slice3A_83 = vector.extract_strided_slice %get3A_4 {offsets = [5, 0], sizes = [1, 128], strides = [1, 1]} : vector<12x128xf32> to vector<1x128xf32>
    %reduce_sum3A_84 = arith.constant dense<0.000000e+00> : vector<2560xf32>
    %reduce_sum3A_85 = vector.multi_reduction <add>, %max3A_81, %reduce_sum3A_84 [1] : vector<2560x128xf32> to vector<2560xf32>
    %broadcast_in_dim3A_86 = vector.shape_cast %reduce_sum3A_85 : vector<2560xf32> to vector<2560x1xf32>
    %div3A_87 = arith.constant 1.280000e+02 : f32
    %div3A_88 = vector.broadcast %div3A_87 : f32 to vector<2560x1xf32>
    %div3A_89 = arith.divf %broadcast_in_dim3A_86, %div3A_88 : vector<2560x1xf32>
    %jit3A_90 = arith.constant 0 : i32
    %reduce_sum3A_91 = arith.constant dense<0.000000e+00> : vector<2560xf32>
    %reduce_sum3A_92 = vector.multi_reduction <add>, %max3A_81, %reduce_sum3A_91 [1] : vector<2560x128xf32> to vector<2560xf32>
    %broadcast_in_dim3A_93 = vector.shape_cast %reduce_sum3A_92 : vector<2560xf32> to vector<2560x1xf32>
    %div3A_94 = arith.constant 1.280000e+02 : f32
    %div3A_95 = vector.broadcast %div3A_94 : f32 to vector<2560x1xf32>
    %div3A_96 = arith.divf %broadcast_in_dim3A_93, %div3A_95 : vector<2560x1xf32>
    %sub3A_97 = vector.broadcast %div3A_96 : vector<2560x1xf32> to vector<2560x128xf32>
    %sub3A_98 = arith.subf %max3A_81, %sub3A_97 : vector<2560x128xf32>
    %square3A_99 = arith.mulf %sub3A_98, %sub3A_98 : vector<2560x128xf32>
    %convert_element_type3A_100 = arith.sitofp %jit3A_90 : i32 to f32
    %sub3A_101 = arith.constant 1.280000e+02 : f32
    %sub3A_102 = arith.subf %sub3A_101, %convert_element_type3A_100 : f32
    %reduce_sum3A_103 = arith.constant dense<0.000000e+00> : vector<2560xf32>
    %reduce_sum3A_104 = vector.multi_reduction <add>, %square3A_99, %reduce_sum3A_103 [1] : vector<2560x128xf32> to vector<2560xf32>
    %broadcast_in_dim3A_105 = vector.shape_cast %reduce_sum3A_104 : vector<2560xf32> to vector<2560x1xf32>
    %div3A_106 = vector.broadcast %sub3A_102 : f32 to vector<2560x1xf32>
    %div3A_107 = arith.divf %broadcast_in_dim3A_105, %div3A_106 : vector<2560x1xf32>
    %gt3A_108 = arith.constant 0.000000e+00 : f32
    %gt3A_109 = arith.cmpf ogt, %sub3A_102, %gt3A_108 : f32
    %jit3A_110 = arith.constant 0x7FC00000 : f32
    %broadcast_in_dim3A_111 = vector.broadcast %jit3A_110 : f32 to vector<2560x1xf32>
    %select_n3A_112 = arith.select %gt3A_109, %div3A_107, %broadcast_in_dim3A_111 : vector<2560x1xf32>
    %sub3A_113 = vector.broadcast %div3A_89 : vector<2560x1xf32> to vector<2560x128xf32>
    %sub3A_114 = arith.subf %max3A_81, %sub3A_113 : vector<2560x128xf32>
    %add3A_115 = arith.constant 9.99999974E-6 : f32
    %add3A_116 = vector.broadcast %add3A_115 : f32 to vector<2560x1xf32>
    %add3A_117 = arith.addf %select_n3A_112, %add3A_116 : vector<2560x1xf32>
    %sqrt3A_118 = math.sqrt %add3A_117 : vector<2560x1xf32>
    %div3A_119 = vector.broadcast %sqrt3A_118 : vector<2560x1xf32> to vector<2560x128xf32>
    %div3A_120 = arith.divf %sub3A_114, %div3A_119 : vector<2560x128xf32>
    %mul3A_121 = vector.broadcast %slice3A_82 : vector<1x128xf32> to vector<2560x128xf32>
    %mul3A_122 = arith.mulf %div3A_120, %mul3A_121 : vector<2560x128xf32>
    %add3A_123 = vector.broadcast %slice3A_83 : vector<1x128xf32> to vector<2560x128xf32>
    %add3A_124 = arith.addf %mul3A_122, %add3A_123 : vector<2560x128xf32>
    %convert_element_type3A_125 = arith.truncf %add3A_124 : vector<2560x128xf32> to vector<2560x128xbf16>
    %get3A_126 = arith.constant 3 : index
    %get3A_127 = arith.constant 0 : index
    %get3A_128 = arith.constant 0 : index
    %get3A_129 = vector.load %arg5[%get3A_126, %get3A_127, %get3A_128] : memref<5x128x128xbf16, #tpu.memory_space<vmem>>, vector<1x128x128xbf16>
    %get3A_130 = vector.shape_cast %get3A_129 : vector<1x128x128xbf16> to vector<128x128xbf16>
    %dot_general3A_131 = arith.constant dense<0.000000e+00> : vector<2560x128xf32>
    %dot_general3A_132 = tpu.matmul %convert_element_type3A_125, %get3A_130, %dot_general3A_131 {dimension_numbers = #tpu.dot_dimension_numbers<[1], [0], [0], [1], [0, 0, 1, 1], [], []>, transpose_lhs_hint = false} : vector<2560x128xbf16>, vector<128x128xbf16>, vector<2560x128xf32> -> vector<2560x128xf32>
    %slice3A_133 = vector.extract_strided_slice %get3A_4 {offsets = [6, 0], sizes = [1, 128], strides = [1, 1]} : vector<12x128xf32> to vector<1x128xf32>
    %add3A_134 = vector.broadcast %slice3A_133 : vector<1x128xf32> to vector<2560x128xf32>
    %add3A_135 = arith.addf %dot_general3A_132, %add3A_134 : vector<2560x128xf32>
    %slice3A_136 = vector.extract_strided_slice %get3A_4 {offsets = [7, 0], sizes = [1, 128], strides = [1, 1]} : vector<12x128xf32> to vector<1x128xf32>
    %slice3A_137 = vector.extract_strided_slice %get3A_4 {offsets = [8, 0], sizes = [1, 128], strides = [1, 1]} : vector<12x128xf32> to vector<1x128xf32>
    %reduce_sum3A_138 = arith.constant dense<0.000000e+00> : vector<2560xf32>
    %reduce_sum3A_139 = vector.multi_reduction <add>, %add3A_135, %reduce_sum3A_138 [1] : vector<2560x128xf32> to vector<2560xf32>
    %broadcast_in_dim3A_140 = vector.shape_cast %reduce_sum3A_139 : vector<2560xf32> to vector<2560x1xf32>
    %div3A_141 = arith.constant 1.280000e+02 : f32
    %div3A_142 = vector.broadcast %div3A_141 : f32 to vector<2560x1xf32>
    %div3A_143 = arith.divf %broadcast_in_dim3A_140, %div3A_142 : vector<2560x1xf32>
    %jit3A_144 = arith.constant 0 : i32
    %reduce_sum3A_145 = arith.constant dense<0.000000e+00> : vector<2560xf32>
    %reduce_sum3A_146 = vector.multi_reduction <add>, %add3A_135, %reduce_sum3A_145 [1] : vector<2560x128xf32> to vector<2560xf32>
    %broadcast_in_dim3A_147 = vector.shape_cast %reduce_sum3A_146 : vector<2560xf32> to vector<2560x1xf32>
    %div3A_148 = arith.constant 1.280000e+02 : f32
    %div3A_149 = vector.broadcast %div3A_148 : f32 to vector<2560x1xf32>
    %div3A_150 = arith.divf %broadcast_in_dim3A_147, %div3A_149 : vector<2560x1xf32>
    %sub3A_151 = vector.broadcast %div3A_150 : vector<2560x1xf32> to vector<2560x128xf32>
    %sub3A_152 = arith.subf %add3A_135, %sub3A_151 : vector<2560x128xf32>
    %square3A_153 = arith.mulf %sub3A_152, %sub3A_152 : vector<2560x128xf32>
    %convert_element_type3A_154 = arith.sitofp %jit3A_144 : i32 to f32
    %sub3A_155 = arith.constant 1.280000e+02 : f32
    %sub3A_156 = arith.subf %sub3A_155, %convert_element_type3A_154 : f32
    %reduce_sum3A_157 = arith.constant dense<0.000000e+00> : vector<2560xf32>
    %reduce_sum3A_158 = vector.multi_reduction <add>, %square3A_153, %reduce_sum3A_157 [1] : vector<2560x128xf32> to vector<2560xf32>
    %broadcast_in_dim3A_159 = vector.shape_cast %reduce_sum3A_158 : vector<2560xf32> to vector<2560x1xf32>
    %div3A_160 = vector.broadcast %sub3A_156 : f32 to vector<2560x1xf32>
    %div3A_161 = arith.divf %broadcast_in_dim3A_159, %div3A_160 : vector<2560x1xf32>
    %gt3A_162 = arith.constant 0.000000e+00 : f32
    %gt3A_163 = arith.cmpf ogt, %sub3A_156, %gt3A_162 : f32
    %jit3A_164 = arith.constant 0x7FC00000 : f32
    %broadcast_in_dim3A_165 = vector.broadcast %jit3A_164 : f32 to vector<2560x1xf32>
    %select_n3A_166 = arith.select %gt3A_163, %div3A_161, %broadcast_in_dim3A_165 : vector<2560x1xf32>
    %sub3A_167 = vector.broadcast %div3A_143 : vector<2560x1xf32> to vector<2560x128xf32>
    %sub3A_168 = arith.subf %add3A_135, %sub3A_167 : vector<2560x128xf32>
    %add3A_169 = arith.constant 9.99999974E-6 : f32
    %add3A_170 = vector.broadcast %add3A_169 : f32 to vector<2560x1xf32>
    %add3A_171 = arith.addf %select_n3A_166, %add3A_170 : vector<2560x1xf32>
    %sqrt3A_172 = math.sqrt %add3A_171 : vector<2560x1xf32>
    %div3A_173 = vector.broadcast %sqrt3A_172 : vector<2560x1xf32> to vector<2560x128xf32>
    %div3A_174 = arith.divf %sub3A_168, %div3A_173 : vector<2560x128xf32>
    %mul3A_175 = vector.broadcast %slice3A_136 : vector<1x128xf32> to vector<2560x128xf32>
    %mul3A_176 = arith.mulf %div3A_174, %mul3A_175 : vector<2560x128xf32>
    %add3A_177 = vector.broadcast %slice3A_137 : vector<1x128xf32> to vector<2560x128xf32>
    %add3A_178 = arith.addf %mul3A_176, %add3A_177 : vector<2560x128xf32>
    %add3A_179 = arith.addf %add3A_178, %get3A_1 : vector<2560x128xf32>
    %swap3A = arith.constant 0 : index
    %swap3A_180 = arith.constant 0 : index
    %swap3A_181 = vector.load %arg7[%swap3A, %swap3A_180] : memref<2560x128xf32, #tpu.memory_space<vmem>>, vector<2560x128xf32>
    tpu.vector_store %arg7[%swap3A, %swap3A_180], %add3A_179 {strides = array<i32>} : memref<2560x128xf32, #tpu.memory_space<vmem>>, vector<2560x128xf32>,
    %slice3A_182 = vector.extract_strided_slice %dot_general3A_11 {offsets = [0, 128], sizes = [2560, 128], strides = [1, 1]} : vector<2560x256xf32> to vector<2560x128xf32>
    %convert_element_type3A_183 = arith.truncf %add3A_179 : vector<2560x128xf32> to vector<2560x128xbf16>
    %get3A_184 = arith.constant 4 : index
    %get3A_185 = arith.constant 0 : index
    %get3A_186 = arith.constant 0 : index
    %get3A_187 = vector.load %arg5[%get3A_184, %get3A_185, %get3A_186] : memref<5x128x128xbf16, #tpu.memory_space<vmem>>, vector<1x128x128xbf16>
    %get3A_188 = vector.shape_cast %get3A_187 : vector<1x128x128xbf16> to vector<128x128xbf16>
    %dot_general3A_189 = arith.constant dense<0.000000e+00> : vector<2560x128xf32>
    %dot_general3A_190 = tpu.matmul %convert_element_type3A_183, %get3A_188, %dot_general3A_189 {dimension_numbers = #tpu.dot_dimension_numbers<[1], [0], [0], [1], [0, 0, 1, 1], [], []>, transpose_lhs_hint = false} : vector<2560x128xbf16>, vector<128x128xbf16>, vector<2560x128xf32> -> vector<2560x128xf32>
    %add3A_191 = arith.addf %slice3A_182, %dot_general3A_190 : vector<2560x128xf32>
    %slice3A_192 = vector.extract_strided_slice %get3A_4 {offsets = [9, 0], sizes = [1, 128], strides = [1, 1]} : vector<12x128xf32> to vector<1x128xf32>
    %add3A_193 = vector.broadcast %slice3A_192 : vector<1x128xf32> to vector<2560x128xf32>
    %add3A_194 = arith.addf %add3A_191, %add3A_193 : vector<2560x128xf32>
    %max3A_195 = arith.constant 0.000000e+00 : f32
    %max3A_196 = vector.broadcast %max3A_195 : f32 to vector<2560x128xf32>
    %max3A_197 = arith.maximumf %add3A_194, %max3A_196 : vector<2560x128xf32>
    %slice3A_198 = vector.extract_strided_slice %get3A_4 {offsets = [10, 0], sizes = [1, 128], strides = [1, 1]} : vector<12x128xf32> to vector<1x128xf32>
    %slice3A_199 = vector.extract_strided_slice %get3A_4 {offsets = [11, 0], sizes = [1, 128], strides = [1, 1]} : vector<12x128xf32> to vector<1x128xf32>
    %reduce_sum3A_200 = arith.constant dense<0.000000e+00> : vector<2560xf32>
    %reduce_sum3A_201 = vector.multi_reduction <add>, %max3A_197, %reduce_sum3A_200 [1] : vector<2560x128xf32> to vector<2560xf32>
    %broadcast_in_dim3A_202 = vector.shape_cast %reduce_sum3A_201 : vector<2560xf32> to vector<2560x1xf32>
    %div3A_203 = arith.constant 1.280000e+02 : f32
    %div3A_204 = vector.broadcast %div3A_203 : f32 to vector<2560x1xf32>
    %div3A_205 = arith.divf %broadcast_in_dim3A_202, %div3A_204 : vector<2560x1xf32>
    %jit3A_206 = arith.constant 0 : i32
    %reduce_sum3A_207 = arith.constant dense<0.000000e+00> : vector<2560xf32>
    %reduce_sum3A_208 = vector.multi_reduction <add>, %max3A_197, %reduce_sum3A_207 [1] : vector<2560x128xf32> to vector<2560xf32>
    %broadcast_in_dim3A_209 = vector.shape_cast %reduce_sum3A_208 : vector<2560xf32> to vector<2560x1xf32>
    %div3A_210 = arith.constant 1.280000e+02 : f32
    %div3A_211 = vector.broadcast %div3A_210 : f32 to vector<2560x1xf32>
    %div3A_212 = arith.divf %broadcast_in_dim3A_209, %div3A_211 : vector<2560x1xf32>
    %sub3A_213 = vector.broadcast %div3A_212 : vector<2560x1xf32> to vector<2560x128xf32>
    %sub3A_214 = arith.subf %max3A_197, %sub3A_213 : vector<2560x128xf32>
    %square3A_215 = arith.mulf %sub3A_214, %sub3A_214 : vector<2560x128xf32>
    %convert_element_type3A_216 = arith.sitofp %jit3A_206 : i32 to f32
    %sub3A_217 = arith.constant 1.280000e+02 : f32
    %sub3A_218 = arith.subf %sub3A_217, %convert_element_type3A_216 : f32
    %reduce_sum3A_219 = arith.constant dense<0.000000e+00> : vector<2560xf32>
    %reduce_sum3A_220 = vector.multi_reduction <add>, %square3A_215, %reduce_sum3A_219 [1] : vector<2560x128xf32> to vector<2560xf32>
    %broadcast_in_dim3A_221 = vector.shape_cast %reduce_sum3A_220 : vector<2560xf32> to vector<2560x1xf32>
    %div3A_222 = vector.broadcast %sub3A_218 : f32 to vector<2560x1xf32>
    %div3A_223 = arith.divf %broadcast_in_dim3A_221, %div3A_222 : vector<2560x1xf32>
    %gt3A_224 = arith.constant 0.000000e+00 : f32
    %gt3A_225 = arith.cmpf ogt, %sub3A_218, %gt3A_224 : f32
    %jit3A_226 = arith.constant 0x7FC00000 : f32
    %broadcast_in_dim3A_227 = vector.broadcast %jit3A_226 : f32 to vector<2560x1xf32>
    %select_n3A_228 = arith.select %gt3A_225, %div3A_223, %broadcast_in_dim3A_227 : vector<2560x1xf32>
    %sub3A_229 = vector.broadcast %div3A_205 : vector<2560x1xf32> to vector<2560x128xf32>
    %sub3A_230 = arith.subf %max3A_197, %sub3A_229 : vector<2560x128xf32>
    %add3A_231 = arith.constant 9.99999974E-6 : f32
    %add3A_232 = vector.broadcast %add3A_231 : f32 to vector<2560x1xf32>
    %add3A_233 = arith.addf %select_n3A_228, %add3A_232 : vector<2560x1xf32>
    %sqrt3A_234 = math.sqrt %add3A_233 : vector<2560x1xf32>
    %div3A_235 = vector.broadcast %sqrt3A_234 : vector<2560x1xf32> to vector<2560x128xf32>
    %div3A_236 = arith.divf %sub3A_230, %div3A_235 : vector<2560x128xf32>
    %mul3A_237 = vector.broadcast %slice3A_198 : vector<1x128xf32> to vector<2560x128xf32>
    %mul3A_238 = arith.mulf %div3A_236, %mul3A_237 : vector<2560x128xf32>
    %add3A_239 = vector.broadcast %slice3A_199 : vector<1x128xf32> to vector<2560x128xf32>
    %add3A_240 = arith.addf %mul3A_238, %add3A_239 : vector<2560x128xf32>
    %swap3A_241 = arith.constant 0 : index
    %swap3A_242 = arith.constant 0 : index
    %swap3A_243 = vector.load %arg8[%swap3A_241, %swap3A_242] : memref<2560x128xf32, #tpu.memory_space<vmem>>, vector<2560x128xf32>
    tpu.vector_store %arg8[%swap3A_241, %swap3A_242], %add3A_240 {strides = array<i32>} : memref<2560x128xf32, #tpu.memory_space<vmem>>, vector<2560x128xf32>,
    return
  }
  func.func @transform_0(%arg0: i32) -> (i32, i32) {
    %c0_i32 = arith.constant 0 : i32
    %c0_i32_0 = arith.constant 0 : i32
    return %arg0, %c0_i32 : i32, i32
  }
  func.func @transform_1(%arg0: i32) -> (i32, i32) {
    %c0_i32 = arith.constant 0 : i32
    %c0_i32_0 = arith.constant 0 : i32
    return %arg0, %c0_i32 : i32, i32
  }
  func.func @transform_2(%arg0: i32) -> (i32, i32) {
    %c0_i32 = arith.constant 0 : i32
    %c0_i32_0 = arith.constant 0 : i32
    return %arg0, %c0_i32 : i32, i32
  }
  func.func @transform_3(%arg0: i32) -> (i32, i32) {
    %c0_i32 = arith.constant 0 : i32
    %c0_i32_0 = arith.constant 0 : i32
    %c0_i32_1 = arith.constant 0 : i32
    return %c0_i32, %c0_i32_0 : i32, i32
  }
  func.func @transform_4(%arg0: i32) -> (i32, i32, i32) {
    %c0_i32 = arith.constant 0 : i32
    %c0_i32_0 = arith.constant 0 : i32
    %c0_i32_1 = arith.constant 0 : i32
    %c0_i32_2 = arith.constant 0 : i32
    return %c0_i32, %c0_i32_0, %c0_i32_1 : i32, i32, i32
  }
  func.func @transform_5(%arg0: i32) -> (i32, i32) {
    %c0_i32 = arith.constant 0 : i32
    %c0_i32_0 = arith.constant 0 : i32
    %c0_i32_1 = arith.constant 0 : i32
    return %c0_i32, %c0_i32_0 : i32, i32
  }
  func.func @transform_6(%arg0: i32) -> (i32, i32) {
    %c0_i32 = arith.constant 0 : i32
    %c0_i32_0 = arith.constant 0 : i32
    return %arg0, %c0_i32 : i32, i32
  }
  func.func @transform_7(%arg0: i32) -> (i32, i32) {
    %c0_i32 = arith.constant 0 : i32
    %c0_i32_0 = arith.constant 0 : i32
    return %arg0, %c0_i32 : i32, i32
  }
}

module attributes {stable_mosaic.version = 14 : i64} {
  func.func @_node_body(%arg0: i32, %arg1: memref<2000x128xf32, #tpu.memory_space<vmem>>, %arg2: memref<2000x128xf32, #tpu.memory_space<vmem>>, %arg3: memref<2000x128xf32, #tpu.memory_space<vmem>>, %arg4: memref<2000x16xf32, #tpu.memory_space<vmem>>, %arg5: memref<2000x16xf32, #tpu.memory_space<vmem>>, %arg6: memref<3x128x128xf32, #tpu.memory_space<vmem>>, %arg7: memref<6x128xf32, #tpu.memory_space<vmem>>, %arg8: memref<2000x128xf32, #tpu.memory_space<vmem>>) attributes {dimension_semantics = [#tpu.dimension_semantics<arbitrary>], iteration_bounds = array<i64: 5>, scalar_prefetch = 0 : i64, scratch_operands = 0 : i64, tpu.core_type = #tpu.core_type<tc>, window_params = [{transform_indices = @transform_0, window_bounds = array<i64: 2000, 128>}, {transform_indices = @transform_1, window_bounds = array<i64: 2000, 128>}, {transform_indices = @transform_2, window_bounds = array<i64: 2000, 128>}, {transform_indices = @transform_3, window_bounds = array<i64: 2000, 16>}, {transform_indices = @transform_4, window_bounds = array<i64: 2000, 16>}, {pipeline_mode = #tpu.pipeline_mode<synchronous>, transform_indices = @transform_5, window_bounds = array<i64: 3, 128, 128>}, {pipeline_mode = #tpu.pipeline_mode<synchronous>, transform_indices = @transform_6, window_bounds = array<i64: 6, 128>}, {transform_indices = @transform_7, window_bounds = array<i64: 2000, 128>}]} {
    %get3A = arith.constant 0 : index
    %get3A_0 = arith.constant 0 : index
    %get3A_1 = vector.load %arg1[%get3A, %get3A_0] : memref<2000x128xf32, #tpu.memory_space<vmem>>, vector<2000x128xf32>
    %get3A_2 = arith.constant 0 : index
    %get3A_3 = arith.constant 0 : index
    %get3A_4 = vector.load %arg2[%get3A_2, %get3A_3] : memref<2000x128xf32, #tpu.memory_space<vmem>>, vector<2000x128xf32>
    %get3A_5 = arith.constant 0 : index
    %get3A_6 = arith.constant 0 : index
    %get3A_7 = vector.load %arg3[%get3A_5, %get3A_6] : memref<2000x128xf32, #tpu.memory_space<vmem>>, vector<2000x128xf32>
    %add3A = arith.addf %get3A_4, %get3A_7 : vector<2000x128xf32>
    %get3A_8 = arith.constant 0 : index
    %get3A_9 = arith.constant 0 : index
    %get3A_10 = vector.load %arg4[%get3A_8, %get3A_9] : memref<2000x16xf32, #tpu.memory_space<vmem>>, vector<2000x16xf32>
    %get3A_11 = arith.constant 0 : index
    %get3A_12 = arith.constant 0 : index
    %get3A_13 = vector.load %arg5[%get3A_11, %get3A_12] : memref<2000x16xf32, #tpu.memory_space<vmem>>, vector<2000x16xf32>
    %add3A_14 = arith.addf %get3A_10, %get3A_13 : vector<2000x16xf32>
    %slice3A = vector.extract_strided_slice %add3A_14 {offsets = [0, 0], sizes = [2000, 1], strides = [1, 1]} : vector<2000x16xf32> to vector<2000x1xf32>
    %max3A = arith.constant 1.000000e+00 : f32
    %max3A_15 = vector.broadcast %max3A : f32 to vector<2000x1xf32>
    %max3A_16 = arith.maximumf %slice3A, %max3A_15 : vector<2000x1xf32>
    %div3A = vector.broadcast %max3A_16 : vector<2000x1xf32> to vector<2000x128xf32>
    %div3A_17 = arith.divf %add3A, %div3A : vector<2000x128xf32>
    %get3A_18 = arith.constant 0 : index
    %get3A_19 = arith.constant 0 : index
    %get3A_20 = vector.load %arg7[%get3A_18, %get3A_19] : memref<6x128xf32, #tpu.memory_space<vmem>>, vector<6x128xf32>
    %get3A_21 = arith.constant 0 : index
    %get3A_22 = arith.constant 0 : index
    %get3A_23 = arith.constant 0 : index
    %get3A_24 = vector.load %arg6[%get3A_21, %get3A_22, %get3A_23] : memref<3x128x128xf32, #tpu.memory_space<vmem>>, vector<1x128x128xf32>
    %get3A_25 = vector.shape_cast %get3A_24 : vector<1x128x128xf32> to vector<128x128xf32>
    %dot_general3A = arith.constant dense<0.000000e+00> : vector<2000x128xf32>
    %dot_general3A_26 = tpu.matmul %get3A_1, %get3A_25, %dot_general3A {dimension_numbers = #tpu.dot_dimension_numbers<[1], [0], [0], [1], [0, 0, 1, 1], [], []>, transpose_lhs_hint = false} : vector<2000x128xf32>, vector<128x128xf32>, vector<2000x128xf32> -> vector<2000x128xf32>
    %get3A_27 = arith.constant 1 : index
    %get3A_28 = arith.constant 0 : index
    %get3A_29 = arith.constant 0 : index
    %get3A_30 = vector.load %arg6[%get3A_27, %get3A_28, %get3A_29] : memref<3x128x128xf32, #tpu.memory_space<vmem>>, vector<1x128x128xf32>
    %get3A_31 = vector.shape_cast %get3A_30 : vector<1x128x128xf32> to vector<128x128xf32>
    %dot_general3A_32 = arith.constant dense<0.000000e+00> : vector<2000x128xf32>
    %dot_general3A_33 = tpu.matmul %div3A_17, %get3A_31, %dot_general3A_32 {dimension_numbers = #tpu.dot_dimension_numbers<[1], [0], [0], [1], [0, 0, 1, 1], [], []>, transpose_lhs_hint = false} : vector<2000x128xf32>, vector<128x128xf32>, vector<2000x128xf32> -> vector<2000x128xf32>
    %add3A_34 = arith.addf %dot_general3A_26, %dot_general3A_33 : vector<2000x128xf32>
    %slice3A_35 = vector.extract_strided_slice %get3A_20 {offsets = [0, 0], sizes = [1, 128], strides = [1, 1]} : vector<6x128xf32> to vector<1x128xf32>
    %add3A_36 = vector.broadcast %slice3A_35 : vector<1x128xf32> to vector<2000x128xf32>
    %add3A_37 = arith.addf %add3A_34, %add3A_36 : vector<2000x128xf32>
    %max3A_38 = arith.constant 0.000000e+00 : f32
    %max3A_39 = vector.broadcast %max3A_38 : f32 to vector<2000x128xf32>
    %max3A_40 = arith.maximumf %add3A_37, %max3A_39 : vector<2000x128xf32>
    %slice3A_41 = vector.extract_strided_slice %get3A_20 {offsets = [1, 0], sizes = [1, 128], strides = [1, 1]} : vector<6x128xf32> to vector<1x128xf32>
    %slice3A_42 = vector.extract_strided_slice %get3A_20 {offsets = [2, 0], sizes = [1, 128], strides = [1, 1]} : vector<6x128xf32> to vector<1x128xf32>
    %reduce_sum3A = arith.constant dense<0.000000e+00> : vector<2000xf32>
    %reduce_sum3A_43 = vector.multi_reduction <add>, %max3A_40, %reduce_sum3A [1] : vector<2000x128xf32> to vector<2000xf32>
    %broadcast_in_dim3A = vector.shape_cast %reduce_sum3A_43 : vector<2000xf32> to vector<2000x1xf32>
    %div3A_44 = arith.constant 1.280000e+02 : f32
    %div3A_45 = vector.broadcast %div3A_44 : f32 to vector<2000x1xf32>
    %div3A_46 = arith.divf %broadcast_in_dim3A, %div3A_45 : vector<2000x1xf32>
    %jit3A = arith.constant 0 : i32
    %reduce_sum3A_47 = arith.constant dense<0.000000e+00> : vector<2000xf32>
    %reduce_sum3A_48 = vector.multi_reduction <add>, %max3A_40, %reduce_sum3A_47 [1] : vector<2000x128xf32> to vector<2000xf32>
    %broadcast_in_dim3A_49 = vector.shape_cast %reduce_sum3A_48 : vector<2000xf32> to vector<2000x1xf32>
    %div3A_50 = arith.constant 1.280000e+02 : f32
    %div3A_51 = vector.broadcast %div3A_50 : f32 to vector<2000x1xf32>
    %div3A_52 = arith.divf %broadcast_in_dim3A_49, %div3A_51 : vector<2000x1xf32>
    %sub3A = vector.broadcast %div3A_52 : vector<2000x1xf32> to vector<2000x128xf32>
    %sub3A_53 = arith.subf %max3A_40, %sub3A : vector<2000x128xf32>
    %square3A = arith.mulf %sub3A_53, %sub3A_53 : vector<2000x128xf32>
    %convert_element_type3A = arith.sitofp %jit3A : i32 to f32
    %sub3A_54 = arith.constant 1.280000e+02 : f32
    %sub3A_55 = arith.subf %sub3A_54, %convert_element_type3A : f32
    %reduce_sum3A_56 = arith.constant dense<0.000000e+00> : vector<2000xf32>
    %reduce_sum3A_57 = vector.multi_reduction <add>, %square3A, %reduce_sum3A_56 [1] : vector<2000x128xf32> to vector<2000xf32>
    %broadcast_in_dim3A_58 = vector.shape_cast %reduce_sum3A_57 : vector<2000xf32> to vector<2000x1xf32>
    %div3A_59 = vector.broadcast %sub3A_55 : f32 to vector<2000x1xf32>
    %div3A_60 = arith.divf %broadcast_in_dim3A_58, %div3A_59 : vector<2000x1xf32>
    %gt3A = arith.constant 0.000000e+00 : f32
    %gt3A_61 = arith.cmpf ogt, %sub3A_55, %gt3A : f32
    %jit3A_62 = arith.constant 0x7FC00000 : f32
    %broadcast_in_dim3A_63 = vector.broadcast %jit3A_62 : f32 to vector<2000x1xf32>
    %select_n3A = arith.select %gt3A_61, %div3A_60, %broadcast_in_dim3A_63 : vector<2000x1xf32>
    %sub3A_64 = vector.broadcast %div3A_46 : vector<2000x1xf32> to vector<2000x128xf32>
    %sub3A_65 = arith.subf %max3A_40, %sub3A_64 : vector<2000x128xf32>
    %add3A_66 = arith.constant 9.99999974E-6 : f32
    %add3A_67 = vector.broadcast %add3A_66 : f32 to vector<2000x1xf32>
    %add3A_68 = arith.addf %select_n3A, %add3A_67 : vector<2000x1xf32>
    %sqrt3A = math.sqrt %add3A_68 : vector<2000x1xf32>
    %div3A_69 = vector.broadcast %sqrt3A : vector<2000x1xf32> to vector<2000x128xf32>
    %div3A_70 = arith.divf %sub3A_65, %div3A_69 : vector<2000x128xf32>
    %mul3A = vector.broadcast %slice3A_41 : vector<1x128xf32> to vector<2000x128xf32>
    %mul3A_71 = arith.mulf %div3A_70, %mul3A : vector<2000x128xf32>
    %add3A_72 = vector.broadcast %slice3A_42 : vector<1x128xf32> to vector<2000x128xf32>
    %add3A_73 = arith.addf %mul3A_71, %add3A_72 : vector<2000x128xf32>
    %get3A_74 = arith.constant 2 : index
    %get3A_75 = arith.constant 0 : index
    %get3A_76 = arith.constant 0 : index
    %get3A_77 = vector.load %arg6[%get3A_74, %get3A_75, %get3A_76] : memref<3x128x128xf32, #tpu.memory_space<vmem>>, vector<1x128x128xf32>
    %get3A_78 = vector.shape_cast %get3A_77 : vector<1x128x128xf32> to vector<128x128xf32>
    %dot_general3A_79 = arith.constant dense<0.000000e+00> : vector<2000x128xf32>
    %dot_general3A_80 = tpu.matmul %add3A_73, %get3A_78, %dot_general3A_79 {dimension_numbers = #tpu.dot_dimension_numbers<[1], [0], [0], [1], [0, 0, 1, 1], [], []>, transpose_lhs_hint = false} : vector<2000x128xf32>, vector<128x128xf32>, vector<2000x128xf32> -> vector<2000x128xf32>
    %slice3A_81 = vector.extract_strided_slice %get3A_20 {offsets = [3, 0], sizes = [1, 128], strides = [1, 1]} : vector<6x128xf32> to vector<1x128xf32>
    %add3A_82 = vector.broadcast %slice3A_81 : vector<1x128xf32> to vector<2000x128xf32>
    %add3A_83 = arith.addf %dot_general3A_80, %add3A_82 : vector<2000x128xf32>
    %slice3A_84 = vector.extract_strided_slice %get3A_20 {offsets = [4, 0], sizes = [1, 128], strides = [1, 1]} : vector<6x128xf32> to vector<1x128xf32>
    %slice3A_85 = vector.extract_strided_slice %get3A_20 {offsets = [5, 0], sizes = [1, 128], strides = [1, 1]} : vector<6x128xf32> to vector<1x128xf32>
    %reduce_sum3A_86 = arith.constant dense<0.000000e+00> : vector<2000xf32>
    %reduce_sum3A_87 = vector.multi_reduction <add>, %add3A_83, %reduce_sum3A_86 [1] : vector<2000x128xf32> to vector<2000xf32>
    %broadcast_in_dim3A_88 = vector.shape_cast %reduce_sum3A_87 : vector<2000xf32> to vector<2000x1xf32>
    %div3A_89 = arith.constant 1.280000e+02 : f32
    %div3A_90 = vector.broadcast %div3A_89 : f32 to vector<2000x1xf32>
    %div3A_91 = arith.divf %broadcast_in_dim3A_88, %div3A_90 : vector<2000x1xf32>
    %jit3A_92 = arith.constant 0 : i32
    %reduce_sum3A_93 = arith.constant dense<0.000000e+00> : vector<2000xf32>
    %reduce_sum3A_94 = vector.multi_reduction <add>, %add3A_83, %reduce_sum3A_93 [1] : vector<2000x128xf32> to vector<2000xf32>
    %broadcast_in_dim3A_95 = vector.shape_cast %reduce_sum3A_94 : vector<2000xf32> to vector<2000x1xf32>
    %div3A_96 = arith.constant 1.280000e+02 : f32
    %div3A_97 = vector.broadcast %div3A_96 : f32 to vector<2000x1xf32>
    %div3A_98 = arith.divf %broadcast_in_dim3A_95, %div3A_97 : vector<2000x1xf32>
    %sub3A_99 = vector.broadcast %div3A_98 : vector<2000x1xf32> to vector<2000x128xf32>
    %sub3A_100 = arith.subf %add3A_83, %sub3A_99 : vector<2000x128xf32>
    %square3A_101 = arith.mulf %sub3A_100, %sub3A_100 : vector<2000x128xf32>
    %convert_element_type3A_102 = arith.sitofp %jit3A_92 : i32 to f32
    %sub3A_103 = arith.constant 1.280000e+02 : f32
    %sub3A_104 = arith.subf %sub3A_103, %convert_element_type3A_102 : f32
    %reduce_sum3A_105 = arith.constant dense<0.000000e+00> : vector<2000xf32>
    %reduce_sum3A_106 = vector.multi_reduction <add>, %square3A_101, %reduce_sum3A_105 [1] : vector<2000x128xf32> to vector<2000xf32>
    %broadcast_in_dim3A_107 = vector.shape_cast %reduce_sum3A_106 : vector<2000xf32> to vector<2000x1xf32>
    %div3A_108 = vector.broadcast %sub3A_104 : f32 to vector<2000x1xf32>
    %div3A_109 = arith.divf %broadcast_in_dim3A_107, %div3A_108 : vector<2000x1xf32>
    %gt3A_110 = arith.constant 0.000000e+00 : f32
    %gt3A_111 = arith.cmpf ogt, %sub3A_104, %gt3A_110 : f32
    %jit3A_112 = arith.constant 0x7FC00000 : f32
    %broadcast_in_dim3A_113 = vector.broadcast %jit3A_112 : f32 to vector<2000x1xf32>
    %select_n3A_114 = arith.select %gt3A_111, %div3A_109, %broadcast_in_dim3A_113 : vector<2000x1xf32>
    %sub3A_115 = vector.broadcast %div3A_91 : vector<2000x1xf32> to vector<2000x128xf32>
    %sub3A_116 = arith.subf %add3A_83, %sub3A_115 : vector<2000x128xf32>
    %add3A_117 = arith.constant 9.99999974E-6 : f32
    %add3A_118 = vector.broadcast %add3A_117 : f32 to vector<2000x1xf32>
    %add3A_119 = arith.addf %select_n3A_114, %add3A_118 : vector<2000x1xf32>
    %sqrt3A_120 = math.sqrt %add3A_119 : vector<2000x1xf32>
    %div3A_121 = vector.broadcast %sqrt3A_120 : vector<2000x1xf32> to vector<2000x128xf32>
    %div3A_122 = arith.divf %sub3A_116, %div3A_121 : vector<2000x128xf32>
    %mul3A_123 = vector.broadcast %slice3A_84 : vector<1x128xf32> to vector<2000x128xf32>
    %mul3A_124 = arith.mulf %div3A_122, %mul3A_123 : vector<2000x128xf32>
    %add3A_125 = vector.broadcast %slice3A_85 : vector<1x128xf32> to vector<2000x128xf32>
    %add3A_126 = arith.addf %mul3A_124, %add3A_125 : vector<2000x128xf32>
    %add3A_127 = arith.addf %add3A_126, %get3A_1 : vector<2000x128xf32>
    %swap3A = arith.constant 0 : index
    %swap3A_128 = arith.constant 0 : index
    %swap3A_129 = vector.load %arg8[%swap3A, %swap3A_128] : memref<2000x128xf32, #tpu.memory_space<vmem>>, vector<2000x128xf32>
    tpu.vector_store %arg8[%swap3A, %swap3A_128], %add3A_127 {strides = array<i32>} : memref<2000x128xf32, #tpu.memory_space<vmem>>, vector<2000x128xf32>,
    return
  }
  func.func @transform_0(%arg0: i32) -> (i32, i32) {
    %c0_i32 = arith.constant 0 : i32
    %c0_i32_0 = arith.constant 0 : i32
    return %arg0, %c0_i32 : i32, i32
  }
  func.func @transform_1(%arg0: i32) -> (i32, i32) {
    %c0_i32 = arith.constant 0 : i32
    %c0_i32_0 = arith.constant 0 : i32
    return %arg0, %c0_i32 : i32, i32
  }
  func.func @transform_2(%arg0: i32) -> (i32, i32) {
    %c0_i32 = arith.constant 0 : i32
    %c0_i32_0 = arith.constant 0 : i32
    return %arg0, %c0_i32 : i32, i32
  }
  func.func @transform_3(%arg0: i32) -> (i32, i32) {
    %c0_i32 = arith.constant 0 : i32
    %c0_i32_0 = arith.constant 0 : i32
    return %arg0, %c0_i32 : i32, i32
  }
  func.func @transform_4(%arg0: i32) -> (i32, i32) {
    %c0_i32 = arith.constant 0 : i32
    %c0_i32_0 = arith.constant 0 : i32
    return %arg0, %c0_i32 : i32, i32
  }
  func.func @transform_5(%arg0: i32) -> (i32, i32, i32) {
    %c0_i32 = arith.constant 0 : i32
    %c0_i32_0 = arith.constant 0 : i32
    %c0_i32_1 = arith.constant 0 : i32
    %c0_i32_2 = arith.constant 0 : i32
    return %c0_i32, %c0_i32_0, %c0_i32_1 : i32, i32, i32
  }
  func.func @transform_6(%arg0: i32) -> (i32, i32) {
    %c0_i32 = arith.constant 0 : i32
    %c0_i32_0 = arith.constant 0 : i32
    %c0_i32_1 = arith.constant 0 : i32
    return %c0_i32, %c0_i32_0 : i32, i32
  }
  func.func @transform_7(%arg0: i32) -> (i32, i32) {
    %c0_i32 = arith.constant 0 : i32
    %c0_i32_0 = arith.constant 0 : i32
    return %arg0, %c0_i32 : i32, i32
  }
}

</mosaic_0001>

<sc_bundles>
// kernel: kernel.11.cloned.1.call-start
scs
__scs_entry_jumppad:
0x0: {  	(pc) =	sbr.rel $0x88, $3  }
0x1: {  	(tag) =	ssettag $0x0;
	lr =	simm.s32 $0x1  }
0x2: {  	[smem:$0x3F6E] =	sst lr;
	_ =	strace $0xD0000000  }
0x3: {  	_ = 	snop  }
0x4: {  	_ = 	snop  }
0x5: {  	_ = 	snop  }
0x6: {  	_ = 	snop  }
0x7: {  	_ = 	snop  }
__scs_overlays_trampoline_lowered:
0x8: {  	[smem:$0x3F7D] =	sst s0  }
0x9: {  	[smem:$0x3F7E] =	sst s1  }
0xa: {  	[smem:$0x3F7F] =	sst s2  }
0xb: {  	[smem:$0x3F80] =	sst s3  }
0xc: {  	[smem:$0x3F81] =	sst s4  }
0xd: {  	[smem:$0x3F82] =	sst s5  }
0xe: {  	[smem:$0x3F83] =	sst s6  }
0xf: {  	[smem:$0x3F84] =	sst s7  }
0x10: {  	[smem:$0x3F85] =	sst s8  }
0x11: {  	[smem:$0x3F86] =	sst s9;
	s0 =	simm.s32 @!p0 $0x0  }
0x12: {  	s1 =	sld [smem:$0x3F6C];
	s0 =	simm.s32 @p0 $0x1  }
0x13: {  	[smem:$0x3F87] =	sst s0;
	s0 =	simm.s32 @!p1 $0x0  }
0x14: {  	s2 =	sld [smem:$0x3F6B];
	s0 =	simm.s32 @p1 $0x1  }
0x15: {  	[smem:$0x3F88] =	sst s0;
	s0 =	simm.s32 @!p2 $0x0  }
0x16: {  	s3 =	sld [smem:$0x3FDB];
	s0 =	simm.s32 @p2 $0x1  }
0x17: {  	s4 =	simm.s32 $0x1BF5;
	[smem:$0x3F8A] =	sst s0  }
0x18: {  	s0 =	sld [smem:$0x3F6D];
	_ =	swait.ge [sflag:s4], $0x0  }
0x19: {  	s7 =	sld [smem:$0x3F6E]  }
0x1a: {  	s8 =	sadd.s32 $0xFFFFE003, lr  }
0x1b: {  	s9 =	sadd.s32 $0xFFFFFEF7, lr;
	s5 =	simm.s32 $0xFFFFFFFF;
	p2 =	slt.u32 s8, $0xFFFFF086  }
0x1c: {  	p1 =	slt.u32 s9, $0xF7A;
	s5 =	simm.s32 @!p2 $0x0  }
0x1d: {  	s5 =	simm.s32 @p1 $0x1;
	p0 =	seq.s32 s7, s2  }
0x1e: {  	s7 =	smul.u32 @!p0 $0xF7A, s2;
	p2 =	seq.s32 @!p0 s5, $0x0  }
0x1f: {  	s9 =	smul.u32 $0xF7A, s1;
	s8 =	simm.s32 @!p0 $0x1BF5;
	p2 =	por !p2, p0  }
0x20: {  	[sflag:s8] =	ssyncset.s32 @!p0 $0xFFFFF086;
	s6 =	sadd.s32 @!p0 s3, s7;
	s7 =	simm.s32 @!p0 $0x108  }
0x21: {  	s3 =	sadd.s32 s3, s9;
	s6 =	sadd.s32 @!p0 $0x88, s6;
	s7 =	simm.s32 @p2 $0x1082  }
0x22: {  	[simem:s7], [sflag:s8] =	dma.local @!p0 [hbm:s6], $0xF7A  }
0x23: {  	s9 =	sor.u32 $0xD0000000, s2;
	s6 =	simm.s32 $0x108;
	_ =	swait.ge @!p0 [sflag:s8], $0x0  }
0x24: {  	s3 =	sadd.s32 $0x88, s3;
	s6 =	simm.s32 @!p1 $0x1082;
	[sflag:s4] =	ssyncset.s32 $0xFFFFF086  }
0x25: {  	[simem:s6], [sflag:s4] =	dma.local [hbm:s3], $0xF7A  }
0x26: {  	[smem:$0x3F6E] =	sst s1;
	(tag) =	ssettag s2;
	_ =	strace s9  }
0x27: {  	s1 =	sld [smem:$0x3F7E]  }
0x28: {  	s2 =	sld [smem:$0x3F7F]  }
0x29: {  	s4 =	sld [smem:$0x3F81]  }
0x2a: {  	p0 =	seq.s32 s5, $0x0;
	s5 =	sld [smem:$0x3F82]  }
0x2b: {  	s6 =	sld [smem:$0x3F83]  }
0x2c: {  	s7 =	sld [smem:$0x3F84]  }
0x2d: {  	s3 =	simm.s32 $0x108;
	s8 =	sld [smem:$0x3F85]  }
0x2e: {  	s3 =	simm.s32 @!p0 $0x1082;
	s9 =	sld [smem:$0x3F86]  }
0x2f: {  	lr =	sadd.s32 s0, s3;
	s0 =	sld [smem:$0x3F7D]  }
0x30: {  	s3 =	sld [smem:$0x3F80]  }
0x31: {  	[smem:$0x3F89] =	sst s10  }
0x32: {  	s10 =	sld [smem:$0x3F87];
	_ =	sdelay $0x3  }
0x33: {  	p0 =	seq.s32 s10, $0x1;
	s10 =	sld [smem:$0x3F89];
	_ =	sdelay $0x3  }
0x34: {  	[smem:$0x3F89] =	sst s10  }
0x35: {  	s10 =	sld [smem:$0x3F88];
	_ =	sdelay $0x3  }
0x36: {  	p1 =	seq.s32 s10, $0x1;
	s10 =	sld [smem:$0x3F89];
	_ =	sdelay $0x3  }
0x37: {  	[smem:$0x3F89] =	sst s10  }
0x38: {  	s10 =	sld [smem:$0x3F8A]  }
0x39: {  	_ = 	snop;
	(pc) =	sbr.ind lr, $3  }
0x3a: {  	_ = 	snop  }
0x3b: {  	_ = 	snop  }
0x3c: {  	p2 =	seq.s32 s10, $0x1;
	s10 =	sld [smem:$0x3F89]  }
0x3d: {  	_ =	shalt  }
0x3e: {  	_ =	shalt  }
0x3f: {  	_ =	shalt  }
0x40: {  	_ =	shalt  }
0x41: {  	_ =	shalt  }
0x42: {  	_ =	shalt  }
0x43: {  	_ =	shalt  }
0x44: {  	_ =	shalt  }
0x45: {  	_ =	shalt  }
0x46: {  	_ =	shalt  }
0x47: {  	_ =	shalt  }
0x48: {  	_ =	shalt  }
0x49: {  	_ =	shalt  }
0x4a: {  	_ =	shalt  }
0x4b: {  	_ =	shalt  }
0x4c: {  	_ =	shalt  }
0x4d: {  	_ =	shalt  }
0x4e: {  	_ =	shalt  }
0x4f: {  	_ =	shalt  }
0x50: {  	_ =	shalt  }
0x51: {  	_ =	shalt  }
0x52: {  	_ =	shalt  }
0x53: {  	_ =	shalt  }
0x54: {  	_ =	shalt  }
0x55: {  	_ =	shalt  }
0x56: {  	_ =	shalt  }
0x57: {  	_ =	shalt  }
0x58: {  	_ =	shalt  }
0x59: {  	_ =	shalt  }
0x5a: {  	_ =	shalt  }
0x5b: {  	_ =	shalt  }
0x5c: {  	_ =	shalt  }
0x5d: {  	_ =	shalt  }
0x5e: {  	_ =	shalt  }
0x5f: {  	_ =	shalt  }
0x60: {  	_ =	shalt  }
0x61: {  	_ =	shalt  }
0x62: {  	_ =	shalt  }
0x63: {  	_ =	shalt  }
0x64: {  	_ =	shalt  }
0x65: {  	_ =	shalt  }
0x66: {  	_ =	shalt  }
0x67: {  	_ =	shalt  }
0x68: {  	_ =	shalt  }
0x69: {  	_ =	shalt  }
0x6a: {  	_ =	shalt  }
0x6b: {  	_ =	shalt  }
0x6c: {  	_ =	shalt  }
0x6d: {  	_ =	shalt  }
0x6e: {  	_ =	shalt  }
0x6f: {  	_ =	shalt  }
0x70: {  	_ =	shalt  }
0x71: {  	_ =	shalt  }
0x72: {  	_ =	shalt  }
0x73: {  	_ =	shalt  }
0x74: {  	_ =	shalt  }
0x75: {  	_ =	shalt  }
0x76: {  	_ =	shalt  }
0x77: {  	_ =	shalt  }
0x78: {  	_ =	shalt  }
0x79: {  	_ =	shalt  }
0x7a: {  	_ =	shalt  }
0x7b: {  	_ =	shalt  }
0x7c: {  	_ =	shalt  }
0x7d: {  	_ =	shalt  }
0x7e: {  	_ =	shalt  }
0x7f: {  	_ =	shalt  }
0x80: {  	_ =	shalt  }
0x81: {  	_ =	shalt  }
0x82: {  	_ =	shalt  }
0x83: {  	_ =	shalt  }
0x84: {  	_ =	shalt  }
0x85: {  	_ =	shalt  }
0x86: {  	_ =	shalt  }
0x87: {  	_ =	shalt  }
.Lfunc_end0:
.L_simem_size_0:
called_computation_lowered:
.L_overlay_start_0:
0x88: {  	s2 =	sld [smem:$0x3FD9]  }
0x89: {  	s3 =	sld [smem:$0x3FFE];
	_ =	sdelay $0x1  }
0x8a: {  	s1 =	srdreg.scid  }
0x8b: {  	s0 =	sand.u32 $0x1, s1  }
0x8c: {  	s17 =	sshll.u32 s0, $0xA;
	s2 =	sadd.s32 s3, s2  }
0x8d: {  	s2 =	sadd.s32 s2, s17  }
0x8e: {  	[smem:$0x3F95] =	sst s2  }
0x8f: {  	_ = 	snop  }
0x90: {  	(tm) =	ssettm $0x1  }
0x91: {  	s18 =	sld [smem:$0x3FFB];
	_ =	sdelay $0x3  }
0x92: {  	_ =	strace s18  }
0x93: {  	s2 =	sld [smem:$0x3FFC];
	_ =	sdelay $0x3  }
0x94: {  	_ =	strace s2  }
0x95: {  	s2 =	sld [smem:$0x3FFD];
	_ =	sdelay $0x3  }
0x96: {  	_ =	strace s2  }
0x97: {  	_ =	strace $0x8FFFFFFF  }
0x98: {  	s19 =	sld [smem:$0x3FDB];
	_ =	sdelay $0x1  }
0x99: {  	s20 =	simm.s32 $_scs_section_size  }
0x9a: {  	s4 =	simm.s32 $_size__tile_overlayer_lowered;
	s5 =	simm.s32 $_tile_overlayer_lowered  }
0x9b: {  	s6 =	simm.s32 $0x1BFF;
	s21 =	sshll.u32 s5, $0x1;
	s3 =	sadd.s32 s20, s19  }
0x9c: {  	s22 =	simm.s32 $0x0;
	s4 =	sshll.u32 s4, $0x1;
	s5 =	sadd.s32 s21, s3  }
0x9d: {  	[timem:s22], [sflag:s6] =	dma.local [hbm:s5], s4  }
0x9e: {  	_ =	swait.ge [sflag:s6], s4  }
0x9f: {  	s4 =	ssub.s32 $0x0, s4;
	[sflag:s6] =	ssyncset.done $0x0  }
0xa0: {  	[sflag:s6] =	ssyncadd.s32 s4;
	_ =	sdelay $0x1  }
0xa1: {  	s23 =	simm.s32 $0x1B8B  }
0xa2: {  	_ =	swait.ge [sflag:s23], $0x1  }
0xa3: {  	[sflag:s23] =	ssyncset.done $0x0  }
0xa4: {  	[sflag:s23] =	ssyncadd.s32 $0xFFFFFFFF  }
0xa5: {  	s4 =	sld [smem:$0x0]  }
0xa6: {  	s5 =	sand.u32 $0xFFFFFFFE, s1  }
0xa7: {  	p0 =	sne.s32 s1, s5  }
0xa8: {  	s5 =	sshll.u32 @p0 s5, $0xE  }
0xa9: {  	s5 =	sadd.s32 @p0 $0x11B8D, s5;
	s6 =	sshll.u32 @p0 s4, $0x11  }
0xaa: {  	s5 =	sor.u32 @p0 s6, s5  }
0xab: {  	[sflag:s5] =	ssyncadd.remote.s32 @p0 $0x1;
	_ =	sdelay $0x1  }
0xac: {  	s5 =	simm.s32 @p0 $0x1B8D  }
0xad: {  	_ =	swait.eq @p0 [sflag:s5], $0x1  }
0xae: {  	[sflag:s5] =	ssyncadd.s32 @p0 $0xFFFFFFFF  }
0xaf: {  	s6 =	sshll.u32 @!p0 s1, $0xE  }
0xb0: {  	s6 =	sor.u32 @!p0 $0x4000, s6;
	s5 =	simm.s32 @!p0 $0x1B8D  }
0xb1: {  	s4 =	sshll.u32 @!p0 s4, $0x11;
	s6 =	sadd.s32 @!p0 $0x11B8D, s6;
	_ =	swait.eq @!p0 [sflag:s5], $0x1  }
0xb2: {  	s4 =	sor.u32 @!p0 s4, s6;
	[sflag:s5] =	ssyncadd.s32 @!p0 $0xFFFFFFFF  }
0xb3: {  	s25 =	simm.s32 $0x1B8E;
	s24 =	sld [smem:$0x3FFE];
	[sflag:s4] =	ssyncadd.remote.s32 @!p0 $0x1  }
0xb4: {  	s26 =	simm.s32 $execute0_lowered;
	[smem:$0x3FD2] =	sst s25  }
0xb5: {  	s5 =	sshll.u32 s26, $0x1;
	_ =	strace $0x80000049;
	[dreg:$0x1] =	wrdreg $0xFFFFFFFF  }
0xb6: {  	s28 =	simm.s32 $_size_execute0_lowered;
	s3 =	sadd.s32 s3, s5;
	[dreg:$0x0] =	wrdreg $0x0  }
0xb7: {  	s5 =	sshll.u32 s28, $0x1;
	[dreg:$0x2] =	wrdreg s3  }
0xb8: {  	[dreg:$0x3] =	wrdreg s5  }
0xb9: {  	[dreg:$0x4] =	wrdreg $0xC0  }
0xba: {  	_ =	task [dreg:s22], $0x5FFFF  }
0xbb: {  	[dreg:$0x1] =	wrdreg $0xFFFFFFFF  }
0xbc: {  	[dreg:$0x0] =	wrdreg $0x60  }
0xbd: {  	[dreg:$0x2] =	wrdreg s24  }
0xbe: {  	[dreg:$0x3] =	wrdreg $0x38000  }
0xbf: {  	[dreg:$0x4] =	wrdreg $0x9  }
0xc0: {  	_ =	task.clear_ibuf [dreg:s22], $0x5FFFF;
	_ =	strace $0x90000049  }
0xc1: {  	s29 =	simm.s32 $0x9;
	_ =	strace $0x8000004B  }
0xc2: {  	_ =	swait.ge [sflag:s29], $0x1  }
0xc3: {  	[sflag:s29] =	ssyncadd.s32 $0xFFFFFFFF  }
0xc4: {  	_ =	strace $0x9000004B  }
0xc5: {  	_ =	sfence  }
0xc6: {  	s30 =	sld [smem:$0x0];
	_ =	sdelay $0x2  }
0xc7: {  	s31 =	sshll.u32 s1, $0xD;
	s1 =	sshrl.u32 s1, $0x2  }
0xc8: {  	s4 =	sand.u32 $0x4000, s31;
	s1 =	sadd.s32 s1, s30  }
0xc9: {  	s0 =	sor.u32 s4, s0;
	s1 =	sshll.u32 s1, $0x11  }
0xca: {  	s0 =	sor.u32 s1, s0  }
0xcb: {  	s0 =	sadd.s32 $0x8F2B, s0  }
0xcc: {  	[sflag:s0] =	ssyncadd.remote.s32 $0x1  }
0xcd: {  	_ =	sfence.sel $0xFFFF  }
0xce: {  	[dreg:$0x0] =	wrdreg $0xFFFFFFFF;
	(pc) =	sbr.abs _section_cstart, $3  }
0xcf: {  	[dreg:$0x1] =	wrdreg $0xFFFFFFFF  }
0xd0: {  	_ =	task.clear_ibuf [dreg:s22], $0x2FFFF;
	_ =	strace $0x9FFFFFFF  }
0xd1: {  	(tm) =	ssettm $0x7FFFFFFF  }
tec
execute0_lowered:
.L_overlay_start_1:
0x0: {  	(tag) =	ssettag $0x1  }
0x1: {  	s1 =	srdreg.scid  }
0x2: {  	s0 =	stileid.u32;
	s10 =	rddreg [dreg:$0x0]  }
0x3: {  	s2 =	rddreg [dreg:$0x1];
	s3 =	simm.s32 $0x0;
	s19 =	simm.s32 $0x2800  }
0x4: {  	s20 =	simm.s32 $0x1;
	s11 =	sand.u32 $0x1, s1;
	s1 =	rddreg [dreg:$0x2]  }
0x5: {  	s21 =	simm.s32 $0x0;
	s30 =	sshll.u32 s0, $0x1;
	[smem:$0x7FF] =	sst s3  }
0x6: {  	s12 =	smul.u32 $0x2800, s0;
	s4 =	sor.u32 s11, s30;
	s5 =	ssub.s32 $0x2, s11  }
0x7: {  	_ =	strace $0x8000004A;
	p0 =	seq.s32 s11, $0x0;
	s4 =	smul.u32 $0x500, s4  }
0x8: {  	s6 =	sshrl.u32 s5, $0x1;
	s14 =	sadd.s32 $0x800, s12;
	s15 =	sadd.s32 $0x1000, s12  }
0x9: {  	s16 =	sadd.s32 $0x1800, s12;
	s17 =	sadd.s32 $0x2000, s12;
	s31 =	sshrl.u32 s12, $0x3  }
0xa: {  	s13 =	ssub.s32 s5, s6;
	s5 =	sadd.s32 s12, s2;
	s6 =	sadd.s32 s14, s2  }
0xb: {  	s7 =	sadd.s32 s15, s2;
	s8 =	sadd.s32 s16, s2;
	s9 =	sadd.s32 s17, s2  }
0xc: {  	s12 =	simm.s32 $0x521800;
	s14 =	sshrl.u32 s14, $0x3;
	s15 =	sshrl.u32 s15, $0x3  }
0xd: {  	s16 =	sshrl.u32 s16, $0x3;
	s4 =	sadd.s32 s4, s10;
	s12 =	simm.s32 @!p0 $0x51C800  }
0xe: {  	s17 =	sshrl.u32 s17, $0x3;
	s4 =	sadd.s32 $0x8800, s4;
	s18 =	sadd.s32 s12, s10  }
0xf: {  	s10 =	smax.u32 s13, $0x1;
	s11 =	sadd.s32 s18, s31;
	s12 =	sadd.s32 s18, s14  }
0x10: {  	s13 =	sadd.s32 s18, s15;
	s14 =	sadd.s32 s18, s16;
	s15 =	sadd.s32 s18, s17  }
0x11: {  	v0 =	vimm.f32 $0.0e+00;
	v1 =	vimm.f32 $1.000000000e+00;
	s16 =	simm.s32 $0x2;
	s17 =	simm.s32 $0x3000;
	s18 =	simm.s32 $0x80  }
.LBB2_1:
0x12: {  	[tilespmem:s3], [sflag:$0x2] =	stream.linear.gather [hbm4b:s4+s3], $0x2800, $0x38;
	[tilespmem:$0x6000] =	vst v63  }
0x13: {  	_ =	swait.ge [sflag:s16], $0x2800  }
0x14: {  	[sflag:s16] =	ssyncset.done $0x0  }
0x15: {  	s22 =	simm.s32 $0x40;
	s23 =	simm.s32 $0x0;
	[sflag:s16] =	ssyncadd.s32 $0xFFFFD800  }
.LBB2_2:
0x16: {  	p0 =	sne.s32 s22, $0x1FC0;
	[tilespmem:s23+$0x3000] =	vst v0;
	s24 =	smov.u32 s22;
	s22 =	sadd.s32 $0x40, s22  }
.Ltmp0:
0x17: {  	[tilespmem:s23+$0x2800] =	vst v1;
	(pc) =	sbr.rel @p0 .LBB2_2-.Ltmp0, $2  }
0x18: {  	_ =	sdelay $0x2  }
0x19: {  	s23 =	sshra.s32 s24, $0x2  }
0x1a: {  	[tilespmem:s23+$0x3000] =	vst v0  }
0x1b: {  	[tilespmem:s23+$0x2800] =	vst v1  }
0x1c: {  	[spmem:s5] =	stream.linear.scatter [tilespmem:s17], [sflag:$0x2], $0x800, $0x38;
	[tilespmem:$0x6000] =	vst v63  }
0x1d: {  	_ =	swait.ge [sflag:s16], $0x800  }
0x1e: {  	[sflag:s16] =	ssyncset.done $0x0  }
0x1f: {  	[sflag:s16] =	ssyncadd.s32 $0xFFFFF800  }
0x20: {  	[spmem:s6] =	stream.linear.scatter [tilespmem:s17], [sflag:$0x2], $0x800, $0x38;
	[tilespmem:$0x6000] =	vst v63  }
0x21: {  	_ =	swait.ge [sflag:s16], $0x800  }
0x22: {  	[sflag:s16] =	ssyncset.done $0x0  }
0x23: {  	[sflag:s16] =	ssyncadd.s32 $0xFFFFF800  }
0x24: {  	[spmem:s7] =	stream.linear.scatter [tilespmem:s17], [sflag:$0x2], $0x800, $0x38;
	[tilespmem:$0x6000] =	vst v63  }
0x25: {  	_ =	swait.ge [sflag:s16], $0x800  }
0x26: {  	[sflag:s16] =	ssyncset.done $0x0  }
0x27: {  	[sflag:s16] =	ssyncadd.s32 $0xFFFFF800  }
0x28: {  	[spmem:s8] =	stream.linear.scatter [tilespmem:s17], [sflag:$0x2], $0x800, $0x38;
	[tilespmem:$0x6000] =	vst v63  }
0x29: {  	_ =	swait.ge [sflag:s16], $0x800  }
0x2a: {  	[sflag:s16] =	ssyncset.done $0x0  }
0x2b: {  	[sflag:s16] =	ssyncadd.s32 $0xFFFFF800  }
0x2c: {  	[spmem:s9] =	stream.linear.scatter [tilespmem:s17], [sflag:$0x2], $0x800, $0x38;
	[tilespmem:$0x6000] =	vst v63  }
0x2d: {  	_ =	swait.ge [sflag:s16], $0x800  }
0x2e: {  	[sflag:s16] =	ssyncset.done $0x0  }
0x2f: {  	[sflag:s16] =	ssyncadd.s32 $0xFFFFF800  }
0x30: {  	s22 =	simm.s32 $0x0;
	[bflag:$0x0] =	sbarrier.arrive $0xFFFF  }
0x31: {  	[spmem:s2] =	stream.indirect.scatter.add.f32 [tilespmem:s19], [sflag:$0x1], $0x10, s22, s18, $0xb8;
	[tilespmem:$0x6000] =	vst v63  }
0x32: {  	s31 =	simm.s32 $0x80  }
0x33: {  	[spmem:s2] =	stream.indirect.scatter.add.f32 [tilespmem:s19], [sflag:$0x1], $0x10, s31, s18, $0xb8;
	[tilespmem:$0x6000] =	vst v63  }
0x34: {  	_ =	swait.ge [sflag:s20], $0x800  }
0x35: {  	[sflag:s20] =	ssyncset.done $0x0  }
0x36: {  	[sflag:s20] =	ssyncadd.s32 $0xFFFFF800  }
0x37: {  	_ =	swait.ge [sflag:s20], $0x800  }
0x38: {  	s23 =	simm.s32 $0x800;
	s22 =	simm.s32 $0x400;
	[sflag:s20] =	ssyncset.done $0x0  }
.LBB2_4:
0x39: {  	s24 =	sshra.s32 s22, $0x2  }
0x3a: {  	[sflag:s20] =	ssyncadd.s32 $0xFFFFF800;
	s22 =	smov.u32 s23;
	s25 =	sadd.s32 $0x400, s23  }
0x3b: {  	[spmem:s2] =	stream.indirect.scatter.add.f32 [tilespmem:s19], [sflag:$0x1], $0x10, s24, s18, $0xb8;
	[tilespmem:$0x6000] =	vst v63  }
0x3c: {  	p0 =	sne.s32 s23, $0x9C00;
	s23 =	sadd.s32 $0x80, s24  }
0x3d: {  	[spmem:s2] =	stream.indirect.scatter.add.f32 [tilespmem:s19], [sflag:$0x1], $0x10, s23, s18, $0xb8;
	[tilespmem:$0x6000] =	vst v63  }
.Ltmp1:
0x3e: {  	_ =	swait.ge [sflag:s20], $0x800;
	(pc) =	sbr.rel @p0 .LBB2_4-.Ltmp1, $4  }
0x3f: {  	[sflag:s20] =	ssyncset.done $0x0  }
0x40: {  	[sflag:s20] =	ssyncadd.s32 $0xFFFFF800  }
0x41: {  	_ =	swait.ge [sflag:s20], $0x800  }
0x42: {  	s23 =	smov.u32 s25;
	[sflag:s20] =	ssyncset.done $0x0  }
0x43: {  	s22 =	sshra.s32 s22, $0x2;
	[sflag:s20] =	ssyncadd.s32 $0xFFFFF800  }
0x44: {  	[spmem:s2] =	stream.indirect.scatter.add.f32 [tilespmem:s19], [sflag:$0x1], $0x10, s22, s18, $0xb8;
	[tilespmem:$0x6000] =	vst v63  }
0x45: {  	s22 =	sadd.s32 $0x80, s22  }
0x46: {  	[spmem:s2] =	stream.indirect.scatter.add.f32 [tilespmem:s19], [sflag:$0x1], $0x10, s22, s18, $0xb8;
	[tilespmem:$0x6000] =	vst v63  }
0x47: {  	_ =	swait.ge [sflag:s20], $0x800  }
0x48: {  	[sflag:s20] =	ssyncset.done $0x0  }
0x49: {  	[sflag:s20] =	ssyncadd.s32 $0xFFFFF800  }
0x4a: {  	_ =	swait.ge [sflag:s20], $0x800  }
0x4b: {  	[sflag:s20] =	ssyncset.done $0x0  }
0x4c: {  	[sflag:s20] =	ssyncadd.s32 $0xFFFFF800  }
0x4d: {  	[bflag:$0x0] =	sbarrier.arrive $0xFFFF  }
0x4e: {  	[tilespmem:s17], [sflag:$0x2] =	stream.linear.gather [spmem:s5], $0x800, $0x38;
	[tilespmem:$0x6000] =	vst v63  }
0x4f: {  	_ =	swait.ge [sflag:s16], $0x800  }
0x50: {  	[sflag:s16] =	ssyncset.done $0x0  }
0x51: {  	[sflag:s16] =	ssyncadd.s32 $0xFFFFF800  }
0x52: {  	[hbm4b:s11+s3] =	stream.linear.scatter [tilespmem:s17], [sflag:$0x2], $0x800, $0x38;
	[tilespmem:$0x6000] =	vst v63  }
0x53: {  	_ =	swait.ge [sflag:s16], $0x800  }
0x54: {  	[sflag:s16] =	ssyncset.done $0x0  }
0x55: {  	[sflag:s16] =	ssyncadd.s32 $0xFFFFF800  }
0x56: {  	[tilespmem:s17], [sflag:$0x2] =	stream.linear.gather [spmem:s6], $0x800, $0x38;
	[tilespmem:$0x6000] =	vst v63  }
0x57: {  	_ =	swait.ge [sflag:s16], $0x800  }
0x58: {  	[sflag:s16] =	ssyncset.done $0x0  }
0x59: {  	[sflag:s16] =	ssyncadd.s32 $0xFFFFF800  }
0x5a: {  	[hbm4b:s12+s3] =	stream.linear.scatter [tilespmem:s17], [sflag:$0x2], $0x800, $0x38;
	[tilespmem:$0x6000] =	vst v63  }
0x5b: {  	_ =	swait.ge [sflag:s16], $0x800  }
0x5c: {  	[sflag:s16] =	ssyncset.done $0x0  }
0x5d: {  	[sflag:s16] =	ssyncadd.s32 $0xFFFFF800  }
0x5e: {  	[tilespmem:s17], [sflag:$0x2] =	stream.linear.gather [spmem:s7], $0x800, $0x38;
	[tilespmem:$0x6000] =	vst v63  }
0x5f: {  	_ =	swait.ge [sflag:s16], $0x800  }
0x60: {  	[sflag:s16] =	ssyncset.done $0x0  }
0x61: {  	[sflag:s16] =	ssyncadd.s32 $0xFFFFF800  }
0x62: {  	[hbm4b:s13+s3] =	stream.linear.scatter [tilespmem:s17], [sflag:$0x2], $0x800, $0x38;
	[tilespmem:$0x6000] =	vst v63  }
0x63: {  	_ =	swait.ge [sflag:s16], $0x800  }
0x64: {  	[sflag:s16] =	ssyncset.done $0x0  }
0x65: {  	[sflag:s16] =	ssyncadd.s32 $0xFFFFF800  }
0x66: {  	[tilespmem:s17], [sflag:$0x2] =	stream.linear.gather [spmem:s8], $0x800, $0x38;
	[tilespmem:$0x6000] =	vst v63  }
0x67: {  	_ =	swait.ge [sflag:s16], $0x800  }
0x68: {  	[sflag:s16] =	ssyncset.done $0x0  }
0x69: {  	[sflag:s16] =	ssyncadd.s32 $0xFFFFF800  }
0x6a: {  	[hbm4b:s14+s3] =	stream.linear.scatter [tilespmem:s17], [sflag:$0x2], $0x800, $0x38;
	[tilespmem:$0x6000] =	vst v63  }
0x6b: {  	_ =	swait.ge [sflag:s16], $0x800  }
0x6c: {  	[sflag:s16] =	ssyncset.done $0x0  }
0x6d: {  	[sflag:s16] =	ssyncadd.s32 $0xFFFFF800  }
0x6e: {  	[tilespmem:s17], [sflag:$0x2] =	stream.linear.gather [spmem:s9], $0x800, $0x38;
	[tilespmem:$0x6000] =	vst v63  }
0x6f: {  	s21 =	sadd.s32 $0x1, s21;
	_ =	swait.ge [sflag:s16], $0x800  }
0x70: {  	p0 =	sne.s32 s21, s10;
	[sflag:s16] =	ssyncset.done $0x0  }
.Ltmp2:
0x71: {  	[sflag:s16] =	ssyncadd.s32 $0xFFFFF800;
	(pc) =	sbr.rel @p0 .LBB2_1-.Ltmp2, $4  }
0x72: {  	[hbm4b:s15+s3] =	stream.linear.scatter [tilespmem:s17], [sflag:$0x2], $0x800, $0x38;
	[tilespmem:$0x6000] =	vst v63  }
0x73: {  	_ =	swait.ge [sflag:s16], $0x800  }
0x74: {  	[sflag:s16] =	ssyncset.done $0x0  }
0x75: {  	[sflag:s16] =	ssyncadd.s32 $0xFFFFF800  }
0x76: {  	_ =	sfence.sel $0x180000  }
0x77: {  	[bflag:$0x0] =	sbarrier.arrive $0xFFFF  }
0x78: {  	p0 =	sne.s32 s0, $0x0;
	_ =	strace $0x9000004A  }
0x79: {  	s0 =	sadd.s32 @!p0 $0x100000, s1;
	[bflag:$0x2] =	sbarrier.arrive $0xFFFF  }
0x7a: {  	[sflag:s0] =	ssyncadd.tile.s32 @!p0 $0x1;
	_ =	shalt  }
.Lfunc_end2:
_tile_overlayer_lowered:
.L_overlay_start_2:
0x7b: {  	(tag) =	ssettag $0x2  }
0x7c: {  	s0 =	rddreg [dreg:$0x0];
	s2 =	stileid.u32  }
0x7d: {  	s1 =	rddreg [dreg:$0x1];
	p0 =	sne.s32 s2, $0x0  }
0x7e: {  	s3 =	rddreg [dreg:$0x2];
	[bflag:$0x3] =	sbarrier.arrive $0xFFFF;
	s2 =	simm.s32 @!p0 $0x1C02  }
0x7f: {  	[timem:s3], [sflag:s2] =	dma.local @!p0 [hbm:s0], s1  }
0x80: {  	s0 =	simm.s32 @!p0 $0x2  }
0x81: {  	_ =	swait.ge @!p0 [sflag:s0], s1  }
0x82: {  	s1 =	ssub.s32 @!p0 $0x0, s1;
	[sflag:s0] =	ssyncset.done @!p0 $0x0  }
0x83: {  	[sflag:s0] =	ssyncadd.s32 @!p0 s1  }
0x84: {  	[bflag:$0x3] =	sbarrier.arrive $0xFFFF  }
0x85: {  	_ =	shalt  }

// kernel: kernel.14.cloned.1.call-start
scs
__scs_entry_jumppad:
0x0: {  	(pc) =	sbr.rel $0x88, $3  }
0x1: {  	(tag) =	ssettag $0x0;
	lr =	simm.s32 $0x1  }
0x2: {  	[smem:$0x3F6E] =	sst lr;
	_ =	strace $0xD0000000  }
0x3: {  	_ = 	snop  }
0x4: {  	_ = 	snop  }
0x5: {  	_ = 	snop  }
0x6: {  	_ = 	snop  }
0x7: {  	_ = 	snop  }
__scs_overlays_trampoline_lowered:
0x8: {  	[smem:$0x3F7D] =	sst s0  }
0x9: {  	[smem:$0x3F7E] =	sst s1  }
0xa: {  	[smem:$0x3F7F] =	sst s2  }
0xb: {  	[smem:$0x3F80] =	sst s3  }
0xc: {  	[smem:$0x3F81] =	sst s4  }
0xd: {  	[smem:$0x3F82] =	sst s5  }
0xe: {  	[smem:$0x3F83] =	sst s6  }
0xf: {  	[smem:$0x3F84] =	sst s7  }
0x10: {  	[smem:$0x3F85] =	sst s8  }
0x11: {  	[smem:$0x3F86] =	sst s9;
	s0 =	simm.s32 @!p0 $0x0  }
0x12: {  	s1 =	sld [smem:$0x3F6C];
	s0 =	simm.s32 @p0 $0x1  }
0x13: {  	[smem:$0x3F87] =	sst s0;
	s0 =	simm.s32 @!p1 $0x0  }
0x14: {  	s2 =	sld [smem:$0x3F6B];
	s0 =	simm.s32 @p1 $0x1  }
0x15: {  	[smem:$0x3F88] =	sst s0;
	s0 =	simm.s32 @!p2 $0x0  }
0x16: {  	s3 =	sld [smem:$0x3FDB];
	s0 =	simm.s32 @p2 $0x1  }
0x17: {  	s4 =	simm.s32 $0x1BF5;
	[smem:$0x3F8A] =	sst s0  }
0x18: {  	s0 =	sld [smem:$0x3F6D];
	_ =	swait.ge [sflag:s4], $0x0  }
0x19: {  	s7 =	sld [smem:$0x3F6E]  }
0x1a: {  	s8 =	sadd.s32 $0xFFFFE003, lr  }
0x1b: {  	s9 =	sadd.s32 $0xFFFFFEF7, lr;
	s5 =	simm.s32 $0xFFFFFFFF;
	p2 =	slt.u32 s8, $0xFFFFF086  }
0x1c: {  	p1 =	slt.u32 s9, $0xF7A;
	s5 =	simm.s32 @!p2 $0x0  }
0x1d: {  	s5 =	simm.s32 @p1 $0x1;
	p0 =	seq.s32 s7, s2  }
0x1e: {  	s7 =	smul.u32 @!p0 $0xF7A, s2;
	p2 =	seq.s32 @!p0 s5, $0x0  }
0x1f: {  	s9 =	smul.u32 $0xF7A, s1;
	s8 =	simm.s32 @!p0 $0x1BF5;
	p2 =	por !p2, p0  }
0x20: {  	[sflag:s8] =	ssyncset.s32 @!p0 $0xFFFFF086;
	s6 =	sadd.s32 @!p0 s3, s7;
	s7 =	simm.s32 @!p0 $0x108  }
0x21: {  	s3 =	sadd.s32 s3, s9;
	s6 =	sadd.s32 @!p0 $0x88, s6;
	s7 =	simm.s32 @p2 $0x1082  }
0x22: {  	[simem:s7], [sflag:s8] =	dma.local @!p0 [hbm:s6], $0xF7A  }
0x23: {  	s9 =	sor.u32 $0xD0000000, s2;
	s6 =	simm.s32 $0x108;
	_ =	swait.ge @!p0 [sflag:s8], $0x0  }
0x24: {  	s3 =	sadd.s32 $0x88, s3;
	s6 =	simm.s32 @!p1 $0x1082;
	[sflag:s4] =	ssyncset.s32 $0xFFFFF086  }
0x25: {  	[simem:s6], [sflag:s4] =	dma.local [hbm:s3], $0xF7A  }
0x26: {  	[smem:$0x3F6E] =	sst s1;
	(tag) =	ssettag s2;
	_ =	strace s9  }
0x27: {  	s1 =	sld [smem:$0x3F7E]  }
0x28: {  	s2 =	sld [smem:$0x3F7F]  }
0x29: {  	s4 =	sld [smem:$0x3F81]  }
0x2a: {  	p0 =	seq.s32 s5, $0x0;
	s5 =	sld [smem:$0x3F82]  }
0x2b: {  	s6 =	sld [smem:$0x3F83]  }
0x2c: {  	s7 =	sld [smem:$0x3F84]  }
0x2d: {  	s3 =	simm.s32 $0x108;
	s8 =	sld [smem:$0x3F85]  }
0x2e: {  	s3 =	simm.s32 @!p0 $0x1082;
	s9 =	sld [smem:$0x3F86]  }
0x2f: {  	lr =	sadd.s32 s0, s3;
	s0 =	sld [smem:$0x3F7D]  }
0x30: {  	s3 =	sld [smem:$0x3F80]  }
0x31: {  	[smem:$0x3F89] =	sst s10  }
0x32: {  	s10 =	sld [smem:$0x3F87];
	_ =	sdelay $0x3  }
0x33: {  	p0 =	seq.s32 s10, $0x1;
	s10 =	sld [smem:$0x3F89];
	_ =	sdelay $0x3  }
0x34: {  	[smem:$0x3F89] =	sst s10  }
0x35: {  	s10 =	sld [smem:$0x3F88];
	_ =	sdelay $0x3  }
0x36: {  	p1 =	seq.s32 s10, $0x1;
	s10 =	sld [smem:$0x3F89];
	_ =	sdelay $0x3  }
0x37: {  	[smem:$0x3F89] =	sst s10  }
0x38: {  	s10 =	sld [smem:$0x3F8A]  }
0x39: {  	_ = 	snop;
	(pc) =	sbr.ind lr, $3  }
0x3a: {  	_ = 	snop  }
0x3b: {  	_ = 	snop  }
0x3c: {  	p2 =	seq.s32 s10, $0x1;
	s10 =	sld [smem:$0x3F89]  }
0x3d: {  	_ =	shalt  }
0x3e: {  	_ =	shalt  }
0x3f: {  	_ =	shalt  }
0x40: {  	_ =	shalt  }
0x41: {  	_ =	shalt  }
0x42: {  	_ =	shalt  }
0x43: {  	_ =	shalt  }
0x44: {  	_ =	shalt  }
0x45: {  	_ =	shalt  }
0x46: {  	_ =	shalt  }
0x47: {  	_ =	shalt  }
0x48: {  	_ =	shalt  }
0x49: {  	_ =	shalt  }
0x4a: {  	_ =	shalt  }
0x4b: {  	_ =	shalt  }
0x4c: {  	_ =	shalt  }
0x4d: {  	_ =	shalt  }
0x4e: {  	_ =	shalt  }
0x4f: {  	_ =	shalt  }
0x50: {  	_ =	shalt  }
0x51: {  	_ =	shalt  }
0x52: {  	_ =	shalt  }
0x53: {  	_ =	shalt  }
0x54: {  	_ =	shalt  }
0x55: {  	_ =	shalt  }
0x56: {  	_ =	shalt  }
0x57: {  	_ =	shalt  }
0x58: {  	_ =	shalt  }
0x59: {  	_ =	shalt  }
0x5a: {  	_ =	shalt  }
0x5b: {  	_ =	shalt  }
0x5c: {  	_ =	shalt  }
0x5d: {  	_ =	shalt  }
0x5e: {  	_ =	shalt  }
0x5f: {  	_ =	shalt  }
0x60: {  	_ =	shalt  }
0x61: {  	_ =	shalt  }
0x62: {  	_ =	shalt  }
0x63: {  	_ =	shalt  }
0x64: {  	_ =	shalt  }
0x65: {  	_ =	shalt  }
0x66: {  	_ =	shalt  }
0x67: {  	_ =	shalt  }
0x68: {  	_ =	shalt  }
0x69: {  	_ =	shalt  }
0x6a: {  	_ =	shalt  }
0x6b: {  	_ =	shalt  }
0x6c: {  	_ =	shalt  }
0x6d: {  	_ =	shalt  }
0x6e: {  	_ =	shalt  }
0x6f: {  	_ =	shalt  }
0x70: {  	_ =	shalt  }
0x71: {  	_ =	shalt  }
0x72: {  	_ =	shalt  }
0x73: {  	_ =	shalt  }
0x74: {  	_ =	shalt  }
0x75: {  	_ =	shalt  }
0x76: {  	_ =	shalt  }
0x77: {  	_ =	shalt  }
0x78: {  	_ =	shalt  }
0x79: {  	_ =	shalt  }
0x7a: {  	_ =	shalt  }
0x7b: {  	_ =	shalt  }
0x7c: {  	_ =	shalt  }
0x7d: {  	_ =	shalt  }
0x7e: {  	_ =	shalt  }
0x7f: {  	_ =	shalt  }
0x80: {  	_ =	shalt  }
0x81: {  	_ =	shalt  }
0x82: {  	_ =	shalt  }
0x83: {  	_ =	shalt  }
0x84: {  	_ =	shalt  }
0x85: {  	_ =	shalt  }
0x86: {  	_ =	shalt  }
0x87: {  	_ =	shalt  }
.Lfunc_end0:
.L_simem_size_0:
called_computation.1_lowered:
.L_overlay_start_0:
0x88: {  	s2 =	sld [smem:$0x3FD9]  }
0x89: {  	s3 =	sld [smem:$0x3FFE];
	_ =	sdelay $0x1  }
0x8a: {  	s1 =	srdreg.scid  }
0x8b: {  	s0 =	sand.u32 $0x1, s1  }
0x8c: {  	s14 =	sshll.u32 s0, $0xA;
	s2 =	sadd.s32 s3, s2  }
0x8d: {  	s2 =	sadd.s32 s2, s14  }
0x8e: {  	[smem:$0x3F95] =	sst s2  }
0x8f: {  	_ = 	snop  }
0x90: {  	s2 =	sld [smem:$0x3FD0];
	_ =	sdelay $0x2  }
0x91: {  	s15 =	simm.s32 $0xB;
	s4 =	simm.s32 $0x10  }
0x92: {  	[smem:s4], [sflag:s15] =	dma.local [hbm:s2], $0x1  }
0x93: {  	_ =	swait.eq [sflag:s15], $0x1  }
0x94: {  	[sflag:s15] =	ssyncset.done $0x0  }
0x95: {  	[sflag:s15] =	ssyncadd.s32 $0xFFFFFFFF  }
0x96: {  	s16 =	sld [smem:$0x10];
	(tm) =	ssettm $0x1  }
0x97: {  	s17 =	sld [smem:$0x3FFB];
	_ =	sdelay $0x3  }
0x98: {  	_ =	strace s17  }
0x99: {  	s3 =	sld [smem:$0x3FFC];
	_ =	sdelay $0x3  }
0x9a: {  	_ =	strace s3  }
0x9b: {  	s3 =	sld [smem:$0x3FFD];
	_ =	sdelay $0x3  }
0x9c: {  	_ =	strace s3  }
0x9d: {  	_ =	strace $0x8FFFFFFF  }
0x9e: {  	s18 =	sld [smem:$0x3FDB];
	_ =	sdelay $0x1  }
0x9f: {  	s19 =	simm.s32 $_scs_section_size  }
0xa0: {  	s5 =	simm.s32 $_size__tile_overlayer_lowered;
	s6 =	simm.s32 $_tile_overlayer_lowered  }
0xa1: {  	s22 =	simm.s32 $0x1BFF;
	s21 =	sshll.u32 s6, $0x1;
	s3 =	sadd.s32 s19, s18  }
0xa2: {  	s7 =	simm.s32 $0x0;
	s20 =	sshll.u32 s5, $0x1;
	s5 =	sadd.s32 s21, s3  }
0xa3: {  	[timem:s7], [sflag:s22] =	dma.local [hbm:s5], s20  }
0xa4: {  	_ =	swait.ge [sflag:s22], s20  }
0xa5: {  	s4 =	ssub.s32 $0x0, s20;
	[sflag:s22] =	ssyncset.done $0x0  }
0xa6: {  	[sflag:s22] =	ssyncadd.s32 s4;
	_ =	sdelay $0x1  }
0xa7: {  	s23 =	simm.s32 $0x1B8B  }
0xa8: {  	_ =	swait.ge [sflag:s23], $0x1  }
0xa9: {  	[sflag:s23] =	ssyncset.done $0x0  }
0xaa: {  	s25 =	simm.s32 $0x1B8E;
	s24 =	sld [smem:$0x3FFE];
	[sflag:s23] =	ssyncadd.s32 $0xFFFFFFFF  }
0xab: {  	s26 =	simm.s32 $execute0_lowered;
	[smem:$0x3FD2] =	sst s25  }
0xac: {  	s5 =	sshll.u32 s26, $0x1;
	_ =	strace $0x80000046;
	[dreg:$0x1] =	wrdreg $0xFFFFFFFF  }
0xad: {  	s28 =	simm.s32 $_size_execute0_lowered;
	s3 =	sadd.s32 s3, s5;
	[dreg:$0x0] =	wrdreg $0x0  }
0xae: {  	s5 =	sshll.u32 s28, $0x1;
	[dreg:$0x2] =	wrdreg s3  }
0xaf: {  	[dreg:$0x3] =	wrdreg s5  }
0xb0: {  	[dreg:$0x4] =	wrdreg $0xC0  }
0xb1: {  	_ =	task [dreg:s7], $0x5FFFF  }
0xb2: {  	[dreg:$0x1] =	wrdreg $0xFFFFFFFF  }
0xb3: {  	[dreg:$0x0] =	wrdreg $0x60  }
0xb4: {  	[dreg:$0x2] =	wrdreg s16  }
0xb5: {  	[dreg:$0x3] =	wrdreg s24  }
0xb6: {  	[dreg:$0x4] =	wrdreg $0xD0000  }
0xb7: {  	[dreg:$0x5] =	wrdreg $0xA  }
0xb8: {  	_ =	task.clear_ibuf [dreg:s7], $0x6FFFF;
	_ =	strace $0x90000046  }
0xb9: {  	s29 =	simm.s32 $0xA;
	_ =	strace $0x80000048  }
0xba: {  	_ =	swait.ge [sflag:s29], $0x1  }
0xbb: {  	[sflag:s29] =	ssyncadd.s32 $0xFFFFFFFF  }
0xbc: {  	_ =	strace $0x90000048  }
0xbd: {  	_ =	sfence  }
0xbe: {  	s30 =	sld [smem:$0x0];
	_ =	sdelay $0x2  }
0xbf: {  	s31 =	sshll.u32 s1, $0xD;
	s1 =	sshrl.u32 s1, $0x2  }
0xc0: {  	s3 =	sand.u32 $0x4000, s31;
	s1 =	sadd.s32 s1, s30  }
0xc1: {  	s0 =	sor.u32 s3, s0;
	s1 =	sshll.u32 s1, $0x11  }
0xc2: {  	s0 =	sor.u32 s1, s0  }
0xc3: {  	s0 =	sadd.s32 $0x8F2B, s0  }
0xc4: {  	[sflag:s0] =	ssyncadd.remote.s32 $0x1  }
0xc5: {  	_ =	sfence.sel $0xFFFF  }
0xc6: {  	[dreg:$0x0] =	wrdreg $0xFFFFFFFF;
	(pc) =	sbr.abs _section_cstart, $3  }
0xc7: {  	[dreg:$0x1] =	wrdreg $0xFFFFFFFF  }
0xc8: {  	_ =	task.clear_ibuf [dreg:s7], $0x2FFFF;
	_ =	strace $0x9FFFFFFF  }
0xc9: {  	(tm) =	ssettm $0x7FFFFFFF  }
tec
execute0_lowered:
.L_overlay_start_1:
0x0: {  	(tag) =	ssettag $0x1  }
0x1: {  	s0 =	srdreg.scid;
	s1 =	rddreg [dreg:$0x0]  }
0x2: {  	s14 =	stileid.u32;
	s4 =	rddreg [dreg:$0x1];
	s28 =	simm.s32 $0x1  }
0x3: {  	s29 =	simm.s32 $0x3;
	s30 =	simm.s32 $0x2;
	s31 =	simm.s32 $0x4  }
0x4: {  	s0 =	sand.u32 $0x1, s0;
	s2 =	sshll.u32 s14, $0x1;
	s19 =	sadd.s32 $0x29C800, s4  }
0x5: {  	s12 =	smul.u32 $0x14000, s14;
	s3 =	sor.u32 s0, s2;
	s2 =	rddreg [dreg:$0x2]  }
0x6: {  	s6 =	ssub.s32 $0x2, s0;
	s5 =	smul.u32 $0x2800, s3;
	s3 =	simm.s32 $0x0  }
0x7: {  	s7 =	sshrl.u32 s6, $0x1;
	s13 =	sshrl.u32 s12, $0x4;
	s15 =	sshrl.u32 s12, $0x1  }
0x8: {  	s17 =	sadd.s32 $0x4000, s12;
	s22 =	sadd.s32 $0xC000, s12;
	[smem:$0x7FF] =	sst s3  }
0x9: {  	s6 =	ssub.s32 s6, s7;
	s16 =	sadd.s32 s15, s2;
	s8 =	sshrl.u32 s17, $0x4  }
0xa: {  	s15 =	smul.u32 $0x280000, s14;
	s5 =	sshrl.u32 s5, $0x3;
	_ =	strace $0x80000047  }
0xb: {  	[dreg:$0x7] =	wrdreg s16;
	s18 =	sadd.s32 s1, s8;
	s16 =	smul.u32 $0x140000, s0  }
0xc: {  	s0 =	smul.u32 $0x2800, s0;
	s5 =	sadd.s32 s5, s4;
	s4 =	sadd.s32 $0x1C800, s4  }
0xd: {  	[dreg:$0x8] =	wrdreg s18;
	s18 =	smul.u32 $0x5000, s14;
	s11 =	sadd.s32 $0x12800, s5  }
0xe: {  	s5 =	sadd.s32 $0x8800, s5;
	s25 =	sadd.s32 s16, s15;
	[dreg:$0x4] =	wrdreg s11  }
0xf: {  	s16 =	smax.u32 s6, $0x1;
	[dreg:$0x5] =	wrdreg s5;
	s5 =	sadd.s32 s1, s13  }
0x10: {  	s11 =	sadd.s32 $0x8000, s12;
	s13 =	sshrl.u32 s22, $0x4;
	s0 =	sadd.s32 s0, s18  }
0x11: {  	s26 =	sshrl.u32 s25, $0x4;
	s25 =	simm.s32 $0x7000;
	[dreg:$0x6] =	wrdreg s5  }
0x12: {  	s5 =	sshrl.u32 s17, $0x1;
	s20 =	sshrl.u32 s11, $0x4;
	s21 =	sshrl.u32 s11, $0x1  }
0x13: {  	s17 =	sadd.s32 $0x10000, s12;
	s12 =	sadd.s32 s1, s13;
	s0 =	sshll.u32 s0, $0x3  }
0x14: {  	s18 =	sadd.s32 s26, s19;
	s9 =	sadd.s32 s5, s2;
	s10 =	sadd.s32 s1, s20  }
0x15: {  	s11 =	sadd.s32 s21, s2;
	s5 =	sshrl.u32 s22, $0x1;
	s23 =	sshrl.u32 s17, $0x4  }
0x16: {  	s24 =	sshrl.u32 s17, $0x1;
	s17 =	sadd.s32 s26, s4;
	s0 =	sor.u32 $0x400, s0  }
0x17: {  	s21 =	simm.s32 $0x6;
	s22 =	simm.s32 $0x5000;
	s26 =	simm.s32 $0xB000  }
0x18: {  	s13 =	sadd.s32 s5, s2;
	s14 =	sadd.s32 s1, s23;
	s15 =	sadd.s32 s24, s2  }
0x19: {  	s19 =	sadd.s32 s0, s19;
	s20 =	sadd.s32 s0, s4;
	s23 =	simm.s32 $0x80  }
0x1a: {  	s24 =	simm.s32 $0x9000;
	s1 =	simm.s32 $0x5;
	s0 =	simm.s32 $0x0  }
.LBB2_1:
0x1b: {  	s4 =	rddreg [dreg:$0x4]  }
0x1c: {  	[tilespmem:s3], [sflag:$0x6] =	stream.linear.gather [hbm4b:s4+s3], $0x2800, $0x38;
	[tilespmem:$0x17000] =	vst v63  }
0x1d: {  	_ =	swait.ge [sflag:s21], $0x2800  }
0x1e: {  	[sflag:s21] =	ssyncset.done $0x0  }
0x1f: {  	s4 =	simm.s32 $0x2800;
	s5 =	rddreg [dreg:$0x5];
	[sflag:s21] =	ssyncadd.s32 $0xFFFFD800  }
0x20: {  	[tilespmem:s4], [sflag:$0x6] =	stream.linear.gather [hbm4b:s5+s3], $0x2800, $0x38;
	[tilespmem:$0x17000] =	vst v63  }
0x21: {  	_ =	swait.ge [sflag:s21], $0x2800  }
0x22: {  	[sflag:s21] =	ssyncset.done $0x0  }
0x23: {  	s6 =	rddreg [dreg:$0x6];
	[sflag:s21] =	ssyncadd.s32 $0xFFFFD800  }
0x24: {  	[tilespmem:s22], [sflag:$0x6] =	stream.linear.gather [hbm4b:s6+s3], $0x2000, $0x38;
	[tilespmem:$0x17000] =	vst v63  }
0x25: {  	_ =	swait.ge [sflag:s21], $0x2000  }
0x26: {  	[sflag:s21] =	ssyncset.done $0x0  }
0x27: {  	s7 =	rddreg [dreg:$0x7];
	[sflag:s21] =	ssyncadd.s32 $0xFFFFE000  }
0x28: {  	[spmem:s7] =	stream.linear.scatter [tilespmem:s22], [sflag:$0x6], $0x2000, $0x38;
	[tilespmem:$0x17000] =	vst v63  }
0x29: {  	_ =	swait.ge [sflag:s21], $0x2000  }
0x2a: {  	[sflag:s21] =	ssyncset.done $0x0  }
0x2b: {  	s8 =	rddreg [dreg:$0x8];
	[sflag:s21] =	ssyncadd.s32 $0xFFFFE000  }
0x2c: {  	[tilespmem:s22], [sflag:$0x6] =	stream.linear.gather [hbm4b:s8+s3], $0x2000, $0x38;
	[tilespmem:$0x17000] =	vst v63  }
0x2d: {  	_ =	swait.ge [sflag:s21], $0x2000  }
0x2e: {  	[sflag:s21] =	ssyncset.done $0x0  }
0x2f: {  	[sflag:s21] =	ssyncadd.s32 $0xFFFFE000  }
0x30: {  	[spmem:s9] =	stream.linear.scatter [tilespmem:s22], [sflag:$0x6], $0x2000, $0x38;
	[tilespmem:$0x17000] =	vst v63  }
0x31: {  	_ =	swait.ge [sflag:s21], $0x2000  }
0x32: {  	[sflag:s21] =	ssyncset.done $0x0  }
0x33: {  	[sflag:s21] =	ssyncadd.s32 $0xFFFFE000  }
0x34: {  	[tilespmem:s22], [sflag:$0x6] =	stream.linear.gather [hbm4b:s10+s3], $0x2000, $0x38;
	[tilespmem:$0x17000] =	vst v63  }
0x35: {  	_ =	swait.ge [sflag:s21], $0x2000  }
0x36: {  	[sflag:s21] =	ssyncset.done $0x0  }
0x37: {  	[sflag:s21] =	ssyncadd.s32 $0xFFFFE000  }
0x38: {  	[spmem:s11] =	stream.linear.scatter [tilespmem:s22], [sflag:$0x6], $0x2000, $0x38;
	[tilespmem:$0x17000] =	vst v63  }
0x39: {  	_ =	swait.ge [sflag:s21], $0x2000  }
0x3a: {  	[sflag:s21] =	ssyncset.done $0x0  }
0x3b: {  	[sflag:s21] =	ssyncadd.s32 $0xFFFFE000  }
0x3c: {  	[tilespmem:s22], [sflag:$0x6] =	stream.linear.gather [hbm4b:s12+s3], $0x2000, $0x38;
	[tilespmem:$0x17000] =	vst v63  }
0x3d: {  	_ =	swait.ge [sflag:s21], $0x2000  }
0x3e: {  	[sflag:s21] =	ssyncset.done $0x0  }
0x3f: {  	[sflag:s21] =	ssyncadd.s32 $0xFFFFE000  }
0x40: {  	[spmem:s13] =	stream.linear.scatter [tilespmem:s22], [sflag:$0x6], $0x2000, $0x38;
	[tilespmem:$0x17000] =	vst v63  }
0x41: {  	_ =	swait.ge [sflag:s21], $0x2000  }
0x42: {  	[sflag:s21] =	ssyncset.done $0x0  }
0x43: {  	[sflag:s21] =	ssyncadd.s32 $0xFFFFE000  }
0x44: {  	[tilespmem:s22], [sflag:$0x6] =	stream.linear.gather [hbm4b:s14+s3], $0x2000, $0x38;
	[tilespmem:$0x17000] =	vst v63  }
0x45: {  	_ =	swait.ge [sflag:s21], $0x2000  }
0x46: {  	[sflag:s21] =	ssyncset.done $0x0  }
0x47: {  	[sflag:s21] =	ssyncadd.s32 $0xFFFFE000  }
0x48: {  	[spmem:s15] =	stream.linear.scatter [tilespmem:s22], [sflag:$0x6], $0x2000, $0x38;
	[tilespmem:$0x17000] =	vst v63  }
0x49: {  	_ =	swait.ge [sflag:s21], $0x2000  }
0x4a: {  	[sflag:s21] =	ssyncset.done $0x0  }
0x4b: {  	[sflag:s21] =	ssyncadd.s32 $0xFFFFE000  }
0x4c: {  	[bflag:$0x0] =	sbarrier.arrive $0xFFFF  }
0x4d: {  	[tilespmem:s22], [sflag:$0x1] =	stream.indirect.gather [spmem:s2], $0x40, s3, s23, $0xb8;
	[tilespmem:$0x17000] =	vst v63  }
0x4e: {  	_ = 	snop  }
0x4f: {  	[tilespmem:s24], [sflag:$0x3] =	stream.indirect.gather [spmem:s2], $0x40, s4, s23, $0xb8;
	[tilespmem:$0x17000] =	vst v63  }
0x50: {  	s6 =	simm.s32 $0x80  }
0x51: {  	[tilespmem:s25], [sflag:$0x2] =	stream.indirect.gather [spmem:s2], $0x40, s6, s23, $0xb8;
	[tilespmem:$0x17000] =	vst v63  }
0x52: {  	s7 =	simm.s32 $0x2880  }
0x53: {  	[tilespmem:s26], [sflag:$0x4] =	stream.indirect.gather [spmem:s2], $0x40, s7, s23, $0xb8;
	[tilespmem:$0x17000] =	vst v63  }
0x54: {  	_ =	swait.ge [sflag:s28], $0x2000  }
0x55: {  	[sflag:s28] =	ssyncset.done $0x0  }
0x56: {  	s8 =	sadd.s32 $0x0, s18;
	[sflag:s28] =	ssyncadd.s32 $0xFFFFE000  }
0x57: {  	[hbm4b:s8+s3] =	stream.linear.scatter [tilespmem:s22], [sflag:$0x5], $0x2000, $0x38;
	[tilespmem:$0x17000] =	vst v63  }
0x58: {  	_ =	swait.ge [sflag:s29], $0x2000  }
0x59: {  	[sflag:s29] =	ssyncset.done $0x0  }
0x5a: {  	s6 =	sadd.s32 $0x0, s17;
	[sflag:s29] =	ssyncadd.s32 $0xFFFFE000  }
0x5b: {  	[hbm4b:s6+s3] =	stream.linear.scatter [tilespmem:s24], [sflag:$0x5], $0x2000, $0x38;
	[tilespmem:$0x17000] =	vst v63  }
0x5c: {  	_ =	swait.ge [sflag:s30], $0x2000  }
0x5d: {  	[sflag:s30] =	ssyncset.done $0x0  }
0x5e: {  	s7 =	sadd.s32 $0x0, s19;
	[sflag:s30] =	ssyncadd.s32 $0xFFFFE000  }
0x5f: {  	[hbm4b:s7+s3] =	stream.linear.scatter [tilespmem:s25], [sflag:$0x5], $0x2000, $0x38;
	[tilespmem:$0x17000] =	vst v63  }
0x60: {  	_ =	swait.ge [sflag:s31], $0x2000  }
0x61: {  	[sflag:s31] =	ssyncset.done $0x0  }
0x62: {  	s8 =	sadd.s32 $0x0, s20;
	[sflag:s31] =	ssyncadd.s32 $0xFFFFE000  }
0x63: {  	[hbm4b:s8+s3] =	stream.linear.scatter [tilespmem:s26], [sflag:$0x5], $0x2000, $0x38;
	[tilespmem:$0x17000] =	vst v63  }
0x64: {  	_ =	swait.ge [sflag:s1], $0x2000  }
0x65: {  	[sflag:s1] =	ssyncset.done $0x0  }
0x66: {  	[sflag:s1] =	ssyncadd.s32 $0xFFFFE000  }
0x67: {  	_ =	swait.ge [sflag:s1], $0x2000  }
0x68: {  	[sflag:s1] =	ssyncset.done $0x0  }
0x69: {  	[sflag:s1] =	ssyncadd.s32 $0xFFFFE000  }
0x6a: {  	_ =	swait.ge [sflag:s1], $0x2000  }
0x6b: {  	[sflag:s1] =	ssyncset.done $0x0  }
0x6c: {  	[sflag:s1] =	ssyncadd.s32 $0xFFFFE000  }
0x6d: {  	_ =	swait.ge [sflag:s1], $0x2000  }
0x6e: {  	s5 =	simm.s32 $0x800;
	s6 =	simm.s32 $0x0;
	[sflag:s1] =	ssyncset.done $0x0  }
.LBB2_2:
0x6f: {  	[sflag:s1] =	ssyncadd.s32 $0xFFFFE000;
	s6 =	sadd.s32 $0x100, s6;
	s4 =	sadd.s32 $0x100, s4  }
0x70: {  	[tilespmem:s22], [sflag:$0x1] =	stream.indirect.gather [spmem:s2], $0x40, s6, s23, $0xb8;
	[tilespmem:$0x17000] =	vst v63  }
0x71: {  	p0 =	sne.s32 s5, $0x13800;
	s7 =	smov.u32 s5;
	s5 =	sadd.s32 $0x800, s5  }
0x72: {  	[tilespmem:s24], [sflag:$0x3] =	stream.indirect.gather [spmem:s2], $0x40, s4, s23, $0xb8;
	[tilespmem:$0x17000] =	vst v63  }
0x73: {  	s8 =	sadd.s32 $0x80, s6  }
0x74: {  	[tilespmem:s25], [sflag:$0x2] =	stream.indirect.gather [spmem:s2], $0x40, s8, s23, $0xb8;
	[tilespmem:$0x17000] =	vst v63  }
0x75: {  	s8 =	sadd.s32 $0x80, s4  }
0x76: {  	[tilespmem:s26], [sflag:$0x4] =	stream.indirect.gather [spmem:s2], $0x40, s8, s23, $0xb8;
	[tilespmem:$0x17000] =	vst v63  }
0x77: {  	_ =	swait.ge [sflag:s28], $0x2000  }
0x78: {  	[sflag:s28] =	ssyncset.done $0x0  }
0x79: {  	s8 =	sadd.s32 s7, s18;
	[sflag:s28] =	ssyncadd.s32 $0xFFFFE000  }
0x7a: {  	[hbm4b:s8+s3] =	stream.linear.scatter [tilespmem:s22], [sflag:$0x5], $0x2000, $0x38;
	[tilespmem:$0x17000] =	vst v63  }
0x7b: {  	_ =	swait.ge [sflag:s29], $0x2000  }
0x7c: {  	[sflag:s29] =	ssyncset.done $0x0  }
0x7d: {  	s8 =	sadd.s32 s7, s17;
	[sflag:s29] =	ssyncadd.s32 $0xFFFFE000  }
0x7e: {  	[hbm4b:s8+s3] =	stream.linear.scatter [tilespmem:s24], [sflag:$0x5], $0x2000, $0x38;
	[tilespmem:$0x17000] =	vst v63  }
0x7f: {  	_ =	swait.ge [sflag:s30], $0x2000  }
0x80: {  	[sflag:s30] =	ssyncset.done $0x0  }
0x81: {  	s8 =	sadd.s32 s7, s19;
	[sflag:s30] =	ssyncadd.s32 $0xFFFFE000  }
0x82: {  	[hbm4b:s8+s3] =	stream.linear.scatter [tilespmem:s25], [sflag:$0x5], $0x2000, $0x38;
	[tilespmem:$0x17000] =	vst v63  }
0x83: {  	_ =	swait.ge [sflag:s31], $0x2000  }
0x84: {  	[sflag:s31] =	ssyncset.done $0x0  }
0x85: {  	s7 =	sadd.s32 s7, s20;
	[sflag:s31] =	ssyncadd.s32 $0xFFFFE000  }
0x86: {  	[hbm4b:s7+s3] =	stream.linear.scatter [tilespmem:s26], [sflag:$0x5], $0x2000, $0x38;
	[tilespmem:$0x17000] =	vst v63  }
0x87: {  	_ =	swait.ge [sflag:s1], $0x2000  }
0x88: {  	[sflag:s1] =	ssyncset.done $0x0  }
0x89: {  	[sflag:s1] =	ssyncadd.s32 $0xFFFFE000  }
0x8a: {  	_ =	swait.ge [sflag:s1], $0x2000  }
0x8b: {  	[sflag:s1] =	ssyncset.done $0x0  }
0x8c: {  	[sflag:s1] =	ssyncadd.s32 $0xFFFFE000  }
.Ltmp0:
0x8d: {  	_ =	swait.ge [sflag:s1], $0x2000;
	(pc) =	sbr.rel @p0 .LBB2_2-.Ltmp0, $4  }
0x8e: {  	[sflag:s1] =	ssyncset.done $0x0  }
0x8f: {  	[sflag:s1] =	ssyncadd.s32 $0xFFFFE000  }
0x90: {  	_ =	swait.ge [sflag:s1], $0x2000  }
0x91: {  	[sflag:s1] =	ssyncset.done $0x0  }
0x92: {  	s0 =	sadd.s32 $0x1, s0  }
0x93: {  	p0 =	sne.s32 s0, s16  }
.Ltmp1:
0x94: {  	_ = 	snop;
	(pc) =	sbr.rel @p0 .LBB2_1-.Ltmp1, $2  }
0x95: {  	_ =	sdelay $0x2  }
0x96: {  	[sflag:s1] =	ssyncadd.s32 $0xFFFFE000  }
0x97: {  	_ =	sfence.sel $0x180000  }
0x98: {  	[bflag:$0x0] =	sbarrier.arrive $0xFFFF  }
0x99: {  	_ =	strace $0x90000047  }
0x9a: {  	s0 =	stileid.u32;
	[bflag:$0x2] =	sbarrier.arrive $0xFFFF  }
0x9b: {  	p0 =	sne.s32 s0, $0x0;
	s0 =	rddreg [dreg:$0x3]  }
0x9c: {  	s0 =	sadd.s32 @!p0 $0x100000, s0  }
0x9d: {  	[sflag:s0] =	ssyncadd.tile.s32 @!p0 $0x1;
	_ =	shalt  }
.Lfunc_end2:
_tile_overlayer_lowered:
.L_overlay_start_2:
0x9e: {  	(tag) =	ssettag $0x2  }
0x9f: {  	s0 =	rddreg [dreg:$0x0];
	s2 =	stileid.u32  }
0xa0: {  	s1 =	rddreg [dreg:$0x1];
	p0 =	sne.s32 s2, $0x0  }
0xa1: {  	s3 =	rddreg [dreg:$0x2];
	[bflag:$0x3] =	sbarrier.arrive $0xFFFF;
	s2 =	simm.s32 @!p0 $0x1C06  }
0xa2: {  	[timem:s3], [sflag:s2] =	dma.local @!p0 [hbm:s0], s1  }
0xa3: {  	s0 =	simm.s32 @!p0 $0x6  }
0xa4: {  	_ =	swait.ge @!p0 [sflag:s0], s1  }
0xa5: {  	s1 =	ssub.s32 @!p0 $0x0, s1;
	[sflag:s0] =	ssyncset.done @!p0 $0x0  }
0xa6: {  	[sflag:s0] =	ssyncadd.s32 @!p0 s1  }
0xa7: {  	[bflag:$0x3] =	sbarrier.arrive $0xFFFF  }
0xa8: {  	_ =	shalt  }

// kernel: kernel.17.cloned.1.call-start
scs
__scs_entry_jumppad:
0x0: {  	(pc) =	sbr.rel $0x88, $3  }
0x1: {  	(tag) =	ssettag $0x0;
	lr =	simm.s32 $0x1  }
0x2: {  	[smem:$0x3F6E] =	sst lr;
	_ =	strace $0xD0000000  }
0x3: {  	_ = 	snop  }
0x4: {  	_ = 	snop  }
0x5: {  	_ = 	snop  }
0x6: {  	_ = 	snop  }
0x7: {  	_ = 	snop  }
__scs_overlays_trampoline_lowered:
0x8: {  	[smem:$0x3F7D] =	sst s0  }
0x9: {  	[smem:$0x3F7E] =	sst s1  }
0xa: {  	[smem:$0x3F7F] =	sst s2  }
0xb: {  	[smem:$0x3F80] =	sst s3  }
0xc: {  	[smem:$0x3F81] =	sst s4  }
0xd: {  	[smem:$0x3F82] =	sst s5  }
0xe: {  	[smem:$0x3F83] =	sst s6  }
0xf: {  	[smem:$0x3F84] =	sst s7  }
0x10: {  	[smem:$0x3F85] =	sst s8  }
0x11: {  	[smem:$0x3F86] =	sst s9;
	s0 =	simm.s32 @!p0 $0x0  }
0x12: {  	s1 =	sld [smem:$0x3F6C];
	s0 =	simm.s32 @p0 $0x1  }
0x13: {  	[smem:$0x3F87] =	sst s0;
	s0 =	simm.s32 @!p1 $0x0  }
0x14: {  	s2 =	sld [smem:$0x3F6B];
	s0 =	simm.s32 @p1 $0x1  }
0x15: {  	[smem:$0x3F88] =	sst s0;
	s0 =	simm.s32 @!p2 $0x0  }
0x16: {  	s3 =	sld [smem:$0x3FDB];
	s0 =	simm.s32 @p2 $0x1  }
0x17: {  	s4 =	simm.s32 $0x1BF5;
	[smem:$0x3F8A] =	sst s0  }
0x18: {  	s0 =	sld [smem:$0x3F6D];
	_ =	swait.ge [sflag:s4], $0x0  }
0x19: {  	s7 =	sld [smem:$0x3F6E]  }
0x1a: {  	s8 =	sadd.s32 $0xFFFFE003, lr  }
0x1b: {  	s9 =	sadd.s32 $0xFFFFFEF7, lr;
	s5 =	simm.s32 $0xFFFFFFFF;
	p2 =	slt.u32 s8, $0xFFFFF086  }
0x1c: {  	p1 =	slt.u32 s9, $0xF7A;
	s5 =	simm.s32 @!p2 $0x0  }
0x1d: {  	s5 =	simm.s32 @p1 $0x1;
	p0 =	seq.s32 s7, s2  }
0x1e: {  	s7 =	smul.u32 @!p0 $0xF7A, s2;
	p2 =	seq.s32 @!p0 s5, $0x0  }
0x1f: {  	s9 =	smul.u32 $0xF7A, s1;
	s8 =	simm.s32 @!p0 $0x1BF5;
	p2 =	por !p2, p0  }
0x20: {  	[sflag:s8] =	ssyncset.s32 @!p0 $0xFFFFF086;
	s6 =	sadd.s32 @!p0 s3, s7;
	s7 =	simm.s32 @!p0 $0x108  }
0x21: {  	s3 =	sadd.s32 s3, s9;
	s6 =	sadd.s32 @!p0 $0x88, s6;
	s7 =	simm.s32 @p2 $0x1082  }
0x22: {  	[simem:s7], [sflag:s8] =	dma.local @!p0 [hbm:s6], $0xF7A  }
0x23: {  	s9 =	sor.u32 $0xD0000000, s2;
	s6 =	simm.s32 $0x108;
	_ =	swait.ge @!p0 [sflag:s8], $0x0  }
0x24: {  	s3 =	sadd.s32 $0x88, s3;
	s6 =	simm.s32 @!p1 $0x1082;
	[sflag:s4] =	ssyncset.s32 $0xFFFFF086  }
0x25: {  	[simem:s6], [sflag:s4] =	dma.local [hbm:s3], $0xF7A  }
0x26: {  	[smem:$0x3F6E] =	sst s1;
	(tag) =	ssettag s2;
	_ =	strace s9  }
0x27: {  	s1 =	sld [smem:$0x3F7E]  }
0x28: {  	s2 =	sld [smem:$0x3F7F]  }
0x29: {  	s4 =	sld [smem:$0x3F81]  }
0x2a: {  	p0 =	seq.s32 s5, $0x0;
	s5 =	sld [smem:$0x3F82]  }
0x2b: {  	s6 =	sld [smem:$0x3F83]  }
0x2c: {  	s7 =	sld [smem:$0x3F84]  }
0x2d: {  	s3 =	simm.s32 $0x108;
	s8 =	sld [smem:$0x3F85]  }
0x2e: {  	s3 =	simm.s32 @!p0 $0x1082;
	s9 =	sld [smem:$0x3F86]  }
0x2f: {  	lr =	sadd.s32 s0, s3;
	s0 =	sld [smem:$0x3F7D]  }
0x30: {  	s3 =	sld [smem:$0x3F80]  }
0x31: {  	[smem:$0x3F89] =	sst s10  }
0x32: {  	s10 =	sld [smem:$0x3F87];
	_ =	sdelay $0x3  }
0x33: {  	p0 =	seq.s32 s10, $0x1;
	s10 =	sld [smem:$0x3F89];
	_ =	sdelay $0x3  }
0x34: {  	[smem:$0x3F89] =	sst s10  }
0x35: {  	s10 =	sld [smem:$0x3F88];
	_ =	sdelay $0x3  }
0x36: {  	p1 =	seq.s32 s10, $0x1;
	s10 =	sld [smem:$0x3F89];
	_ =	sdelay $0x3  }
0x37: {  	[smem:$0x3F89] =	sst s10  }
0x38: {  	s10 =	sld [smem:$0x3F8A]  }
0x39: {  	_ = 	snop;
	(pc) =	sbr.ind lr, $3  }
0x3a: {  	_ = 	snop  }
0x3b: {  	_ = 	snop  }
0x3c: {  	p2 =	seq.s32 s10, $0x1;
	s10 =	sld [smem:$0x3F89]  }
0x3d: {  	_ =	shalt  }
0x3e: {  	_ =	shalt  }
0x3f: {  	_ =	shalt  }
0x40: {  	_ =	shalt  }
0x41: {  	_ =	shalt  }
0x42: {  	_ =	shalt  }
0x43: {  	_ =	shalt  }
0x44: {  	_ =	shalt  }
0x45: {  	_ =	shalt  }
0x46: {  	_ =	shalt  }
0x47: {  	_ =	shalt  }
0x48: {  	_ =	shalt  }
0x49: {  	_ =	shalt  }
0x4a: {  	_ =	shalt  }
0x4b: {  	_ =	shalt  }
0x4c: {  	_ =	shalt  }
0x4d: {  	_ =	shalt  }
0x4e: {  	_ =	shalt  }
0x4f: {  	_ =	shalt  }
0x50: {  	_ =	shalt  }
0x51: {  	_ =	shalt  }
0x52: {  	_ =	shalt  }
0x53: {  	_ =	shalt  }
0x54: {  	_ =	shalt  }
0x55: {  	_ =	shalt  }
0x56: {  	_ =	shalt  }
0x57: {  	_ =	shalt  }
0x58: {  	_ =	shalt  }
0x59: {  	_ =	shalt  }
0x5a: {  	_ =	shalt  }
0x5b: {  	_ =	shalt  }
0x5c: {  	_ =	shalt  }
0x5d: {  	_ =	shalt  }
0x5e: {  	_ =	shalt  }
0x5f: {  	_ =	shalt  }
0x60: {  	_ =	shalt  }
0x61: {  	_ =	shalt  }
0x62: {  	_ =	shalt  }
0x63: {  	_ =	shalt  }
0x64: {  	_ =	shalt  }
0x65: {  	_ =	shalt  }
0x66: {  	_ =	shalt  }
0x67: {  	_ =	shalt  }
0x68: {  	_ =	shalt  }
0x69: {  	_ =	shalt  }
0x6a: {  	_ =	shalt  }
0x6b: {  	_ =	shalt  }
0x6c: {  	_ =	shalt  }
0x6d: {  	_ =	shalt  }
0x6e: {  	_ =	shalt  }
0x6f: {  	_ =	shalt  }
0x70: {  	_ =	shalt  }
0x71: {  	_ =	shalt  }
0x72: {  	_ =	shalt  }
0x73: {  	_ =	shalt  }
0x74: {  	_ =	shalt  }
0x75: {  	_ =	shalt  }
0x76: {  	_ =	shalt  }
0x77: {  	_ =	shalt  }
0x78: {  	_ =	shalt  }
0x79: {  	_ =	shalt  }
0x7a: {  	_ =	shalt  }
0x7b: {  	_ =	shalt  }
0x7c: {  	_ =	shalt  }
0x7d: {  	_ =	shalt  }
0x7e: {  	_ =	shalt  }
0x7f: {  	_ =	shalt  }
0x80: {  	_ =	shalt  }
0x81: {  	_ =	shalt  }
0x82: {  	_ =	shalt  }
0x83: {  	_ =	shalt  }
0x84: {  	_ =	shalt  }
0x85: {  	_ =	shalt  }
0x86: {  	_ =	shalt  }
0x87: {  	_ =	shalt  }
.Lfunc_end0:
.L_simem_size_0:
called_computation.2_lowered:
.L_overlay_start_0:
0x88: {  	s2 =	sld [smem:$0x3FD9]  }
0x89: {  	s3 =	sld [smem:$0x3FFE];
	_ =	sdelay $0x1  }
0x8a: {  	s1 =	srdreg.scid  }
0x8b: {  	s0 =	sand.u32 $0x1, s1  }
0x8c: {  	s15 =	sshll.u32 s0, $0xA;
	s2 =	sadd.s32 s3, s2  }
0x8d: {  	s2 =	sadd.s32 s2, s15  }
0x8e: {  	[smem:$0x3F95] =	sst s2  }
0x8f: {  	_ = 	snop  }
0x90: {  	s2 =	sld [smem:$0x3FD0];
	_ =	sdelay $0x2  }
0x91: {  	s16 =	simm.s32 $0xB;
	s4 =	simm.s32 $0x10  }
0x92: {  	[smem:s4], [sflag:s16] =	dma.local [hbm:s2], $0x1  }
0x93: {  	_ =	swait.eq [sflag:s16], $0x1  }
0x94: {  	[sflag:s16] =	ssyncset.done $0x0  }
0x95: {  	[sflag:s16] =	ssyncadd.s32 $0xFFFFFFFF  }
0x96: {  	s17 =	sld [smem:$0x11];
	(tm) =	ssettm $0x1  }
0x97: {  	s18 =	sld [smem:$0x3FFB];
	_ =	sdelay $0x3  }
0x98: {  	_ =	strace s18  }
0x99: {  	s2 =	sld [smem:$0x3FFC];
	_ =	sdelay $0x3  }
0x9a: {  	_ =	strace s2  }
0x9b: {  	s2 =	sld [smem:$0x3FFD];
	_ =	sdelay $0x3  }
0x9c: {  	_ =	strace s2  }
0x9d: {  	_ =	strace $0x8FFFFFFF  }
0x9e: {  	s19 =	sld [smem:$0x3FDB];
	_ =	sdelay $0x1  }
0x9f: {  	s20 =	simm.s32 $_scs_section_size  }
0xa0: {  	s5 =	simm.s32 $_size__tile_overlayer_lowered;
	s6 =	simm.s32 $_tile_overlayer_lowered  }
0xa1: {  	s7 =	simm.s32 $0x1BFF;
	s21 =	sshll.u32 s6, $0x1;
	s4 =	sadd.s32 s20, s19  }
0xa2: {  	s22 =	simm.s32 $0x0;
	s5 =	sshll.u32 s5, $0x1;
	s6 =	sadd.s32 s21, s4  }
0xa3: {  	[timem:s22], [sflag:s7] =	dma.local [hbm:s6], s5  }
0xa4: {  	_ =	swait.ge [sflag:s7], s5  }
0xa5: {  	s5 =	ssub.s32 $0x0, s5;
	[sflag:s7] =	ssyncset.done $0x0  }
0xa6: {  	[sflag:s7] =	ssyncadd.s32 s5;
	_ =	sdelay $0x1  }
0xa7: {  	s23 =	simm.s32 $0x1B8B  }
0xa8: {  	_ =	swait.ge [sflag:s23], $0x1  }
0xa9: {  	[sflag:s23] =	ssyncset.done $0x0  }
0xaa: {  	[sflag:s23] =	ssyncadd.s32 $0xFFFFFFFF  }
0xab: {  	s5 =	sld [smem:$0x0]  }
0xac: {  	s6 =	sand.u32 $0xFFFFFFFE, s1  }
0xad: {  	p0 =	sne.s32 s1, s6  }
0xae: {  	s6 =	sshll.u32 @p0 s6, $0xE  }
0xaf: {  	s6 =	sadd.s32 @p0 $0x11B8D, s6;
	s7 =	sshll.u32 @p0 s5, $0x11  }
0xb0: {  	s6 =	sor.u32 @p0 s7, s6  }
0xb1: {  	[sflag:s6] =	ssyncadd.remote.s32 @p0 $0x1;
	_ =	sdelay $0x1  }
0xb2: {  	s6 =	simm.s32 @p0 $0x1B8D  }
0xb3: {  	_ =	swait.eq @p0 [sflag:s6], $0x1  }
0xb4: {  	[sflag:s6] =	ssyncadd.s32 @p0 $0xFFFFFFFF  }
0xb5: {  	s7 =	sshll.u32 @!p0 s1, $0xE  }
0xb6: {  	s7 =	sor.u32 @!p0 $0x4000, s7;
	s6 =	simm.s32 @!p0 $0x1B8D  }
0xb7: {  	s5 =	sshll.u32 @!p0 s5, $0x11;
	s7 =	sadd.s32 @!p0 $0x11B8D, s7;
	_ =	swait.eq @!p0 [sflag:s6], $0x1  }
0xb8: {  	s5 =	sor.u32 @!p0 s5, s7;
	[sflag:s6] =	ssyncadd.s32 @!p0 $0xFFFFFFFF  }
0xb9: {  	s25 =	simm.s32 $0x1B8E;
	s24 =	sld [smem:$0x3FFE];
	[sflag:s5] =	ssyncadd.remote.s32 @!p0 $0x1  }
0xba: {  	s26 =	simm.s32 $execute0_lowered;
	[smem:$0x3FD2] =	sst s25  }
0xbb: {  	s6 =	sshll.u32 s26, $0x1;
	_ =	strace $0x8000004C;
	[dreg:$0x1] =	wrdreg $0xFFFFFFFF  }
0xbc: {  	s28 =	simm.s32 $_size_execute0_lowered;
	s4 =	sadd.s32 s4, s6;
	[dreg:$0x0] =	wrdreg $0x0  }
0xbd: {  	s6 =	sshll.u32 s28, $0x1;
	[dreg:$0x2] =	wrdreg s4  }
0xbe: {  	[dreg:$0x3] =	wrdreg s6  }
0xbf: {  	[dreg:$0x4] =	wrdreg $0xC0  }
0xc0: {  	_ =	task [dreg:s22], $0x5FFFF  }
0xc1: {  	[dreg:$0x1] =	wrdreg $0xFFFFFFFF  }
0xc2: {  	[dreg:$0x0] =	wrdreg $0x60  }
0xc3: {  	[dreg:$0x2] =	wrdreg s24  }
0xc4: {  	[dreg:$0x3] =	wrdreg s17  }
0xc5: {  	[dreg:$0x4] =	wrdreg $0xA8000  }
0xc6: {  	[dreg:$0x5] =	wrdreg $0xA  }
0xc7: {  	_ =	task.clear_ibuf [dreg:s22], $0x6FFFF;
	_ =	strace $0x9000004C  }
0xc8: {  	s29 =	simm.s32 $0xA;
	_ =	strace $0x8000004E  }
0xc9: {  	_ =	swait.ge [sflag:s29], $0x1  }
0xca: {  	[sflag:s29] =	ssyncadd.s32 $0xFFFFFFFF  }
0xcb: {  	_ =	strace $0x9000004E  }
0xcc: {  	_ =	sfence  }
0xcd: {  	s30 =	sld [smem:$0x0];
	_ =	sdelay $0x2  }
0xce: {  	s31 =	sshll.u32 s1, $0xD;
	s1 =	sshrl.u32 s1, $0x2  }
0xcf: {  	s4 =	sand.u32 $0x4000, s31;
	s1 =	sadd.s32 s1, s30  }
0xd0: {  	s0 =	sor.u32 s4, s0;
	s1 =	sshll.u32 s1, $0x11  }
0xd1: {  	s0 =	sor.u32 s1, s0  }
0xd2: {  	s0 =	sadd.s32 $0x8F2B, s0  }
0xd3: {  	[sflag:s0] =	ssyncadd.remote.s32 $0x1  }
0xd4: {  	_ =	sfence.sel $0xFFFF  }
0xd5: {  	[dreg:$0x0] =	wrdreg $0xFFFFFFFF;
	(pc) =	sbr.abs _section_cstart, $3  }
0xd6: {  	[dreg:$0x1] =	wrdreg $0xFFFFFFFF  }
0xd7: {  	_ =	task.clear_ibuf [dreg:s22], $0x2FFFF;
	_ =	strace $0x9FFFFFFF  }
0xd8: {  	(tm) =	ssettm $0x7FFFFFFF  }
0xd9: {  	_ =	shalt  }
tec
execute0_lowered:
.L_overlay_start_1:
0x0: {  	(tag) =	ssettag $0x1  }
0x1: {  	s4 =	rddreg [dreg:$0x0]  }
0x2: {  	s11 =	rddreg [dreg:$0x1];
	s1 =	srdreg.scid  }
0x3: {  	s0 =	stileid.u32;
	s2 =	rddreg [dreg:$0x2];
	s3 =	simm.s32 $0x0  }
0x4: {  	s25 =	simm.s32 $0x4;
	s26 =	simm.s32 $0x0;
	s10 =	smul.u32 $0x14000, s0  }
0x5: {  	s12 =	sand.u32 $0x1, s1;
	s5 =	sshll.u32 s0, $0x1;
	s21 =	smul.u32 $0x280000, s0  }
0x6: {  	[smem:$0x7FF] =	sst s3;
	s16 =	sadd.s32 $0x1C800, s4;
	s22 =	smul.u32 $0x5000, s0  }
0x7: {  	s15 =	sadd.s32 $0x526800, s4;
	s5 =	sor.u32 s12, s5;
	s23 =	smul.u32 $0x2800, s12  }
0x8: {  	_ =	strace $0x8000004D;
	s6 =	ssub.s32 $0x2, s12;
	s24 =	smul.u32 $0x140000, s12  }
0x9: {  	p0 =	seq.s32 s12, $0x0;
	s5 =	smul.u32 $0x2800, s5;
	s7 =	sshrl.u32 s6, $0x1  }
0xa: {  	s14 =	sadd.s32 $0x4000, s10;
	s17 =	sadd.s32 $0x8000, s10;
	s18 =	sadd.s32 $0xC000, s10  }
0xb: {  	s19 =	sadd.s32 $0x10000, s10;
	s20 =	sshrl.u32 s10, $0x3;
	s15 =	smov.u32 @p0 s11  }
0xc: {  	s13 =	ssub.s32 s6, s7;
	s6 =	sadd.s32 s14, s2;
	s7 =	sadd.s32 s17, s2  }
0xd: {  	s8 =	sadd.s32 s18, s2;
	s9 =	sadd.s32 s19, s2;
	s14 =	sshrl.u32 s14, $0x3  }
0xe: {  	s17 =	sshrl.u32 s17, $0x3;
	s18 =	sshrl.u32 s18, $0x3;
	s19 =	sshrl.u32 s19, $0x3  }
0xf: {  	s11 =	sadd.s32 s15, s20;
	s28 =	sadd.s32 s23, s22;
	s29 =	sadd.s32 s24, s21  }
0x10: {  	s20 =	simm.s32 $0x6800;
	s21 =	simm.s32 $0x1;
	s22 =	simm.s32 $0x80  }
0x11: {  	s23 =	simm.s32 $0x2;
	s24 =	simm.s32 $0x3;
	s5 =	sshrl.u32 s5, $0x3  }
0x12: {  	s12 =	sadd.s32 s15, s14;
	s30 =	sshll.u32 s28, $0x4;
	s14 =	sadd.s32 s15, s18  }
0x13: {  	s18 =	simm.s32 $0x5;
	s5 =	sadd.s32 s5, s4;
	s31 =	sadd.s32 s30, s16  }
0x14: {  	s4 =	sadd.s32 $0x8800, s5;
	s5 =	sadd.s32 s10, s2;
	s10 =	smax.u32 s13, $0x1  }
0x15: {  	s13 =	sadd.s32 s15, s17;
	s17 =	sshrl.u32 s29, $0x3;
	s15 =	sadd.s32 s15, s19  }
0x16: {  	v0 =	vimm.f32 $0.0e+00;
	s19 =	simm.s32 $0x2800;
	s16 =	sadd.s32 s17, s16;
	s17 =	sadd.s32 $0x800, s31  }
.LBB2_1:
0x17: {  	[tilespmem:s3], [sflag:$0x5] =	stream.linear.gather [hbm4b:s4+s3], $0x2800, $0x38;
	[tilespmem:$0x1E800] =	vst v63  }
0x18: {  	_ =	swait.ge [sflag:s18], $0x2800  }
0x19: {  	[sflag:s18] =	ssyncset.done $0x0  }
0x1a: {  	s28 =	simm.s32 $0x0;
	s29 =	simm.s32 $0x200;
	[sflag:s18] =	ssyncadd.s32 $0xFFFFD800  }
.LBB2_2:
0x1b: {  	p0 =	sne.s32 s29, $0xFE00;
	[tilespmem:s28+$0x2870] =	vst v0  }
0x1c: {  	[tilespmem:s28+$0x2800] =	vst v0  }
0x1d: {  	[tilespmem:s28+$0x2810] =	vst v0  }
.Ltmp0:
0x1e: {  	[tilespmem:s28+$0x2820] =	vst v0;
	(pc) =	sbr.rel @p0 .LBB2_2-.Ltmp0, $4  }
0x1f: {  	[tilespmem:s28+$0x2830] =	vst v0  }
0x20: {  	[tilespmem:s28+$0x2840] =	vst v0  }
0x21: {  	[tilespmem:s28+$0x2850] =	vst v0  }
0x22: {  	[tilespmem:s28+$0x2860] =	vst v0;
	s28 =	sshra.s32 s29, $0x2;
	s29 =	sadd.s32 $0x200, s29  }
0x23: {  	[tilespmem:s28+$0x2870] =	vst v0  }
0x24: {  	[tilespmem:s28+$0x2800] =	vst v0  }
0x25: {  	[tilespmem:s28+$0x2810] =	vst v0  }
0x26: {  	[tilespmem:s28+$0x2820] =	vst v0  }
0x27: {  	[tilespmem:s28+$0x2830] =	vst v0  }
0x28: {  	[tilespmem:s28+$0x2840] =	vst v0  }
0x29: {  	[tilespmem:s28+$0x2850] =	vst v0  }
0x2a: {  	[tilespmem:s28+$0x2860] =	vst v0  }
0x2b: {  	[spmem:s5] =	stream.linear.scatter [tilespmem:s19], [sflag:$0x5], $0x4000, $0x38;
	[tilespmem:$0x1E800] =	vst v63  }
0x2c: {  	_ =	swait.ge [sflag:s18], $0x4000  }
0x2d: {  	[sflag:s18] =	ssyncset.done $0x0  }
0x2e: {  	[sflag:s18] =	ssyncadd.s32 $0xFFFFC000  }
0x2f: {  	[spmem:s6] =	stream.linear.scatter [tilespmem:s19], [sflag:$0x5], $0x4000, $0x38;
	[tilespmem:$0x1E800] =	vst v63  }
0x30: {  	_ =	swait.ge [sflag:s18], $0x4000  }
0x31: {  	[sflag:s18] =	ssyncset.done $0x0  }
0x32: {  	[sflag:s18] =	ssyncadd.s32 $0xFFFFC000  }
0x33: {  	[spmem:s7] =	stream.linear.scatter [tilespmem:s19], [sflag:$0x5], $0x4000, $0x38;
	[tilespmem:$0x1E800] =	vst v63  }
0x34: {  	_ =	swait.ge [sflag:s18], $0x4000  }
0x35: {  	[sflag:s18] =	ssyncset.done $0x0  }
0x36: {  	[sflag:s18] =	ssyncadd.s32 $0xFFFFC000  }
0x37: {  	[spmem:s8] =	stream.linear.scatter [tilespmem:s19], [sflag:$0x5], $0x4000, $0x38;
	[tilespmem:$0x1E800] =	vst v63  }
0x38: {  	_ =	swait.ge [sflag:s18], $0x4000  }
0x39: {  	[sflag:s18] =	ssyncset.done $0x0  }
0x3a: {  	[sflag:s18] =	ssyncadd.s32 $0xFFFFC000  }
0x3b: {  	[spmem:s9] =	stream.linear.scatter [tilespmem:s19], [sflag:$0x5], $0x4000, $0x38;
	[tilespmem:$0x1E800] =	vst v63  }
0x3c: {  	_ =	swait.ge [sflag:s18], $0x4000  }
0x3d: {  	[sflag:s18] =	ssyncset.done $0x0  }
0x3e: {  	[sflag:s18] =	ssyncadd.s32 $0xFFFFC000  }
0x3f: {  	s28 =	sadd.s32 $0x0, s16;
	[bflag:$0x0] =	sbarrier.arrive $0xFFFF  }
0x40: {  	[tilespmem:s19], [sflag:$0x1] =	stream.linear.gather [hbm4b:s28+s3], $0x4000, $0x38;
	[tilespmem:$0x1E800] =	vst v63  }
0x41: {  	s28 =	sadd.s32 $0x0, s17  }
0x42: {  	[tilespmem:s20], [sflag:$0x2] =	stream.linear.gather [hbm4b:s28+s3], $0x4000, $0x38;
	[tilespmem:$0x1E800] =	vst v63  }
0x43: {  	_ =	swait.ge [sflag:s21], $0x4000  }
0x44: {  	[sflag:s21] =	ssyncset.done $0x0  }
0x45: {  	s28 =	simm.s32 $0x0;
	[sflag:s21] =	ssyncadd.s32 $0xFFFFC000  }
0x46: {  	[spmem:s2] =	stream.indirect.scatter.add.f32 [tilespmem:s19], [sflag:$0x3], $0x80, s28, s22, $0xb8;
	[tilespmem:$0x1E800] =	vst v63  }
0x47: {  	_ =	swait.ge [sflag:s23], $0x4000  }
0x48: {  	[sflag:s23] =	ssyncset.done $0x0  }
0x49: {  	s28 =	simm.s32 $0x80;
	[sflag:s23] =	ssyncadd.s32 $0xFFFFC000  }
0x4a: {  	[spmem:s2] =	stream.indirect.scatter.add.f32 [tilespmem:s20], [sflag:$0x4], $0x80, s28, s22, $0xb8;
	[tilespmem:$0x1E800] =	vst v63  }
0x4b: {  	_ =	swait.ge [sflag:s24], $0x4000  }
0x4c: {  	[sflag:s24] =	ssyncset.done $0x0  }
0x4d: {  	[sflag:s24] =	ssyncadd.s32 $0xFFFFC000  }
0x4e: {  	s29 =	simm.s32 $0x1000;
	_ =	swait.ge [sflag:s25], $0x4000  }
0x4f: {  	s30 =	simm.s32 $0x2000;
	s28 =	simm.s32 $0x100;
	[sflag:s25] =	ssyncset.done $0x0  }
.LBB2_4:
0x50: {  	s31 =	sadd.s32 s29, s16  }
0x51: {  	[sflag:s25] =	ssyncadd.s32 $0xFFFFC000;
	s1 =	smov.u32 s30;
	s0 =	sadd.s32 $0x1000, s30  }
0x52: {  	[tilespmem:s19], [sflag:$0x1] =	stream.linear.gather [hbm4b:s31+s3], $0x4000, $0x38;
	[tilespmem:$0x1E800] =	vst v63  }
0x53: {  	p0 =	sne.s32 s30, $0x27000;
	s30 =	sadd.s32 s29, s17;
	s29 =	smov.u32 s1  }
0x54: {  	[tilespmem:s20], [sflag:$0x2] =	stream.linear.gather [hbm4b:s30+s3], $0x4000, $0x38;
	[tilespmem:$0x1E800] =	vst v63  }
0x55: {  	_ =	swait.ge [sflag:s21], $0x4000  }
0x56: {  	[sflag:s21] =	ssyncset.done $0x0  }
0x57: {  	[sflag:s21] =	ssyncadd.s32 $0xFFFFC000  }
0x58: {  	[spmem:s2] =	stream.indirect.scatter.add.f32 [tilespmem:s19], [sflag:$0x3], $0x80, s28, s22, $0xb8;
	[tilespmem:$0x1E800] =	vst v63  }
0x59: {  	_ =	swait.ge [sflag:s23], $0x4000  }
0x5a: {  	[sflag:s23] =	ssyncset.done $0x0  }
0x5b: {  	s1 =	sadd.s32 $0x80, s28;
	[sflag:s23] =	ssyncadd.s32 $0xFFFFC000  }
0x5c: {  	[spmem:s2] =	stream.indirect.scatter.add.f32 [tilespmem:s20], [sflag:$0x4], $0x80, s1, s22, $0xb8;
	[tilespmem:$0x1E800] =	vst v63  }
.Ltmp1:
0x5d: {  	_ =	swait.ge [sflag:s24], $0x4000;
	(pc) =	sbr.rel @p0 .LBB2_4-.Ltmp1, $4  }
0x5e: {  	[sflag:s24] =	ssyncset.done $0x0  }
0x5f: {  	[sflag:s24] =	ssyncadd.s32 $0xFFFFC000  }
0x60: {  	_ =	swait.ge [sflag:s25], $0x4000  }
0x61: {  	s30 =	smov.u32 s0;
	s28 =	sadd.s32 $0x100, s28;
	[sflag:s25] =	ssyncset.done $0x0  }
0x62: {  	s0 =	sadd.s32 s29, s16;
	[sflag:s25] =	ssyncadd.s32 $0xFFFFC000  }
0x63: {  	[tilespmem:s19], [sflag:$0x1] =	stream.linear.gather [hbm4b:s0+s3], $0x4000, $0x38;
	[tilespmem:$0x1E800] =	vst v63  }
0x64: {  	s30 =	sadd.s32 s29, s17  }
0x65: {  	[tilespmem:s20], [sflag:$0x2] =	stream.linear.gather [hbm4b:s30+s3], $0x4000, $0x38;
	[tilespmem:$0x1E800] =	vst v63  }
0x66: {  	_ =	swait.ge [sflag:s21], $0x4000  }
0x67: {  	[sflag:s21] =	ssyncset.done $0x0  }
0x68: {  	[sflag:s21] =	ssyncadd.s32 $0xFFFFC000  }
0x69: {  	[spmem:s2] =	stream.indirect.scatter.add.f32 [tilespmem:s19], [sflag:$0x3], $0x80, s28, s22, $0xb8;
	[tilespmem:$0x1E800] =	vst v63  }
0x6a: {  	_ =	swait.ge [sflag:s23], $0x4000  }
0x6b: {  	[sflag:s23] =	ssyncset.done $0x0  }
0x6c: {  	s31 =	sadd.s32 $0x80, s28;
	[sflag:s23] =	ssyncadd.s32 $0xFFFFC000  }
0x6d: {  	[spmem:s2] =	stream.indirect.scatter.add.f32 [tilespmem:s20], [sflag:$0x4], $0x80, s31, s22, $0xb8;
	[tilespmem:$0x1E800] =	vst v63  }
0x6e: {  	_ =	swait.ge [sflag:s24], $0x4000  }
0x6f: {  	[sflag:s24] =	ssyncset.done $0x0  }
0x70: {  	[sflag:s24] =	ssyncadd.s32 $0xFFFFC000  }
0x71: {  	_ =	swait.ge [sflag:s25], $0x4000  }
0x72: {  	[sflag:s25] =	ssyncset.done $0x0  }
0x73: {  	[sflag:s25] =	ssyncadd.s32 $0xFFFFC000  }
0x74: {  	[bflag:$0x0] =	sbarrier.arrive $0xFFFF  }
0x75: {  	[tilespmem:s19], [sflag:$0x5] =	stream.linear.gather [spmem:s5], $0x4000, $0x38;
	[tilespmem:$0x1E800] =	vst v63  }
0x76: {  	_ =	swait.ge [sflag:s18], $0x4000  }
0x77: {  	[sflag:s18] =	ssyncset.done $0x0  }
0x78: {  	[sflag:s18] =	ssyncadd.s32 $0xFFFFC000  }
0x79: {  	[hbm4b:s11+s3] =	stream.linear.scatter [tilespmem:s19], [sflag:$0x5], $0x4000, $0x38;
	[tilespmem:$0x1E800] =	vst v63  }
0x7a: {  	_ =	swait.ge [sflag:s18], $0x4000  }
0x7b: {  	[sflag:s18] =	ssyncset.done $0x0  }
0x7c: {  	[sflag:s18] =	ssyncadd.s32 $0xFFFFC000  }
0x7d: {  	[tilespmem:s19], [sflag:$0x5] =	stream.linear.gather [spmem:s6], $0x4000, $0x38;
	[tilespmem:$0x1E800] =	vst v63  }
0x7e: {  	_ =	swait.ge [sflag:s18], $0x4000  }
0x7f: {  	[sflag:s18] =	ssyncset.done $0x0  }
0x80: {  	[sflag:s18] =	ssyncadd.s32 $0xFFFFC000  }
0x81: {  	[hbm4b:s12+s3] =	stream.linear.scatter [tilespmem:s19], [sflag:$0x5], $0x4000, $0x38;
	[tilespmem:$0x1E800] =	vst v63  }
0x82: {  	_ =	swait.ge [sflag:s18], $0x4000  }
0x83: {  	[sflag:s18] =	ssyncset.done $0x0  }
0x84: {  	[sflag:s18] =	ssyncadd.s32 $0xFFFFC000  }
0x85: {  	[tilespmem:s19], [sflag:$0x5] =	stream.linear.gather [spmem:s7], $0x4000, $0x38;
	[tilespmem:$0x1E800] =	vst v63  }
0x86: {  	_ =	swait.ge [sflag:s18], $0x4000  }
0x87: {  	[sflag:s18] =	ssyncset.done $0x0  }
0x88: {  	[sflag:s18] =	ssyncadd.s32 $0xFFFFC000  }
0x89: {  	[hbm4b:s13+s3] =	stream.linear.scatter [tilespmem:s19], [sflag:$0x5], $0x4000, $0x38;
	[tilespmem:$0x1E800] =	vst v63  }
0x8a: {  	_ =	swait.ge [sflag:s18], $0x4000  }
0x8b: {  	[sflag:s18] =	ssyncset.done $0x0  }
0x8c: {  	[sflag:s18] =	ssyncadd.s32 $0xFFFFC000  }
0x8d: {  	[tilespmem:s19], [sflag:$0x5] =	stream.linear.gather [spmem:s8], $0x4000, $0x38;
	[tilespmem:$0x1E800] =	vst v63  }
0x8e: {  	_ =	swait.ge [sflag:s18], $0x4000  }
0x8f: {  	[sflag:s18] =	ssyncset.done $0x0  }
0x90: {  	[sflag:s18] =	ssyncadd.s32 $0xFFFFC000  }
0x91: {  	[hbm4b:s14+s3] =	stream.linear.scatter [tilespmem:s19], [sflag:$0x5], $0x4000, $0x38;
	[tilespmem:$0x1E800] =	vst v63  }
0x92: {  	_ =	swait.ge [sflag:s18], $0x4000  }
0x93: {  	[sflag:s18] =	ssyncset.done $0x0  }
0x94: {  	[sflag:s18] =	ssyncadd.s32 $0xFFFFC000  }
0x95: {  	[tilespmem:s19], [sflag:$0x5] =	stream.linear.gather [spmem:s9], $0x4000, $0x38;
	[tilespmem:$0x1E800] =	vst v63  }
0x96: {  	s26 =	sadd.s32 $0x1, s26;
	_ =	swait.ge [sflag:s18], $0x4000  }
0x97: {  	p0 =	sne.s32 s26, s10;
	[sflag:s18] =	ssyncset.done $0x0  }
.Ltmp2:
0x98: {  	[sflag:s18] =	ssyncadd.s32 $0xFFFFC000;
	(pc) =	sbr.rel @p0 .LBB2_1-.Ltmp2, $4  }
0x99: {  	[hbm4b:s15+s3] =	stream.linear.scatter [tilespmem:s19], [sflag:$0x5], $0x4000, $0x38;
	[tilespmem:$0x1E800] =	vst v63  }
0x9a: {  	_ =	swait.ge [sflag:s18], $0x4000  }
0x9b: {  	[sflag:s18] =	ssyncset.done $0x0  }
0x9c: {  	[sflag:s18] =	ssyncadd.s32 $0xFFFFC000  }
0x9d: {  	_ =	sfence.sel $0x180000  }
0x9e: {  	[bflag:$0x0] =	sbarrier.arrive $0xFFFF  }
0x9f: {  	_ =	strace $0x9000004D  }
0xa0: {  	s0 =	stileid.u32;
	[bflag:$0x2] =	sbarrier.arrive $0xFFFF  }
0xa1: {  	p0 =	sne.s32 s0, $0x0;
	s0 =	rddreg [dreg:$0x3]  }
0xa2: {  	s0 =	sadd.s32 @!p0 $0x100000, s0  }
0xa3: {  	[sflag:s0] =	ssyncadd.tile.s32 @!p0 $0x1;
	_ =	shalt  }
.Lfunc_end2:
_tile_overlayer_lowered:
.L_overlay_start_2:
0xa4: {  	(tag) =	ssettag $0x2  }
0xa5: {  	s0 =	rddreg [dreg:$0x0];
	s2 =	stileid.u32  }
0xa6: {  	s1 =	rddreg [dreg:$0x1];
	p0 =	sne.s32 s2, $0x0  }
0xa7: {  	s3 =	rddreg [dreg:$0x2];
	[bflag:$0x3] =	sbarrier.arrive $0xFFFF;
	s2 =	simm.s32 @!p0 $0x1C05  }
0xa8: {  	[timem:s3], [sflag:s2] =	dma.local @!p0 [hbm:s0], s1  }
0xa9: {  	s0 =	simm.s32 @!p0 $0x5  }
0xaa: {  	_ =	swait.ge @!p0 [sflag:s0], s1  }
0xab: {  	s1 =	ssub.s32 @!p0 $0x0, s1;
	[sflag:s0] =	ssyncset.done @!p0 $0x0  }
0xac: {  	[sflag:s0] =	ssyncadd.s32 @!p0 s1  }
0xad: {  	[bflag:$0x3] =	sbarrier.arrive $0xFFFF  }
0xae: {  	_ =	shalt  }

// kernel: kernel.20.cloned.1.call-start
scs
__scs_entry_jumppad:
0x0: {  	(pc) =	sbr.rel $0x88, $3  }
0x1: {  	(tag) =	ssettag $0x0;
	lr =	simm.s32 $0x1  }
0x2: {  	[smem:$0x3F6E] =	sst lr;
	_ =	strace $0xD0000000  }
0x3: {  	_ = 	snop  }
0x4: {  	_ = 	snop  }
0x5: {  	_ = 	snop  }
0x6: {  	_ = 	snop  }
0x7: {  	_ = 	snop  }
__scs_overlays_trampoline_lowered:
0x8: {  	[smem:$0x3F7D] =	sst s0  }
0x9: {  	[smem:$0x3F7E] =	sst s1  }
0xa: {  	[smem:$0x3F7F] =	sst s2  }
0xb: {  	[smem:$0x3F80] =	sst s3  }
0xc: {  	[smem:$0x3F81] =	sst s4  }
0xd: {  	[smem:$0x3F82] =	sst s5  }
0xe: {  	[smem:$0x3F83] =	sst s6  }
0xf: {  	[smem:$0x3F84] =	sst s7  }
0x10: {  	[smem:$0x3F85] =	sst s8  }
0x11: {  	[smem:$0x3F86] =	sst s9;
	s0 =	simm.s32 @!p0 $0x0  }
0x12: {  	s1 =	sld [smem:$0x3F6C];
	s0 =	simm.s32 @p0 $0x1  }
0x13: {  	[smem:$0x3F87] =	sst s0;
	s0 =	simm.s32 @!p1 $0x0  }
0x14: {  	s2 =	sld [smem:$0x3F6B];
	s0 =	simm.s32 @p1 $0x1  }
0x15: {  	[smem:$0x3F88] =	sst s0;
	s0 =	simm.s32 @!p2 $0x0  }
0x16: {  	s3 =	sld [smem:$0x3FDB];
	s0 =	simm.s32 @p2 $0x1  }
0x17: {  	s4 =	simm.s32 $0x1BF5;
	[smem:$0x3F8A] =	sst s0  }
0x18: {  	s0 =	sld [smem:$0x3F6D];
	_ =	swait.ge [sflag:s4], $0x0  }
0x19: {  	s7 =	sld [smem:$0x3F6E]  }
0x1a: {  	s8 =	sadd.s32 $0xFFFFE003, lr  }
0x1b: {  	s9 =	sadd.s32 $0xFFFFFEF7, lr;
	s5 =	simm.s32 $0xFFFFFFFF;
	p2 =	slt.u32 s8, $0xFFFFF086  }
0x1c: {  	p1 =	slt.u32 s9, $0xF7A;
	s5 =	simm.s32 @!p2 $0x0  }
0x1d: {  	s5 =	simm.s32 @p1 $0x1;
	p0 =	seq.s32 s7, s2  }
0x1e: {  	s7 =	smul.u32 @!p0 $0xF7A, s2;
	p2 =	seq.s32 @!p0 s5, $0x0  }
0x1f: {  	s9 =	smul.u32 $0xF7A, s1;
	s8 =	simm.s32 @!p0 $0x1BF5;
	p2 =	por !p2, p0  }
0x20: {  	[sflag:s8] =	ssyncset.s32 @!p0 $0xFFFFF086;
	s6 =	sadd.s32 @!p0 s3, s7;
	s7 =	simm.s32 @!p0 $0x108  }
0x21: {  	s3 =	sadd.s32 s3, s9;
	s6 =	sadd.s32 @!p0 $0x88, s6;
	s7 =	simm.s32 @p2 $0x1082  }
0x22: {  	[simem:s7], [sflag:s8] =	dma.local @!p0 [hbm:s6], $0xF7A  }
0x23: {  	s9 =	sor.u32 $0xD0000000, s2;
	s6 =	simm.s32 $0x108;
	_ =	swait.ge @!p0 [sflag:s8], $0x0  }
0x24: {  	s3 =	sadd.s32 $0x88, s3;
	s6 =	simm.s32 @!p1 $0x1082;
	[sflag:s4] =	ssyncset.s32 $0xFFFFF086  }
0x25: {  	[simem:s6], [sflag:s4] =	dma.local [hbm:s3], $0xF7A  }
0x26: {  	[smem:$0x3F6E] =	sst s1;
	(tag) =	ssettag s2;
	_ =	strace s9  }
0x27: {  	s1 =	sld [smem:$0x3F7E]  }
0x28: {  	s2 =	sld [smem:$0x3F7F]  }
0x29: {  	s4 =	sld [smem:$0x3F81]  }
0x2a: {  	p0 =	seq.s32 s5, $0x0;
	s5 =	sld [smem:$0x3F82]  }
0x2b: {  	s6 =	sld [smem:$0x3F83]  }
0x2c: {  	s7 =	sld [smem:$0x3F84]  }
0x2d: {  	s3 =	simm.s32 $0x108;
	s8 =	sld [smem:$0x3F85]  }
0x2e: {  	s3 =	simm.s32 @!p0 $0x1082;
	s9 =	sld [smem:$0x3F86]  }
0x2f: {  	lr =	sadd.s32 s0, s3;
	s0 =	sld [smem:$0x3F7D]  }
0x30: {  	s3 =	sld [smem:$0x3F80]  }
0x31: {  	[smem:$0x3F89] =	sst s10  }
0x32: {  	s10 =	sld [smem:$0x3F87];
	_ =	sdelay $0x3  }
0x33: {  	p0 =	seq.s32 s10, $0x1;
	s10 =	sld [smem:$0x3F89];
	_ =	sdelay $0x3  }
0x34: {  	[smem:$0x3F89] =	sst s10  }
0x35: {  	s10 =	sld [smem:$0x3F88];
	_ =	sdelay $0x3  }
0x36: {  	p1 =	seq.s32 s10, $0x1;
	s10 =	sld [smem:$0x3F89];
	_ =	sdelay $0x3  }
0x37: {  	[smem:$0x3F89] =	sst s10  }
0x38: {  	s10 =	sld [smem:$0x3F8A]  }
0x39: {  	_ = 	snop;
	(pc) =	sbr.ind lr, $3  }
0x3a: {  	_ = 	snop  }
0x3b: {  	_ = 	snop  }
0x3c: {  	p2 =	seq.s32 s10, $0x1;
	s10 =	sld [smem:$0x3F89]  }
0x3d: {  	_ =	shalt  }
0x3e: {  	_ =	shalt  }
0x3f: {  	_ =	shalt  }
0x40: {  	_ =	shalt  }
0x41: {  	_ =	shalt  }
0x42: {  	_ =	shalt  }
0x43: {  	_ =	shalt  }
0x44: {  	_ =	shalt  }
0x45: {  	_ =	shalt  }
0x46: {  	_ =	shalt  }
0x47: {  	_ =	shalt  }
0x48: {  	_ =	shalt  }
0x49: {  	_ =	shalt  }
0x4a: {  	_ =	shalt  }
0x4b: {  	_ =	shalt  }
0x4c: {  	_ =	shalt  }
0x4d: {  	_ =	shalt  }
0x4e: {  	_ =	shalt  }
0x4f: {  	_ =	shalt  }
0x50: {  	_ =	shalt  }
0x51: {  	_ =	shalt  }
0x52: {  	_ =	shalt  }
0x53: {  	_ =	shalt  }
0x54: {  	_ =	shalt  }
0x55: {  	_ =	shalt  }
0x56: {  	_ =	shalt  }
0x57: {  	_ =	shalt  }
0x58: {  	_ =	shalt  }
0x59: {  	_ =	shalt  }
0x5a: {  	_ =	shalt  }
0x5b: {  	_ =	shalt  }
0x5c: {  	_ =	shalt  }
0x5d: {  	_ =	shalt  }
0x5e: {  	_ =	shalt  }
0x5f: {  	_ =	shalt  }
0x60: {  	_ =	shalt  }
0x61: {  	_ =	shalt  }
0x62: {  	_ =	shalt  }
0x63: {  	_ =	shalt  }
0x64: {  	_ =	shalt  }
0x65: {  	_ =	shalt  }
0x66: {  	_ =	shalt  }
0x67: {  	_ =	shalt  }
0x68: {  	_ =	shalt  }
0x69: {  	_ =	shalt  }
0x6a: {  	_ =	shalt  }
0x6b: {  	_ =	shalt  }
0x6c: {  	_ =	shalt  }
0x6d: {  	_ =	shalt  }
0x6e: {  	_ =	shalt  }
0x6f: {  	_ =	shalt  }
0x70: {  	_ =	shalt  }
0x71: {  	_ =	shalt  }
0x72: {  	_ =	shalt  }
0x73: {  	_ =	shalt  }
0x74: {  	_ =	shalt  }
0x75: {  	_ =	shalt  }
0x76: {  	_ =	shalt  }
0x77: {  	_ =	shalt  }
0x78: {  	_ =	shalt  }
0x79: {  	_ =	shalt  }
0x7a: {  	_ =	shalt  }
0x7b: {  	_ =	shalt  }
0x7c: {  	_ =	shalt  }
0x7d: {  	_ =	shalt  }
0x7e: {  	_ =	shalt  }
0x7f: {  	_ =	shalt  }
0x80: {  	_ =	shalt  }
0x81: {  	_ =	shalt  }
0x82: {  	_ =	shalt  }
0x83: {  	_ =	shalt  }
0x84: {  	_ =	shalt  }
0x85: {  	_ =	shalt  }
0x86: {  	_ =	shalt  }
0x87: {  	_ =	shalt  }
.Lfunc_end0:
.L_simem_size_0:
called_computation.3_lowered:
.L_overlay_start_0:
0x88: {  	s2 =	sld [smem:$0x3FD9]  }
0x89: {  	s3 =	sld [smem:$0x3FFE];
	_ =	sdelay $0x1  }
0x8a: {  	s1 =	srdreg.scid  }
0x8b: {  	s0 =	sand.u32 $0x1, s1  }
0x8c: {  	s14 =	sshll.u32 s0, $0xA;
	s2 =	sadd.s32 s3, s2  }
0x8d: {  	s2 =	sadd.s32 s2, s14  }
0x8e: {  	[smem:$0x3F95] =	sst s2  }
0x8f: {  	_ = 	snop  }
0x90: {  	s2 =	sld [smem:$0x3FD0];
	_ =	sdelay $0x2  }
0x91: {  	s15 =	simm.s32 $0xB;
	s4 =	simm.s32 $0x10  }
0x92: {  	[smem:s4], [sflag:s15] =	dma.local [hbm:s2], $0x1  }
0x93: {  	_ =	swait.eq [sflag:s15], $0x1  }
0x94: {  	[sflag:s15] =	ssyncset.done $0x0  }
0x95: {  	[sflag:s15] =	ssyncadd.s32 $0xFFFFFFFF  }
0x96: {  	s16 =	sld [smem:$0x11];
	(tm) =	ssettm $0x1  }
0x97: {  	s17 =	sld [smem:$0x3FFB];
	_ =	sdelay $0x3  }
0x98: {  	_ =	strace s17  }
0x99: {  	s3 =	sld [smem:$0x3FFC];
	_ =	sdelay $0x3  }
0x9a: {  	_ =	strace s3  }
0x9b: {  	s3 =	sld [smem:$0x3FFD];
	_ =	sdelay $0x3  }
0x9c: {  	_ =	strace s3  }
0x9d: {  	_ =	strace $0x8FFFFFFF  }
0x9e: {  	s18 =	sld [smem:$0x3FDB];
	_ =	sdelay $0x1  }
0x9f: {  	s19 =	simm.s32 $_scs_section_size  }
0xa0: {  	s5 =	simm.s32 $_size__tile_overlayer_lowered;
	s6 =	simm.s32 $_tile_overlayer_lowered  }
0xa1: {  	s22 =	simm.s32 $0x1BFF;
	s21 =	sshll.u32 s6, $0x1;
	s3 =	sadd.s32 s19, s18  }
0xa2: {  	s7 =	simm.s32 $0x0;
	s20 =	sshll.u32 s5, $0x1;
	s5 =	sadd.s32 s21, s3  }
0xa3: {  	[timem:s7], [sflag:s22] =	dma.local [hbm:s5], s20  }
0xa4: {  	_ =	swait.ge [sflag:s22], s20  }
0xa5: {  	s4 =	ssub.s32 $0x0, s20;
	[sflag:s22] =	ssyncset.done $0x0  }
0xa6: {  	[sflag:s22] =	ssyncadd.s32 s4;
	_ =	sdelay $0x1  }
0xa7: {  	s23 =	simm.s32 $0x1B8B  }
0xa8: {  	_ =	swait.ge [sflag:s23], $0x1  }
0xa9: {  	[sflag:s23] =	ssyncset.done $0x0  }
0xaa: {  	s25 =	simm.s32 $0x1B8E;
	s24 =	sld [smem:$0x3FFE];
	[sflag:s23] =	ssyncadd.s32 $0xFFFFFFFF  }
0xab: {  	s26 =	simm.s32 $execute0_lowered;
	[smem:$0x3FD2] =	sst s25  }
0xac: {  	s5 =	sshll.u32 s26, $0x1;
	_ =	strace $0x8000004F;
	[dreg:$0x1] =	wrdreg $0xFFFFFFFF  }
0xad: {  	s28 =	simm.s32 $_size_execute0_lowered;
	s3 =	sadd.s32 s3, s5;
	[dreg:$0x0] =	wrdreg $0x0  }
0xae: {  	s5 =	sshll.u32 s28, $0x1;
	[dreg:$0x2] =	wrdreg s3  }
0xaf: {  	[dreg:$0x3] =	wrdreg s5  }
0xb0: {  	[dreg:$0x4] =	wrdreg $0xC0  }
0xb1: {  	_ =	task [dreg:s7], $0x5FFFF  }
0xb2: {  	[dreg:$0x1] =	wrdreg $0xFFFFFFFF  }
0xb3: {  	[dreg:$0x0] =	wrdreg $0x60  }
0xb4: {  	[dreg:$0x2] =	wrdreg s16  }
0xb5: {  	[dreg:$0x3] =	wrdreg s24  }
0xb6: {  	[dreg:$0x4] =	wrdreg $0xD0000  }
0xb7: {  	[dreg:$0x5] =	wrdreg $0x9  }
0xb8: {  	_ =	task.clear_ibuf [dreg:s7], $0x6FFFF;
	_ =	strace $0x9000004F  }
0xb9: {  	s29 =	simm.s32 $0x9;
	_ =	strace $0x80000051  }
0xba: {  	_ =	swait.ge [sflag:s29], $0x1  }
0xbb: {  	[sflag:s29] =	ssyncadd.s32 $0xFFFFFFFF  }
0xbc: {  	_ =	strace $0x90000051  }
0xbd: {  	_ =	sfence  }
0xbe: {  	s30 =	sld [smem:$0x0];
	_ =	sdelay $0x2  }
0xbf: {  	s31 =	sshll.u32 s1, $0xD;
	s1 =	sshrl.u32 s1, $0x2  }
0xc0: {  	s3 =	sand.u32 $0x4000, s31;
	s1 =	sadd.s32 s1, s30  }
0xc1: {  	s0 =	sor.u32 s3, s0;
	s1 =	sshll.u32 s1, $0x11  }
0xc2: {  	s0 =	sor.u32 s1, s0  }
0xc3: {  	s0 =	sadd.s32 $0x8F2B, s0  }
0xc4: {  	[sflag:s0] =	ssyncadd.remote.s32 $0x1  }
0xc5: {  	_ =	sfence.sel $0xFFFF  }
0xc6: {  	[dreg:$0x0] =	wrdreg $0xFFFFFFFF;
	(pc) =	sbr.abs _section_cstart, $3  }
0xc7: {  	[dreg:$0x1] =	wrdreg $0xFFFFFFFF  }
0xc8: {  	_ =	task.clear_ibuf [dreg:s7], $0x2FFFF;
	_ =	strace $0x9FFFFFFF  }
0xc9: {  	(tm) =	ssettm $0x7FFFFFFF  }
tec
execute0_lowered:
.L_overlay_start_1:
0x0: {  	(tag) =	ssettag $0x1  }
0x1: {  	s0 =	srdreg.scid;
	s1 =	rddreg [dreg:$0x0]  }
0x2: {  	s14 =	stileid.u32;
	s4 =	rddreg [dreg:$0x1];
	s28 =	simm.s32 $0x1  }
0x3: {  	s29 =	simm.s32 $0x3;
	s30 =	simm.s32 $0x2;
	s31 =	simm.s32 $0x4  }
0x4: {  	s0 =	sand.u32 $0x1, s0;
	s2 =	sshll.u32 s14, $0x1;
	s19 =	sadd.s32 $0x1C800, s4  }
0x5: {  	s12 =	smul.u32 $0x14000, s14;
	s3 =	sor.u32 s0, s2;
	s2 =	rddreg [dreg:$0x2]  }
0x6: {  	s6 =	ssub.s32 $0x2, s0;
	s5 =	smul.u32 $0x2800, s3;
	s3 =	simm.s32 $0x0  }
0x7: {  	s7 =	sshrl.u32 s6, $0x1;
	s13 =	sshrl.u32 s12, $0x4;
	s15 =	sshrl.u32 s12, $0x1  }
0x8: {  	s17 =	sadd.s32 $0x4000, s12;
	s22 =	sadd.s32 $0xC000, s12;
	[smem:$0x7FF] =	sst s3  }
0x9: {  	s6 =	ssub.s32 s6, s7;
	s16 =	sadd.s32 s15, s2;
	s8 =	sshrl.u32 s17, $0x4  }
0xa: {  	s15 =	smul.u32 $0x280000, s14;
	s5 =	sshrl.u32 s5, $0x3;
	_ =	strace $0x80000050  }
0xb: {  	[dreg:$0x7] =	wrdreg s16;
	s18 =	sadd.s32 s1, s8;
	s16 =	smul.u32 $0x140000, s0  }
0xc: {  	s0 =	smul.u32 $0x2800, s0;
	s5 =	sadd.s32 s5, s4;
	s4 =	sadd.s32 $0x29C800, s4  }
0xd: {  	[dreg:$0x8] =	wrdreg s18;
	s18 =	smul.u32 $0x5000, s14;
	s11 =	sadd.s32 $0x12800, s5  }
0xe: {  	s5 =	sadd.s32 $0x8800, s5;
	s25 =	sadd.s32 s16, s15;
	[dreg:$0x4] =	wrdreg s11  }
0xf: {  	s16 =	smax.u32 s6, $0x1;
	[dreg:$0x5] =	wrdreg s5;
	s5 =	sadd.s32 s1, s13  }
0x10: {  	s11 =	sadd.s32 $0x8000, s12;
	s13 =	sshrl.u32 s22, $0x4;
	s0 =	sadd.s32 s0, s18  }
0x11: {  	s26 =	sshrl.u32 s25, $0x4;
	s25 =	simm.s32 $0x7000;
	[dreg:$0x6] =	wrdreg s5  }
0x12: {  	s5 =	sshrl.u32 s17, $0x1;
	s20 =	sshrl.u32 s11, $0x4;
	s21 =	sshrl.u32 s11, $0x1  }
0x13: {  	s17 =	sadd.s32 $0x10000, s12;
	s12 =	sadd.s32 s1, s13;
	s0 =	sshll.u32 s0, $0x3  }
0x14: {  	s18 =	sadd.s32 s26, s19;
	s9 =	sadd.s32 s5, s2;
	s10 =	sadd.s32 s1, s20  }
0x15: {  	s11 =	sadd.s32 s21, s2;
	s5 =	sshrl.u32 s22, $0x1;
	s23 =	sshrl.u32 s17, $0x4  }
0x16: {  	s24 =	sshrl.u32 s17, $0x1;
	s17 =	sadd.s32 s26, s4;
	s0 =	sor.u32 $0x400, s0  }
0x17: {  	s21 =	simm.s32 $0x6;
	s22 =	simm.s32 $0x5000;
	s26 =	simm.s32 $0xB000  }
0x18: {  	s13 =	sadd.s32 s5, s2;
	s14 =	sadd.s32 s1, s23;
	s15 =	sadd.s32 s24, s2  }
0x19: {  	s19 =	sadd.s32 s0, s19;
	s20 =	sadd.s32 s0, s4;
	s23 =	simm.s32 $0x80  }
0x1a: {  	s24 =	simm.s32 $0x9000;
	s1 =	simm.s32 $0x5;
	s0 =	simm.s32 $0x0  }
.LBB2_1:
0x1b: {  	s4 =	rddreg [dreg:$0x4]  }
0x1c: {  	[tilespmem:s3], [sflag:$0x6] =	stream.linear.gather [hbm4b:s4+s3], $0x2800, $0x38;
	[tilespmem:$0x17000] =	vst v63  }
0x1d: {  	_ =	swait.ge [sflag:s21], $0x2800  }
0x1e: {  	[sflag:s21] =	ssyncset.done $0x0  }
0x1f: {  	s4 =	simm.s32 $0x2800;
	s5 =	rddreg [dreg:$0x5];
	[sflag:s21] =	ssyncadd.s32 $0xFFFFD800  }
0x20: {  	[tilespmem:s4], [sflag:$0x6] =	stream.linear.gather [hbm4b:s5+s3], $0x2800, $0x38;
	[tilespmem:$0x17000] =	vst v63  }
0x21: {  	_ =	swait.ge [sflag:s21], $0x2800  }
0x22: {  	[sflag:s21] =	ssyncset.done $0x0  }
0x23: {  	s6 =	rddreg [dreg:$0x6];
	[sflag:s21] =	ssyncadd.s32 $0xFFFFD800  }
0x24: {  	[tilespmem:s22], [sflag:$0x6] =	stream.linear.gather [hbm4b:s6+s3], $0x2000, $0x38;
	[tilespmem:$0x17000] =	vst v63  }
0x25: {  	_ =	swait.ge [sflag:s21], $0x2000  }
0x26: {  	[sflag:s21] =	ssyncset.done $0x0  }
0x27: {  	s7 =	rddreg [dreg:$0x7];
	[sflag:s21] =	ssyncadd.s32 $0xFFFFE000  }
0x28: {  	[spmem:s7] =	stream.linear.scatter [tilespmem:s22], [sflag:$0x6], $0x2000, $0x38;
	[tilespmem:$0x17000] =	vst v63  }
0x29: {  	_ =	swait.ge [sflag:s21], $0x2000  }
0x2a: {  	[sflag:s21] =	ssyncset.done $0x0  }
0x2b: {  	s8 =	rddreg [dreg:$0x8];
	[sflag:s21] =	ssyncadd.s32 $0xFFFFE000  }
0x2c: {  	[tilespmem:s22], [sflag:$0x6] =	stream.linear.gather [hbm4b:s8+s3], $0x2000, $0x38;
	[tilespmem:$0x17000] =	vst v63  }
0x2d: {  	_ =	swait.ge [sflag:s21], $0x2000  }
0x2e: {  	[sflag:s21] =	ssyncset.done $0x0  }
0x2f: {  	[sflag:s21] =	ssyncadd.s32 $0xFFFFE000  }
0x30: {  	[spmem:s9] =	stream.linear.scatter [tilespmem:s22], [sflag:$0x6], $0x2000, $0x38;
	[tilespmem:$0x17000] =	vst v63  }
0x31: {  	_ =	swait.ge [sflag:s21], $0x2000  }
0x32: {  	[sflag:s21] =	ssyncset.done $0x0  }
0x33: {  	[sflag:s21] =	ssyncadd.s32 $0xFFFFE000  }
0x34: {  	[tilespmem:s22], [sflag:$0x6] =	stream.linear.gather [hbm4b:s10+s3], $0x2000, $0x38;
	[tilespmem:$0x17000] =	vst v63  }
0x35: {  	_ =	swait.ge [sflag:s21], $0x2000  }
0x36: {  	[sflag:s21] =	ssyncset.done $0x0  }
0x37: {  	[sflag:s21] =	ssyncadd.s32 $0xFFFFE000  }
0x38: {  	[spmem:s11] =	stream.linear.scatter [tilespmem:s22], [sflag:$0x6], $0x2000, $0x38;
	[tilespmem:$0x17000] =	vst v63  }
0x39: {  	_ =	swait.ge [sflag:s21], $0x2000  }
0x3a: {  	[sflag:s21] =	ssyncset.done $0x0  }
0x3b: {  	[sflag:s21] =	ssyncadd.s32 $0xFFFFE000  }
0x3c: {  	[tilespmem:s22], [sflag:$0x6] =	stream.linear.gather [hbm4b:s12+s3], $0x2000, $0x38;
	[tilespmem:$0x17000] =	vst v63  }
0x3d: {  	_ =	swait.ge [sflag:s21], $0x2000  }
0x3e: {  	[sflag:s21] =	ssyncset.done $0x0  }
0x3f: {  	[sflag:s21] =	ssyncadd.s32 $0xFFFFE000  }
0x40: {  	[spmem:s13] =	stream.linear.scatter [tilespmem:s22], [sflag:$0x6], $0x2000, $0x38;
	[tilespmem:$0x17000] =	vst v63  }
0x41: {  	_ =	swait.ge [sflag:s21], $0x2000  }
0x42: {  	[sflag:s21] =	ssyncset.done $0x0  }
0x43: {  	[sflag:s21] =	ssyncadd.s32 $0xFFFFE000  }
0x44: {  	[tilespmem:s22], [sflag:$0x6] =	stream.linear.gather [hbm4b:s14+s3], $0x2000, $0x38;
	[tilespmem:$0x17000] =	vst v63  }
0x45: {  	_ =	swait.ge [sflag:s21], $0x2000  }
0x46: {  	[sflag:s21] =	ssyncset.done $0x0  }
0x47: {  	[sflag:s21] =	ssyncadd.s32 $0xFFFFE000  }
0x48: {  	[spmem:s15] =	stream.linear.scatter [tilespmem:s22], [sflag:$0x6], $0x2000, $0x38;
	[tilespmem:$0x17000] =	vst v63  }
0x49: {  	_ =	swait.ge [sflag:s21], $0x2000  }
0x4a: {  	[sflag:s21] =	ssyncset.done $0x0  }
0x4b: {  	[sflag:s21] =	ssyncadd.s32 $0xFFFFE000  }
0x4c: {  	[bflag:$0x0] =	sbarrier.arrive $0xFFFF  }
0x4d: {  	[tilespmem:s22], [sflag:$0x1] =	stream.indirect.gather [spmem:s2], $0x40, s3, s23, $0xb8;
	[tilespmem:$0x17000] =	vst v63  }
0x4e: {  	_ = 	snop  }
0x4f: {  	[tilespmem:s24], [sflag:$0x3] =	stream.indirect.gather [spmem:s2], $0x40, s4, s23, $0xb8;
	[tilespmem:$0x17000] =	vst v63  }
0x50: {  	s6 =	simm.s32 $0x80  }
0x51: {  	[tilespmem:s25], [sflag:$0x2] =	stream.indirect.gather [spmem:s2], $0x40, s6, s23, $0xb8;
	[tilespmem:$0x17000] =	vst v63  }
0x52: {  	s7 =	simm.s32 $0x2880  }
0x53: {  	[tilespmem:s26], [sflag:$0x4] =	stream.indirect.gather [spmem:s2], $0x40, s7, s23, $0xb8;
	[tilespmem:$0x17000] =	vst v63  }
0x54: {  	_ =	swait.ge [sflag:s28], $0x2000  }
0x55: {  	[sflag:s28] =	ssyncset.done $0x0  }
0x56: {  	s8 =	sadd.s32 $0x0, s18;
	[sflag:s28] =	ssyncadd.s32 $0xFFFFE000  }
0x57: {  	[hbm4b:s8+s3] =	stream.linear.scatter [tilespmem:s22], [sflag:$0x5], $0x2000, $0x38;
	[tilespmem:$0x17000] =	vst v63  }
0x58: {  	_ =	swait.ge [sflag:s29], $0x2000  }
0x59: {  	[sflag:s29] =	ssyncset.done $0x0  }
0x5a: {  	s6 =	sadd.s32 $0x0, s17;
	[sflag:s29] =	ssyncadd.s32 $0xFFFFE000  }
0x5b: {  	[hbm4b:s6+s3] =	stream.linear.scatter [tilespmem:s24], [sflag:$0x5], $0x2000, $0x38;
	[tilespmem:$0x17000] =	vst v63  }
0x5c: {  	_ =	swait.ge [sflag:s30], $0x2000  }
0x5d: {  	[sflag:s30] =	ssyncset.done $0x0  }
0x5e: {  	s7 =	sadd.s32 $0x0, s19;
	[sflag:s30] =	ssyncadd.s32 $0xFFFFE000  }
0x5f: {  	[hbm4b:s7+s3] =	stream.linear.scatter [tilespmem:s25], [sflag:$0x5], $0x2000, $0x38;
	[tilespmem:$0x17000] =	vst v63  }
0x60: {  	_ =	swait.ge [sflag:s31], $0x2000  }
0x61: {  	[sflag:s31] =	ssyncset.done $0x0  }
0x62: {  	s8 =	sadd.s32 $0x0, s20;
	[sflag:s31] =	ssyncadd.s32 $0xFFFFE000  }
0x63: {  	[hbm4b:s8+s3] =	stream.linear.scatter [tilespmem:s26], [sflag:$0x5], $0x2000, $0x38;
	[tilespmem:$0x17000] =	vst v63  }
0x64: {  	_ =	swait.ge [sflag:s1], $0x2000  }
0x65: {  	[sflag:s1] =	ssyncset.done $0x0  }
0x66: {  	[sflag:s1] =	ssyncadd.s32 $0xFFFFE000  }
0x67: {  	_ =	swait.ge [sflag:s1], $0x2000  }
0x68: {  	[sflag:s1] =	ssyncset.done $0x0  }
0x69: {  	[sflag:s1] =	ssyncadd.s32 $0xFFFFE000  }
0x6a: {  	_ =	swait.ge [sflag:s1], $0x2000  }
0x6b: {  	[sflag:s1] =	ssyncset.done $0x0  }
0x6c: {  	[sflag:s1] =	ssyncadd.s32 $0xFFFFE000  }
0x6d: {  	_ =	swait.ge [sflag:s1], $0x2000  }
0x6e: {  	s5 =	simm.s32 $0x800;
	s6 =	simm.s32 $0x0;
	[sflag:s1] =	ssyncset.done $0x0  }
.LBB2_2:
0x6f: {  	[sflag:s1] =	ssyncadd.s32 $0xFFFFE000;
	s6 =	sadd.s32 $0x100, s6;
	s4 =	sadd.s32 $0x100, s4  }
0x70: {  	[tilespmem:s22], [sflag:$0x1] =	stream.indirect.gather [spmem:s2], $0x40, s6, s23, $0xb8;
	[tilespmem:$0x17000] =	vst v63  }
0x71: {  	p0 =	sne.s32 s5, $0x13800;
	s7 =	smov.u32 s5;
	s5 =	sadd.s32 $0x800, s5  }
0x72: {  	[tilespmem:s24], [sflag:$0x3] =	stream.indirect.gather [spmem:s2], $0x40, s4, s23, $0xb8;
	[tilespmem:$0x17000] =	vst v63  }
0x73: {  	s8 =	sadd.s32 $0x80, s6  }
0x74: {  	[tilespmem:s25], [sflag:$0x2] =	stream.indirect.gather [spmem:s2], $0x40, s8, s23, $0xb8;
	[tilespmem:$0x17000] =	vst v63  }
0x75: {  	s8 =	sadd.s32 $0x80, s4  }
0x76: {  	[tilespmem:s26], [sflag:$0x4] =	stream.indirect.gather [spmem:s2], $0x40, s8, s23, $0xb8;
	[tilespmem:$0x17000] =	vst v63  }
0x77: {  	_ =	swait.ge [sflag:s28], $0x2000  }
0x78: {  	[sflag:s28] =	ssyncset.done $0x0  }
0x79: {  	s8 =	sadd.s32 s7, s18;
	[sflag:s28] =	ssyncadd.s32 $0xFFFFE000  }
0x7a: {  	[hbm4b:s8+s3] =	stream.linear.scatter [tilespmem:s22], [sflag:$0x5], $0x2000, $0x38;
	[tilespmem:$0x17000] =	vst v63  }
0x7b: {  	_ =	swait.ge [sflag:s29], $0x2000  }
0x7c: {  	[sflag:s29] =	ssyncset.done $0x0  }
0x7d: {  	s8 =	sadd.s32 s7, s17;
	[sflag:s29] =	ssyncadd.s32 $0xFFFFE000  }
0x7e: {  	[hbm4b:s8+s3] =	stream.linear.scatter [tilespmem:s24], [sflag:$0x5], $0x2000, $0x38;
	[tilespmem:$0x17000] =	vst v63  }
0x7f: {  	_ =	swait.ge [sflag:s30], $0x2000  }
0x80: {  	[sflag:s30] =	ssyncset.done $0x0  }
0x81: {  	s8 =	sadd.s32 s7, s19;
	[sflag:s30] =	ssyncadd.s32 $0xFFFFE000  }
0x82: {  	[hbm4b:s8+s3] =	stream.linear.scatter [tilespmem:s25], [sflag:$0x5], $0x2000, $0x38;
	[tilespmem:$0x17000] =	vst v63  }
0x83: {  	_ =	swait.ge [sflag:s31], $0x2000  }
0x84: {  	[sflag:s31] =	ssyncset.done $0x0  }
0x85: {  	s7 =	sadd.s32 s7, s20;
	[sflag:s31] =	ssyncadd.s32 $0xFFFFE000  }
0x86: {  	[hbm4b:s7+s3] =	stream.linear.scatter [tilespmem:s26], [sflag:$0x5], $0x2000, $0x38;
	[tilespmem:$0x17000] =	vst v63  }
0x87: {  	_ =	swait.ge [sflag:s1], $0x2000  }
0x88: {  	[sflag:s1] =	ssyncset.done $0x0  }
0x89: {  	[sflag:s1] =	ssyncadd.s32 $0xFFFFE000  }
0x8a: {  	_ =	swait.ge [sflag:s1], $0x2000  }
0x8b: {  	[sflag:s1] =	ssyncset.done $0x0  }
0x8c: {  	[sflag:s1] =	ssyncadd.s32 $0xFFFFE000  }
.Ltmp0:
0x8d: {  	_ =	swait.ge [sflag:s1], $0x2000;
	(pc) =	sbr.rel @p0 .LBB2_2-.Ltmp0, $4  }
0x8e: {  	[sflag:s1] =	ssyncset.done $0x0  }
0x8f: {  	[sflag:s1] =	ssyncadd.s32 $0xFFFFE000  }
0x90: {  	_ =	swait.ge [sflag:s1], $0x2000  }
0x91: {  	[sflag:s1] =	ssyncset.done $0x0  }
0x92: {  	s0 =	sadd.s32 $0x1, s0  }
0x93: {  	p0 =	sne.s32 s0, s16  }
.Ltmp1:
0x94: {  	_ = 	snop;
	(pc) =	sbr.rel @p0 .LBB2_1-.Ltmp1, $2  }
0x95: {  	_ =	sdelay $0x2  }
0x96: {  	[sflag:s1] =	ssyncadd.s32 $0xFFFFE000  }
0x97: {  	_ =	sfence.sel $0x180000  }
0x98: {  	[bflag:$0x0] =	sbarrier.arrive $0xFFFF  }
0x99: {  	_ =	strace $0x90000050  }
0x9a: {  	s0 =	stileid.u32;
	[bflag:$0x2] =	sbarrier.arrive $0xFFFF  }
0x9b: {  	p0 =	sne.s32 s0, $0x0;
	s0 =	rddreg [dreg:$0x3]  }
0x9c: {  	s0 =	sadd.s32 @!p0 $0x100000, s0  }
0x9d: {  	[sflag:s0] =	ssyncadd.tile.s32 @!p0 $0x1;
	_ =	shalt  }
.Lfunc_end2:
_tile_overlayer_lowered:
.L_overlay_start_2:
0x9e: {  	(tag) =	ssettag $0x2  }
0x9f: {  	s0 =	rddreg [dreg:$0x0];
	s2 =	stileid.u32  }
0xa0: {  	s1 =	rddreg [dreg:$0x1];
	p0 =	sne.s32 s2, $0x0  }
0xa1: {  	s3 =	rddreg [dreg:$0x2];
	[bflag:$0x3] =	sbarrier.arrive $0xFFFF;
	s2 =	simm.s32 @!p0 $0x1C06  }
0xa2: {  	[timem:s3], [sflag:s2] =	dma.local @!p0 [hbm:s0], s1  }
0xa3: {  	s0 =	simm.s32 @!p0 $0x6  }
0xa4: {  	_ =	swait.ge @!p0 [sflag:s0], s1  }
0xa5: {  	s1 =	ssub.s32 @!p0 $0x0, s1;
	[sflag:s0] =	ssyncset.done @!p0 $0x0  }
0xa6: {  	[sflag:s0] =	ssyncadd.s32 @!p0 s1  }
0xa7: {  	[bflag:$0x3] =	sbarrier.arrive $0xFFFF  }
0xa8: {  	_ =	shalt  }

// kernel: kernel.23.cloned.1.call-start
scs
__scs_entry_jumppad:
0x0: {  	(pc) =	sbr.rel $0x88, $3  }
0x1: {  	(tag) =	ssettag $0x0;
	lr =	simm.s32 $0x1  }
0x2: {  	[smem:$0x3F6E] =	sst lr;
	_ =	strace $0xD0000000  }
0x3: {  	_ = 	snop  }
0x4: {  	_ = 	snop  }
0x5: {  	_ = 	snop  }
0x6: {  	_ = 	snop  }
0x7: {  	_ = 	snop  }
__scs_overlays_trampoline_lowered:
0x8: {  	[smem:$0x3F7D] =	sst s0  }
0x9: {  	[smem:$0x3F7E] =	sst s1  }
0xa: {  	[smem:$0x3F7F] =	sst s2  }
0xb: {  	[smem:$0x3F80] =	sst s3  }
0xc: {  	[smem:$0x3F81] =	sst s4  }
0xd: {  	[smem:$0x3F82] =	sst s5  }
0xe: {  	[smem:$0x3F83] =	sst s6  }
0xf: {  	[smem:$0x3F84] =	sst s7  }
0x10: {  	[smem:$0x3F85] =	sst s8  }
0x11: {  	[smem:$0x3F86] =	sst s9;
	s0 =	simm.s32 @!p0 $0x0  }
0x12: {  	s1 =	sld [smem:$0x3F6C];
	s0 =	simm.s32 @p0 $0x1  }
0x13: {  	[smem:$0x3F87] =	sst s0;
	s0 =	simm.s32 @!p1 $0x0  }
0x14: {  	s2 =	sld [smem:$0x3F6B];
	s0 =	simm.s32 @p1 $0x1  }
0x15: {  	[smem:$0x3F88] =	sst s0;
	s0 =	simm.s32 @!p2 $0x0  }
0x16: {  	s3 =	sld [smem:$0x3FDB];
	s0 =	simm.s32 @p2 $0x1  }
0x17: {  	s4 =	simm.s32 $0x1BF5;
	[smem:$0x3F8A] =	sst s0  }
0x18: {  	s0 =	sld [smem:$0x3F6D];
	_ =	swait.ge [sflag:s4], $0x0  }
0x19: {  	s7 =	sld [smem:$0x3F6E]  }
0x1a: {  	s8 =	sadd.s32 $0xFFFFE003, lr  }
0x1b: {  	s9 =	sadd.s32 $0xFFFFFEF7, lr;
	s5 =	simm.s32 $0xFFFFFFFF;
	p2 =	slt.u32 s8, $0xFFFFF086  }
0x1c: {  	p1 =	slt.u32 s9, $0xF7A;
	s5 =	simm.s32 @!p2 $0x0  }
0x1d: {  	s5 =	simm.s32 @p1 $0x1;
	p0 =	seq.s32 s7, s2  }
0x1e: {  	s7 =	smul.u32 @!p0 $0xF7A, s2;
	p2 =	seq.s32 @!p0 s5, $0x0  }
0x1f: {  	s9 =	smul.u32 $0xF7A, s1;
	s8 =	simm.s32 @!p0 $0x1BF5;
	p2 =	por !p2, p0  }
0x20: {  	[sflag:s8] =	ssyncset.s32 @!p0 $0xFFFFF086;
	s6 =	sadd.s32 @!p0 s3, s7;
	s7 =	simm.s32 @!p0 $0x108  }
0x21: {  	s3 =	sadd.s32 s3, s9;
	s6 =	sadd.s32 @!p0 $0x88, s6;
	s7 =	simm.s32 @p2 $0x1082  }
0x22: {  	[simem:s7], [sflag:s8] =	dma.local @!p0 [hbm:s6], $0xF7A  }
0x23: {  	s9 =	sor.u32 $0xD0000000, s2;
	s6 =	simm.s32 $0x108;
	_ =	swait.ge @!p0 [sflag:s8], $0x0  }
0x24: {  	s3 =	sadd.s32 $0x88, s3;
	s6 =	simm.s32 @!p1 $0x1082;
	[sflag:s4] =	ssyncset.s32 $0xFFFFF086  }
0x25: {  	[simem:s6], [sflag:s4] =	dma.local [hbm:s3], $0xF7A  }
0x26: {  	[smem:$0x3F6E] =	sst s1;
	(tag) =	ssettag s2;
	_ =	strace s9  }
0x27: {  	s1 =	sld [smem:$0x3F7E]  }
0x28: {  	s2 =	sld [smem:$0x3F7F]  }
0x29: {  	s4 =	sld [smem:$0x3F81]  }
0x2a: {  	p0 =	seq.s32 s5, $0x0;
	s5 =	sld [smem:$0x3F82]  }
0x2b: {  	s6 =	sld [smem:$0x3F83]  }
0x2c: {  	s7 =	sld [smem:$0x3F84]  }
0x2d: {  	s3 =	simm.s32 $0x108;
	s8 =	sld [smem:$0x3F85]  }
0x2e: {  	s3 =	simm.s32 @!p0 $0x1082;
	s9 =	sld [smem:$0x3F86]  }
0x2f: {  	lr =	sadd.s32 s0, s3;
	s0 =	sld [smem:$0x3F7D]  }
0x30: {  	s3 =	sld [smem:$0x3F80]  }
0x31: {  	[smem:$0x3F89] =	sst s10  }
0x32: {  	s10 =	sld [smem:$0x3F87];
	_ =	sdelay $0x3  }
0x33: {  	p0 =	seq.s32 s10, $0x1;
	s10 =	sld [smem:$0x3F89];
	_ =	sdelay $0x3  }
0x34: {  	[smem:$0x3F89] =	sst s10  }
0x35: {  	s10 =	sld [smem:$0x3F88];
	_ =	sdelay $0x3  }
0x36: {  	p1 =	seq.s32 s10, $0x1;
	s10 =	sld [smem:$0x3F89];
	_ =	sdelay $0x3  }
0x37: {  	[smem:$0x3F89] =	sst s10  }
0x38: {  	s10 =	sld [smem:$0x3F8A]  }
0x39: {  	_ = 	snop;
	(pc) =	sbr.ind lr, $3  }
0x3a: {  	_ = 	snop  }
0x3b: {  	_ = 	snop  }
0x3c: {  	p2 =	seq.s32 s10, $0x1;
	s10 =	sld [smem:$0x3F89]  }
0x3d: {  	_ =	shalt  }
0x3e: {  	_ =	shalt  }
0x3f: {  	_ =	shalt  }
0x40: {  	_ =	shalt  }
0x41: {  	_ =	shalt  }
0x42: {  	_ =	shalt  }
0x43: {  	_ =	shalt  }
0x44: {  	_ =	shalt  }
0x45: {  	_ =	shalt  }
0x46: {  	_ =	shalt  }
0x47: {  	_ =	shalt  }
0x48: {  	_ =	shalt  }
0x49: {  	_ =	shalt  }
0x4a: {  	_ =	shalt  }
0x4b: {  	_ =	shalt  }
0x4c: {  	_ =	shalt  }
0x4d: {  	_ =	shalt  }
0x4e: {  	_ =	shalt  }
0x4f: {  	_ =	shalt  }
0x50: {  	_ =	shalt  }
0x51: {  	_ =	shalt  }
0x52: {  	_ =	shalt  }
0x53: {  	_ =	shalt  }
0x54: {  	_ =	shalt  }
0x55: {  	_ =	shalt  }
0x56: {  	_ =	shalt  }
0x57: {  	_ =	shalt  }
0x58: {  	_ =	shalt  }
0x59: {  	_ =	shalt  }
0x5a: {  	_ =	shalt  }
0x5b: {  	_ =	shalt  }
0x5c: {  	_ =	shalt  }
0x5d: {  	_ =	shalt  }
0x5e: {  	_ =	shalt  }
0x5f: {  	_ =	shalt  }
0x60: {  	_ =	shalt  }
0x61: {  	_ =	shalt  }
0x62: {  	_ =	shalt  }
0x63: {  	_ =	shalt  }
0x64: {  	_ =	shalt  }
0x65: {  	_ =	shalt  }
0x66: {  	_ =	shalt  }
0x67: {  	_ =	shalt  }
0x68: {  	_ =	shalt  }
0x69: {  	_ =	shalt  }
0x6a: {  	_ =	shalt  }
0x6b: {  	_ =	shalt  }
0x6c: {  	_ =	shalt  }
0x6d: {  	_ =	shalt  }
0x6e: {  	_ =	shalt  }
0x6f: {  	_ =	shalt  }
0x70: {  	_ =	shalt  }
0x71: {  	_ =	shalt  }
0x72: {  	_ =	shalt  }
0x73: {  	_ =	shalt  }
0x74: {  	_ =	shalt  }
0x75: {  	_ =	shalt  }
0x76: {  	_ =	shalt  }
0x77: {  	_ =	shalt  }
0x78: {  	_ =	shalt  }
0x79: {  	_ =	shalt  }
0x7a: {  	_ =	shalt  }
0x7b: {  	_ =	shalt  }
0x7c: {  	_ =	shalt  }
0x7d: {  	_ =	shalt  }
0x7e: {  	_ =	shalt  }
0x7f: {  	_ =	shalt  }
0x80: {  	_ =	shalt  }
0x81: {  	_ =	shalt  }
0x82: {  	_ =	shalt  }
0x83: {  	_ =	shalt  }
0x84: {  	_ =	shalt  }
0x85: {  	_ =	shalt  }
0x86: {  	_ =	shalt  }
0x87: {  	_ =	shalt  }
.Lfunc_end0:
.L_simem_size_0:
called_computation.4_lowered:
.L_overlay_start_0:
0x88: {  	s2 =	sld [smem:$0x3FD9]  }
0x89: {  	s3 =	sld [smem:$0x3FFE];
	_ =	sdelay $0x1  }
0x8a: {  	s1 =	srdreg.scid  }
0x8b: {  	s0 =	sand.u32 $0x1, s1  }
0x8c: {  	s16 =	sshll.u32 s0, $0xA;
	s2 =	sadd.s32 s3, s2  }
0x8d: {  	s2 =	sadd.s32 s2, s16  }
0x8e: {  	[smem:$0x3F95] =	sst s2  }
0x8f: {  	_ = 	snop  }
0x90: {  	(tm) =	ssettm $0x1  }
0x91: {  	s17 =	sld [smem:$0x3FFB];
	_ =	sdelay $0x3  }
0x92: {  	_ =	strace s17  }
0x93: {  	s2 =	sld [smem:$0x3FFC];
	_ =	sdelay $0x3  }
0x94: {  	_ =	strace s2  }
0x95: {  	s2 =	sld [smem:$0x3FFD];
	_ =	sdelay $0x3  }
0x96: {  	_ =	strace s2  }
0x97: {  	_ =	strace $0x8FFFFFFF  }
0x98: {  	s18 =	sld [smem:$0x3FDB];
	_ =	sdelay $0x1  }
0x99: {  	s19 =	simm.s32 $_scs_section_size  }
0x9a: {  	s4 =	simm.s32 $_size__tile_overlayer_lowered;
	s5 =	simm.s32 $_tile_overlayer_lowered  }
0x9b: {  	s22 =	simm.s32 $0x1BFF;
	s21 =	sshll.u32 s5, $0x1;
	s2 =	sadd.s32 s19, s18  }
0x9c: {  	s6 =	simm.s32 $0x0;
	s20 =	sshll.u32 s4, $0x1;
	s4 =	sadd.s32 s21, s2  }
0x9d: {  	[timem:s6], [sflag:s22] =	dma.local [hbm:s4], s20  }
0x9e: {  	_ =	swait.ge [sflag:s22], s20  }
0x9f: {  	s3 =	ssub.s32 $0x0, s20;
	[sflag:s22] =	ssyncset.done $0x0  }
0xa0: {  	[sflag:s22] =	ssyncadd.s32 s3;
	_ =	sdelay $0x1  }
0xa1: {  	s23 =	simm.s32 $0x1B8B  }
0xa2: {  	_ =	swait.ge [sflag:s23], $0x1  }
0xa3: {  	[sflag:s23] =	ssyncset.done $0x0  }
0xa4: {  	s25 =	simm.s32 $0x1B8E;
	s24 =	sld [smem:$0x3FFE];
	[sflag:s23] =	ssyncadd.s32 $0xFFFFFFFF  }
0xa5: {  	s26 =	simm.s32 $execute0_lowered;
	[smem:$0x3FD2] =	sst s25  }
0xa6: {  	s4 =	sshll.u32 s26, $0x1;
	_ =	strace $0x80000052;
	[dreg:$0x1] =	wrdreg $0xFFFFFFFF  }
0xa7: {  	s28 =	simm.s32 $_size_execute0_lowered;
	s2 =	sadd.s32 s2, s4;
	[dreg:$0x0] =	wrdreg $0x0  }
0xa8: {  	s4 =	sshll.u32 s28, $0x1;
	[dreg:$0x2] =	wrdreg s2  }
0xa9: {  	[dreg:$0x3] =	wrdreg s4  }
0xaa: {  	[dreg:$0x4] =	wrdreg $0xC0  }
0xab: {  	_ =	task [dreg:s6], $0x5FFFF  }
0xac: {  	[dreg:$0x1] =	wrdreg $0xFFFFFFFF  }
0xad: {  	[dreg:$0x0] =	wrdreg $0x60  }
0xae: {  	[dreg:$0x2] =	wrdreg s24  }
0xaf: {  	[dreg:$0x3] =	wrdreg $0xA8000  }
0xb0: {  	[dreg:$0x4] =	wrdreg $0x9  }
0xb1: {  	_ =	task.clear_ibuf [dreg:s6], $0x5FFFF;
	_ =	strace $0x90000052  }
0xb2: {  	s29 =	simm.s32 $0x9;
	_ =	strace $0x80000054  }
0xb3: {  	_ =	swait.ge [sflag:s29], $0x1  }
0xb4: {  	[sflag:s29] =	ssyncadd.s32 $0xFFFFFFFF  }
0xb5: {  	_ =	strace $0x90000054  }
0xb6: {  	_ =	sfence  }
0xb7: {  	s30 =	sld [smem:$0x0];
	_ =	sdelay $0x2  }
0xb8: {  	s31 =	sshll.u32 s1, $0xD;
	s1 =	sshrl.u32 s1, $0x2  }
0xb9: {  	s3 =	sand.u32 $0x4000, s31;
	s1 =	sadd.s32 s1, s30  }
0xba: {  	s0 =	sor.u32 s3, s0;
	s1 =	sshll.u32 s1, $0x11  }
0xbb: {  	s0 =	sor.u32 s1, s0  }
0xbc: {  	s0 =	sadd.s32 $0x8F2B, s0  }
0xbd: {  	[sflag:s0] =	ssyncadd.remote.s32 $0x1  }
0xbe: {  	_ =	sfence.sel $0xFFFF  }
0xbf: {  	[dreg:$0x0] =	wrdreg $0xFFFFFFFF;
	(pc) =	sbr.abs _section_cstart, $3  }
0xc0: {  	[dreg:$0x1] =	wrdreg $0xFFFFFFFF  }
0xc1: {  	_ =	task.clear_ibuf [dreg:s6], $0x2FFFF;
	_ =	strace $0x9FFFFFFF  }
0xc2: {  	(tm) =	ssettm $0x7FFFFFFF  }
0xc3: {  	_ =	shalt  }
tec
execute0_lowered:
.L_overlay_start_1:
0x0: {  	(tag) =	ssettag $0x1  }
0x1: {  	s11 =	rddreg [dreg:$0x0]  }
0x2: {  	s1 =	srdreg.scid;
	s0 =	stileid.u32  }
0x3: {  	s2 =	rddreg [dreg:$0x1];
	s3 =	simm.s32 $0x0;
	s21 =	simm.s32 $0x12800  }
0x4: {  	s25 =	simm.s32 $0x4;
	s26 =	simm.s32 $0x0;
	s10 =	smul.u32 $0x14000, s0  }
0x5: {  	s12 =	sand.u32 $0x1, s1;
	s4 =	sshll.u32 s0, $0x1;
	s20 =	smul.u32 $0x280000, s0  }
0x6: {  	[smem:$0x7FF] =	sst s3;
	s16 =	sadd.s32 $0x11A8600, s11;
	s22 =	smul.u32 $0x5000, s0  }
0x7: {  	s4 =	sor.u32 s12, s4;
	_ =	strace $0x80000053;
	s23 =	smul.u32 $0x2800, s12  }
0x8: {  	s5 =	ssub.s32 $0x2, s12;
	p0 =	seq.s32 s12, $0x0;
	s24 =	smul.u32 $0x140000, s12  }
0x9: {  	s4 =	smul.u32 $0x2800, s4;
	s6 =	sshrl.u32 s5, $0x1;
	s14 =	sadd.s32 $0x4000, s10  }
0xa: {  	s15 =	sadd.s32 $0x8000, s10;
	s17 =	sadd.s32 $0xC000, s10;
	s18 =	sadd.s32 $0x10000, s10  }
0xb: {  	s19 =	sshrl.u32 s10, $0x3;
	s21 =	simm.s32 @!p0 $0x3A800;
	s13 =	ssub.s32 s5, s6  }
0xc: {  	s5 =	sadd.s32 s10, s2;
	s6 =	sadd.s32 s14, s2;
	s7 =	sadd.s32 s15, s2  }
0xd: {  	s8 =	sadd.s32 s17, s2;
	s9 =	sadd.s32 s18, s2;
	s14 =	sshrl.u32 s14, $0x3  }
0xe: {  	s15 =	sshrl.u32 s15, $0x3;
	s17 =	sshrl.u32 s17, $0x3;
	s18 =	sshrl.u32 s18, $0x3  }
0xf: {  	s21 =	sadd.s32 s21, s11;
	s28 =	sadd.s32 s23, s22;
	s29 =	sadd.s32 s24, s20  }
0x10: {  	s20 =	simm.s32 $0x6800;
	s22 =	simm.s32 $0x80;
	s23 =	simm.s32 $0x2  }
0x11: {  	s24 =	simm.s32 $0x3;
	s4 =	sshrl.u32 s4, $0x3;
	s10 =	smax.u32 s13, $0x1  }
0x12: {  	s12 =	sadd.s32 s21, s14;
	s13 =	sadd.s32 s21, s15;
	s30 =	sshll.u32 s28, $0x4  }
0x13: {  	s14 =	sadd.s32 s21, s17;
	s31 =	sshrl.u32 s29, $0x3;
	s15 =	sadd.s32 s21, s18  }
0x14: {  	s18 =	simm.s32 $0x5;
	s4 =	sadd.s32 s4, s11;
	s11 =	sadd.s32 s21, s19  }
0x15: {  	s19 =	sadd.s32 s30, s16;
	s16 =	sadd.s32 s31, s16;
	s21 =	simm.s32 $0x1  }
0x16: {  	v0 =	vimm.f32 $0.0e+00;
	s4 =	sadd.s32 $0x8800, s4;
	s17 =	sadd.s32 $0x800, s19;
	s19 =	simm.s32 $0x2800  }
.LBB2_1:
0x17: {  	[tilespmem:s3], [sflag:$0x5] =	stream.linear.gather [hbm4b:s4+s3], $0x2800, $0x38;
	[tilespmem:$0x1E800] =	vst v63  }
0x18: {  	_ =	swait.ge [sflag:s18], $0x2800  }
0x19: {  	[sflag:s18] =	ssyncset.done $0x0  }
0x1a: {  	s28 =	simm.s32 $0x0;
	s29 =	simm.s32 $0x200;
	[sflag:s18] =	ssyncadd.s32 $0xFFFFD800  }
.LBB2_2:
0x1b: {  	p0 =	sne.s32 s29, $0xFE00;
	[tilespmem:s28+$0x2870] =	vst v0  }
0x1c: {  	[tilespmem:s28+$0x2800] =	vst v0  }
0x1d: {  	[tilespmem:s28+$0x2810] =	vst v0  }
.Ltmp0:
0x1e: {  	[tilespmem:s28+$0x2820] =	vst v0;
	(pc) =	sbr.rel @p0 .LBB2_2-.Ltmp0, $4  }
0x1f: {  	[tilespmem:s28+$0x2830] =	vst v0  }
0x20: {  	[tilespmem:s28+$0x2840] =	vst v0  }
0x21: {  	[tilespmem:s28+$0x2850] =	vst v0  }
0x22: {  	[tilespmem:s28+$0x2860] =	vst v0;
	s28 =	sshra.s32 s29, $0x2;
	s29 =	sadd.s32 $0x200, s29  }
0x23: {  	[tilespmem:s28+$0x2870] =	vst v0  }
0x24: {  	[tilespmem:s28+$0x2800] =	vst v0  }
0x25: {  	[tilespmem:s28+$0x2810] =	vst v0  }
0x26: {  	[tilespmem:s28+$0x2820] =	vst v0  }
0x27: {  	[tilespmem:s28+$0x2830] =	vst v0  }
0x28: {  	[tilespmem:s28+$0x2840] =	vst v0  }
0x29: {  	[tilespmem:s28+$0x2850] =	vst v0  }
0x2a: {  	[tilespmem:s28+$0x2860] =	vst v0  }
0x2b: {  	[spmem:s5] =	stream.linear.scatter [tilespmem:s19], [sflag:$0x5], $0x4000, $0x38;
	[tilespmem:$0x1E800] =	vst v63  }
0x2c: {  	_ =	swait.ge [sflag:s18], $0x4000  }
0x2d: {  	[sflag:s18] =	ssyncset.done $0x0  }
0x2e: {  	[sflag:s18] =	ssyncadd.s32 $0xFFFFC000  }
0x2f: {  	[spmem:s6] =	stream.linear.scatter [tilespmem:s19], [sflag:$0x5], $0x4000, $0x38;
	[tilespmem:$0x1E800] =	vst v63  }
0x30: {  	_ =	swait.ge [sflag:s18], $0x4000  }
0x31: {  	[sflag:s18] =	ssyncset.done $0x0  }
0x32: {  	[sflag:s18] =	ssyncadd.s32 $0xFFFFC000  }
0x33: {  	[spmem:s7] =	stream.linear.scatter [tilespmem:s19], [sflag:$0x5], $0x4000, $0x38;
	[tilespmem:$0x1E800] =	vst v63  }
0x34: {  	_ =	swait.ge [sflag:s18], $0x4000  }
0x35: {  	[sflag:s18] =	ssyncset.done $0x0  }
0x36: {  	[sflag:s18] =	ssyncadd.s32 $0xFFFFC000  }
0x37: {  	[spmem:s8] =	stream.linear.scatter [tilespmem:s19], [sflag:$0x5], $0x4000, $0x38;
	[tilespmem:$0x1E800] =	vst v63  }
0x38: {  	_ =	swait.ge [sflag:s18], $0x4000  }
0x39: {  	[sflag:s18] =	ssyncset.done $0x0  }
0x3a: {  	[sflag:s18] =	ssyncadd.s32 $0xFFFFC000  }
0x3b: {  	[spmem:s9] =	stream.linear.scatter [tilespmem:s19], [sflag:$0x5], $0x4000, $0x38;
	[tilespmem:$0x1E800] =	vst v63  }
0x3c: {  	_ =	swait.ge [sflag:s18], $0x4000  }
0x3d: {  	[sflag:s18] =	ssyncset.done $0x0  }
0x3e: {  	[sflag:s18] =	ssyncadd.s32 $0xFFFFC000  }
0x3f: {  	s28 =	sadd.s32 $0x0, s16;
	[bflag:$0x0] =	sbarrier.arrive $0xFFFF  }
0x40: {  	[tilespmem:s19], [sflag:$0x1] =	stream.linear.gather [hbm4b:s28+s3], $0x4000, $0x38;
	[tilespmem:$0x1E800] =	vst v63  }
0x41: {  	s28 =	sadd.s32 $0x0, s17  }
0x42: {  	[tilespmem:s20], [sflag:$0x2] =	stream.linear.gather [hbm4b:s28+s3], $0x4000, $0x38;
	[tilespmem:$0x1E800] =	vst v63  }
0x43: {  	_ =	swait.ge [sflag:s21], $0x4000  }
0x44: {  	[sflag:s21] =	ssyncset.done $0x0  }
0x45: {  	s28 =	simm.s32 $0x0;
	[sflag:s21] =	ssyncadd.s32 $0xFFFFC000  }
0x46: {  	[spmem:s2] =	stream.indirect.scatter.add.f32 [tilespmem:s19], [sflag:$0x3], $0x80, s28, s22, $0xb8;
	[tilespmem:$0x1E800] =	vst v63  }
0x47: {  	_ =	swait.ge [sflag:s23], $0x4000  }
0x48: {  	[sflag:s23] =	ssyncset.done $0x0  }
0x49: {  	s28 =	simm.s32 $0x80;
	[sflag:s23] =	ssyncadd.s32 $0xFFFFC000  }
0x4a: {  	[spmem:s2] =	stream.indirect.scatter.add.f32 [tilespmem:s20], [sflag:$0x4], $0x80, s28, s22, $0xb8;
	[tilespmem:$0x1E800] =	vst v63  }
0x4b: {  	_ =	swait.ge [sflag:s24], $0x4000  }
0x4c: {  	[sflag:s24] =	ssyncset.done $0x0  }
0x4d: {  	[sflag:s24] =	ssyncadd.s32 $0xFFFFC000  }
0x4e: {  	s29 =	simm.s32 $0x1000;
	_ =	swait.ge [sflag:s25], $0x4000  }
0x4f: {  	s30 =	simm.s32 $0x2000;
	s28 =	simm.s32 $0x100;
	[sflag:s25] =	ssyncset.done $0x0  }
.LBB2_4:
0x50: {  	s31 =	sadd.s32 s29, s16  }
0x51: {  	[sflag:s25] =	ssyncadd.s32 $0xFFFFC000;
	s1 =	smov.u32 s30;
	s0 =	sadd.s32 $0x1000, s30  }
0x52: {  	[tilespmem:s19], [sflag:$0x1] =	stream.linear.gather [hbm4b:s31+s3], $0x4000, $0x38;
	[tilespmem:$0x1E800] =	vst v63  }
0x53: {  	p0 =	sne.s32 s30, $0x27000;
	s30 =	sadd.s32 s29, s17;
	s29 =	smov.u32 s1  }
0x54: {  	[tilespmem:s20], [sflag:$0x2] =	stream.linear.gather [hbm4b:s30+s3], $0x4000, $0x38;
	[tilespmem:$0x1E800] =	vst v63  }
0x55: {  	_ =	swait.ge [sflag:s21], $0x4000  }
0x56: {  	[sflag:s21] =	ssyncset.done $0x0  }
0x57: {  	[sflag:s21] =	ssyncadd.s32 $0xFFFFC000  }
0x58: {  	[spmem:s2] =	stream.indirect.scatter.add.f32 [tilespmem:s19], [sflag:$0x3], $0x80, s28, s22, $0xb8;
	[tilespmem:$0x1E800] =	vst v63  }
0x59: {  	_ =	swait.ge [sflag:s23], $0x4000  }
0x5a: {  	[sflag:s23] =	ssyncset.done $0x0  }
0x5b: {  	s1 =	sadd.s32 $0x80, s28;
	[sflag:s23] =	ssyncadd.s32 $0xFFFFC000  }
0x5c: {  	[spmem:s2] =	stream.indirect.scatter.add.f32 [tilespmem:s20], [sflag:$0x4], $0x80, s1, s22, $0xb8;
	[tilespmem:$0x1E800] =	vst v63  }
.Ltmp1:
0x5d: {  	_ =	swait.ge [sflag:s24], $0x4000;
	(pc) =	sbr.rel @p0 .LBB2_4-.Ltmp1, $4  }
0x5e: {  	[sflag:s24] =	ssyncset.done $0x0  }
0x5f: {  	[sflag:s24] =	ssyncadd.s32 $0xFFFFC000  }
0x60: {  	_ =	swait.ge [sflag:s25], $0x4000  }
0x61: {  	s30 =	smov.u32 s0;
	s28 =	sadd.s32 $0x100, s28;
	[sflag:s25] =	ssyncset.done $0x0  }
0x62: {  	s0 =	sadd.s32 s29, s16;
	[sflag:s25] =	ssyncadd.s32 $0xFFFFC000  }
0x63: {  	[tilespmem:s19], [sflag:$0x1] =	stream.linear.gather [hbm4b:s0+s3], $0x4000, $0x38;
	[tilespmem:$0x1E800] =	vst v63  }
0x64: {  	s30 =	sadd.s32 s29, s17  }
0x65: {  	[tilespmem:s20], [sflag:$0x2] =	stream.linear.gather [hbm4b:s30+s3], $0x4000, $0x38;
	[tilespmem:$0x1E800] =	vst v63  }
0x66: {  	_ =	swait.ge [sflag:s21], $0x4000  }
0x67: {  	[sflag:s21] =	ssyncset.done $0x0  }
0x68: {  	[sflag:s21] =	ssyncadd.s32 $0xFFFFC000  }
0x69: {  	[spmem:s2] =	stream.indirect.scatter.add.f32 [tilespmem:s19], [sflag:$0x3], $0x80, s28, s22, $0xb8;
	[tilespmem:$0x1E800] =	vst v63  }
0x6a: {  	_ =	swait.ge [sflag:s23], $0x4000  }
0x6b: {  	[sflag:s23] =	ssyncset.done $0x0  }
0x6c: {  	s31 =	sadd.s32 $0x80, s28;
	[sflag:s23] =	ssyncadd.s32 $0xFFFFC000  }
0x6d: {  	[spmem:s2] =	stream.indirect.scatter.add.f32 [tilespmem:s20], [sflag:$0x4], $0x80, s31, s22, $0xb8;
	[tilespmem:$0x1E800] =	vst v63  }
0x6e: {  	_ =	swait.ge [sflag:s24], $0x4000  }
0x6f: {  	[sflag:s24] =	ssyncset.done $0x0  }
0x70: {  	[sflag:s24] =	ssyncadd.s32 $0xFFFFC000  }
0x71: {  	_ =	swait.ge [sflag:s25], $0x4000  }
0x72: {  	[sflag:s25] =	ssyncset.done $0x0  }
0x73: {  	[sflag:s25] =	ssyncadd.s32 $0xFFFFC000  }
0x74: {  	[bflag:$0x0] =	sbarrier.arrive $0xFFFF  }
0x75: {  	[tilespmem:s19], [sflag:$0x5] =	stream.linear.gather [spmem:s5], $0x4000, $0x38;
	[tilespmem:$0x1E800] =	vst v63  }
0x76: {  	_ =	swait.ge [sflag:s18], $0x4000  }
0x77: {  	[sflag:s18] =	ssyncset.done $0x0  }
0x78: {  	[sflag:s18] =	ssyncadd.s32 $0xFFFFC000  }
0x79: {  	[hbm4b:s11+s3] =	stream.linear.scatter [tilespmem:s19], [sflag:$0x5], $0x4000, $0x38;
	[tilespmem:$0x1E800] =	vst v63  }
0x7a: {  	_ =	swait.ge [sflag:s18], $0x4000  }
0x7b: {  	[sflag:s18] =	ssyncset.done $0x0  }
0x7c: {  	[sflag:s18] =	ssyncadd.s32 $0xFFFFC000  }
0x7d: {  	[tilespmem:s19], [sflag:$0x5] =	stream.linear.gather [spmem:s6], $0x4000, $0x38;
	[tilespmem:$0x1E800] =	vst v63  }
0x7e: {  	_ =	swait.ge [sflag:s18], $0x4000  }
0x7f: {  	[sflag:s18] =	ssyncset.done $0x0  }
0x80: {  	[sflag:s18] =	ssyncadd.s32 $0xFFFFC000  }
0x81: {  	[hbm4b:s12+s3] =	stream.linear.scatter [tilespmem:s19], [sflag:$0x5], $0x4000, $0x38;
	[tilespmem:$0x1E800] =	vst v63  }
0x82: {  	_ =	swait.ge [sflag:s18], $0x4000  }
0x83: {  	[sflag:s18] =	ssyncset.done $0x0  }
0x84: {  	[sflag:s18] =	ssyncadd.s32 $0xFFFFC000  }
0x85: {  	[tilespmem:s19], [sflag:$0x5] =	stream.linear.gather [spmem:s7], $0x4000, $0x38;
	[tilespmem:$0x1E800] =	vst v63  }
0x86: {  	_ =	swait.ge [sflag:s18], $0x4000  }
0x87: {  	[sflag:s18] =	ssyncset.done $0x0  }
0x88: {  	[sflag:s18] =	ssyncadd.s32 $0xFFFFC000  }
0x89: {  	[hbm4b:s13+s3] =	stream.linear.scatter [tilespmem:s19], [sflag:$0x5], $0x4000, $0x38;
	[tilespmem:$0x1E800] =	vst v63  }
0x8a: {  	_ =	swait.ge [sflag:s18], $0x4000  }
0x8b: {  	[sflag:s18] =	ssyncset.done $0x0  }
0x8c: {  	[sflag:s18] =	ssyncadd.s32 $0xFFFFC000  }
0x8d: {  	[tilespmem:s19], [sflag:$0x5] =	stream.linear.gather [spmem:s8], $0x4000, $0x38;
	[tilespmem:$0x1E800] =	vst v63  }
0x8e: {  	_ =	swait.ge [sflag:s18], $0x4000  }
0x8f: {  	[sflag:s18] =	ssyncset.done $0x0  }
0x90: {  	[sflag:s18] =	ssyncadd.s32 $0xFFFFC000  }
0x91: {  	[hbm4b:s14+s3] =	stream.linear.scatter [tilespmem:s19], [sflag:$0x5], $0x4000, $0x38;
	[tilespmem:$0x1E800] =	vst v63  }
0x92: {  	_ =	swait.ge [sflag:s18], $0x4000  }
0x93: {  	[sflag:s18] =	ssyncset.done $0x0  }
0x94: {  	[sflag:s18] =	ssyncadd.s32 $0xFFFFC000  }
0x95: {  	[tilespmem:s19], [sflag:$0x5] =	stream.linear.gather [spmem:s9], $0x4000, $0x38;
	[tilespmem:$0x1E800] =	vst v63  }
0x96: {  	s26 =	sadd.s32 $0x1, s26;
	_ =	swait.ge [sflag:s18], $0x4000  }
0x97: {  	p0 =	sne.s32 s26, s10;
	[sflag:s18] =	ssyncset.done $0x0  }
.Ltmp2:
0x98: {  	[sflag:s18] =	ssyncadd.s32 $0xFFFFC000;
	(pc) =	sbr.rel @p0 .LBB2_1-.Ltmp2, $4  }
0x99: {  	[hbm4b:s15+s3] =	stream.linear.scatter [tilespmem:s19], [sflag:$0x5], $0x4000, $0x38;
	[tilespmem:$0x1E800] =	vst v63  }
0x9a: {  	_ =	swait.ge [sflag:s18], $0x4000  }
0x9b: {  	[sflag:s18] =	ssyncset.done $0x0  }
0x9c: {  	[sflag:s18] =	ssyncadd.s32 $0xFFFFC000  }
0x9d: {  	_ =	sfence.sel $0x180000  }
0x9e: {  	[bflag:$0x0] =	sbarrier.arrive $0xFFFF  }
0x9f: {  	_ =	strace $0x90000053  }
0xa0: {  	s0 =	stileid.u32;
	[bflag:$0x2] =	sbarrier.arrive $0xFFFF  }
0xa1: {  	p0 =	sne.s32 s0, $0x0;
	s0 =	rddreg [dreg:$0x2]  }
0xa2: {  	s0 =	sadd.s32 @!p0 $0x100000, s0  }
0xa3: {  	[sflag:s0] =	ssyncadd.tile.s32 @!p0 $0x1;
	_ =	shalt  }
.Lfunc_end2:
_tile_overlayer_lowered:
.L_overlay_start_2:
0xa4: {  	(tag) =	ssettag $0x2  }
0xa5: {  	s0 =	rddreg [dreg:$0x0];
	s2 =	stileid.u32  }
0xa6: {  	s1 =	rddreg [dreg:$0x1];
	p0 =	sne.s32 s2, $0x0  }
0xa7: {  	s3 =	rddreg [dreg:$0x2];
	[bflag:$0x3] =	sbarrier.arrive $0xFFFF;
	s2 =	simm.s32 @!p0 $0x1C05  }
0xa8: {  	[timem:s3], [sflag:s2] =	dma.local @!p0 [hbm:s0], s1  }
0xa9: {  	s0 =	simm.s32 @!p0 $0x5  }
0xaa: {  	_ =	swait.ge @!p0 [sflag:s0], s1  }
0xab: {  	s1 =	ssub.s32 @!p0 $0x0, s1;
	[sflag:s0] =	ssyncset.done @!p0 $0x0  }
0xac: {  	[sflag:s0] =	ssyncadd.s32 @!p0 s1  }
0xad: {  	[bflag:$0x3] =	sbarrier.arrive $0xFFFF  }
0xae: {  	_ =	shalt  }

</sc_bundles>
